<compile_context>
chip_gen: v7x
topology: tpu7x:2x2x1
jax: 0.10.2.dev20260603
libtpu: 0.0.44.dev20260713+nightly
codegen_flags: <defaults>
</compile_context>

<pallas_src>
import functools
import math

import jax
import jax.numpy as jnp
from jax import lax
from jax.experimental import pallas as pl
from jax.experimental.pallas import tpu as pltpu
from jax.experimental.pallas import tpu_sc as plsc

_NC = 2
_NS = 16
_NW = _NC * _NS
_L = 16

_SUP = 4096
_GB = 128
_DEPTH = 4
_SIGMA = 0.003



@functools.lru_cache(maxsize=None)
def _make_relayout_kernel(H, W):
    HPW = H // _NW
    mesh = plsc.VectorSubcoreMesh(core_axis_name="c", subcore_axis_name="s")

    @functools.partial(
        pl.kernel,
        out_type=jax.ShapeDtypeStruct((H * W, 32), jnp.float32),
        mesh=mesh,
        compiler_params=pltpu.CompilerParams(
            needs_layout_passes=False, use_tc_tiling_on_sc=False),
        scratch_types=[
            [pltpu.VMEM((2, 4, 4, 4, 128), jnp.float32) for _ in range(2)],
            [pltpu.VMEM((W // 2, 33), jnp.float32) for _ in range(2)],
            [pltpu.SemaphoreType.DMA for _ in range(2)],
            [pltpu.SemaphoreType.DMA for _ in range(2)],
        ],
    )
    def relayout(z_h, out_h, zin, ost, zsem, osem):
        wid = lax.axis_index("c") * _NS + lax.axis_index("s")
        h0 = wid * HPW
        nchunk = HPW * 2
        riota = lax.iota(jnp.int32, _L)

        def zin_start(cc, par):
            h = h0 + lax.div(cc, 2)
            th = lax.rem(cc, 2)
            pltpu.make_async_copy(
                z_h.at[h, :, :, pl.ds(th * 4, 4)], zin[par], zsem[par]).start()

        def out_descr(cc, par):
            h = h0 + lax.div(cc, 2)
            th = lax.rem(cc, 2)
            return pltpu.make_async_copy(
                ost[par].at[:, pl.ds(0, 32)],
                out_h.at[pl.ds(h * W + th * (W // 2), W // 2)], osem[par])

        zin_start(0, 0)
        zin_start(1, 1)

        def cc2_body(cc2, carry):
            for par in range(2):
                cc = cc2 * 2 + par
                pltpu.make_async_copy(
                    z_h.at[h0, :, :, pl.ds(0, 4)], zin[par], zsem[par]).wait()

                @pl.when(cc >= 2)
                def _():
                    out_descr(cc, par).wait()

                def g_body(g, c3):
                    t_rel = lax.div(g, 8)
                    l0 = lax.rem(g, 8) * _L
                    rows16 = t_rel * 128 + l0 + riota
                    for kk in range(32):
                        ch, ii, jj = kk >> 4, (kk >> 2) & 3, kk & 3
                        val = zin[par][ch, ii, t_rel, jj, pl.ds(l0, _L)]
                        plsc.store_scatter(
                            ost[par], [rows16, jnp.full((_L,), kk, jnp.int32)],
                            val)
                    return c3
                lax.fori_loop(0, 32, g_body, 0)

                out_descr(cc, par).start()

                @pl.when(cc + 2 < nchunk)
                def _():
                    zin_start(cc + 2, par)
            return carry
        lax.fori_loop(0, nchunk // 2, cc2_body, 0)
        for par in range(2):
            out_descr(nchunk - 2 + par, par).wait()

    return relayout

@functools.lru_cache(maxsize=None)
def _make_sc_kernel(B, H, W):
    D = 32
    bpw = B // _NW
    nsup = bpw // _SUP
    nblk = _SUP // _GB
    ngrp = _GB // _L
    assert B % _NW == 0 and bpw % _SUP == 0 and _SUP % _GB == 0
    assert nblk % _DEPTH == 0
    assert (H & (H - 1)) == 0 and (W & (W - 1)) == 0

    Hf, Wf = float(H), float(W)
    knorm = 1.0 / (2.0 * math.pi * _SIGMA)

    mesh = plsc.VectorSubcoreMesh(core_axis_name="c", subcore_axis_name="s")

    @functools.partial(
        pl.kernel,
        out_type=jax.ShapeDtypeStruct((B,), jnp.float32),
        mesh=mesh,
        compiler_params=pltpu.CompilerParams(
            needs_layout_passes=False, use_tc_tiling_on_sc=False),
        scratch_types=[
            pltpu.VMEM((_SUP // 128, 2, 128), jnp.float32),
            pltpu.VMEM((_SUP // 128, 2, 128), jnp.float32),
            pltpu.VMEM((_SUP,), jnp.float32),
            pltpu.VMEM((_SUP,), jnp.float32),
            pltpu.VMEM((_SUP,), jnp.int32),
            [pltpu.VMEM((_GB, D), jnp.float32) for _ in range(_DEPTH)],
            pltpu.VMEM((_GB // _L, 17 * D), jnp.float32),
            pltpu.VMEM((_SUP,), jnp.float32),
            [pltpu.SemaphoreType.DMA for _ in range(_DEPTH)],
        ],
    )
    def ndf_kernel(u_h, s_h, tab_h, out_h,
                   uv_v, sv_v, uf_v, vf_v, idx_v,
                   rows, pad_v, o_v, sems):
        wid = lax.axis_index("c") * _NS + lax.axis_index("s")
        wbase = wid * bpw
        iota = lax.iota(jnp.int32, _L)
        iota17 = iota * 17

        def gather_start(j, rbuf, sem):
            pltpu.make_async_copy(
                tab_h.at[idx_v.at[pl.ds(j * _GB, _GB)]], rbuf, sem).start()

        def gather_wait(j, rbuf, sem):
            pltpu.make_async_copy(
                tab_h.at[idx_v.at[pl.ds(j * _GB, _GB)]], rbuf, sem).wait()

        def sup_body(sc, carry):
            base = wbase + sc * _SUP
            pltpu.sync_copy(u_h.at[pl.ds(base // 128, _SUP // 128)], uv_v)
            pltpu.sync_copy(s_h.at[pl.ds(base // 128, _SUP // 128)], sv_v)

            @plsc.parallel_loop(0, _SUP // _L, unroll=4)
            def idx_body(g):
                o = g * _L
                t = lax.div(o, 128)
                lo = lax.rem(o, 128)
                a0 = uv_v[t, 0, pl.ds(lo, _L)]
                a1 = uv_v[t, 1, pl.ds(lo, _L)]
                vv = (a0 * 0.5 + 0.5) * Hf
                uu = (a1 * 0.5 + 0.5) * Wf
                vi = vv.astype(jnp.int32)
                ui = uu.astype(jnp.int32)
                vf_v[pl.ds(o, _L)] = vv - vi.astype(jnp.float32)
                uf_v[pl.ds(o, _L)] = uu - ui.astype(jnp.float32)
                idx_v[pl.ds(o, _L)] = (ui & (H - 1)) * W + (vi & (W - 1))

            for d in range(_DEPTH):
                gather_start(d, rows[d], sems[d])

            def compute_block(j, rbuf):
                def grp(k, _carry):
                    o = j * _GB + k * _L
                    for l in range(_L):
                        pt = k * _L + l
                        a = rbuf[pt, pl.ds(0, _L)]
                        b = rbuf[pt, pl.ds(_L, _L)]
                        plsc.store_scatter(pad_v, [jnp.full((_L,), k, jnp.int32), iota17 + l], a)
                        plsc.store_scatter(pad_v, [jnp.full((_L,), k, jnp.int32), iota17 + (l + 17 * _L)], b)
                    cs = [pad_v[k, pl.ds(kk * 17, _L)] for kk in range(D)]
                    uf = uf_v[pl.ds(o, _L)]
                    vf = vf_v[pl.ds(o, _L)]

                    def h4(c0, c1, c2, c3, t):
                        return ((c3 * t + c2) * t + c1) * t + c0

                    ns = []
                    for ch in range(2):
                        rs = [h4(*cs[ch * 16 + i * 4: ch * 16 + i * 4 + 4], vf)
                              for i in range(4)]
                        ns.append(h4(rs[0], rs[1], rs[2], rs[3], uf))
                    st = lax.div(o, 128)
                    slo = lax.rem(o, 128)
                    d0 = (ns[0] - sv_v[st, 0, pl.ds(slo, _L)]) / _SIGMA
                    d1 = (ns[1] - sv_v[st, 1, pl.ds(slo, _L)]) / _SIGMA
                    o_v[pl.ds(o, _L)] = knorm * jnp.exp(-0.5 * (d0 * d0 + d1 * d1))
                    return _carry
                lax.fori_loop(0, ngrp, grp, 0)

            def blkn(jj, c):
                j0 = jj * _DEPTH
                for par in range(_DEPTH):
                    j = j0 + par
                    gather_wait(j, rows[par], sems[par])
                    compute_block(j, rows[par])

                    @pl.when(j + _DEPTH < nblk)
                    def _():
                        gather_start(j + _DEPTH, rows[par], sems[par])
                return c
            lax.fori_loop(0, nblk // _DEPTH, blkn, 0)

            pltpu.sync_copy(o_v, out_h.at[pl.ds(base, _SUP)])
            return carry
        lax.fori_loop(0, nsup, sup_body, 0)

    return ndf_kernel


def kernel(u, s, normal_coeff):
    H, W, C = normal_coeff.shape[0], normal_coeff.shape[1], normal_coeff.shape[2]
    B = u.shape[0]
    assert C == 2
    Z = (normal_coeff.transpose(0, 2, 3, 4, 1)
         .reshape(H, C, 4, 4, W // 128, 128)
         .transpose(0, 1, 2, 4, 3, 5))
    table = _make_relayout_kernel(H, W)(Z)
    uV = u.reshape(B // 128, 128, 2).transpose(0, 2, 1)
    sV = s.reshape(B // 128, 128, 2).transpose(0, 2, 1)
    f = _make_sc_kernel(B, H, W)
    return f(uV, sV, table)

# --- scband reference (transcript-rebuilt; emitter-appended) ---
"""Pipeline reference for scband-position-normal-49297634624090 (READ-ONLY COPY).

The authoritative reference and input builder live on the scoring server;
editing this copy changes nothing except your own understanding.
"""

import jax, jax.numpy as jnp
import numpy as np
import math

A_INV = np.array([
    [1,0,0,0,0,0,0,0,0,0,0,0,0,0,0,0],
    [0,0,0,0,1,0,0,0,0,0,0,0,0,0,0,0],
    [-3,3,0,0,-2,-1,0,0,0,0,0,0,0,0,0,0],
    [2,-2,0,0,1,1,0,0,0,0,0,0,0,0,0,0],
    [0,0,0,0,0,0,0,0,1,0,0,0,0,0,0,0],
    [0,0,0,0,0,0,0,0,0,0,0,0,1,0,0,0],
    [0,0,0,0,0,0,0,0,-3,3,0,0,-2,-1,0,0],
    [0,0,0,0,0,0,0,0,2,-2,0,0,1,1,0,0],
    [-3,0,3,0,0,0,0,0,-2,0,-1,0,0,0,0,0],
    [0,0,0,0,-3,0,3,0,0,0,0,0,-2,0,-1,0],
    [9,-9,-9,9,6,3,-6,-3,6,-6,3,-3,4,2,2,1],
    [-6,6,6,-6,-3,-3,3,3,-4,4,-2,2,-2,-2,-1,-1],
    [2,0,-2,0,0,0,0,0,1,0,1,0,0,0,0,0],
    [0,0,0,0,2,0,-2,0,0,0,0,0,1,0,1,0],
    [-6,6,6,-6,-4,-2,4,2,-3,3,-3,3,-2,-1,-2,-1],
    [4,-4,-4,4,2,2,-2,-2,2,-2,2,-2,1,1,1,1]], dtype=np.float32)

def _nx(x):
    return 0.5 * (jnp.roll(x, -1, axis=1) - jnp.roll(x, 1, axis=1))

def _ny(x):
    return 0.5 * (jnp.roll(x, -1, axis=0) - jnp.roll(x, 1, axis=0))

def _nxy(x):
    r = lambda a, b: jnp.roll(x, (a, b), axis=(0, 1))
    return (0.5 * r(1, 1) - 0.5 * r(1, 0) - 0.5 * r(0, 1) + x
            - 0.5 * r(0, -1) - 0.5 * r(-1, 0) + 0.5 * r(-1, -1))

def _shift(x, di, dj):
    return jnp.roll(x, (-di, -dj), axis=(0, 1))

def _bicubic_coeff(normal):
    H, W, C = normal.shape
    nx = _nx(normal); ny = _ny(normal); nxy = _nxy(normal)
    x = jnp.stack([
        normal, _shift(normal, 0, 1), _shift(normal, 1, 0), _shift(normal, 1, 1),
        nx, _shift(nx, 0, 1), _shift(nx, 1, 0), _shift(nx, 1, 1),
        ny, _shift(ny, 0, 1), _shift(ny, 1, 0), _shift(ny, 1, 1),
        nxy, _shift(nxy, 0, 1), _shift(nxy, 1, 0), _shift(nxy, 1, 1)], -1)
    coeff = jnp.einsum('ij,hwcj->hwci', jnp.asarray(A_INV), x)
    return coeff.reshape(H, W, C, 4, 4)

def setup_inputs(seed: int = 0):
    key = jax.random.key(seed)
    k1, k2, k3 = jax.random.split(key, 3)
    H = W = 1024
    B = 1048576
    height = jax.random.normal(k1, (H, W, 1), dtype=jnp.float32) * 0.1
    nx = _nx(height); ny = _ny(height)
    nz = jnp.sqrt(jax.nn.relu(1.0 - nx * nx - ny * ny))
    normal = jnp.concatenate([nx, ny, nz], -1)
    normal = normal / jnp.clip(jnp.linalg.norm(normal, axis=-1, keepdims=True), 1e-12)
    normal = normal[..., :2]
    normal_coeff = _bicubic_coeff(normal)[:, :, :2]
    u = jax.random.uniform(k2, (B, 2), dtype=jnp.float32, minval=-1.0, maxval=1.0)
    s = jax.random.normal(k3, (B, 2), dtype=jnp.float32) * 0.1
    return {"u": u, "s": s, "normal_coeff": normal_coeff}

def reference(u, s, normal_coeff):
    sigma_r = 0.003
    H, W, C = normal_coeff.shape[0], normal_coeff.shape[1], normal_coeff.shape[2]
    uv = u * 0.5 + 0.5
    v = uv[..., 0] * H
    uu = uv[..., 1] * W
    u0 = jnp.floor(uu); v0 = jnp.floor(v)
    uf = uu - u0; vf = v - v0
    u0i = u0.astype(jnp.int32) % H
    v0i = v0.astype(jnp.int32) % W
    flat = normal_coeff.reshape(H * W, C, 4, 4)
    c = jnp.take(flat, u0i * W + v0i, axis=0)
    up = jnp.stack([jnp.ones_like(uf), uf, uf * uf, uf * uf * uf], -1)
    vp = jnp.stack([jnp.ones_like(vf), vf, vf * vf, vf * vf * vf], -1)
    weight = up[:, :, None] * vp[:, None, :]
    n = jnp.einsum('bcij,bij->bc', c, weight)
    ndf = 1.0 / (2.0 * math.pi * sigma_r) * jnp.exp(-0.5 * jnp.sum(((n - s) / sigma_r) ** 2, axis=-1))
    return ndf

if __name__ == "__main__":
    import jax
    _d = setup_inputs()
    print(jax.jit(kernel)(*tuple(_d.values())))

</pallas_src>

<mosaic_0001>
#map = affine_map<(d0, d1) -> (0, 0, 0)>
#map1 = affine_map<(d0, d1) -> (0, 0)>
#map2 = affine_map<(d0, d1) -> (0)>
module attributes {stable_mosaic.version = 14 : i64} {
  func.func @ndf_kernel(%arg0: i32, %arg1: i32, %arg2: memref<8192x2x128xf32, #tpu.memory_space<hbm>>, %arg3: memref<8192x2x128xf32, #tpu.memory_space<hbm>>, %arg4: memref<1048576x32xf32, #tpu.memory_space<hbm>>, %arg5: memref<1048576xf32, #tpu.memory_space<hbm>>, %arg6: memref<32x2x128xf32, #tpu.memory_space<vmem>>, %arg7: memref<32x2x128xf32, #tpu.memory_space<vmem>>, %arg8: memref<4096xf32, #tpu.memory_space<vmem>>, %arg9: memref<4096xf32, #tpu.memory_space<vmem>>, %arg10: memref<4096xi32, #tpu.memory_space<vmem>>, %arg11: memref<128x32xf32, #tpu.memory_space<vmem>>, %arg12: memref<128x32xf32, #tpu.memory_space<vmem>>, %arg13: memref<128x32xf32, #tpu.memory_space<vmem>>, %arg14: memref<128x32xf32, #tpu.memory_space<vmem>>, %arg15: memref<8x544xf32, #tpu.memory_space<vmem>>, %arg16: memref<4096xf32, #tpu.memory_space<vmem>>, %arg17: memref<!tpu.dma_semaphore, #tpu.memory_space<semaphore_mem>>, %arg18: memref<!tpu.dma_semaphore, #tpu.memory_space<semaphore_mem>>, %arg19: memref<!tpu.dma_semaphore, #tpu.memory_space<semaphore_mem>>, %arg20: memref<!tpu.dma_semaphore, #tpu.memory_space<semaphore_mem>>) attributes {dimension_semantics = [#tpu.dimension_semantics<core_parallel>, #tpu.dimension_semantics<subcore_parallel>], iteration_bounds = array<i64: 2, 16>, scalar_prefetch = 0 : i64, scratch_operands = 15 : i64, tpu.core_type = #tpu.core_type<sc_vector_subcore>, window_params = [{transform_indices = #map}, {transform_indices = #map}, {transform_indices = #map1}, {transform_indices = #map2}]} {
    %mul3A = arith.constant 16 : i32
    %mul3A_0 = arith.muli %arg0, %mul3A : i32
    %add3A = arith.addi %mul3A_0, %arg1 : i32
    %mul3A_1 = arith.constant 32768 : i32
    %mul3A_2 = arith.muli %add3A, %mul3A_1 : i32
    %iota3A = tpu.iota {dimensions = array<i32: 0>} : vector<16xi32>
    %mul3A_3 = arith.constant 17 : i32
    %mul3A_4 = vector.broadcast %mul3A_3 : i32 to vector<16xi32>
    %mul3A_5 = arith.muli %iota3A, %mul3A_4 : vector<16xi32>
    %scan3A = arith.constant 0 : i32
    %scan3A_6 = arith.constant 0 : i32
    %scan3A_7 = arith.constant 8 : i32
    %scan3A_8 = arith.addi %scan3A_6, %scan3A_7 : i32
    %scan3A_9 = arith.constant 1 : i32
    scf.for %scan3A_11 = %scan3A_6 to %scan3A_8 step %scan3A_9  : i32 {
      %mul3A_12 = arith.constant 4096 : i32
      %mul3A_13 = arith.muli %scan3A_11, %mul3A_12 : i32
      %add3A_14 = arith.addi %mul3A_2, %mul3A_13 : i32
      %jit3A = arith.constant 128 : i32
      %div3A = arith.divsi %add3A_14, %jit3A : i32
      %sign3A = arith.constant 0 : i32
      %sign3A_15 = arith.cmpi sgt, %add3A_14, %sign3A : i32
      %sign3A_16 = arith.extui %sign3A_15 : i1 to i32
      %sign3A_17 = arith.constant 0 : i32
      %sign3A_18 = arith.cmpi slt, %add3A_14, %sign3A_17 : i32
      %sign3A_19 = arith.extui %sign3A_18 : i1 to i32
      %sign3A_20 = arith.subi %sign3A_16, %sign3A_19 : i32
      %sign3A_21 = arith.constant 0 : i32
      %sign3A_22 = arith.cmpi sgt, %jit3A, %sign3A_21 : i32
      %sign3A_23 = arith.extui %sign3A_22 : i1 to i32
      %sign3A_24 = arith.constant 0 : i32
      %sign3A_25 = arith.cmpi slt, %jit3A, %sign3A_24 : i32
      %sign3A_26 = arith.extui %sign3A_25 : i1 to i32
      %sign3A_27 = arith.subi %sign3A_23, %sign3A_26 : i32
      %ne3A = arith.cmpi ne, %sign3A_20, %sign3A_27 : i32
      %rem3A = arith.remsi %add3A_14, %jit3A : i32
      %ne3A_28 = arith.constant 0 : i32
      %ne3A_29 = arith.cmpi ne, %rem3A, %ne3A_28 : i32
      %and3A = arith.andi %ne3A, %ne3A_29 : i1
      %sub3A = arith.constant 1 : i32
      %sub3A_30 = arith.subi %div3A, %sub3A : i32
      %select_n3A = arith.select %and3A, %sub3A_30, %div3A : i32
      "tpu.region"() ({
        %run_scoped3A = tpu.sem_alloc : memref<!tpu.dma_semaphore, #tpu.memory_space<semaphore_mem>>
        %dma_start3A_82 = arith.constant 0 : i32
        %dma_start3A_83 = arith.constant 0 : i32
        %dma_start3A_84 = tpu.memref_slice %arg2[%select_n3A, %dma_start3A_82, %dma_start3A_83] : memref<8192x2x128xf32, #tpu.memory_space<hbm>> -> memref<32x2x128xf32, #tpu.memory_space<hbm>>
        %dma_start3A_85 = arith.constant 0 : i32
        %dma_start3A_86 = arith.constant 0 : i32
        %dma_start3A_87 = tpu.memref_slice %arg2[%select_n3A, %dma_start3A_85, %dma_start3A_86] : memref<8192x2x128xf32, #tpu.memory_space<hbm>> -> memref<32x2x128xf32, #tpu.memory_space<hbm>>
        tpu.enqueue_dma source(%dma_start3A_87 : memref<32x2x128xf32, #tpu.memory_space<hbm>>) target(%arg6 : memref<32x2x128xf32, #tpu.memory_space<vmem>>) target_semaphore(%run_scoped3A : memref<!tpu.dma_semaphore, #tpu.memory_space<semaphore_mem>>)
        %dma_wait3A = arith.constant 0 : i32
        %dma_wait3A_88 = arith.constant 0 : i32
        %dma_wait3A_89 = tpu.memref_slice %arg2[%select_n3A, %dma_wait3A, %dma_wait3A_88] : memref<8192x2x128xf32, #tpu.memory_space<hbm>> -> memref<32x2x128xf32, #tpu.memory_space<hbm>>
        %dma_wait3A_90 = arith.constant 0 : i32
        %dma_wait3A_91 = arith.constant 0 : i32
        %dma_wait3A_92 = tpu.memref_slice %arg2[%select_n3A, %dma_wait3A_90, %dma_wait3A_91] : memref<8192x2x128xf32, #tpu.memory_space<hbm>> -> memref<32x2x128xf32, #tpu.memory_space<hbm>>
        tpu.wait_dma2 semaphore(%run_scoped3A : memref<!tpu.dma_semaphore, #tpu.memory_space<semaphore_mem>>) src(%dma_wait3A_92 : memref<32x2x128xf32, #tpu.memory_space<hbm>>) dst(%arg6 : memref<32x2x128xf32, #tpu.memory_space<vmem>>)
        tpu.yield
      }) : () -> ()
      %jit3A_31 = arith.constant 128 : i32
      %div3A_32 = arith.divsi %add3A_14, %jit3A_31 : i32
      %sign3A_33 = arith.constant 0 : i32
      %sign3A_34 = arith.cmpi sgt, %add3A_14, %sign3A_33 : i32
      %sign3A_35 = arith.extui %sign3A_34 : i1 to i32
      %sign3A_36 = arith.constant 0 : i32
      %sign3A_37 = arith.cmpi slt, %add3A_14, %sign3A_36 : i32
      %sign3A_38 = arith.extui %sign3A_37 : i1 to i32
      %sign3A_39 = arith.subi %sign3A_35, %sign3A_38 : i32
      %sign3A_40 = arith.constant 0 : i32
      %sign3A_41 = arith.cmpi sgt, %jit3A_31, %sign3A_40 : i32
      %sign3A_42 = arith.extui %sign3A_41 : i1 to i32
      %sign3A_43 = arith.constant 0 : i32
      %sign3A_44 = arith.cmpi slt, %jit3A_31, %sign3A_43 : i32
      %sign3A_45 = arith.extui %sign3A_44 : i1 to i32
      %sign3A_46 = arith.subi %sign3A_42, %sign3A_45 : i32
      %ne3A_47 = arith.cmpi ne, %sign3A_39, %sign3A_46 : i32
      %rem3A_48 = arith.remsi %add3A_14, %jit3A_31 : i32
      %ne3A_49 = arith.constant 0 : i32
      %ne3A_50 = arith.cmpi ne, %rem3A_48, %ne3A_49 : i32
      %and3A_51 = arith.andi %ne3A_47, %ne3A_50 : i1
      %sub3A_52 = arith.constant 1 : i32
      %sub3A_53 = arith.subi %div3A_32, %sub3A_52 : i32
      %select_n3A_54 = arith.select %and3A_51, %sub3A_53, %div3A_32 : i32
      "tpu.region"() ({
        %run_scoped3A = tpu.sem_alloc : memref<!tpu.dma_semaphore, #tpu.memory_space<semaphore_mem>>
        %dma_start3A_82 = arith.constant 0 : i32
        %dma_start3A_83 = arith.constant 0 : i32
        %dma_start3A_84 = tpu.memref_slice %arg3[%select_n3A_54, %dma_start3A_82, %dma_start3A_83] : memref<8192x2x128xf32, #tpu.memory_space<hbm>> -> memref<32x2x128xf32, #tpu.memory_space<hbm>>
        %dma_start3A_85 = arith.constant 0 : i32
        %dma_start3A_86 = arith.constant 0 : i32
        %dma_start3A_87 = tpu.memref_slice %arg3[%select_n3A_54, %dma_start3A_85, %dma_start3A_86] : memref<8192x2x128xf32, #tpu.memory_space<hbm>> -> memref<32x2x128xf32, #tpu.memory_space<hbm>>
        tpu.enqueue_dma source(%dma_start3A_87 : memref<32x2x128xf32, #tpu.memory_space<hbm>>) target(%arg7 : memref<32x2x128xf32, #tpu.memory_space<vmem>>) target_semaphore(%run_scoped3A : memref<!tpu.dma_semaphore, #tpu.memory_space<semaphore_mem>>)
        %dma_wait3A = arith.constant 0 : i32
        %dma_wait3A_88 = arith.constant 0 : i32
        %dma_wait3A_89 = tpu.memref_slice %arg3[%select_n3A_54, %dma_wait3A, %dma_wait3A_88] : memref<8192x2x128xf32, #tpu.memory_space<hbm>> -> memref<32x2x128xf32, #tpu.memory_space<hbm>>
        %dma_wait3A_90 = arith.constant 0 : i32
        %dma_wait3A_91 = arith.constant 0 : i32
        %dma_wait3A_92 = tpu.memref_slice %arg3[%select_n3A_54, %dma_wait3A_90, %dma_wait3A_91] : memref<8192x2x128xf32, #tpu.memory_space<hbm>> -> memref<32x2x128xf32, #tpu.memory_space<hbm>>
        tpu.wait_dma2 semaphore(%run_scoped3A : memref<!tpu.dma_semaphore, #tpu.memory_space<semaphore_mem>>) src(%dma_wait3A_92 : memref<32x2x128xf32, #tpu.memory_space<hbm>>) dst(%arg7 : memref<32x2x128xf32, #tpu.memory_space<vmem>>)
        tpu.yield
      }) : () -> ()
      %parallel_loop3A = arith.constant 0 : i32
      %parallel_loop3A_55 = arith.constant 256 : i32
      %parallel_loop3A_56 = arith.constant 1 : i32
      scf.for %parallel_loop3A_82 = %parallel_loop3A to %parallel_loop3A_55 step %parallel_loop3A_56  : i32 {
        %parallel_loop3A_83 = arith.constant 16 : i32
        %parallel_loop3A_84 = arith.muli %parallel_loop3A_82, %parallel_loop3A_83 : i32
        %parallel_loop3A_85 = arith.constant 128 : i32
        %parallel_loop3A_86 = arith.divsi %parallel_loop3A_84, %parallel_loop3A_85 : i32
        %parallel_loop3A_87 = arith.constant 128 : i32
        %parallel_loop3A_88 = arith.remsi %parallel_loop3A_84, %parallel_loop3A_87 : i32
        %parallel_loop3A_89 = arith.constant 0 : i32
        %parallel_loop3A_90 = arith.index_cast %parallel_loop3A_86 : i32 to index
        %parallel_loop3A_91 = arith.index_cast %parallel_loop3A_89 : i32 to index
        %parallel_loop3A_92 = arith.index_cast %parallel_loop3A_88 : i32 to index
        %parallel_loop3A_93 = tpu.vector_load %arg6[%parallel_loop3A_90, %parallel_loop3A_91, %parallel_loop3A_92] {strides = array<i32>} : memref<32x2x128xf32, #tpu.memory_space<vmem>>, vector<16xf32>,
        %parallel_loop3A_94 = arith.constant 1 : i32
        %parallel_loop3A_95 = arith.index_cast %parallel_loop3A_86 : i32 to index
        %parallel_loop3A_96 = arith.index_cast %parallel_loop3A_94 : i32 to index
        %parallel_loop3A_97 = arith.index_cast %parallel_loop3A_88 : i32 to index
        %parallel_loop3A_98 = tpu.vector_load %arg6[%parallel_loop3A_95, %parallel_loop3A_96, %parallel_loop3A_97] {strides = array<i32>} : memref<32x2x128xf32, #tpu.memory_space<vmem>>, vector<16xf32>,
        %parallel_loop3A_99 = arith.constant 5.000000e-01 : f32
        %parallel_loop3A_100 = vector.broadcast %parallel_loop3A_99 : f32 to vector<16xf32>
        %parallel_loop3A_101 = arith.mulf %parallel_loop3A_93, %parallel_loop3A_100 : vector<16xf32>
        %parallel_loop3A_102 = arith.constant 5.000000e-01 : f32
        %parallel_loop3A_103 = vector.broadcast %parallel_loop3A_102 : f32 to vector<16xf32>
        %parallel_loop3A_104 = arith.addf %parallel_loop3A_101, %parallel_loop3A_103 : vector<16xf32>
        %parallel_loop3A_105 = arith.constant 1.024000e+03 : f32
        %parallel_loop3A_106 = vector.broadcast %parallel_loop3A_105 : f32 to vector<16xf32>
        %parallel_loop3A_107 = arith.mulf %parallel_loop3A_104, %parallel_loop3A_106 : vector<16xf32>
        %parallel_loop3A_108 = arith.constant 5.000000e-01 : f32
        %parallel_loop3A_109 = vector.broadcast %parallel_loop3A_108 : f32 to vector<16xf32>
        %parallel_loop3A_110 = arith.mulf %parallel_loop3A_98, %parallel_loop3A_109 : vector<16xf32>
        %parallel_loop3A_111 = arith.constant 5.000000e-01 : f32
        %parallel_loop3A_112 = vector.broadcast %parallel_loop3A_111 : f32 to vector<16xf32>
        %parallel_loop3A_113 = arith.addf %parallel_loop3A_110, %parallel_loop3A_112 : vector<16xf32>
        %parallel_loop3A_114 = arith.constant 1.024000e+03 : f32
        %parallel_loop3A_115 = vector.broadcast %parallel_loop3A_114 : f32 to vector<16xf32>
        %parallel_loop3A_116 = arith.mulf %parallel_loop3A_113, %parallel_loop3A_115 : vector<16xf32>
        %parallel_loop3A_117 = arith.fptosi %parallel_loop3A_107 : vector<16xf32> to vector<16xi32>
        %parallel_loop3A_118 = arith.fptosi %parallel_loop3A_116 : vector<16xf32> to vector<16xi32>
        %parallel_loop3A_119 = arith.sitofp %parallel_loop3A_117 : vector<16xi32> to vector<16xf32>
        %parallel_loop3A_120 = arith.subf %parallel_loop3A_107, %parallel_loop3A_119 : vector<16xf32>
        %parallel_loop3A_121 = arith.index_cast %parallel_loop3A_84 : i32 to index
        %parallel_loop3A_122 = tpu.vector_load %arg9[%parallel_loop3A_121] {strides = array<i32>} : memref<4096xf32, #tpu.memory_space<vmem>>, vector<16xf32>,
        tpu.vector_store %arg9[%parallel_loop3A_121], %parallel_loop3A_120 {strides = array<i32>} : memref<4096xf32, #tpu.memory_space<vmem>>, vector<16xf32>,
        %parallel_loop3A_123 = arith.sitofp %parallel_loop3A_118 : vector<16xi32> to vector<16xf32>
        %parallel_loop3A_124 = arith.subf %parallel_loop3A_116, %parallel_loop3A_123 : vector<16xf32>
        %parallel_loop3A_125 = arith.index_cast %parallel_loop3A_84 : i32 to index
        %parallel_loop3A_126 = tpu.vector_load %arg8[%parallel_loop3A_125] {strides = array<i32>} : memref<4096xf32, #tpu.memory_space<vmem>>, vector<16xf32>,
        tpu.vector_store %arg8[%parallel_loop3A_125], %parallel_loop3A_124 {strides = array<i32>} : memref<4096xf32, #tpu.memory_space<vmem>>, vector<16xf32>,
        %parallel_loop3A_127 = arith.constant 1023 : i32
        %parallel_loop3A_128 = vector.broadcast %parallel_loop3A_127 : i32 to vector<16xi32>
        %parallel_loop3A_129 = arith.andi %parallel_loop3A_118, %parallel_loop3A_128 : vector<16xi32>
        %parallel_loop3A_130 = arith.constant 1024 : i32
        %parallel_loop3A_131 = vector.broadcast %parallel_loop3A_130 : i32 to vector<16xi32>
        %parallel_loop3A_132 = arith.muli %parallel_loop3A_129, %parallel_loop3A_131 : vector<16xi32>
        %parallel_loop3A_133 = arith.constant 1023 : i32
        %parallel_loop3A_134 = vector.broadcast %parallel_loop3A_133 : i32 to vector<16xi32>
        %parallel_loop3A_135 = arith.andi %parallel_loop3A_117, %parallel_loop3A_134 : vector<16xi32>
        %parallel_loop3A_136 = arith.addi %parallel_loop3A_132, %parallel_loop3A_135 : vector<16xi32>
        %parallel_loop3A_137 = arith.index_cast %parallel_loop3A_84 : i32 to index
        %parallel_loop3A_138 = tpu.vector_load %arg10[%parallel_loop3A_137] {strides = array<i32>} : memref<4096xi32, #tpu.memory_space<vmem>>, vector<16xi32>,
        tpu.vector_store %arg10[%parallel_loop3A_137], %parallel_loop3A_136 {strides = array<i32>} : memref<4096xi32, #tpu.memory_space<vmem>>, vector<16xi32>,
      } {sc.loop_unroll_factor = 4 : i64, sc.parallel_access}
      %dma_start3A = arith.constant 0 : i32
      %dma_start3A_57 = tpu.memref_slice %arg10[%dma_start3A] : memref<4096xi32, #tpu.memory_space<vmem>> -> memref<128xi32, #tpu.memory_space<vmem>>
      %dma_start3A_58 = arith.constant 0 : i32
      %dma_start3A_59 = arith.constant 0 : i32
      %dma_start3A_60 = tpu.memref_slice %arg4[%dma_start3A_58, %dma_start3A_59] : memref<1048576x32xf32, #tpu.memory_space<hbm>> -> memref<1048576x32xf32, #tpu.memory_space<hbm>>
      tpu.enqueue_indirect_dma source(%dma_start3A_60 : memref<1048576x32xf32, #tpu.memory_space<hbm>>) target(%arg11 : memref<128x32xf32, #tpu.memory_space<vmem>>) offsets(%dma_start3A_57 : memref<128xi32, #tpu.memory_space<vmem>>) semaphore(%arg17 : memref<!tpu.dma_semaphore, #tpu.memory_space<semaphore_mem>>)
      %dma_start3A_61 = arith.constant 128 : i32
      %dma_start3A_62 = tpu.memref_slice %arg10[%dma_start3A_61] : memref<4096xi32, #tpu.memory_space<vmem>> -> memref<128xi32, #tpu.memory_space<vmem>>
      %dma_start3A_63 = arith.constant 0 : i32
      %dma_start3A_64 = arith.constant 0 : i32
      %dma_start3A_65 = tpu.memref_slice %arg4[%dma_start3A_63, %dma_start3A_64] : memref<1048576x32xf32, #tpu.memory_space<hbm>> -> memref<1048576x32xf32, #tpu.memory_space<hbm>>
      tpu.enqueue_indirect_dma source(%dma_start3A_65 : memref<1048576x32xf32, #tpu.memory_space<hbm>>) target(%arg12 : memref<128x32xf32, #tpu.memory_space<vmem>>) offsets(%dma_start3A_62 : memref<128xi32, #tpu.memory_space<vmem>>) semaphore(%arg18 : memref<!tpu.dma_semaphore, #tpu.memory_space<semaphore_mem>>)
      %dma_start3A_66 = arith.constant 256 : i32
      %dma_start3A_67 = tpu.memref_slice %arg10[%dma_start3A_66] : memref<4096xi32, #tpu.memory_space<vmem>> -> memref<128xi32, #tpu.memory_space<vmem>>
      %dma_start3A_68 = arith.constant 0 : i32
      %dma_start3A_69 = arith.constant 0 : i32
      %dma_start3A_70 = tpu.memref_slice %arg4[%dma_start3A_68, %dma_start3A_69] : memref<1048576x32xf32, #tpu.memory_space<hbm>> -> memref<1048576x32xf32, #tpu.memory_space<hbm>>
      tpu.enqueue_indirect_dma source(%dma_start3A_70 : memref<1048576x32xf32, #tpu.memory_space<hbm>>) target(%arg13 : memref<128x32xf32, #tpu.memory_space<vmem>>) offsets(%dma_start3A_67 : memref<128xi32, #tpu.memory_space<vmem>>) semaphore(%arg19 : memref<!tpu.dma_semaphore, #tpu.memory_space<semaphore_mem>>)
      %dma_start3A_71 = arith.constant 384 : i32
      %dma_start3A_72 = tpu.memref_slice %arg10[%dma_start3A_71] : memref<4096xi32, #tpu.memory_space<vmem>> -> memref<128xi32, #tpu.memory_space<vmem>>
      %dma_start3A_73 = arith.constant 0 : i32
      %dma_start3A_74 = arith.constant 0 : i32
      %dma_start3A_75 = tpu.memref_slice %arg4[%dma_start3A_73, %dma_start3A_74] : memref<1048576x32xf32, #tpu.memory_space<hbm>> -> memref<1048576x32xf32, #tpu.memory_space<hbm>>
      tpu.enqueue_indirect_dma source(%dma_start3A_75 : memref<1048576x32xf32, #tpu.memory_space<hbm>>) target(%arg14 : memref<128x32xf32, #tpu.memory_space<vmem>>) offsets(%dma_start3A_72 : memref<128xi32, #tpu.memory_space<vmem>>) semaphore(%arg20 : memref<!tpu.dma_semaphore, #tpu.memory_space<semaphore_mem>>)
      %scan3A_76 = arith.constant 0 : i32
      %scan3A_77 = arith.constant 0 : i32
      %scan3A_78 = arith.constant 8 : i32
      %scan3A_79 = arith.addi %scan3A_77, %scan3A_78 : i32
      %scan3A_80 = arith.constant 1 : i32
      scf.for %scan3A_82 = %scan3A_77 to %scan3A_79 step %scan3A_80  : i32 {
        %mul3A_83 = arith.constant 4 : i32
        %mul3A_84 = arith.muli %scan3A_82, %mul3A_83 : i32
        %add3A_85 = arith.constant 0 : i32
        %add3A_86 = arith.addi %mul3A_84, %add3A_85 : i32
        %mul3A_87 = arith.constant 128 : i32
        %mul3A_88 = arith.muli %add3A_86, %mul3A_87 : i32
        %dma_wait3A = tpu.memref_slice %arg10[%mul3A_88] : memref<4096xi32, #tpu.memory_space<vmem>> -> memref<128xi32, #tpu.memory_space<vmem>>
        %dma_wait3A_89 = arith.constant 0 : i32
        %dma_wait3A_90 = arith.constant 0 : i32
        %dma_wait3A_91 = tpu.memref_slice %arg4[%dma_wait3A_89, %dma_wait3A_90] : memref<1048576x32xf32, #tpu.memory_space<hbm>> -> memref<1048576x32xf32, #tpu.memory_space<hbm>>
        tpu.wait_indirect_dma semaphore(%arg17 : memref<!tpu.dma_semaphore, #tpu.memory_space<semaphore_mem>>) src(%dma_wait3A_91 : memref<1048576x32xf32, #tpu.memory_space<hbm>>) dst(%arg11 : memref<128x32xf32, #tpu.memory_space<vmem>>)
        %scan3A_92 = arith.constant 0 : i32
        %scan3A_93 = arith.constant 0 : i32
        %scan3A_94 = arith.constant 8 : i32
        %scan3A_95 = arith.addi %scan3A_93, %scan3A_94 : i32
        %scan3A_96 = arith.constant 1 : i32
        scf.for %scan3A_165 = %scan3A_93 to %scan3A_95 step %scan3A_96  : i32 {
          %mul3A_166 = arith.constant 128 : i32
          %mul3A_167 = arith.muli %add3A_86, %mul3A_166 : i32
          %mul3A_168 = arith.constant 16 : i32
          %mul3A_169 = arith.muli %scan3A_165, %mul3A_168 : i32
          %add3A_170 = arith.addi %mul3A_167, %mul3A_169 : i32
          %mul3A_171 = arith.constant 16 : i32
          %mul3A_172 = arith.muli %scan3A_165, %mul3A_171 : i32
          %add3A_173 = arith.constant 0 : i32
          %add3A_174 = arith.addi %mul3A_172, %add3A_173 : i32
          %get3A = arith.index_cast %add3A_174 : i32 to index
          %get3A_175 = arith.constant 0 : index
          %get3A_176 = tpu.vector_load %arg11[%get3A, %get3A_175] {strides = array<i32>} : memref<128x32xf32, #tpu.memory_space<vmem>>, vector<16xf32>,
          %get3A_177 = arith.index_cast %add3A_174 : i32 to index
          %get3A_178 = arith.constant 16 : index
          %get3A_179 = tpu.vector_load %arg11[%get3A_177, %get3A_178] {strides = array<i32>} : memref<128x32xf32, #tpu.memory_space<vmem>>, vector<16xf32>,
          %broadcast_in_dim3A = vector.broadcast %scan3A_165 : i32 to vector<16xi32>
          %add3A_180 = arith.constant 0 : i32
          %add3A_181 = vector.broadcast %add3A_180 : i32 to vector<16xi32>
          %add3A_182 = arith.addi %mul3A_5, %add3A_181 : vector<16xi32>
          tpu.vector_store_idx %arg15[%broadcast_in_dim3A, %add3A_182], %get3A_176 : memref<8x544xf32, #tpu.memory_space<vmem>>[vector<16xi32>, vector<16xi32>], vector<16xf32>,
          %broadcast_in_dim3A_183 = vector.broadcast %scan3A_165 : i32 to vector<16xi32>
          %add3A_184 = arith.constant 272 : i32
          %add3A_185 = vector.broadcast %add3A_184 : i32 to vector<16xi32>
          %add3A_186 = arith.addi %mul3A_5, %add3A_185 : vector<16xi32>
          tpu.vector_store_idx %arg15[%broadcast_in_dim3A_183, %add3A_186], %get3A_179 : memref<8x544xf32, #tpu.memory_space<vmem>>[vector<16xi32>, vector<16xi32>], vector<16xf32>,
          %mul3A_187 = arith.constant 16 : i32
          %mul3A_188 = arith.muli %scan3A_165, %mul3A_187 : i32
          %add3A_189 = arith.constant 1 : i32
          %add3A_190 = arith.addi %mul3A_188, %add3A_189 : i32
          %get3A_191 = arith.index_cast %add3A_190 : i32 to index
          %get3A_192 = arith.constant 0 : index
          %get3A_193 = tpu.vector_load %arg11[%get3A_191, %get3A_192] {strides = array<i32>} : memref<128x32xf32, #tpu.memory_space<vmem>>, vector<16xf32>,
          %get3A_194 = arith.index_cast %add3A_190 : i32 to index
          %get3A_195 = arith.constant 16 : index
          %get3A_196 = tpu.vector_load %arg11[%get3A_194, %get3A_195] {strides = array<i32>} : memref<128x32xf32, #tpu.memory_space<vmem>>, vector<16xf32>,
          %broadcast_in_dim3A_197 = vector.broadcast %scan3A_165 : i32 to vector<16xi32>
          %add3A_198 = arith.constant 1 : i32
          %add3A_199 = vector.broadcast %add3A_198 : i32 to vector<16xi32>
          %add3A_200 = arith.addi %mul3A_5, %add3A_199 : vector<16xi32>
          tpu.vector_store_idx %arg15[%broadcast_in_dim3A_197, %add3A_200], %get3A_193 : memref<8x544xf32, #tpu.memory_space<vmem>>[vector<16xi32>, vector<16xi32>], vector<16xf32>,
          %broadcast_in_dim3A_201 = vector.broadcast %scan3A_165 : i32 to vector<16xi32>
          %add3A_202 = arith.constant 273 : i32
          %add3A_203 = vector.broadcast %add3A_202 : i32 to vector<16xi32>
          %add3A_204 = arith.addi %mul3A_5, %add3A_203 : vector<16xi32>
          tpu.vector_store_idx %arg15[%broadcast_in_dim3A_201, %add3A_204], %get3A_196 : memref<8x544xf32, #tpu.memory_space<vmem>>[vector<16xi32>, vector<16xi32>], vector<16xf32>,
          %mul3A_205 = arith.constant 16 : i32
          %mul3A_206 = arith.muli %scan3A_165, %mul3A_205 : i32
          %add3A_207 = arith.constant 2 : i32
          %add3A_208 = arith.addi %mul3A_206, %add3A_207 : i32
          %get3A_209 = arith.index_cast %add3A_208 : i32 to index
          %get3A_210 = arith.constant 0 : index
          %get3A_211 = tpu.vector_load %arg11[%get3A_209, %get3A_210] {strides = array<i32>} : memref<128x32xf32, #tpu.memory_space<vmem>>, vector<16xf32>,
          %get3A_212 = arith.index_cast %add3A_208 : i32 to index
          %get3A_213 = arith.constant 16 : index
          %get3A_214 = tpu.vector_load %arg11[%get3A_212, %get3A_213] {strides = array<i32>} : memref<128x32xf32, #tpu.memory_space<vmem>>, vector<16xf32>,
          %broadcast_in_dim3A_215 = vector.broadcast %scan3A_165 : i32 to vector<16xi32>
          %add3A_216 = arith.constant 2 : i32
          %add3A_217 = vector.broadcast %add3A_216 : i32 to vector<16xi32>
          %add3A_218 = arith.addi %mul3A_5, %add3A_217 : vector<16xi32>
          tpu.vector_store_idx %arg15[%broadcast_in_dim3A_215, %add3A_218], %get3A_211 : memref<8x544xf32, #tpu.memory_space<vmem>>[vector<16xi32>, vector<16xi32>], vector<16xf32>,
          %broadcast_in_dim3A_219 = vector.broadcast %scan3A_165 : i32 to vector<16xi32>
          %add3A_220 = arith.constant 274 : i32
          %add3A_221 = vector.broadcast %add3A_220 : i32 to vector<16xi32>
          %add3A_222 = arith.addi %mul3A_5, %add3A_221 : vector<16xi32>
          tpu.vector_store_idx %arg15[%broadcast_in_dim3A_219, %add3A_222], %get3A_214 : memref<8x544xf32, #tpu.memory_space<vmem>>[vector<16xi32>, vector<16xi32>], vector<16xf32>,
          %mul3A_223 = arith.constant 16 : i32
          %mul3A_224 = arith.muli %scan3A_165, %mul3A_223 : i32
          %add3A_225 = arith.constant 3 : i32
          %add3A_226 = arith.addi %mul3A_224, %add3A_225 : i32
          %get3A_227 = arith.index_cast %add3A_226 : i32 to index
          %get3A_228 = arith.constant 0 : index
          %get3A_229 = tpu.vector_load %arg11[%get3A_227, %get3A_228] {strides = array<i32>} : memref<128x32xf32, #tpu.memory_space<vmem>>, vector<16xf32>,
          %get3A_230 = arith.index_cast %add3A_226 : i32 to index
          %get3A_231 = arith.constant 16 : index
          %get3A_232 = tpu.vector_load %arg11[%get3A_230, %get3A_231] {strides = array<i32>} : memref<128x32xf32, #tpu.memory_space<vmem>>, vector<16xf32>,
          %broadcast_in_dim3A_233 = vector.broadcast %scan3A_165 : i32 to vector<16xi32>
          %add3A_234 = arith.constant 3 : i32
          %add3A_235 = vector.broadcast %add3A_234 : i32 to vector<16xi32>
          %add3A_236 = arith.addi %mul3A_5, %add3A_235 : vector<16xi32>
          tpu.vector_store_idx %arg15[%broadcast_in_dim3A_233, %add3A_236], %get3A_229 : memref<8x544xf32, #tpu.memory_space<vmem>>[vector<16xi32>, vector<16xi32>], vector<16xf32>,
          %broadcast_in_dim3A_237 = vector.broadcast %scan3A_165 : i32 to vector<16xi32>
          %add3A_238 = arith.constant 275 : i32
          %add3A_239 = vector.broadcast %add3A_238 : i32 to vector<16xi32>
          %add3A_240 = arith.addi %mul3A_5, %add3A_239 : vector<16xi32>
          tpu.vector_store_idx %arg15[%broadcast_in_dim3A_237, %add3A_240], %get3A_232 : memref<8x544xf32, #tpu.memory_space<vmem>>[vector<16xi32>, vector<16xi32>], vector<16xf32>,
          %mul3A_241 = arith.constant 16 : i32
          %mul3A_242 = arith.muli %scan3A_165, %mul3A_241 : i32
          %add3A_243 = arith.constant 4 : i32
          %add3A_244 = arith.addi %mul3A_242, %add3A_243 : i32
          %get3A_245 = arith.index_cast %add3A_244 : i32 to index
          %get3A_246 = arith.constant 0 : index
          %get3A_247 = tpu.vector_load %arg11[%get3A_245, %get3A_246] {strides = array<i32>} : memref<128x32xf32, #tpu.memory_space<vmem>>, vector<16xf32>,
          %get3A_248 = arith.index_cast %add3A_244 : i32 to index
          %get3A_249 = arith.constant 16 : index
          %get3A_250 = tpu.vector_load %arg11[%get3A_248, %get3A_249] {strides = array<i32>} : memref<128x32xf32, #tpu.memory_space<vmem>>, vector<16xf32>,
          %broadcast_in_dim3A_251 = vector.broadcast %scan3A_165 : i32 to vector<16xi32>
          %add3A_252 = arith.constant 4 : i32
          %add3A_253 = vector.broadcast %add3A_252 : i32 to vector<16xi32>
          %add3A_254 = arith.addi %mul3A_5, %add3A_253 : vector<16xi32>
          tpu.vector_store_idx %arg15[%broadcast_in_dim3A_251, %add3A_254], %get3A_247 : memref<8x544xf32, #tpu.memory_space<vmem>>[vector<16xi32>, vector<16xi32>], vector<16xf32>,
          %broadcast_in_dim3A_255 = vector.broadcast %scan3A_165 : i32 to vector<16xi32>
          %add3A_256 = arith.constant 276 : i32
          %add3A_257 = vector.broadcast %add3A_256 : i32 to vector<16xi32>
          %add3A_258 = arith.addi %mul3A_5, %add3A_257 : vector<16xi32>
          tpu.vector_store_idx %arg15[%broadcast_in_dim3A_255, %add3A_258], %get3A_250 : memref<8x544xf32, #tpu.memory_space<vmem>>[vector<16xi32>, vector<16xi32>], vector<16xf32>,
          %mul3A_259 = arith.constant 16 : i32
          %mul3A_260 = arith.muli %scan3A_165, %mul3A_259 : i32
          %add3A_261 = arith.constant 5 : i32
          %add3A_262 = arith.addi %mul3A_260, %add3A_261 : i32
          %get3A_263 = arith.index_cast %add3A_262 : i32 to index
          %get3A_264 = arith.constant 0 : index
          %get3A_265 = tpu.vector_load %arg11[%get3A_263, %get3A_264] {strides = array<i32>} : memref<128x32xf32, #tpu.memory_space<vmem>>, vector<16xf32>,
          %get3A_266 = arith.index_cast %add3A_262 : i32 to index
          %get3A_267 = arith.constant 16 : index
          %get3A_268 = tpu.vector_load %arg11[%get3A_266, %get3A_267] {strides = array<i32>} : memref<128x32xf32, #tpu.memory_space<vmem>>, vector<16xf32>,
          %broadcast_in_dim3A_269 = vector.broadcast %scan3A_165 : i32 to vector<16xi32>
          %add3A_270 = arith.constant 5 : i32
          %add3A_271 = vector.broadcast %add3A_270 : i32 to vector<16xi32>
          %add3A_272 = arith.addi %mul3A_5, %add3A_271 : vector<16xi32>
          tpu.vector_store_idx %arg15[%broadcast_in_dim3A_269, %add3A_272], %get3A_265 : memref<8x544xf32, #tpu.memory_space<vmem>>[vector<16xi32>, vector<16xi32>], vector<16xf32>,
          %broadcast_in_dim3A_273 = vector.broadcast %scan3A_165 : i32 to vector<16xi32>
          %add3A_274 = arith.constant 277 : i32
          %add3A_275 = vector.broadcast %add3A_274 : i32 to vector<16xi32>
          %add3A_276 = arith.addi %mul3A_5, %add3A_275 : vector<16xi32>
          tpu.vector_store_idx %arg15[%broadcast_in_dim3A_273, %add3A_276], %get3A_268 : memref<8x544xf32, #tpu.memory_space<vmem>>[vector<16xi32>, vector<16xi32>], vector<16xf32>,
          %mul3A_277 = arith.constant 16 : i32
          %mul3A_278 = arith.muli %scan3A_165, %mul3A_277 : i32
          %add3A_279 = arith.constant 6 : i32
          %add3A_280 = arith.addi %mul3A_278, %add3A_279 : i32
          %get3A_281 = arith.index_cast %add3A_280 : i32 to index
          %get3A_282 = arith.constant 0 : index
          %get3A_283 = tpu.vector_load %arg11[%get3A_281, %get3A_282] {strides = array<i32>} : memref<128x32xf32, #tpu.memory_space<vmem>>, vector<16xf32>,
          %get3A_284 = arith.index_cast %add3A_280 : i32 to index
          %get3A_285 = arith.constant 16 : index
          %get3A_286 = tpu.vector_load %arg11[%get3A_284, %get3A_285] {strides = array<i32>} : memref<128x32xf32, #tpu.memory_space<vmem>>, vector<16xf32>,
          %broadcast_in_dim3A_287 = vector.broadcast %scan3A_165 : i32 to vector<16xi32>
          %add3A_288 = arith.constant 6 : i32
          %add3A_289 = vector.broadcast %add3A_288 : i32 to vector<16xi32>
          %add3A_290 = arith.addi %mul3A_5, %add3A_289 : vector<16xi32>
          tpu.vector_store_idx %arg15[%broadcast_in_dim3A_287, %add3A_290], %get3A_283 : memref<8x544xf32, #tpu.memory_space<vmem>>[vector<16xi32>, vector<16xi32>], vector<16xf32>,
          %broadcast_in_dim3A_291 = vector.broadcast %scan3A_165 : i32 to vector<16xi32>
          %add3A_292 = arith.constant 278 : i32
          %add3A_293 = vector.broadcast %add3A_292 : i32 to vector<16xi32>
          %add3A_294 = arith.addi %mul3A_5, %add3A_293 : vector<16xi32>
          tpu.vector_store_idx %arg15[%broadcast_in_dim3A_291, %add3A_294], %get3A_286 : memref<8x544xf32, #tpu.memory_space<vmem>>[vector<16xi32>, vector<16xi32>], vector<16xf32>,
          %mul3A_295 = arith.constant 16 : i32
          %mul3A_296 = arith.muli %scan3A_165, %mul3A_295 : i32
          %add3A_297 = arith.constant 7 : i32
          %add3A_298 = arith.addi %mul3A_296, %add3A_297 : i32
          %get3A_299 = arith.index_cast %add3A_298 : i32 to index
          %get3A_300 = arith.constant 0 : index
          %get3A_301 = tpu.vector_load %arg11[%get3A_299, %get3A_300] {strides = array<i32>} : memref<128x32xf32, #tpu.memory_space<vmem>>, vector<16xf32>,
          %get3A_302 = arith.index_cast %add3A_298 : i32 to index
          %get3A_303 = arith.constant 16 : index
          %get3A_304 = tpu.vector_load %arg11[%get3A_302, %get3A_303] {strides = array<i32>} : memref<128x32xf32, #tpu.memory_space<vmem>>, vector<16xf32>,
          %broadcast_in_dim3A_305 = vector.broadcast %scan3A_165 : i32 to vector<16xi32>
          %add3A_306 = arith.constant 7 : i32
          %add3A_307 = vector.broadcast %add3A_306 : i32 to vector<16xi32>
          %add3A_308 = arith.addi %mul3A_5, %add3A_307 : vector<16xi32>
          tpu.vector_store_idx %arg15[%broadcast_in_dim3A_305, %add3A_308], %get3A_301 : memref<8x544xf32, #tpu.memory_space<vmem>>[vector<16xi32>, vector<16xi32>], vector<16xf32>,
          %broadcast_in_dim3A_309 = vector.broadcast %scan3A_165 : i32 to vector<16xi32>
          %add3A_310 = arith.constant 279 : i32
          %add3A_311 = vector.broadcast %add3A_310 : i32 to vector<16xi32>
          %add3A_312 = arith.addi %mul3A_5, %add3A_311 : vector<16xi32>
          tpu.vector_store_idx %arg15[%broadcast_in_dim3A_309, %add3A_312], %get3A_304 : memref<8x544xf32, #tpu.memory_space<vmem>>[vector<16xi32>, vector<16xi32>], vector<16xf32>,
          %mul3A_313 = arith.constant 16 : i32
          %mul3A_314 = arith.muli %scan3A_165, %mul3A_313 : i32
          %add3A_315 = arith.constant 8 : i32
          %add3A_316 = arith.addi %mul3A_314, %add3A_315 : i32
          %get3A_317 = arith.index_cast %add3A_316 : i32 to index
          %get3A_318 = arith.constant 0 : index
          %get3A_319 = tpu.vector_load %arg11[%get3A_317, %get3A_318] {strides = array<i32>} : memref<128x32xf32, #tpu.memory_space<vmem>>, vector<16xf32>,
          %get3A_320 = arith.index_cast %add3A_316 : i32 to index
          %get3A_321 = arith.constant 16 : index
          %get3A_322 = tpu.vector_load %arg11[%get3A_320, %get3A_321] {strides = array<i32>} : memref<128x32xf32, #tpu.memory_space<vmem>>, vector<16xf32>,
          %broadcast_in_dim3A_323 = vector.broadcast %scan3A_165 : i32 to vector<16xi32>
          %add3A_324 = arith.constant 8 : i32
          %add3A_325 = vector.broadcast %add3A_324 : i32 to vector<16xi32>
          %add3A_326 = arith.addi %mul3A_5, %add3A_325 : vector<16xi32>
          tpu.vector_store_idx %arg15[%broadcast_in_dim3A_323, %add3A_326], %get3A_319 : memref<8x544xf32, #tpu.memory_space<vmem>>[vector<16xi32>, vector<16xi32>], vector<16xf32>,
          %broadcast_in_dim3A_327 = vector.broadcast %scan3A_165 : i32 to vector<16xi32>
          %add3A_328 = arith.constant 280 : i32
          %add3A_329 = vector.broadcast %add3A_328 : i32 to vector<16xi32>
          %add3A_330 = arith.addi %mul3A_5, %add3A_329 : vector<16xi32>
          tpu.vector_store_idx %arg15[%broadcast_in_dim3A_327, %add3A_330], %get3A_322 : memref<8x544xf32, #tpu.memory_space<vmem>>[vector<16xi32>, vector<16xi32>], vector<16xf32>,
          %mul3A_331 = arith.constant 16 : i32
          %mul3A_332 = arith.muli %scan3A_165, %mul3A_331 : i32
          %add3A_333 = arith.constant 9 : i32
          %add3A_334 = arith.addi %mul3A_332, %add3A_333 : i32
          %get3A_335 = arith.index_cast %add3A_334 : i32 to index
          %get3A_336 = arith.constant 0 : index
          %get3A_337 = tpu.vector_load %arg11[%get3A_335, %get3A_336] {strides = array<i32>} : memref<128x32xf32, #tpu.memory_space<vmem>>, vector<16xf32>,
          %get3A_338 = arith.index_cast %add3A_334 : i32 to index
          %get3A_339 = arith.constant 16 : index
          %get3A_340 = tpu.vector_load %arg11[%get3A_338, %get3A_339] {strides = array<i32>} : memref<128x32xf32, #tpu.memory_space<vmem>>, vector<16xf32>,
          %broadcast_in_dim3A_341 = vector.broadcast %scan3A_165 : i32 to vector<16xi32>
          %add3A_342 = arith.constant 9 : i32
          %add3A_343 = vector.broadcast %add3A_342 : i32 to vector<16xi32>
          %add3A_344 = arith.addi %mul3A_5, %add3A_343 : vector<16xi32>
          tpu.vector_store_idx %arg15[%broadcast_in_dim3A_341, %add3A_344], %get3A_337 : memref<8x544xf32, #tpu.memory_space<vmem>>[vector<16xi32>, vector<16xi32>], vector<16xf32>,
          %broadcast_in_dim3A_345 = vector.broadcast %scan3A_165 : i32 to vector<16xi32>
          %add3A_346 = arith.constant 281 : i32
          %add3A_347 = vector.broadcast %add3A_346 : i32 to vector<16xi32>
          %add3A_348 = arith.addi %mul3A_5, %add3A_347 : vector<16xi32>
          tpu.vector_store_idx %arg15[%broadcast_in_dim3A_345, %add3A_348], %get3A_340 : memref<8x544xf32, #tpu.memory_space<vmem>>[vector<16xi32>, vector<16xi32>], vector<16xf32>,
          %mul3A_349 = arith.constant 16 : i32
          %mul3A_350 = arith.muli %scan3A_165, %mul3A_349 : i32
          %add3A_351 = arith.constant 10 : i32
          %add3A_352 = arith.addi %mul3A_350, %add3A_351 : i32
          %get3A_353 = arith.index_cast %add3A_352 : i32 to index
          %get3A_354 = arith.constant 0 : index
          %get3A_355 = tpu.vector_load %arg11[%get3A_353, %get3A_354] {strides = array<i32>} : memref<128x32xf32, #tpu.memory_space<vmem>>, vector<16xf32>,
          %get3A_356 = arith.index_cast %add3A_352 : i32 to index
          %get3A_357 = arith.constant 16 : index
          %get3A_358 = tpu.vector_load %arg11[%get3A_356, %get3A_357] {strides = array<i32>} : memref<128x32xf32, #tpu.memory_space<vmem>>, vector<16xf32>,
          %broadcast_in_dim3A_359 = vector.broadcast %scan3A_165 : i32 to vector<16xi32>
          %add3A_360 = arith.constant 10 : i32
          %add3A_361 = vector.broadcast %add3A_360 : i32 to vector<16xi32>
          %add3A_362 = arith.addi %mul3A_5, %add3A_361 : vector<16xi32>
          tpu.vector_store_idx %arg15[%broadcast_in_dim3A_359, %add3A_362], %get3A_355 : memref<8x544xf32, #tpu.memory_space<vmem>>[vector<16xi32>, vector<16xi32>], vector<16xf32>,
          %broadcast_in_dim3A_363 = vector.broadcast %scan3A_165 : i32 to vector<16xi32>
          %add3A_364 = arith.constant 282 : i32
          %add3A_365 = vector.broadcast %add3A_364 : i32 to vector<16xi32>
          %add3A_366 = arith.addi %mul3A_5, %add3A_365 : vector<16xi32>
          tpu.vector_store_idx %arg15[%broadcast_in_dim3A_363, %add3A_366], %get3A_358 : memref<8x544xf32, #tpu.memory_space<vmem>>[vector<16xi32>, vector<16xi32>], vector<16xf32>,
          %mul3A_367 = arith.constant 16 : i32
          %mul3A_368 = arith.muli %scan3A_165, %mul3A_367 : i32
          %add3A_369 = arith.constant 11 : i32
          %add3A_370 = arith.addi %mul3A_368, %add3A_369 : i32
          %get3A_371 = arith.index_cast %add3A_370 : i32 to index
          %get3A_372 = arith.constant 0 : index
          %get3A_373 = tpu.vector_load %arg11[%get3A_371, %get3A_372] {strides = array<i32>} : memref<128x32xf32, #tpu.memory_space<vmem>>, vector<16xf32>,
          %get3A_374 = arith.index_cast %add3A_370 : i32 to index
          %get3A_375 = arith.constant 16 : index
          %get3A_376 = tpu.vector_load %arg11[%get3A_374, %get3A_375] {strides = array<i32>} : memref<128x32xf32, #tpu.memory_space<vmem>>, vector<16xf32>,
          %broadcast_in_dim3A_377 = vector.broadcast %scan3A_165 : i32 to vector<16xi32>
          %add3A_378 = arith.constant 11 : i32
          %add3A_379 = vector.broadcast %add3A_378 : i32 to vector<16xi32>
          %add3A_380 = arith.addi %mul3A_5, %add3A_379 : vector<16xi32>
          tpu.vector_store_idx %arg15[%broadcast_in_dim3A_377, %add3A_380], %get3A_373 : memref<8x544xf32, #tpu.memory_space<vmem>>[vector<16xi32>, vector<16xi32>], vector<16xf32>,
          %broadcast_in_dim3A_381 = vector.broadcast %scan3A_165 : i32 to vector<16xi32>
          %add3A_382 = arith.constant 283 : i32
          %add3A_383 = vector.broadcast %add3A_382 : i32 to vector<16xi32>
          %add3A_384 = arith.addi %mul3A_5, %add3A_383 : vector<16xi32>
          tpu.vector_store_idx %arg15[%broadcast_in_dim3A_381, %add3A_384], %get3A_376 : memref<8x544xf32, #tpu.memory_space<vmem>>[vector<16xi32>, vector<16xi32>], vector<16xf32>,
          %mul3A_385 = arith.constant 16 : i32
          %mul3A_386 = arith.muli %scan3A_165, %mul3A_385 : i32
          %add3A_387 = arith.constant 12 : i32
          %add3A_388 = arith.addi %mul3A_386, %add3A_387 : i32
          %get3A_389 = arith.index_cast %add3A_388 : i32 to index
          %get3A_390 = arith.constant 0 : index
          %get3A_391 = tpu.vector_load %arg11[%get3A_389, %get3A_390] {strides = array<i32>} : memref<128x32xf32, #tpu.memory_space<vmem>>, vector<16xf32>,
          %get3A_392 = arith.index_cast %add3A_388 : i32 to index
          %get3A_393 = arith.constant 16 : index
          %get3A_394 = tpu.vector_load %arg11[%get3A_392, %get3A_393] {strides = array<i32>} : memref<128x32xf32, #tpu.memory_space<vmem>>, vector<16xf32>,
          %broadcast_in_dim3A_395 = vector.broadcast %scan3A_165 : i32 to vector<16xi32>
          %add3A_396 = arith.constant 12 : i32
          %add3A_397 = vector.broadcast %add3A_396 : i32 to vector<16xi32>
          %add3A_398 = arith.addi %mul3A_5, %add3A_397 : vector<16xi32>
          tpu.vector_store_idx %arg15[%broadcast_in_dim3A_395, %add3A_398], %get3A_391 : memref<8x544xf32, #tpu.memory_space<vmem>>[vector<16xi32>, vector<16xi32>], vector<16xf32>,
          %broadcast_in_dim3A_399 = vector.broadcast %scan3A_165 : i32 to vector<16xi32>
          %add3A_400 = arith.constant 284 : i32
          %add3A_401 = vector.broadcast %add3A_400 : i32 to vector<16xi32>
          %add3A_402 = arith.addi %mul3A_5, %add3A_401 : vector<16xi32>
          tpu.vector_store_idx %arg15[%broadcast_in_dim3A_399, %add3A_402], %get3A_394 : memref<8x544xf32, #tpu.memory_space<vmem>>[vector<16xi32>, vector<16xi32>], vector<16xf32>,
          %mul3A_403 = arith.constant 16 : i32
          %mul3A_404 = arith.muli %scan3A_165, %mul3A_403 : i32
          %add3A_405 = arith.constant 13 : i32
          %add3A_406 = arith.addi %mul3A_404, %add3A_405 : i32
          %get3A_407 = arith.index_cast %add3A_406 : i32 to index
          %get3A_408 = arith.constant 0 : index
          %get3A_409 = tpu.vector_load %arg11[%get3A_407, %get3A_408] {strides = array<i32>} : memref<128x32xf32, #tpu.memory_space<vmem>>, vector<16xf32>,
          %get3A_410 = arith.index_cast %add3A_406 : i32 to index
          %get3A_411 = arith.constant 16 : index
          %get3A_412 = tpu.vector_load %arg11[%get3A_410, %get3A_411] {strides = array<i32>} : memref<128x32xf32, #tpu.memory_space<vmem>>, vector<16xf32>,
          %broadcast_in_dim3A_413 = vector.broadcast %scan3A_165 : i32 to vector<16xi32>
          %add3A_414 = arith.constant 13 : i32
          %add3A_415 = vector.broadcast %add3A_414 : i32 to vector<16xi32>
          %add3A_416 = arith.addi %mul3A_5, %add3A_415 : vector<16xi32>
          tpu.vector_store_idx %arg15[%broadcast_in_dim3A_413, %add3A_416], %get3A_409 : memref<8x544xf32, #tpu.memory_space<vmem>>[vector<16xi32>, vector<16xi32>], vector<16xf32>,
          %broadcast_in_dim3A_417 = vector.broadcast %scan3A_165 : i32 to vector<16xi32>
          %add3A_418 = arith.constant 285 : i32
          %add3A_419 = vector.broadcast %add3A_418 : i32 to vector<16xi32>
          %add3A_420 = arith.addi %mul3A_5, %add3A_419 : vector<16xi32>
          tpu.vector_store_idx %arg15[%broadcast_in_dim3A_417, %add3A_420], %get3A_412 : memref<8x544xf32, #tpu.memory_space<vmem>>[vector<16xi32>, vector<16xi32>], vector<16xf32>,
          %mul3A_421 = arith.constant 16 : i32
          %mul3A_422 = arith.muli %scan3A_165, %mul3A_421 : i32
          %add3A_423 = arith.constant 14 : i32
          %add3A_424 = arith.addi %mul3A_422, %add3A_423 : i32
          %get3A_425 = arith.index_cast %add3A_424 : i32 to index
          %get3A_426 = arith.constant 0 : index
          %get3A_427 = tpu.vector_load %arg11[%get3A_425, %get3A_426] {strides = array<i32>} : memref<128x32xf32, #tpu.memory_space<vmem>>, vector<16xf32>,
          %get3A_428 = arith.index_cast %add3A_424 : i32 to index
          %get3A_429 = arith.constant 16 : index
          %get3A_430 = tpu.vector_load %arg11[%get3A_428, %get3A_429] {strides = array<i32>} : memref<128x32xf32, #tpu.memory_space<vmem>>, vector<16xf32>,
          %broadcast_in_dim3A_431 = vector.broadcast %scan3A_165 : i32 to vector<16xi32>
          %add3A_432 = arith.constant 14 : i32
          %add3A_433 = vector.broadcast %add3A_432 : i32 to vector<16xi32>
          %add3A_434 = arith.addi %mul3A_5, %add3A_433 : vector<16xi32>
          tpu.vector_store_idx %arg15[%broadcast_in_dim3A_431, %add3A_434], %get3A_427 : memref<8x544xf32, #tpu.memory_space<vmem>>[vector<16xi32>, vector<16xi32>], vector<16xf32>,
          %broadcast_in_dim3A_435 = vector.broadcast %scan3A_165 : i32 to vector<16xi32>
          %add3A_436 = arith.constant 286 : i32
          %add3A_437 = vector.broadcast %add3A_436 : i32 to vector<16xi32>
          %add3A_438 = arith.addi %mul3A_5, %add3A_437 : vector<16xi32>
          tpu.vector_store_idx %arg15[%broadcast_in_dim3A_435, %add3A_438], %get3A_430 : memref<8x544xf32, #tpu.memory_space<vmem>>[vector<16xi32>, vector<16xi32>], vector<16xf32>,
          %mul3A_439 = arith.constant 16 : i32
          %mul3A_440 = arith.muli %scan3A_165, %mul3A_439 : i32
          %add3A_441 = arith.constant 15 : i32
          %add3A_442 = arith.addi %mul3A_440, %add3A_441 : i32
          %get3A_443 = arith.index_cast %add3A_442 : i32 to index
          %get3A_444 = arith.constant 0 : index
          %get3A_445 = tpu.vector_load %arg11[%get3A_443, %get3A_444] {strides = array<i32>} : memref<128x32xf32, #tpu.memory_space<vmem>>, vector<16xf32>,
          %get3A_446 = arith.index_cast %add3A_442 : i32 to index
          %get3A_447 = arith.constant 16 : index
          %get3A_448 = tpu.vector_load %arg11[%get3A_446, %get3A_447] {strides = array<i32>} : memref<128x32xf32, #tpu.memory_space<vmem>>, vector<16xf32>,
          %broadcast_in_dim3A_449 = vector.broadcast %scan3A_165 : i32 to vector<16xi32>
          %add3A_450 = arith.constant 15 : i32
          %add3A_451 = vector.broadcast %add3A_450 : i32 to vector<16xi32>
          %add3A_452 = arith.addi %mul3A_5, %add3A_451 : vector<16xi32>
          tpu.vector_store_idx %arg15[%broadcast_in_dim3A_449, %add3A_452], %get3A_445 : memref<8x544xf32, #tpu.memory_space<vmem>>[vector<16xi32>, vector<16xi32>], vector<16xf32>,
          %broadcast_in_dim3A_453 = vector.broadcast %scan3A_165 : i32 to vector<16xi32>
          %add3A_454 = arith.constant 287 : i32
          %add3A_455 = vector.broadcast %add3A_454 : i32 to vector<16xi32>
          %add3A_456 = arith.addi %mul3A_5, %add3A_455 : vector<16xi32>
          tpu.vector_store_idx %arg15[%broadcast_in_dim3A_453, %add3A_456], %get3A_448 : memref<8x544xf32, #tpu.memory_space<vmem>>[vector<16xi32>, vector<16xi32>], vector<16xf32>,
          %get3A_457 = arith.index_cast %scan3A_165 : i32 to index
          %get3A_458 = arith.constant 0 : index
          %get3A_459 = tpu.vector_load %arg15[%get3A_457, %get3A_458] {strides = array<i32>} : memref<8x544xf32, #tpu.memory_space<vmem>>, vector<16xf32>,
          %get3A_460 = arith.index_cast %scan3A_165 : i32 to index
          %get3A_461 = arith.constant 17 : index
          %get3A_462 = tpu.vector_load %arg15[%get3A_460, %get3A_461] {strides = array<i32>} : memref<8x544xf32, #tpu.memory_space<vmem>>, vector<16xf32>,
          %get3A_463 = arith.index_cast %scan3A_165 : i32 to index
          %get3A_464 = arith.constant 34 : index
          %get3A_465 = tpu.vector_load %arg15[%get3A_463, %get3A_464] {strides = array<i32>} : memref<8x544xf32, #tpu.memory_space<vmem>>, vector<16xf32>,
          %get3A_466 = arith.index_cast %scan3A_165 : i32 to index
          %get3A_467 = arith.constant 51 : index
          %get3A_468 = tpu.vector_load %arg15[%get3A_466, %get3A_467] {strides = array<i32>} : memref<8x544xf32, #tpu.memory_space<vmem>>, vector<16xf32>,
          %get3A_469 = arith.index_cast %scan3A_165 : i32 to index
          %get3A_470 = arith.constant 68 : index
          %get3A_471 = tpu.vector_load %arg15[%get3A_469, %get3A_470] {strides = array<i32>} : memref<8x544xf32, #tpu.memory_space<vmem>>, vector<16xf32>,
          %get3A_472 = arith.index_cast %scan3A_165 : i32 to index
          %get3A_473 = arith.constant 85 : index
          %get3A_474 = tpu.vector_load %arg15[%get3A_472, %get3A_473] {strides = array<i32>} : memref<8x544xf32, #tpu.memory_space<vmem>>, vector<16xf32>,
          %get3A_475 = arith.index_cast %scan3A_165 : i32 to index
          %get3A_476 = arith.constant 102 : index
          %get3A_477 = tpu.vector_load %arg15[%get3A_475, %get3A_476] {strides = array<i32>} : memref<8x544xf32, #tpu.memory_space<vmem>>, vector<16xf32>,
          %get3A_478 = arith.index_cast %scan3A_165 : i32 to index
          %get3A_479 = arith.constant 119 : index
          %get3A_480 = tpu.vector_load %arg15[%get3A_478, %get3A_479] {strides = array<i32>} : memref<8x544xf32, #tpu.memory_space<vmem>>, vector<16xf32>,
          %get3A_481 = arith.index_cast %scan3A_165 : i32 to index
          %get3A_482 = arith.constant 136 : index
          %get3A_483 = tpu.vector_load %arg15[%get3A_481, %get3A_482] {strides = array<i32>} : memref<8x544xf32, #tpu.memory_space<vmem>>, vector<16xf32>,
          %get3A_484 = arith.index_cast %scan3A_165 : i32 to index
          %get3A_485 = arith.constant 153 : index
          %get3A_486 = tpu.vector_load %arg15[%get3A_484, %get3A_485] {strides = array<i32>} : memref<8x544xf32, #tpu.memory_space<vmem>>, vector<16xf32>,
          %get3A_487 = arith.index_cast %scan3A_165 : i32 to index
          %get3A_488 = arith.constant 170 : index
          %get3A_489 = tpu.vector_load %arg15[%get3A_487, %get3A_488] {strides = array<i32>} : memref<8x544xf32, #tpu.memory_space<vmem>>, vector<16xf32>,
          %get3A_490 = arith.index_cast %scan3A_165 : i32 to index
          %get3A_491 = arith.constant 187 : index
          %get3A_492 = tpu.vector_load %arg15[%get3A_490, %get3A_491] {strides = array<i32>} : memref<8x544xf32, #tpu.memory_space<vmem>>, vector<16xf32>,
          %get3A_493 = arith.index_cast %scan3A_165 : i32 to index
          %get3A_494 = arith.constant 204 : index
          %get3A_495 = tpu.vector_load %arg15[%get3A_493, %get3A_494] {strides = array<i32>} : memref<8x544xf32, #tpu.memory_space<vmem>>, vector<16xf32>,
          %get3A_496 = arith.index_cast %scan3A_165 : i32 to index
          %get3A_497 = arith.constant 221 : index
          %get3A_498 = tpu.vector_load %arg15[%get3A_496, %get3A_497] {strides = array<i32>} : memref<8x544xf32, #tpu.memory_space<vmem>>, vector<16xf32>,
          %get3A_499 = arith.index_cast %scan3A_165 : i32 to index
          %get3A_500 = arith.constant 238 : index
          %get3A_501 = tpu.vector_load %arg15[%get3A_499, %get3A_500] {strides = array<i32>} : memref<8x544xf32, #tpu.memory_space<vmem>>, vector<16xf32>,
          %get3A_502 = arith.index_cast %scan3A_165 : i32 to index
          %get3A_503 = arith.constant 255 : index
          %get3A_504 = tpu.vector_load %arg15[%get3A_502, %get3A_503] {strides = array<i32>} : memref<8x544xf32, #tpu.memory_space<vmem>>, vector<16xf32>,
          %get3A_505 = arith.index_cast %scan3A_165 : i32 to index
          %get3A_506 = arith.constant 272 : index
          %get3A_507 = tpu.vector_load %arg15[%get3A_505, %get3A_506] {strides = array<i32>} : memref<8x544xf32, #tpu.memory_space<vmem>>, vector<16xf32>,
          %get3A_508 = arith.index_cast %scan3A_165 : i32 to index
          %get3A_509 = arith.constant 289 : index
          %get3A_510 = tpu.vector_load %arg15[%get3A_508, %get3A_509] {strides = array<i32>} : memref<8x544xf32, #tpu.memory_space<vmem>>, vector<16xf32>,
          %get3A_511 = arith.index_cast %scan3A_165 : i32 to index
          %get3A_512 = arith.constant 306 : index
          %get3A_513 = tpu.vector_load %arg15[%get3A_511, %get3A_512] {strides = array<i32>} : memref<8x544xf32, #tpu.memory_space<vmem>>, vector<16xf32>,
          %get3A_514 = arith.index_cast %scan3A_165 : i32 to index
          %get3A_515 = arith.constant 323 : index
          %get3A_516 = tpu.vector_load %arg15[%get3A_514, %get3A_515] {strides = array<i32>} : memref<8x544xf32, #tpu.memory_space<vmem>>, vector<16xf32>,
          %get3A_517 = arith.index_cast %scan3A_165 : i32 to index
          %get3A_518 = arith.constant 340 : index
          %get3A_519 = tpu.vector_load %arg15[%get3A_517, %get3A_518] {strides = array<i32>} : memref<8x544xf32, #tpu.memory_space<vmem>>, vector<16xf32>,
          %get3A_520 = arith.index_cast %scan3A_165 : i32 to index
          %get3A_521 = arith.constant 357 : index
          %get3A_522 = tpu.vector_load %arg15[%get3A_520, %get3A_521] {strides = array<i32>} : memref<8x544xf32, #tpu.memory_space<vmem>>, vector<16xf32>,
          %get3A_523 = arith.index_cast %scan3A_165 : i32 to index
          %get3A_524 = arith.constant 374 : index
          %get3A_525 = tpu.vector_load %arg15[%get3A_523, %get3A_524] {strides = array<i32>} : memref<8x544xf32, #tpu.memory_space<vmem>>, vector<16xf32>,
          %get3A_526 = arith.index_cast %scan3A_165 : i32 to index
          %get3A_527 = arith.constant 391 : index
          %get3A_528 = tpu.vector_load %arg15[%get3A_526, %get3A_527] {strides = array<i32>} : memref<8x544xf32, #tpu.memory_space<vmem>>, vector<16xf32>,
          %get3A_529 = arith.index_cast %scan3A_165 : i32 to index
          %get3A_530 = arith.constant 408 : index
          %get3A_531 = tpu.vector_load %arg15[%get3A_529, %get3A_530] {strides = array<i32>} : memref<8x544xf32, #tpu.memory_space<vmem>>, vector<16xf32>,
          %get3A_532 = arith.index_cast %scan3A_165 : i32 to index
          %get3A_533 = arith.constant 425 : index
          %get3A_534 = tpu.vector_load %arg15[%get3A_532, %get3A_533] {strides = array<i32>} : memref<8x544xf32, #tpu.memory_space<vmem>>, vector<16xf32>,
          %get3A_535 = arith.index_cast %scan3A_165 : i32 to index
          %get3A_536 = arith.constant 442 : index
          %get3A_537 = tpu.vector_load %arg15[%get3A_535, %get3A_536] {strides = array<i32>} : memref<8x544xf32, #tpu.memory_space<vmem>>, vector<16xf32>,
          %get3A_538 = arith.index_cast %scan3A_165 : i32 to index
          %get3A_539 = arith.constant 459 : index
          %get3A_540 = tpu.vector_load %arg15[%get3A_538, %get3A_539] {strides = array<i32>} : memref<8x544xf32, #tpu.memory_space<vmem>>, vector<16xf32>,
          %get3A_541 = arith.index_cast %scan3A_165 : i32 to index
          %get3A_542 = arith.constant 476 : index
          %get3A_543 = tpu.vector_load %arg15[%get3A_541, %get3A_542] {strides = array<i32>} : memref<8x544xf32, #tpu.memory_space<vmem>>, vector<16xf32>,
          %get3A_544 = arith.index_cast %scan3A_165 : i32 to index
          %get3A_545 = arith.constant 493 : index
          %get3A_546 = tpu.vector_load %arg15[%get3A_544, %get3A_545] {strides = array<i32>} : memref<8x544xf32, #tpu.memory_space<vmem>>, vector<16xf32>,
          %get3A_547 = arith.index_cast %scan3A_165 : i32 to index
          %get3A_548 = arith.constant 510 : index
          %get3A_549 = tpu.vector_load %arg15[%get3A_547, %get3A_548] {strides = array<i32>} : memref<8x544xf32, #tpu.memory_space<vmem>>, vector<16xf32>,
          %get3A_550 = arith.index_cast %scan3A_165 : i32 to index
          %get3A_551 = arith.constant 527 : index
          %get3A_552 = tpu.vector_load %arg15[%get3A_550, %get3A_551] {strides = array<i32>} : memref<8x544xf32, #tpu.memory_space<vmem>>, vector<16xf32>,
          %get3A_553 = arith.index_cast %add3A_170 : i32 to index
          %get3A_554 = tpu.vector_load %arg8[%get3A_553] {strides = array<i32>} : memref<4096xf32, #tpu.memory_space<vmem>>, vector<16xf32>,
          %get3A_555 = arith.index_cast %add3A_170 : i32 to index
          %get3A_556 = tpu.vector_load %arg9[%get3A_555] {strides = array<i32>} : memref<4096xf32, #tpu.memory_space<vmem>>, vector<16xf32>,
          %mul3A_557 = arith.mulf %get3A_468, %get3A_556 : vector<16xf32>
          %add3A_558 = arith.addf %mul3A_557, %get3A_465 : vector<16xf32>
          %mul3A_559 = arith.mulf %add3A_558, %get3A_556 : vector<16xf32>
          %add3A_560 = arith.addf %mul3A_559, %get3A_462 : vector<16xf32>
          %mul3A_561 = arith.mulf %add3A_560, %get3A_556 : vector<16xf32>
          %add3A_562 = arith.addf %mul3A_561, %get3A_459 : vector<16xf32>
          %mul3A_563 = arith.mulf %get3A_480, %get3A_556 : vector<16xf32>
          %add3A_564 = arith.addf %mul3A_563, %get3A_477 : vector<16xf32>
          %mul3A_565 = arith.mulf %add3A_564, %get3A_556 : vector<16xf32>
          %add3A_566 = arith.addf %mul3A_565, %get3A_474 : vector<16xf32>
          %mul3A_567 = arith.mulf %add3A_566, %get3A_556 : vector<16xf32>
          %add3A_568 = arith.addf %mul3A_567, %get3A_471 : vector<16xf32>
          %mul3A_569 = arith.mulf %get3A_492, %get3A_556 : vector<16xf32>
          %add3A_570 = arith.addf %mul3A_569, %get3A_489 : vector<16xf32>
          %mul3A_571 = arith.mulf %add3A_570, %get3A_556 : vector<16xf32>
          %add3A_572 = arith.addf %mul3A_571, %get3A_486 : vector<16xf32>
          %mul3A_573 = arith.mulf %add3A_572, %get3A_556 : vector<16xf32>
          %add3A_574 = arith.addf %mul3A_573, %get3A_483 : vector<16xf32>
          %mul3A_575 = arith.mulf %get3A_504, %get3A_556 : vector<16xf32>
          %add3A_576 = arith.addf %mul3A_575, %get3A_501 : vector<16xf32>
          %mul3A_577 = arith.mulf %add3A_576, %get3A_556 : vector<16xf32>
          %add3A_578 = arith.addf %mul3A_577, %get3A_498 : vector<16xf32>
          %mul3A_579 = arith.mulf %add3A_578, %get3A_556 : vector<16xf32>
          %add3A_580 = arith.addf %mul3A_579, %get3A_495 : vector<16xf32>
          %mul3A_581 = arith.mulf %add3A_580, %get3A_554 : vector<16xf32>
          %add3A_582 = arith.addf %mul3A_581, %add3A_574 : vector<16xf32>
          %mul3A_583 = arith.mulf %add3A_582, %get3A_554 : vector<16xf32>
          %add3A_584 = arith.addf %mul3A_583, %add3A_568 : vector<16xf32>
          %mul3A_585 = arith.mulf %add3A_584, %get3A_554 : vector<16xf32>
          %add3A_586 = arith.addf %mul3A_585, %add3A_562 : vector<16xf32>
          %mul3A_587 = arith.mulf %get3A_516, %get3A_556 : vector<16xf32>
          %add3A_588 = arith.addf %mul3A_587, %get3A_513 : vector<16xf32>
          %mul3A_589 = arith.mulf %add3A_588, %get3A_556 : vector<16xf32>
          %add3A_590 = arith.addf %mul3A_589, %get3A_510 : vector<16xf32>
          %mul3A_591 = arith.mulf %add3A_590, %get3A_556 : vector<16xf32>
          %add3A_592 = arith.addf %mul3A_591, %get3A_507 : vector<16xf32>
          %mul3A_593 = arith.mulf %get3A_528, %get3A_556 : vector<16xf32>
          %add3A_594 = arith.addf %mul3A_593, %get3A_525 : vector<16xf32>
          %mul3A_595 = arith.mulf %add3A_594, %get3A_556 : vector<16xf32>
          %add3A_596 = arith.addf %mul3A_595, %get3A_522 : vector<16xf32>
          %mul3A_597 = arith.mulf %add3A_596, %get3A_556 : vector<16xf32>
          %add3A_598 = arith.addf %mul3A_597, %get3A_519 : vector<16xf32>
          %mul3A_599 = arith.mulf %get3A_540, %get3A_556 : vector<16xf32>
          %add3A_600 = arith.addf %mul3A_599, %get3A_537 : vector<16xf32>
          %mul3A_601 = arith.mulf %add3A_600, %get3A_556 : vector<16xf32>
          %add3A_602 = arith.addf %mul3A_601, %get3A_534 : vector<16xf32>
          %mul3A_603 = arith.mulf %add3A_602, %get3A_556 : vector<16xf32>
          %add3A_604 = arith.addf %mul3A_603, %get3A_531 : vector<16xf32>
          %mul3A_605 = arith.mulf %get3A_552, %get3A_556 : vector<16xf32>
          %add3A_606 = arith.addf %mul3A_605, %get3A_549 : vector<16xf32>
          %mul3A_607 = arith.mulf %add3A_606, %get3A_556 : vector<16xf32>
          %add3A_608 = arith.addf %mul3A_607, %get3A_546 : vector<16xf32>
          %mul3A_609 = arith.mulf %add3A_608, %get3A_556 : vector<16xf32>
          %add3A_610 = arith.addf %mul3A_609, %get3A_543 : vector<16xf32>
          %mul3A_611 = arith.mulf %add3A_610, %get3A_554 : vector<16xf32>
          %add3A_612 = arith.addf %mul3A_611, %add3A_604 : vector<16xf32>
          %mul3A_613 = arith.mulf %add3A_612, %get3A_554 : vector<16xf32>
          %add3A_614 = arith.addf %mul3A_613, %add3A_598 : vector<16xf32>
          %mul3A_615 = arith.mulf %add3A_614, %get3A_554 : vector<16xf32>
          %add3A_616 = arith.addf %mul3A_615, %add3A_592 : vector<16xf32>
          %div3A_617 = arith.constant 128 : i32
          %div3A_618 = arith.divsi %add3A_170, %div3A_617 : i32
          %rem3A_619 = arith.constant 128 : i32
          %rem3A_620 = arith.remsi %add3A_170, %rem3A_619 : i32
          %get3A_621 = arith.constant 0 : i32
          %get3A_622 = arith.index_cast %div3A_618 : i32 to index
          %get3A_623 = arith.index_cast %get3A_621 : i32 to index
          %get3A_624 = arith.index_cast %rem3A_620 : i32 to index
          %get3A_625 = tpu.vector_load %arg7[%get3A_622, %get3A_623, %get3A_624] {strides = array<i32>} : memref<32x2x128xf32, #tpu.memory_space<vmem>>, vector<16xf32>,
          %sub3A_626 = arith.subf %add3A_586, %get3A_625 : vector<16xf32>
          %div3A_627 = arith.constant 3.000000e-03 : f32
          %div3A_628 = vector.broadcast %div3A_627 : f32 to vector<16xf32>
          %div3A_629 = arith.divf %sub3A_626, %div3A_628 : vector<16xf32>
          %get3A_630 = arith.constant 1 : i32
          %get3A_631 = arith.index_cast %div3A_618 : i32 to index
          %get3A_632 = arith.index_cast %get3A_630 : i32 to index
          %get3A_633 = arith.index_cast %rem3A_620 : i32 to index
          %get3A_634 = tpu.vector_load %arg7[%get3A_631, %get3A_632, %get3A_633] {strides = array<i32>} : memref<32x2x128xf32, #tpu.memory_space<vmem>>, vector<16xf32>,
          %sub3A_635 = arith.subf %add3A_616, %get3A_634 : vector<16xf32>
          %div3A_636 = arith.constant 3.000000e-03 : f32
          %div3A_637 = vector.broadcast %div3A_636 : f32 to vector<16xf32>
          %div3A_638 = arith.divf %sub3A_635, %div3A_637 : vector<16xf32>
          %mul3A_639 = arith.mulf %div3A_629, %div3A_629 : vector<16xf32>
          %mul3A_640 = arith.mulf %div3A_638, %div3A_638 : vector<16xf32>
          %add3A_641 = arith.addf %mul3A_639, %mul3A_640 : vector<16xf32>
          %mul3A_642 = arith.constant -5.000000e-01 : f32
          %mul3A_643 = vector.broadcast %mul3A_642 : f32 to vector<16xf32>
          %mul3A_644 = arith.mulf %mul3A_643, %add3A_641 : vector<16xf32>
          %exp3A = math.exp %mul3A_644 : vector<16xf32>
          %mul3A_645 = arith.constant 53.0516472 : f32
          %mul3A_646 = vector.broadcast %mul3A_645 : f32 to vector<16xf32>
          %mul3A_647 = arith.mulf %mul3A_646, %exp3A : vector<16xf32>
          %swap3A = arith.index_cast %add3A_170 : i32 to index
          %swap3A_648 = tpu.vector_load %arg16[%swap3A] {strides = array<i32>} : memref<4096xf32, #tpu.memory_space<vmem>>, vector<16xf32>,
          tpu.vector_store %arg16[%swap3A], %mul3A_647 {strides = array<i32>} : memref<4096xf32, #tpu.memory_space<vmem>>, vector<16xf32>,
        }
        %scan3A_97 = arith.constant 8 : i32
        %add3A_98 = arith.constant 4 : i32
        %add3A_99 = arith.addi %add3A_86, %add3A_98 : i32
        %lt3A = arith.constant 32 : i32
        %lt3A_100 = arith.cmpi slt, %add3A_99, %lt3A : i32
        %convert_element_type3A = arith.extui %lt3A_100 : i1 to i32
        %cond3A = arith.constant 0 : i32
        %cond3A_101 = arith.cmpi ne, %convert_element_type3A, %cond3A : i32
        scf.if %cond3A_101 {
          %add3A_165 = arith.constant 4 : i32
          %add3A_166 = arith.addi %add3A_86, %add3A_165 : i32
          %mul3A_167 = arith.constant 128 : i32
          %mul3A_168 = arith.muli %add3A_166, %mul3A_167 : i32
          %dma_start3A_169 = tpu.memref_slice %arg10[%mul3A_168] : memref<4096xi32, #tpu.memory_space<vmem>> -> memref<128xi32, #tpu.memory_space<vmem>>
          %dma_start3A_170 = arith.constant 0 : i32
          %dma_start3A_171 = arith.constant 0 : i32
          %dma_start3A_172 = tpu.memref_slice %arg4[%dma_start3A_170, %dma_start3A_171] : memref<1048576x32xf32, #tpu.memory_space<hbm>> -> memref<1048576x32xf32, #tpu.memory_space<hbm>>
          tpu.enqueue_indirect_dma source(%dma_start3A_172 : memref<1048576x32xf32, #tpu.memory_space<hbm>>) target(%arg11 : memref<128x32xf32, #tpu.memory_space<vmem>>) offsets(%dma_start3A_169 : memref<128xi32, #tpu.memory_space<vmem>>) semaphore(%arg17 : memref<!tpu.dma_semaphore, #tpu.memory_space<semaphore_mem>>)
        } else {
        }
        %add3A_102 = arith.constant 1 : i32
        %add3A_103 = arith.addi %mul3A_84, %add3A_102 : i32
        %mul3A_104 = arith.constant 128 : i32
        %mul3A_105 = arith.muli %add3A_103, %mul3A_104 : i32
        %dma_wait3A_106 = tpu.memref_slice %arg10[%mul3A_105] : memref<4096xi32, #tpu.memory_space<vmem>> -> memref<128xi32, #tpu.memory_space<vmem>>
        %dma_wait3A_107 = arith.constant 0 : i32
        %dma_wait3A_108 = arith.constant 0 : i32
        %dma_wait3A_109 = tpu.memref_slice %arg4[%dma_wait3A_107, %dma_wait3A_108] : memref<1048576x32xf32, #tpu.memory_space<hbm>> -> memref<1048576x32xf32, #tpu.memory_space<hbm>>
        tpu.wait_indirect_dma semaphore(%arg18 : memref<!tpu.dma_semaphore, #tpu.memory_space<semaphore_mem>>) src(%dma_wait3A_109 : memref<1048576x32xf32, #tpu.memory_space<hbm>>) dst(%arg12 : memref<128x32xf32, #tpu.memory_space<vmem>>)
        %scan3A_110 = arith.constant 0 : i32
        %scan3A_111 = arith.constant 0 : i32
        %scan3A_112 = arith.constant 8 : i32
        %scan3A_113 = arith.addi %scan3A_111, %scan3A_112 : i32
        %scan3A_114 = arith.constant 1 : i32
        scf.for %scan3A_165 = %scan3A_111 to %scan3A_113 step %scan3A_114  : i32 {
          %mul3A_166 = arith.constant 128 : i32
          %mul3A_167 = arith.muli %add3A_103, %mul3A_166 : i32
          %mul3A_168 = arith.constant 16 : i32
          %mul3A_169 = arith.muli %scan3A_165, %mul3A_168 : i32
          %add3A_170 = arith.addi %mul3A_167, %mul3A_169 : i32
          %mul3A_171 = arith.constant 16 : i32
          %mul3A_172 = arith.muli %scan3A_165, %mul3A_171 : i32
          %add3A_173 = arith.constant 0 : i32
          %add3A_174 = arith.addi %mul3A_172, %add3A_173 : i32
          %get3A = arith.index_cast %add3A_174 : i32 to index
          %get3A_175 = arith.constant 0 : index
          %get3A_176 = tpu.vector_load %arg12[%get3A, %get3A_175] {strides = array<i32>} : memref<128x32xf32, #tpu.memory_space<vmem>>, vector<16xf32>,
          %get3A_177 = arith.index_cast %add3A_174 : i32 to index
          %get3A_178 = arith.constant 16 : index
          %get3A_179 = tpu.vector_load %arg12[%get3A_177, %get3A_178] {strides = array<i32>} : memref<128x32xf32, #tpu.memory_space<vmem>>, vector<16xf32>,
          %broadcast_in_dim3A = vector.broadcast %scan3A_165 : i32 to vector<16xi32>
          %add3A_180 = arith.constant 0 : i32
          %add3A_181 = vector.broadcast %add3A_180 : i32 to vector<16xi32>
          %add3A_182 = arith.addi %mul3A_5, %add3A_181 : vector<16xi32>
          tpu.vector_store_idx %arg15[%broadcast_in_dim3A, %add3A_182], %get3A_176 : memref<8x544xf32, #tpu.memory_space<vmem>>[vector<16xi32>, vector<16xi32>], vector<16xf32>,
          %broadcast_in_dim3A_183 = vector.broadcast %scan3A_165 : i32 to vector<16xi32>
          %add3A_184 = arith.constant 272 : i32
          %add3A_185 = vector.broadcast %add3A_184 : i32 to vector<16xi32>
          %add3A_186 = arith.addi %mul3A_5, %add3A_185 : vector<16xi32>
          tpu.vector_store_idx %arg15[%broadcast_in_dim3A_183, %add3A_186], %get3A_179 : memref<8x544xf32, #tpu.memory_space<vmem>>[vector<16xi32>, vector<16xi32>], vector<16xf32>,
          %mul3A_187 = arith.constant 16 : i32
          %mul3A_188 = arith.muli %scan3A_165, %mul3A_187 : i32
          %add3A_189 = arith.constant 1 : i32
          %add3A_190 = arith.addi %mul3A_188, %add3A_189 : i32
          %get3A_191 = arith.index_cast %add3A_190 : i32 to index
          %get3A_192 = arith.constant 0 : index
          %get3A_193 = tpu.vector_load %arg12[%get3A_191, %get3A_192] {strides = array<i32>} : memref<128x32xf32, #tpu.memory_space<vmem>>, vector<16xf32>,
          %get3A_194 = arith.index_cast %add3A_190 : i32 to index
          %get3A_195 = arith.constant 16 : index
          %get3A_196 = tpu.vector_load %arg12[%get3A_194, %get3A_195] {strides = array<i32>} : memref<128x32xf32, #tpu.memory_space<vmem>>, vector<16xf32>,
          %broadcast_in_dim3A_197 = vector.broadcast %scan3A_165 : i32 to vector<16xi32>
          %add3A_198 = arith.constant 1 : i32
          %add3A_199 = vector.broadcast %add3A_198 : i32 to vector<16xi32>
          %add3A_200 = arith.addi %mul3A_5, %add3A_199 : vector<16xi32>
          tpu.vector_store_idx %arg15[%broadcast_in_dim3A_197, %add3A_200], %get3A_193 : memref<8x544xf32, #tpu.memory_space<vmem>>[vector<16xi32>, vector<16xi32>], vector<16xf32>,
          %broadcast_in_dim3A_201 = vector.broadcast %scan3A_165 : i32 to vector<16xi32>
          %add3A_202 = arith.constant 273 : i32
          %add3A_203 = vector.broadcast %add3A_202 : i32 to vector<16xi32>
          %add3A_204 = arith.addi %mul3A_5, %add3A_203 : vector<16xi32>
          tpu.vector_store_idx %arg15[%broadcast_in_dim3A_201, %add3A_204], %get3A_196 : memref<8x544xf32, #tpu.memory_space<vmem>>[vector<16xi32>, vector<16xi32>], vector<16xf32>,
          %mul3A_205 = arith.constant 16 : i32
          %mul3A_206 = arith.muli %scan3A_165, %mul3A_205 : i32
          %add3A_207 = arith.constant 2 : i32
          %add3A_208 = arith.addi %mul3A_206, %add3A_207 : i32
          %get3A_209 = arith.index_cast %add3A_208 : i32 to index
          %get3A_210 = arith.constant 0 : index
          %get3A_211 = tpu.vector_load %arg12[%get3A_209, %get3A_210] {strides = array<i32>} : memref<128x32xf32, #tpu.memory_space<vmem>>, vector<16xf32>,
          %get3A_212 = arith.index_cast %add3A_208 : i32 to index
          %get3A_213 = arith.constant 16 : index
          %get3A_214 = tpu.vector_load %arg12[%get3A_212, %get3A_213] {strides = array<i32>} : memref<128x32xf32, #tpu.memory_space<vmem>>, vector<16xf32>,
          %broadcast_in_dim3A_215 = vector.broadcast %scan3A_165 : i32 to vector<16xi32>
          %add3A_216 = arith.constant 2 : i32
          %add3A_217 = vector.broadcast %add3A_216 : i32 to vector<16xi32>
          %add3A_218 = arith.addi %mul3A_5, %add3A_217 : vector<16xi32>
          tpu.vector_store_idx %arg15[%broadcast_in_dim3A_215, %add3A_218], %get3A_211 : memref<8x544xf32, #tpu.memory_space<vmem>>[vector<16xi32>, vector<16xi32>], vector<16xf32>,
          %broadcast_in_dim3A_219 = vector.broadcast %scan3A_165 : i32 to vector<16xi32>
          %add3A_220 = arith.constant 274 : i32
          %add3A_221 = vector.broadcast %add3A_220 : i32 to vector<16xi32>
          %add3A_222 = arith.addi %mul3A_5, %add3A_221 : vector<16xi32>
          tpu.vector_store_idx %arg15[%broadcast_in_dim3A_219, %add3A_222], %get3A_214 : memref<8x544xf32, #tpu.memory_space<vmem>>[vector<16xi32>, vector<16xi32>], vector<16xf32>,
          %mul3A_223 = arith.constant 16 : i32
          %mul3A_224 = arith.muli %scan3A_165, %mul3A_223 : i32
          %add3A_225 = arith.constant 3 : i32
          %add3A_226 = arith.addi %mul3A_224, %add3A_225 : i32
          %get3A_227 = arith.index_cast %add3A_226 : i32 to index
          %get3A_228 = arith.constant 0 : index
          %get3A_229 = tpu.vector_load %arg12[%get3A_227, %get3A_228] {strides = array<i32>} : memref<128x32xf32, #tpu.memory_space<vmem>>, vector<16xf32>,
          %get3A_230 = arith.index_cast %add3A_226 : i32 to index
          %get3A_231 = arith.constant 16 : index
          %get3A_232 = tpu.vector_load %arg12[%get3A_230, %get3A_231] {strides = array<i32>} : memref<128x32xf32, #tpu.memory_space<vmem>>, vector<16xf32>,
          %broadcast_in_dim3A_233 = vector.broadcast %scan3A_165 : i32 to vector<16xi32>
          %add3A_234 = arith.constant 3 : i32
          %add3A_235 = vector.broadcast %add3A_234 : i32 to vector<16xi32>
          %add3A_236 = arith.addi %mul3A_5, %add3A_235 : vector<16xi32>
          tpu.vector_store_idx %arg15[%broadcast_in_dim3A_233, %add3A_236], %get3A_229 : memref<8x544xf32, #tpu.memory_space<vmem>>[vector<16xi32>, vector<16xi32>], vector<16xf32>,
          %broadcast_in_dim3A_237 = vector.broadcast %scan3A_165 : i32 to vector<16xi32>
          %add3A_238 = arith.constant 275 : i32
          %add3A_239 = vector.broadcast %add3A_238 : i32 to vector<16xi32>
          %add3A_240 = arith.addi %mul3A_5, %add3A_239 : vector<16xi32>
          tpu.vector_store_idx %arg15[%broadcast_in_dim3A_237, %add3A_240], %get3A_232 : memref<8x544xf32, #tpu.memory_space<vmem>>[vector<16xi32>, vector<16xi32>], vector<16xf32>,
          %mul3A_241 = arith.constant 16 : i32
          %mul3A_242 = arith.muli %scan3A_165, %mul3A_241 : i32
          %add3A_243 = arith.constant 4 : i32
          %add3A_244 = arith.addi %mul3A_242, %add3A_243 : i32
          %get3A_245 = arith.index_cast %add3A_244 : i32 to index
          %get3A_246 = arith.constant 0 : index
          %get3A_247 = tpu.vector_load %arg12[%get3A_245, %get3A_246] {strides = array<i32>} : memref<128x32xf32, #tpu.memory_space<vmem>>, vector<16xf32>,
          %get3A_248 = arith.index_cast %add3A_244 : i32 to index
          %get3A_249 = arith.constant 16 : index
          %get3A_250 = tpu.vector_load %arg12[%get3A_248, %get3A_249] {strides = array<i32>} : memref<128x32xf32, #tpu.memory_space<vmem>>, vector<16xf32>,
          %broadcast_in_dim3A_251 = vector.broadcast %scan3A_165 : i32 to vector<16xi32>
          %add3A_252 = arith.constant 4 : i32
          %add3A_253 = vector.broadcast %add3A_252 : i32 to vector<16xi32>
          %add3A_254 = arith.addi %mul3A_5, %add3A_253 : vector<16xi32>
          tpu.vector_store_idx %arg15[%broadcast_in_dim3A_251, %add3A_254], %get3A_247 : memref<8x544xf32, #tpu.memory_space<vmem>>[vector<16xi32>, vector<16xi32>], vector<16xf32>,
          %broadcast_in_dim3A_255 = vector.broadcast %scan3A_165 : i32 to vector<16xi32>
          %add3A_256 = arith.constant 276 : i32
          %add3A_257 = vector.broadcast %add3A_256 : i32 to vector<16xi32>
          %add3A_258 = arith.addi %mul3A_5, %add3A_257 : vector<16xi32>
          tpu.vector_store_idx %arg15[%broadcast_in_dim3A_255, %add3A_258], %get3A_250 : memref<8x544xf32, #tpu.memory_space<vmem>>[vector<16xi32>, vector<16xi32>], vector<16xf32>,
          %mul3A_259 = arith.constant 16 : i32
          %mul3A_260 = arith.muli %scan3A_165, %mul3A_259 : i32
          %add3A_261 = arith.constant 5 : i32
          %add3A_262 = arith.addi %mul3A_260, %add3A_261 : i32
          %get3A_263 = arith.index_cast %add3A_262 : i32 to index
          %get3A_264 = arith.constant 0 : index
          %get3A_265 = tpu.vector_load %arg12[%get3A_263, %get3A_264] {strides = array<i32>} : memref<128x32xf32, #tpu.memory_space<vmem>>, vector<16xf32>,
          %get3A_266 = arith.index_cast %add3A_262 : i32 to index
          %get3A_267 = arith.constant 16 : index
          %get3A_268 = tpu.vector_load %arg12[%get3A_266, %get3A_267] {strides = array<i32>} : memref<128x32xf32, #tpu.memory_space<vmem>>, vector<16xf32>,
          %broadcast_in_dim3A_269 = vector.broadcast %scan3A_165 : i32 to vector<16xi32>
          %add3A_270 = arith.constant 5 : i32
          %add3A_271 = vector.broadcast %add3A_270 : i32 to vector<16xi32>
          %add3A_272 = arith.addi %mul3A_5, %add3A_271 : vector<16xi32>
          tpu.vector_store_idx %arg15[%broadcast_in_dim3A_269, %add3A_272], %get3A_265 : memref<8x544xf32, #tpu.memory_space<vmem>>[vector<16xi32>, vector<16xi32>], vector<16xf32>,
          %broadcast_in_dim3A_273 = vector.broadcast %scan3A_165 : i32 to vector<16xi32>
          %add3A_274 = arith.constant 277 : i32
          %add3A_275 = vector.broadcast %add3A_274 : i32 to vector<16xi32>
          %add3A_276 = arith.addi %mul3A_5, %add3A_275 : vector<16xi32>
          tpu.vector_store_idx %arg15[%broadcast_in_dim3A_273, %add3A_276], %get3A_268 : memref<8x544xf32, #tpu.memory_space<vmem>>[vector<16xi32>, vector<16xi32>], vector<16xf32>,
          %mul3A_277 = arith.constant 16 : i32
          %mul3A_278 = arith.muli %scan3A_165, %mul3A_277 : i32
          %add3A_279 = arith.constant 6 : i32
          %add3A_280 = arith.addi %mul3A_278, %add3A_279 : i32
          %get3A_281 = arith.index_cast %add3A_280 : i32 to index
          %get3A_282 = arith.constant 0 : index
          %get3A_283 = tpu.vector_load %arg12[%get3A_281, %get3A_282] {strides = array<i32>} : memref<128x32xf32, #tpu.memory_space<vmem>>, vector<16xf32>,
          %get3A_284 = arith.index_cast %add3A_280 : i32 to index
          %get3A_285 = arith.constant 16 : index
          %get3A_286 = tpu.vector_load %arg12[%get3A_284, %get3A_285] {strides = array<i32>} : memref<128x32xf32, #tpu.memory_space<vmem>>, vector<16xf32>,
          %broadcast_in_dim3A_287 = vector.broadcast %scan3A_165 : i32 to vector<16xi32>
          %add3A_288 = arith.constant 6 : i32
          %add3A_289 = vector.broadcast %add3A_288 : i32 to vector<16xi32>
          %add3A_290 = arith.addi %mul3A_5, %add3A_289 : vector<16xi32>
          tpu.vector_store_idx %arg15[%broadcast_in_dim3A_287, %add3A_290], %get3A_283 : memref<8x544xf32, #tpu.memory_space<vmem>>[vector<16xi32>, vector<16xi32>], vector<16xf32>,
          %broadcast_in_dim3A_291 = vector.broadcast %scan3A_165 : i32 to vector<16xi32>
          %add3A_292 = arith.constant 278 : i32
          %add3A_293 = vector.broadcast %add3A_292 : i32 to vector<16xi32>
          %add3A_294 = arith.addi %mul3A_5, %add3A_293 : vector<16xi32>
          tpu.vector_store_idx %arg15[%broadcast_in_dim3A_291, %add3A_294], %get3A_286 : memref<8x544xf32, #tpu.memory_space<vmem>>[vector<16xi32>, vector<16xi32>], vector<16xf32>,
          %mul3A_295 = arith.constant 16 : i32
          %mul3A_296 = arith.muli %scan3A_165, %mul3A_295 : i32
          %add3A_297 = arith.constant 7 : i32
          %add3A_298 = arith.addi %mul3A_296, %add3A_297 : i32
          %get3A_299 = arith.index_cast %add3A_298 : i32 to index
          %get3A_300 = arith.constant 0 : index
          %get3A_301 = tpu.vector_load %arg12[%get3A_299, %get3A_300] {strides = array<i32>} : memref<128x32xf32, #tpu.memory_space<vmem>>, vector<16xf32>,
          %get3A_302 = arith.index_cast %add3A_298 : i32 to index
          %get3A_303 = arith.constant 16 : index
          %get3A_304 = tpu.vector_load %arg12[%get3A_302, %get3A_303] {strides = array<i32>} : memref<128x32xf32, #tpu.memory_space<vmem>>, vector<16xf32>,
          %broadcast_in_dim3A_305 = vector.broadcast %scan3A_165 : i32 to vector<16xi32>
          %add3A_306 = arith.constant 7 : i32
          %add3A_307 = vector.broadcast %add3A_306 : i32 to vector<16xi32>
          %add3A_308 = arith.addi %mul3A_5, %add3A_307 : vector<16xi32>
          tpu.vector_store_idx %arg15[%broadcast_in_dim3A_305, %add3A_308], %get3A_301 : memref<8x544xf32, #tpu.memory_space<vmem>>[vector<16xi32>, vector<16xi32>], vector<16xf32>,
          %broadcast_in_dim3A_309 = vector.broadcast %scan3A_165 : i32 to vector<16xi32>
          %add3A_310 = arith.constant 279 : i32
          %add3A_311 = vector.broadcast %add3A_310 : i32 to vector<16xi32>
          %add3A_312 = arith.addi %mul3A_5, %add3A_311 : vector<16xi32>
          tpu.vector_store_idx %arg15[%broadcast_in_dim3A_309, %add3A_312], %get3A_304 : memref<8x544xf32, #tpu.memory_space<vmem>>[vector<16xi32>, vector<16xi32>], vector<16xf32>,
          %mul3A_313 = arith.constant 16 : i32
          %mul3A_314 = arith.muli %scan3A_165, %mul3A_313 : i32
          %add3A_315 = arith.constant 8 : i32
          %add3A_316 = arith.addi %mul3A_314, %add3A_315 : i32
          %get3A_317 = arith.index_cast %add3A_316 : i32 to index
          %get3A_318 = arith.constant 0 : index
          %get3A_319 = tpu.vector_load %arg12[%get3A_317, %get3A_318] {strides = array<i32>} : memref<128x32xf32, #tpu.memory_space<vmem>>, vector<16xf32>,
          %get3A_320 = arith.index_cast %add3A_316 : i32 to index
          %get3A_321 = arith.constant 16 : index
          %get3A_322 = tpu.vector_load %arg12[%get3A_320, %get3A_321] {strides = array<i32>} : memref<128x32xf32, #tpu.memory_space<vmem>>, vector<16xf32>,
          %broadcast_in_dim3A_323 = vector.broadcast %scan3A_165 : i32 to vector<16xi32>
          %add3A_324 = arith.constant 8 : i32
          %add3A_325 = vector.broadcast %add3A_324 : i32 to vector<16xi32>
          %add3A_326 = arith.addi %mul3A_5, %add3A_325 : vector<16xi32>
          tpu.vector_store_idx %arg15[%broadcast_in_dim3A_323, %add3A_326], %get3A_319 : memref<8x544xf32, #tpu.memory_space<vmem>>[vector<16xi32>, vector<16xi32>], vector<16xf32>,
          %broadcast_in_dim3A_327 = vector.broadcast %scan3A_165 : i32 to vector<16xi32>
          %add3A_328 = arith.constant 280 : i32
          %add3A_329 = vector.broadcast %add3A_328 : i32 to vector<16xi32>
          %add3A_330 = arith.addi %mul3A_5, %add3A_329 : vector<16xi32>
          tpu.vector_store_idx %arg15[%broadcast_in_dim3A_327, %add3A_330], %get3A_322 : memref<8x544xf32, #tpu.memory_space<vmem>>[vector<16xi32>, vector<16xi32>], vector<16xf32>,
          %mul3A_331 = arith.constant 16 : i32
          %mul3A_332 = arith.muli %scan3A_165, %mul3A_331 : i32
          %add3A_333 = arith.constant 9 : i32
          %add3A_334 = arith.addi %mul3A_332, %add3A_333 : i32
          %get3A_335 = arith.index_cast %add3A_334 : i32 to index
          %get3A_336 = arith.constant 0 : index
          %get3A_337 = tpu.vector_load %arg12[%get3A_335, %get3A_336] {strides = array<i32>} : memref<128x32xf32, #tpu.memory_space<vmem>>, vector<16xf32>,
          %get3A_338 = arith.index_cast %add3A_334 : i32 to index
          %get3A_339 = arith.constant 16 : index
          %get3A_340 = tpu.vector_load %arg12[%get3A_338, %get3A_339] {strides = array<i32>} : memref<128x32xf32, #tpu.memory_space<vmem>>, vector<16xf32>,
          %broadcast_in_dim3A_341 = vector.broadcast %scan3A_165 : i32 to vector<16xi32>
          %add3A_342 = arith.constant 9 : i32
          %add3A_343 = vector.broadcast %add3A_342 : i32 to vector<16xi32>
          %add3A_344 = arith.addi %mul3A_5, %add3A_343 : vector<16xi32>
          tpu.vector_store_idx %arg15[%broadcast_in_dim3A_341, %add3A_344], %get3A_337 : memref<8x544xf32, #tpu.memory_space<vmem>>[vector<16xi32>, vector<16xi32>], vector<16xf32>,
          %broadcast_in_dim3A_345 = vector.broadcast %scan3A_165 : i32 to vector<16xi32>
          %add3A_346 = arith.constant 281 : i32
          %add3A_347 = vector.broadcast %add3A_346 : i32 to vector<16xi32>
          %add3A_348 = arith.addi %mul3A_5, %add3A_347 : vector<16xi32>
          tpu.vector_store_idx %arg15[%broadcast_in_dim3A_345, %add3A_348], %get3A_340 : memref<8x544xf32, #tpu.memory_space<vmem>>[vector<16xi32>, vector<16xi32>], vector<16xf32>,
          %mul3A_349 = arith.constant 16 : i32
          %mul3A_350 = arith.muli %scan3A_165, %mul3A_349 : i32
          %add3A_351 = arith.constant 10 : i32
          %add3A_352 = arith.addi %mul3A_350, %add3A_351 : i32
          %get3A_353 = arith.index_cast %add3A_352 : i32 to index
          %get3A_354 = arith.constant 0 : index
          %get3A_355 = tpu.vector_load %arg12[%get3A_353, %get3A_354] {strides = array<i32>} : memref<128x32xf32, #tpu.memory_space<vmem>>, vector<16xf32>,
          %get3A_356 = arith.index_cast %add3A_352 : i32 to index
          %get3A_357 = arith.constant 16 : index
          %get3A_358 = tpu.vector_load %arg12[%get3A_356, %get3A_357] {strides = array<i32>} : memref<128x32xf32, #tpu.memory_space<vmem>>, vector<16xf32>,
          %broadcast_in_dim3A_359 = vector.broadcast %scan3A_165 : i32 to vector<16xi32>
          %add3A_360 = arith.constant 10 : i32
          %add3A_361 = vector.broadcast %add3A_360 : i32 to vector<16xi32>
          %add3A_362 = arith.addi %mul3A_5, %add3A_361 : vector<16xi32>
          tpu.vector_store_idx %arg15[%broadcast_in_dim3A_359, %add3A_362], %get3A_355 : memref<8x544xf32, #tpu.memory_space<vmem>>[vector<16xi32>, vector<16xi32>], vector<16xf32>,
          %broadcast_in_dim3A_363 = vector.broadcast %scan3A_165 : i32 to vector<16xi32>
          %add3A_364 = arith.constant 282 : i32
          %add3A_365 = vector.broadcast %add3A_364 : i32 to vector<16xi32>
          %add3A_366 = arith.addi %mul3A_5, %add3A_365 : vector<16xi32>
          tpu.vector_store_idx %arg15[%broadcast_in_dim3A_363, %add3A_366], %get3A_358 : memref<8x544xf32, #tpu.memory_space<vmem>>[vector<16xi32>, vector<16xi32>], vector<16xf32>,
          %mul3A_367 = arith.constant 16 : i32
          %mul3A_368 = arith.muli %scan3A_165, %mul3A_367 : i32
          %add3A_369 = arith.constant 11 : i32
          %add3A_370 = arith.addi %mul3A_368, %add3A_369 : i32
          %get3A_371 = arith.index_cast %add3A_370 : i32 to index
          %get3A_372 = arith.constant 0 : index
          %get3A_373 = tpu.vector_load %arg12[%get3A_371, %get3A_372] {strides = array<i32>} : memref<128x32xf32, #tpu.memory_space<vmem>>, vector<16xf32>,
          %get3A_374 = arith.index_cast %add3A_370 : i32 to index
          %get3A_375 = arith.constant 16 : index
          %get3A_376 = tpu.vector_load %arg12[%get3A_374, %get3A_375] {strides = array<i32>} : memref<128x32xf32, #tpu.memory_space<vmem>>, vector<16xf32>,
          %broadcast_in_dim3A_377 = vector.broadcast %scan3A_165 : i32 to vector<16xi32>
          %add3A_378 = arith.constant 11 : i32
          %add3A_379 = vector.broadcast %add3A_378 : i32 to vector<16xi32>
          %add3A_380 = arith.addi %mul3A_5, %add3A_379 : vector<16xi32>
          tpu.vector_store_idx %arg15[%broadcast_in_dim3A_377, %add3A_380], %get3A_373 : memref<8x544xf32, #tpu.memory_space<vmem>>[vector<16xi32>, vector<16xi32>], vector<16xf32>,
          %broadcast_in_dim3A_381 = vector.broadcast %scan3A_165 : i32 to vector<16xi32>
          %add3A_382 = arith.constant 283 : i32
          %add3A_383 = vector.broadcast %add3A_382 : i32 to vector<16xi32>
          %add3A_384 = arith.addi %mul3A_5, %add3A_383 : vector<16xi32>
          tpu.vector_store_idx %arg15[%broadcast_in_dim3A_381, %add3A_384], %get3A_376 : memref<8x544xf32, #tpu.memory_space<vmem>>[vector<16xi32>, vector<16xi32>], vector<16xf32>,
          %mul3A_385 = arith.constant 16 : i32
          %mul3A_386 = arith.muli %scan3A_165, %mul3A_385 : i32
          %add3A_387 = arith.constant 12 : i32
          %add3A_388 = arith.addi %mul3A_386, %add3A_387 : i32
          %get3A_389 = arith.index_cast %add3A_388 : i32 to index
          %get3A_390 = arith.constant 0 : index
          %get3A_391 = tpu.vector_load %arg12[%get3A_389, %get3A_390] {strides = array<i32>} : memref<128x32xf32, #tpu.memory_space<vmem>>, vector<16xf32>,
          %get3A_392 = arith.index_cast %add3A_388 : i32 to index
          %get3A_393 = arith.constant 16 : index
          %get3A_394 = tpu.vector_load %arg12[%get3A_392, %get3A_393] {strides = array<i32>} : memref<128x32xf32, #tpu.memory_space<vmem>>, vector<16xf32>,
          %broadcast_in_dim3A_395 = vector.broadcast %scan3A_165 : i32 to vector<16xi32>
          %add3A_396 = arith.constant 12 : i32
          %add3A_397 = vector.broadcast %add3A_396 : i32 to vector<16xi32>
          %add3A_398 = arith.addi %mul3A_5, %add3A_397 : vector<16xi32>
          tpu.vector_store_idx %arg15[%broadcast_in_dim3A_395, %add3A_398], %get3A_391 : memref<8x544xf32, #tpu.memory_space<vmem>>[vector<16xi32>, vector<16xi32>], vector<16xf32>,
          %broadcast_in_dim3A_399 = vector.broadcast %scan3A_165 : i32 to vector<16xi32>
          %add3A_400 = arith.constant 284 : i32
          %add3A_401 = vector.broadcast %add3A_400 : i32 to vector<16xi32>
          %add3A_402 = arith.addi %mul3A_5, %add3A_401 : vector<16xi32>
          tpu.vector_store_idx %arg15[%broadcast_in_dim3A_399, %add3A_402], %get3A_394 : memref<8x544xf32, #tpu.memory_space<vmem>>[vector<16xi32>, vector<16xi32>], vector<16xf32>,
          %mul3A_403 = arith.constant 16 : i32
          %mul3A_404 = arith.muli %scan3A_165, %mul3A_403 : i32
          %add3A_405 = arith.constant 13 : i32
          %add3A_406 = arith.addi %mul3A_404, %add3A_405 : i32
          %get3A_407 = arith.index_cast %add3A_406 : i32 to index
          %get3A_408 = arith.constant 0 : index
          %get3A_409 = tpu.vector_load %arg12[%get3A_407, %get3A_408] {strides = array<i32>} : memref<128x32xf32, #tpu.memory_space<vmem>>, vector<16xf32>,
          %get3A_410 = arith.index_cast %add3A_406 : i32 to index
          %get3A_411 = arith.constant 16 : index
          %get3A_412 = tpu.vector_load %arg12[%get3A_410, %get3A_411] {strides = array<i32>} : memref<128x32xf32, #tpu.memory_space<vmem>>, vector<16xf32>,
          %broadcast_in_dim3A_413 = vector.broadcast %scan3A_165 : i32 to vector<16xi32>
          %add3A_414 = arith.constant 13 : i32
          %add3A_415 = vector.broadcast %add3A_414 : i32 to vector<16xi32>
          %add3A_416 = arith.addi %mul3A_5, %add3A_415 : vector<16xi32>
          tpu.vector_store_idx %arg15[%broadcast_in_dim3A_413, %add3A_416], %get3A_409 : memref<8x544xf32, #tpu.memory_space<vmem>>[vector<16xi32>, vector<16xi32>], vector<16xf32>,
          %broadcast_in_dim3A_417 = vector.broadcast %scan3A_165 : i32 to vector<16xi32>
          %add3A_418 = arith.constant 285 : i32
          %add3A_419 = vector.broadcast %add3A_418 : i32 to vector<16xi32>
          %add3A_420 = arith.addi %mul3A_5, %add3A_419 : vector<16xi32>
          tpu.vector_store_idx %arg15[%broadcast_in_dim3A_417, %add3A_420], %get3A_412 : memref<8x544xf32, #tpu.memory_space<vmem>>[vector<16xi32>, vector<16xi32>], vector<16xf32>,
          %mul3A_421 = arith.constant 16 : i32
          %mul3A_422 = arith.muli %scan3A_165, %mul3A_421 : i32
          %add3A_423 = arith.constant 14 : i32
          %add3A_424 = arith.addi %mul3A_422, %add3A_423 : i32
          %get3A_425 = arith.index_cast %add3A_424 : i32 to index
          %get3A_426 = arith.constant 0 : index
          %get3A_427 = tpu.vector_load %arg12[%get3A_425, %get3A_426] {strides = array<i32>} : memref<128x32xf32, #tpu.memory_space<vmem>>, vector<16xf32>,
          %get3A_428 = arith.index_cast %add3A_424 : i32 to index
          %get3A_429 = arith.constant 16 : index
          %get3A_430 = tpu.vector_load %arg12[%get3A_428, %get3A_429] {strides = array<i32>} : memref<128x32xf32, #tpu.memory_space<vmem>>, vector<16xf32>,
          %broadcast_in_dim3A_431 = vector.broadcast %scan3A_165 : i32 to vector<16xi32>
          %add3A_432 = arith.constant 14 : i32
          %add3A_433 = vector.broadcast %add3A_432 : i32 to vector<16xi32>
          %add3A_434 = arith.addi %mul3A_5, %add3A_433 : vector<16xi32>
          tpu.vector_store_idx %arg15[%broadcast_in_dim3A_431, %add3A_434], %get3A_427 : memref<8x544xf32, #tpu.memory_space<vmem>>[vector<16xi32>, vector<16xi32>], vector<16xf32>,
          %broadcast_in_dim3A_435 = vector.broadcast %scan3A_165 : i32 to vector<16xi32>
          %add3A_436 = arith.constant 286 : i32
          %add3A_437 = vector.broadcast %add3A_436 : i32 to vector<16xi32>
          %add3A_438 = arith.addi %mul3A_5, %add3A_437 : vector<16xi32>
          tpu.vector_store_idx %arg15[%broadcast_in_dim3A_435, %add3A_438], %get3A_430 : memref<8x544xf32, #tpu.memory_space<vmem>>[vector<16xi32>, vector<16xi32>], vector<16xf32>,
          %mul3A_439 = arith.constant 16 : i32
          %mul3A_440 = arith.muli %scan3A_165, %mul3A_439 : i32
          %add3A_441 = arith.constant 15 : i32
          %add3A_442 = arith.addi %mul3A_440, %add3A_441 : i32
          %get3A_443 = arith.index_cast %add3A_442 : i32 to index
          %get3A_444 = arith.constant 0 : index
          %get3A_445 = tpu.vector_load %arg12[%get3A_443, %get3A_444] {strides = array<i32>} : memref<128x32xf32, #tpu.memory_space<vmem>>, vector<16xf32>,
          %get3A_446 = arith.index_cast %add3A_442 : i32 to index
          %get3A_447 = arith.constant 16 : index
          %get3A_448 = tpu.vector_load %arg12[%get3A_446, %get3A_447] {strides = array<i32>} : memref<128x32xf32, #tpu.memory_space<vmem>>, vector<16xf32>,
          %broadcast_in_dim3A_449 = vector.broadcast %scan3A_165 : i32 to vector<16xi32>
          %add3A_450 = arith.constant 15 : i32
          %add3A_451 = vector.broadcast %add3A_450 : i32 to vector<16xi32>
          %add3A_452 = arith.addi %mul3A_5, %add3A_451 : vector<16xi32>
          tpu.vector_store_idx %arg15[%broadcast_in_dim3A_449, %add3A_452], %get3A_445 : memref<8x544xf32, #tpu.memory_space<vmem>>[vector<16xi32>, vector<16xi32>], vector<16xf32>,
          %broadcast_in_dim3A_453 = vector.broadcast %scan3A_165 : i32 to vector<16xi32>
          %add3A_454 = arith.constant 287 : i32
          %add3A_455 = vector.broadcast %add3A_454 : i32 to vector<16xi32>
          %add3A_456 = arith.addi %mul3A_5, %add3A_455 : vector<16xi32>
          tpu.vector_store_idx %arg15[%broadcast_in_dim3A_453, %add3A_456], %get3A_448 : memref<8x544xf32, #tpu.memory_space<vmem>>[vector<16xi32>, vector<16xi32>], vector<16xf32>,
          %get3A_457 = arith.index_cast %scan3A_165 : i32 to index
          %get3A_458 = arith.constant 0 : index
          %get3A_459 = tpu.vector_load %arg15[%get3A_457, %get3A_458] {strides = array<i32>} : memref<8x544xf32, #tpu.memory_space<vmem>>, vector<16xf32>,
          %get3A_460 = arith.index_cast %scan3A_165 : i32 to index
          %get3A_461 = arith.constant 17 : index
          %get3A_462 = tpu.vector_load %arg15[%get3A_460, %get3A_461] {strides = array<i32>} : memref<8x544xf32, #tpu.memory_space<vmem>>, vector<16xf32>,
          %get3A_463 = arith.index_cast %scan3A_165 : i32 to index
          %get3A_464 = arith.constant 34 : index
          %get3A_465 = tpu.vector_load %arg15[%get3A_463, %get3A_464] {strides = array<i32>} : memref<8x544xf32, #tpu.memory_space<vmem>>, vector<16xf32>,
          %get3A_466 = arith.index_cast %scan3A_165 : i32 to index
          %get3A_467 = arith.constant 51 : index
          %get3A_468 = tpu.vector_load %arg15[%get3A_466, %get3A_467] {strides = array<i32>} : memref<8x544xf32, #tpu.memory_space<vmem>>, vector<16xf32>,
          %get3A_469 = arith.index_cast %scan3A_165 : i32 to index
          %get3A_470 = arith.constant 68 : index
          %get3A_471 = tpu.vector_load %arg15[%get3A_469, %get3A_470] {strides = array<i32>} : memref<8x544xf32, #tpu.memory_space<vmem>>, vector<16xf32>,
          %get3A_472 = arith.index_cast %scan3A_165 : i32 to index
          %get3A_473 = arith.constant 85 : index
          %get3A_474 = tpu.vector_load %arg15[%get3A_472, %get3A_473] {strides = array<i32>} : memref<8x544xf32, #tpu.memory_space<vmem>>, vector<16xf32>,
          %get3A_475 = arith.index_cast %scan3A_165 : i32 to index
          %get3A_476 = arith.constant 102 : index
          %get3A_477 = tpu.vector_load %arg15[%get3A_475, %get3A_476] {strides = array<i32>} : memref<8x544xf32, #tpu.memory_space<vmem>>, vector<16xf32>,
          %get3A_478 = arith.index_cast %scan3A_165 : i32 to index
          %get3A_479 = arith.constant 119 : index
          %get3A_480 = tpu.vector_load %arg15[%get3A_478, %get3A_479] {strides = array<i32>} : memref<8x544xf32, #tpu.memory_space<vmem>>, vector<16xf32>,
          %get3A_481 = arith.index_cast %scan3A_165 : i32 to index
          %get3A_482 = arith.constant 136 : index
          %get3A_483 = tpu.vector_load %arg15[%get3A_481, %get3A_482] {strides = array<i32>} : memref<8x544xf32, #tpu.memory_space<vmem>>, vector<16xf32>,
          %get3A_484 = arith.index_cast %scan3A_165 : i32 to index
          %get3A_485 = arith.constant 153 : index
          %get3A_486 = tpu.vector_load %arg15[%get3A_484, %get3A_485] {strides = array<i32>} : memref<8x544xf32, #tpu.memory_space<vmem>>, vector<16xf32>,
          %get3A_487 = arith.index_cast %scan3A_165 : i32 to index
          %get3A_488 = arith.constant 170 : index
          %get3A_489 = tpu.vector_load %arg15[%get3A_487, %get3A_488] {strides = array<i32>} : memref<8x544xf32, #tpu.memory_space<vmem>>, vector<16xf32>,
          %get3A_490 = arith.index_cast %scan3A_165 : i32 to index
          %get3A_491 = arith.constant 187 : index
          %get3A_492 = tpu.vector_load %arg15[%get3A_490, %get3A_491] {strides = array<i32>} : memref<8x544xf32, #tpu.memory_space<vmem>>, vector<16xf32>,
          %get3A_493 = arith.index_cast %scan3A_165 : i32 to index
          %get3A_494 = arith.constant 204 : index
          %get3A_495 = tpu.vector_load %arg15[%get3A_493, %get3A_494] {strides = array<i32>} : memref<8x544xf32, #tpu.memory_space<vmem>>, vector<16xf32>,
          %get3A_496 = arith.index_cast %scan3A_165 : i32 to index
          %get3A_497 = arith.constant 221 : index
          %get3A_498 = tpu.vector_load %arg15[%get3A_496, %get3A_497] {strides = array<i32>} : memref<8x544xf32, #tpu.memory_space<vmem>>, vector<16xf32>,
          %get3A_499 = arith.index_cast %scan3A_165 : i32 to index
          %get3A_500 = arith.constant 238 : index
          %get3A_501 = tpu.vector_load %arg15[%get3A_499, %get3A_500] {strides = array<i32>} : memref<8x544xf32, #tpu.memory_space<vmem>>, vector<16xf32>,
          %get3A_502 = arith.index_cast %scan3A_165 : i32 to index
          %get3A_503 = arith.constant 255 : index
          %get3A_504 = tpu.vector_load %arg15[%get3A_502, %get3A_503] {strides = array<i32>} : memref<8x544xf32, #tpu.memory_space<vmem>>, vector<16xf32>,
          %get3A_505 = arith.index_cast %scan3A_165 : i32 to index
          %get3A_506 = arith.constant 272 : index
          %get3A_507 = tpu.vector_load %arg15[%get3A_505, %get3A_506] {strides = array<i32>} : memref<8x544xf32, #tpu.memory_space<vmem>>, vector<16xf32>,
          %get3A_508 = arith.index_cast %scan3A_165 : i32 to index
          %get3A_509 = arith.constant 289 : index
          %get3A_510 = tpu.vector_load %arg15[%get3A_508, %get3A_509] {strides = array<i32>} : memref<8x544xf32, #tpu.memory_space<vmem>>, vector<16xf32>,
          %get3A_511 = arith.index_cast %scan3A_165 : i32 to index
          %get3A_512 = arith.constant 306 : index
          %get3A_513 = tpu.vector_load %arg15[%get3A_511, %get3A_512] {strides = array<i32>} : memref<8x544xf32, #tpu.memory_space<vmem>>, vector<16xf32>,
          %get3A_514 = arith.index_cast %scan3A_165 : i32 to index
          %get3A_515 = arith.constant 323 : index
          %get3A_516 = tpu.vector_load %arg15[%get3A_514, %get3A_515] {strides = array<i32>} : memref<8x544xf32, #tpu.memory_space<vmem>>, vector<16xf32>,
          %get3A_517 = arith.index_cast %scan3A_165 : i32 to index
          %get3A_518 = arith.constant 340 : index
          %get3A_519 = tpu.vector_load %arg15[%get3A_517, %get3A_518] {strides = array<i32>} : memref<8x544xf32, #tpu.memory_space<vmem>>, vector<16xf32>,
          %get3A_520 = arith.index_cast %scan3A_165 : i32 to index
          %get3A_521 = arith.constant 357 : index
          %get3A_522 = tpu.vector_load %arg15[%get3A_520, %get3A_521] {strides = array<i32>} : memref<8x544xf32, #tpu.memory_space<vmem>>, vector<16xf32>,
          %get3A_523 = arith.index_cast %scan3A_165 : i32 to index
          %get3A_524 = arith.constant 374 : index
          %get3A_525 = tpu.vector_load %arg15[%get3A_523, %get3A_524] {strides = array<i32>} : memref<8x544xf32, #tpu.memory_space<vmem>>, vector<16xf32>,
          %get3A_526 = arith.index_cast %scan3A_165 : i32 to index
          %get3A_527 = arith.constant 391 : index
          %get3A_528 = tpu.vector_load %arg15[%get3A_526, %get3A_527] {strides = array<i32>} : memref<8x544xf32, #tpu.memory_space<vmem>>, vector<16xf32>,
          %get3A_529 = arith.index_cast %scan3A_165 : i32 to index
          %get3A_530 = arith.constant 408 : index
          %get3A_531 = tpu.vector_load %arg15[%get3A_529, %get3A_530] {strides = array<i32>} : memref<8x544xf32, #tpu.memory_space<vmem>>, vector<16xf32>,
          %get3A_532 = arith.index_cast %scan3A_165 : i32 to index
          %get3A_533 = arith.constant 425 : index
          %get3A_534 = tpu.vector_load %arg15[%get3A_532, %get3A_533] {strides = array<i32>} : memref<8x544xf32, #tpu.memory_space<vmem>>, vector<16xf32>,
          %get3A_535 = arith.index_cast %scan3A_165 : i32 to index
          %get3A_536 = arith.constant 442 : index
          %get3A_537 = tpu.vector_load %arg15[%get3A_535, %get3A_536] {strides = array<i32>} : memref<8x544xf32, #tpu.memory_space<vmem>>, vector<16xf32>,
          %get3A_538 = arith.index_cast %scan3A_165 : i32 to index
          %get3A_539 = arith.constant 459 : index
          %get3A_540 = tpu.vector_load %arg15[%get3A_538, %get3A_539] {strides = array<i32>} : memref<8x544xf32, #tpu.memory_space<vmem>>, vector<16xf32>,
          %get3A_541 = arith.index_cast %scan3A_165 : i32 to index
          %get3A_542 = arith.constant 476 : index
          %get3A_543 = tpu.vector_load %arg15[%get3A_541, %get3A_542] {strides = array<i32>} : memref<8x544xf32, #tpu.memory_space<vmem>>, vector<16xf32>,
          %get3A_544 = arith.index_cast %scan3A_165 : i32 to index
          %get3A_545 = arith.constant 493 : index
          %get3A_546 = tpu.vector_load %arg15[%get3A_544, %get3A_545] {strides = array<i32>} : memref<8x544xf32, #tpu.memory_space<vmem>>, vector<16xf32>,
          %get3A_547 = arith.index_cast %scan3A_165 : i32 to index
          %get3A_548 = arith.constant 510 : index
          %get3A_549 = tpu.vector_load %arg15[%get3A_547, %get3A_548] {strides = array<i32>} : memref<8x544xf32, #tpu.memory_space<vmem>>, vector<16xf32>,
          %get3A_550 = arith.index_cast %scan3A_165 : i32 to index
          %get3A_551 = arith.constant 527 : index
          %get3A_552 = tpu.vector_load %arg15[%get3A_550, %get3A_551] {strides = array<i32>} : memref<8x544xf32, #tpu.memory_space<vmem>>, vector<16xf32>,
          %get3A_553 = arith.index_cast %add3A_170 : i32 to index
          %get3A_554 = tpu.vector_load %arg8[%get3A_553] {strides = array<i32>} : memref<4096xf32, #tpu.memory_space<vmem>>, vector<16xf32>,
          %get3A_555 = arith.index_cast %add3A_170 : i32 to index
          %get3A_556 = tpu.vector_load %arg9[%get3A_555] {strides = array<i32>} : memref<4096xf32, #tpu.memory_space<vmem>>, vector<16xf32>,
          %mul3A_557 = arith.mulf %get3A_468, %get3A_556 : vector<16xf32>
          %add3A_558 = arith.addf %mul3A_557, %get3A_465 : vector<16xf32>
          %mul3A_559 = arith.mulf %add3A_558, %get3A_556 : vector<16xf32>
          %add3A_560 = arith.addf %mul3A_559, %get3A_462 : vector<16xf32>
          %mul3A_561 = arith.mulf %add3A_560, %get3A_556 : vector<16xf32>
          %add3A_562 = arith.addf %mul3A_561, %get3A_459 : vector<16xf32>
          %mul3A_563 = arith.mulf %get3A_480, %get3A_556 : vector<16xf32>
          %add3A_564 = arith.addf %mul3A_563, %get3A_477 : vector<16xf32>
          %mul3A_565 = arith.mulf %add3A_564, %get3A_556 : vector<16xf32>
          %add3A_566 = arith.addf %mul3A_565, %get3A_474 : vector<16xf32>
          %mul3A_567 = arith.mulf %add3A_566, %get3A_556 : vector<16xf32>
          %add3A_568 = arith.addf %mul3A_567, %get3A_471 : vector<16xf32>
          %mul3A_569 = arith.mulf %get3A_492, %get3A_556 : vector<16xf32>
          %add3A_570 = arith.addf %mul3A_569, %get3A_489 : vector<16xf32>
          %mul3A_571 = arith.mulf %add3A_570, %get3A_556 : vector<16xf32>
          %add3A_572 = arith.addf %mul3A_571, %get3A_486 : vector<16xf32>
          %mul3A_573 = arith.mulf %add3A_572, %get3A_556 : vector<16xf32>
          %add3A_574 = arith.addf %mul3A_573, %get3A_483 : vector<16xf32>
          %mul3A_575 = arith.mulf %get3A_504, %get3A_556 : vector<16xf32>
          %add3A_576 = arith.addf %mul3A_575, %get3A_501 : vector<16xf32>
          %mul3A_577 = arith.mulf %add3A_576, %get3A_556 : vector<16xf32>
          %add3A_578 = arith.addf %mul3A_577, %get3A_498 : vector<16xf32>
          %mul3A_579 = arith.mulf %add3A_578, %get3A_556 : vector<16xf32>
          %add3A_580 = arith.addf %mul3A_579, %get3A_495 : vector<16xf32>
          %mul3A_581 = arith.mulf %add3A_580, %get3A_554 : vector<16xf32>
          %add3A_582 = arith.addf %mul3A_581, %add3A_574 : vector<16xf32>
          %mul3A_583 = arith.mulf %add3A_582, %get3A_554 : vector<16xf32>
          %add3A_584 = arith.addf %mul3A_583, %add3A_568 : vector<16xf32>
          %mul3A_585 = arith.mulf %add3A_584, %get3A_554 : vector<16xf32>
          %add3A_586 = arith.addf %mul3A_585, %add3A_562 : vector<16xf32>
          %mul3A_587 = arith.mulf %get3A_516, %get3A_556 : vector<16xf32>
          %add3A_588 = arith.addf %mul3A_587, %get3A_513 : vector<16xf32>
          %mul3A_589 = arith.mulf %add3A_588, %get3A_556 : vector<16xf32>
          %add3A_590 = arith.addf %mul3A_589, %get3A_510 : vector<16xf32>
          %mul3A_591 = arith.mulf %add3A_590, %get3A_556 : vector<16xf32>
          %add3A_592 = arith.addf %mul3A_591, %get3A_507 : vector<16xf32>
          %mul3A_593 = arith.mulf %get3A_528, %get3A_556 : vector<16xf32>
          %add3A_594 = arith.addf %mul3A_593, %get3A_525 : vector<16xf32>
          %mul3A_595 = arith.mulf %add3A_594, %get3A_556 : vector<16xf32>
          %add3A_596 = arith.addf %mul3A_595, %get3A_522 : vector<16xf32>
          %mul3A_597 = arith.mulf %add3A_596, %get3A_556 : vector<16xf32>
          %add3A_598 = arith.addf %mul3A_597, %get3A_519 : vector<16xf32>
          %mul3A_599 = arith.mulf %get3A_540, %get3A_556 : vector<16xf32>
          %add3A_600 = arith.addf %mul3A_599, %get3A_537 : vector<16xf32>
          %mul3A_601 = arith.mulf %add3A_600, %get3A_556 : vector<16xf32>
          %add3A_602 = arith.addf %mul3A_601, %get3A_534 : vector<16xf32>
          %mul3A_603 = arith.mulf %add3A_602, %get3A_556 : vector<16xf32>
          %add3A_604 = arith.addf %mul3A_603, %get3A_531 : vector<16xf32>
          %mul3A_605 = arith.mulf %get3A_552, %get3A_556 : vector<16xf32>
          %add3A_606 = arith.addf %mul3A_605, %get3A_549 : vector<16xf32>
          %mul3A_607 = arith.mulf %add3A_606, %get3A_556 : vector<16xf32>
          %add3A_608 = arith.addf %mul3A_607, %get3A_546 : vector<16xf32>
          %mul3A_609 = arith.mulf %add3A_608, %get3A_556 : vector<16xf32>
          %add3A_610 = arith.addf %mul3A_609, %get3A_543 : vector<16xf32>
          %mul3A_611 = arith.mulf %add3A_610, %get3A_554 : vector<16xf32>
          %add3A_612 = arith.addf %mul3A_611, %add3A_604 : vector<16xf32>
          %mul3A_613 = arith.mulf %add3A_612, %get3A_554 : vector<16xf32>
          %add3A_614 = arith.addf %mul3A_613, %add3A_598 : vector<16xf32>
          %mul3A_615 = arith.mulf %add3A_614, %get3A_554 : vector<16xf32>
          %add3A_616 = arith.addf %mul3A_615, %add3A_592 : vector<16xf32>
          %div3A_617 = arith.constant 128 : i32
          %div3A_618 = arith.divsi %add3A_170, %div3A_617 : i32
          %rem3A_619 = arith.constant 128 : i32
          %rem3A_620 = arith.remsi %add3A_170, %rem3A_619 : i32
          %get3A_621 = arith.constant 0 : i32
          %get3A_622 = arith.index_cast %div3A_618 : i32 to index
          %get3A_623 = arith.index_cast %get3A_621 : i32 to index
          %get3A_624 = arith.index_cast %rem3A_620 : i32 to index
          %get3A_625 = tpu.vector_load %arg7[%get3A_622, %get3A_623, %get3A_624] {strides = array<i32>} : memref<32x2x128xf32, #tpu.memory_space<vmem>>, vector<16xf32>,
          %sub3A_626 = arith.subf %add3A_586, %get3A_625 : vector<16xf32>
          %div3A_627 = arith.constant 3.000000e-03 : f32
          %div3A_628 = vector.broadcast %div3A_627 : f32 to vector<16xf32>
          %div3A_629 = arith.divf %sub3A_626, %div3A_628 : vector<16xf32>
          %get3A_630 = arith.constant 1 : i32
          %get3A_631 = arith.index_cast %div3A_618 : i32 to index
          %get3A_632 = arith.index_cast %get3A_630 : i32 to index
          %get3A_633 = arith.index_cast %rem3A_620 : i32 to index
          %get3A_634 = tpu.vector_load %arg7[%get3A_631, %get3A_632, %get3A_633] {strides = array<i32>} : memref<32x2x128xf32, #tpu.memory_space<vmem>>, vector<16xf32>,
          %sub3A_635 = arith.subf %add3A_616, %get3A_634 : vector<16xf32>
          %div3A_636 = arith.constant 3.000000e-03 : f32
          %div3A_637 = vector.broadcast %div3A_636 : f32 to vector<16xf32>
          %div3A_638 = arith.divf %sub3A_635, %div3A_637 : vector<16xf32>
          %mul3A_639 = arith.mulf %div3A_629, %div3A_629 : vector<16xf32>
          %mul3A_640 = arith.mulf %div3A_638, %div3A_638 : vector<16xf32>
          %add3A_641 = arith.addf %mul3A_639, %mul3A_640 : vector<16xf32>
          %mul3A_642 = arith.constant -5.000000e-01 : f32
          %mul3A_643 = vector.broadcast %mul3A_642 : f32 to vector<16xf32>
          %mul3A_644 = arith.mulf %mul3A_643, %add3A_641 : vector<16xf32>
          %exp3A = math.exp %mul3A_644 : vector<16xf32>
          %mul3A_645 = arith.constant 53.0516472 : f32
          %mul3A_646 = vector.broadcast %mul3A_645 : f32 to vector<16xf32>
          %mul3A_647 = arith.mulf %mul3A_646, %exp3A : vector<16xf32>
          %swap3A = arith.index_cast %add3A_170 : i32 to index
          %swap3A_648 = tpu.vector_load %arg16[%swap3A] {strides = array<i32>} : memref<4096xf32, #tpu.memory_space<vmem>>, vector<16xf32>,
          tpu.vector_store %arg16[%swap3A], %mul3A_647 {strides = array<i32>} : memref<4096xf32, #tpu.memory_space<vmem>>, vector<16xf32>,
        }
        %scan3A_115 = arith.constant 8 : i32
        %add3A_116 = arith.constant 4 : i32
        %add3A_117 = arith.addi %add3A_103, %add3A_116 : i32
        %lt3A_118 = arith.constant 32 : i32
        %lt3A_119 = arith.cmpi slt, %add3A_117, %lt3A_118 : i32
        %convert_element_type3A_120 = arith.extui %lt3A_119 : i1 to i32
        %cond3A_121 = arith.constant 0 : i32
        %cond3A_122 = arith.cmpi ne, %convert_element_type3A_120, %cond3A_121 : i32
        scf.if %cond3A_122 {
          %add3A_165 = arith.constant 4 : i32
          %add3A_166 = arith.addi %add3A_103, %add3A_165 : i32
          %mul3A_167 = arith.constant 128 : i32
          %mul3A_168 = arith.muli %add3A_166, %mul3A_167 : i32
          %dma_start3A_169 = tpu.memref_slice %arg10[%mul3A_168] : memref<4096xi32, #tpu.memory_space<vmem>> -> memref<128xi32, #tpu.memory_space<vmem>>
          %dma_start3A_170 = arith.constant 0 : i32
          %dma_start3A_171 = arith.constant 0 : i32
          %dma_start3A_172 = tpu.memref_slice %arg4[%dma_start3A_170, %dma_start3A_171] : memref<1048576x32xf32, #tpu.memory_space<hbm>> -> memref<1048576x32xf32, #tpu.memory_space<hbm>>
          tpu.enqueue_indirect_dma source(%dma_start3A_172 : memref<1048576x32xf32, #tpu.memory_space<hbm>>) target(%arg12 : memref<128x32xf32, #tpu.memory_space<vmem>>) offsets(%dma_start3A_169 : memref<128xi32, #tpu.memory_space<vmem>>) semaphore(%arg18 : memref<!tpu.dma_semaphore, #tpu.memory_space<semaphore_mem>>)
        } else {
        }
        %add3A_123 = arith.constant 2 : i32
        %add3A_124 = arith.addi %mul3A_84, %add3A_123 : i32
        %mul3A_125 = arith.constant 128 : i32
        %mul3A_126 = arith.muli %add3A_124, %mul3A_125 : i32
        %dma_wait3A_127 = tpu.memref_slice %arg10[%mul3A_126] : memref<4096xi32, #tpu.memory_space<vmem>> -> memref<128xi32, #tpu.memory_space<vmem>>
        %dma_wait3A_128 = arith.constant 0 : i32
        %dma_wait3A_129 = arith.constant 0 : i32
        %dma_wait3A_130 = tpu.memref_slice %arg4[%dma_wait3A_128, %dma_wait3A_129] : memref<1048576x32xf32, #tpu.memory_space<hbm>> -> memref<1048576x32xf32, #tpu.memory_space<hbm>>
        tpu.wait_indirect_dma semaphore(%arg19 : memref<!tpu.dma_semaphore, #tpu.memory_space<semaphore_mem>>) src(%dma_wait3A_130 : memref<1048576x32xf32, #tpu.memory_space<hbm>>) dst(%arg13 : memref<128x32xf32, #tpu.memory_space<vmem>>)
        %scan3A_131 = arith.constant 0 : i32
        %scan3A_132 = arith.constant 0 : i32
        %scan3A_133 = arith.constant 8 : i32
        %scan3A_134 = arith.addi %scan3A_132, %scan3A_133 : i32
        %scan3A_135 = arith.constant 1 : i32
        scf.for %scan3A_165 = %scan3A_132 to %scan3A_134 step %scan3A_135  : i32 {
          %mul3A_166 = arith.constant 128 : i32
          %mul3A_167 = arith.muli %add3A_124, %mul3A_166 : i32
          %mul3A_168 = arith.constant 16 : i32
          %mul3A_169 = arith.muli %scan3A_165, %mul3A_168 : i32
          %add3A_170 = arith.addi %mul3A_167, %mul3A_169 : i32
          %mul3A_171 = arith.constant 16 : i32
          %mul3A_172 = arith.muli %scan3A_165, %mul3A_171 : i32
          %add3A_173 = arith.constant 0 : i32
          %add3A_174 = arith.addi %mul3A_172, %add3A_173 : i32
          %get3A = arith.index_cast %add3A_174 : i32 to index
          %get3A_175 = arith.constant 0 : index
          %get3A_176 = tpu.vector_load %arg13[%get3A, %get3A_175] {strides = array<i32>} : memref<128x32xf32, #tpu.memory_space<vmem>>, vector<16xf32>,
          %get3A_177 = arith.index_cast %add3A_174 : i32 to index
          %get3A_178 = arith.constant 16 : index
          %get3A_179 = tpu.vector_load %arg13[%get3A_177, %get3A_178] {strides = array<i32>} : memref<128x32xf32, #tpu.memory_space<vmem>>, vector<16xf32>,
          %broadcast_in_dim3A = vector.broadcast %scan3A_165 : i32 to vector<16xi32>
          %add3A_180 = arith.constant 0 : i32
          %add3A_181 = vector.broadcast %add3A_180 : i32 to vector<16xi32>
          %add3A_182 = arith.addi %mul3A_5, %add3A_181 : vector<16xi32>
          tpu.vector_store_idx %arg15[%broadcast_in_dim3A, %add3A_182], %get3A_176 : memref<8x544xf32, #tpu.memory_space<vmem>>[vector<16xi32>, vector<16xi32>], vector<16xf32>,
          %broadcast_in_dim3A_183 = vector.broadcast %scan3A_165 : i32 to vector<16xi32>
          %add3A_184 = arith.constant 272 : i32
          %add3A_185 = vector.broadcast %add3A_184 : i32 to vector<16xi32>
          %add3A_186 = arith.addi %mul3A_5, %add3A_185 : vector<16xi32>
          tpu.vector_store_idx %arg15[%broadcast_in_dim3A_183, %add3A_186], %get3A_179 : memref<8x544xf32, #tpu.memory_space<vmem>>[vector<16xi32>, vector<16xi32>], vector<16xf32>,
          %mul3A_187 = arith.constant 16 : i32
          %mul3A_188 = arith.muli %scan3A_165, %mul3A_187 : i32
          %add3A_189 = arith.constant 1 : i32
          %add3A_190 = arith.addi %mul3A_188, %add3A_189 : i32
          %get3A_191 = arith.index_cast %add3A_190 : i32 to index
          %get3A_192 = arith.constant 0 : index
          %get3A_193 = tpu.vector_load %arg13[%get3A_191, %get3A_192] {strides = array<i32>} : memref<128x32xf32, #tpu.memory_space<vmem>>, vector<16xf32>,
          %get3A_194 = arith.index_cast %add3A_190 : i32 to index
          %get3A_195 = arith.constant 16 : index
          %get3A_196 = tpu.vector_load %arg13[%get3A_194, %get3A_195] {strides = array<i32>} : memref<128x32xf32, #tpu.memory_space<vmem>>, vector<16xf32>,
          %broadcast_in_dim3A_197 = vector.broadcast %scan3A_165 : i32 to vector<16xi32>
          %add3A_198 = arith.constant 1 : i32
          %add3A_199 = vector.broadcast %add3A_198 : i32 to vector<16xi32>
          %add3A_200 = arith.addi %mul3A_5, %add3A_199 : vector<16xi32>
          tpu.vector_store_idx %arg15[%broadcast_in_dim3A_197, %add3A_200], %get3A_193 : memref<8x544xf32, #tpu.memory_space<vmem>>[vector<16xi32>, vector<16xi32>], vector<16xf32>,
          %broadcast_in_dim3A_201 = vector.broadcast %scan3A_165 : i32 to vector<16xi32>
          %add3A_202 = arith.constant 273 : i32
          %add3A_203 = vector.broadcast %add3A_202 : i32 to vector<16xi32>
          %add3A_204 = arith.addi %mul3A_5, %add3A_203 : vector<16xi32>
          tpu.vector_store_idx %arg15[%broadcast_in_dim3A_201, %add3A_204], %get3A_196 : memref<8x544xf32, #tpu.memory_space<vmem>>[vector<16xi32>, vector<16xi32>], vector<16xf32>,
          %mul3A_205 = arith.constant 16 : i32
          %mul3A_206 = arith.muli %scan3A_165, %mul3A_205 : i32
          %add3A_207 = arith.constant 2 : i32
          %add3A_208 = arith.addi %mul3A_206, %add3A_207 : i32
          %get3A_209 = arith.index_cast %add3A_208 : i32 to index
          %get3A_210 = arith.constant 0 : index
          %get3A_211 = tpu.vector_load %arg13[%get3A_209, %get3A_210] {strides = array<i32>} : memref<128x32xf32, #tpu.memory_space<vmem>>, vector<16xf32>,
          %get3A_212 = arith.index_cast %add3A_208 : i32 to index
          %get3A_213 = arith.constant 16 : index
          %get3A_214 = tpu.vector_load %arg13[%get3A_212, %get3A_213] {strides = array<i32>} : memref<128x32xf32, #tpu.memory_space<vmem>>, vector<16xf32>,
          %broadcast_in_dim3A_215 = vector.broadcast %scan3A_165 : i32 to vector<16xi32>
          %add3A_216 = arith.constant 2 : i32
          %add3A_217 = vector.broadcast %add3A_216 : i32 to vector<16xi32>
          %add3A_218 = arith.addi %mul3A_5, %add3A_217 : vector<16xi32>
          tpu.vector_store_idx %arg15[%broadcast_in_dim3A_215, %add3A_218], %get3A_211 : memref<8x544xf32, #tpu.memory_space<vmem>>[vector<16xi32>, vector<16xi32>], vector<16xf32>,
          %broadcast_in_dim3A_219 = vector.broadcast %scan3A_165 : i32 to vector<16xi32>
          %add3A_220 = arith.constant 274 : i32
          %add3A_221 = vector.broadcast %add3A_220 : i32 to vector<16xi32>
          %add3A_222 = arith.addi %mul3A_5, %add3A_221 : vector<16xi32>
          tpu.vector_store_idx %arg15[%broadcast_in_dim3A_219, %add3A_222], %get3A_214 : memref<8x544xf32, #tpu.memory_space<vmem>>[vector<16xi32>, vector<16xi32>], vector<16xf32>,
          %mul3A_223 = arith.constant 16 : i32
          %mul3A_224 = arith.muli %scan3A_165, %mul3A_223 : i32
          %add3A_225 = arith.constant 3 : i32
          %add3A_226 = arith.addi %mul3A_224, %add3A_225 : i32
          %get3A_227 = arith.index_cast %add3A_226 : i32 to index
          %get3A_228 = arith.constant 0 : index
          %get3A_229 = tpu.vector_load %arg13[%get3A_227, %get3A_228] {strides = array<i32>} : memref<128x32xf32, #tpu.memory_space<vmem>>, vector<16xf32>,
          %get3A_230 = arith.index_cast %add3A_226 : i32 to index
          %get3A_231 = arith.constant 16 : index
          %get3A_232 = tpu.vector_load %arg13[%get3A_230, %get3A_231] {strides = array<i32>} : memref<128x32xf32, #tpu.memory_space<vmem>>, vector<16xf32>,
          %broadcast_in_dim3A_233 = vector.broadcast %scan3A_165 : i32 to vector<16xi32>
          %add3A_234 = arith.constant 3 : i32
          %add3A_235 = vector.broadcast %add3A_234 : i32 to vector<16xi32>
          %add3A_236 = arith.addi %mul3A_5, %add3A_235 : vector<16xi32>
          tpu.vector_store_idx %arg15[%broadcast_in_dim3A_233, %add3A_236], %get3A_229 : memref<8x544xf32, #tpu.memory_space<vmem>>[vector<16xi32>, vector<16xi32>], vector<16xf32>,
          %broadcast_in_dim3A_237 = vector.broadcast %scan3A_165 : i32 to vector<16xi32>
          %add3A_238 = arith.constant 275 : i32
          %add3A_239 = vector.broadcast %add3A_238 : i32 to vector<16xi32>
          %add3A_240 = arith.addi %mul3A_5, %add3A_239 : vector<16xi32>
          tpu.vector_store_idx %arg15[%broadcast_in_dim3A_237, %add3A_240], %get3A_232 : memref<8x544xf32, #tpu.memory_space<vmem>>[vector<16xi32>, vector<16xi32>], vector<16xf32>,
          %mul3A_241 = arith.constant 16 : i32
          %mul3A_242 = arith.muli %scan3A_165, %mul3A_241 : i32
          %add3A_243 = arith.constant 4 : i32
          %add3A_244 = arith.addi %mul3A_242, %add3A_243 : i32
          %get3A_245 = arith.index_cast %add3A_244 : i32 to index
          %get3A_246 = arith.constant 0 : index
          %get3A_247 = tpu.vector_load %arg13[%get3A_245, %get3A_246] {strides = array<i32>} : memref<128x32xf32, #tpu.memory_space<vmem>>, vector<16xf32>,
          %get3A_248 = arith.index_cast %add3A_244 : i32 to index
          %get3A_249 = arith.constant 16 : index
          %get3A_250 = tpu.vector_load %arg13[%get3A_248, %get3A_249] {strides = array<i32>} : memref<128x32xf32, #tpu.memory_space<vmem>>, vector<16xf32>,
          %broadcast_in_dim3A_251 = vector.broadcast %scan3A_165 : i32 to vector<16xi32>
          %add3A_252 = arith.constant 4 : i32
          %add3A_253 = vector.broadcast %add3A_252 : i32 to vector<16xi32>
          %add3A_254 = arith.addi %mul3A_5, %add3A_253 : vector<16xi32>
          tpu.vector_store_idx %arg15[%broadcast_in_dim3A_251, %add3A_254], %get3A_247 : memref<8x544xf32, #tpu.memory_space<vmem>>[vector<16xi32>, vector<16xi32>], vector<16xf32>,
          %broadcast_in_dim3A_255 = vector.broadcast %scan3A_165 : i32 to vector<16xi32>
          %add3A_256 = arith.constant 276 : i32
          %add3A_257 = vector.broadcast %add3A_256 : i32 to vector<16xi32>
          %add3A_258 = arith.addi %mul3A_5, %add3A_257 : vector<16xi32>
          tpu.vector_store_idx %arg15[%broadcast_in_dim3A_255, %add3A_258], %get3A_250 : memref<8x544xf32, #tpu.memory_space<vmem>>[vector<16xi32>, vector<16xi32>], vector<16xf32>,
          %mul3A_259 = arith.constant 16 : i32
          %mul3A_260 = arith.muli %scan3A_165, %mul3A_259 : i32
          %add3A_261 = arith.constant 5 : i32
          %add3A_262 = arith.addi %mul3A_260, %add3A_261 : i32
          %get3A_263 = arith.index_cast %add3A_262 : i32 to index
          %get3A_264 = arith.constant 0 : index
          %get3A_265 = tpu.vector_load %arg13[%get3A_263, %get3A_264] {strides = array<i32>} : memref<128x32xf32, #tpu.memory_space<vmem>>, vector<16xf32>,
          %get3A_266 = arith.index_cast %add3A_262 : i32 to index
          %get3A_267 = arith.constant 16 : index
          %get3A_268 = tpu.vector_load %arg13[%get3A_266, %get3A_267] {strides = array<i32>} : memref<128x32xf32, #tpu.memory_space<vmem>>, vector<16xf32>,
          %broadcast_in_dim3A_269 = vector.broadcast %scan3A_165 : i32 to vector<16xi32>
          %add3A_270 = arith.constant 5 : i32
          %add3A_271 = vector.broadcast %add3A_270 : i32 to vector<16xi32>
          %add3A_272 = arith.addi %mul3A_5, %add3A_271 : vector<16xi32>
          tpu.vector_store_idx %arg15[%broadcast_in_dim3A_269, %add3A_272], %get3A_265 : memref<8x544xf32, #tpu.memory_space<vmem>>[vector<16xi32>, vector<16xi32>], vector<16xf32>,
          %broadcast_in_dim3A_273 = vector.broadcast %scan3A_165 : i32 to vector<16xi32>
          %add3A_274 = arith.constant 277 : i32
          %add3A_275 = vector.broadcast %add3A_274 : i32 to vector<16xi32>
          %add3A_276 = arith.addi %mul3A_5, %add3A_275 : vector<16xi32>
          tpu.vector_store_idx %arg15[%broadcast_in_dim3A_273, %add3A_276], %get3A_268 : memref<8x544xf32, #tpu.memory_space<vmem>>[vector<16xi32>, vector<16xi32>], vector<16xf32>,
          %mul3A_277 = arith.constant 16 : i32
          %mul3A_278 = arith.muli %scan3A_165, %mul3A_277 : i32
          %add3A_279 = arith.constant 6 : i32
          %add3A_280 = arith.addi %mul3A_278, %add3A_279 : i32
          %get3A_281 = arith.index_cast %add3A_280 : i32 to index
          %get3A_282 = arith.constant 0 : index
          %get3A_283 = tpu.vector_load %arg13[%get3A_281, %get3A_282] {strides = array<i32>} : memref<128x32xf32, #tpu.memory_space<vmem>>, vector<16xf32>,
          %get3A_284 = arith.index_cast %add3A_280 : i32 to index
          %get3A_285 = arith.constant 16 : index
          %get3A_286 = tpu.vector_load %arg13[%get3A_284, %get3A_285] {strides = array<i32>} : memref<128x32xf32, #tpu.memory_space<vmem>>, vector<16xf32>,
          %broadcast_in_dim3A_287 = vector.broadcast %scan3A_165 : i32 to vector<16xi32>
          %add3A_288 = arith.constant 6 : i32
          %add3A_289 = vector.broadcast %add3A_288 : i32 to vector<16xi32>
          %add3A_290 = arith.addi %mul3A_5, %add3A_289 : vector<16xi32>
          tpu.vector_store_idx %arg15[%broadcast_in_dim3A_287, %add3A_290], %get3A_283 : memref<8x544xf32, #tpu.memory_space<vmem>>[vector<16xi32>, vector<16xi32>], vector<16xf32>,
          %broadcast_in_dim3A_291 = vector.broadcast %scan3A_165 : i32 to vector<16xi32>
          %add3A_292 = arith.constant 278 : i32
          %add3A_293 = vector.broadcast %add3A_292 : i32 to vector<16xi32>
          %add3A_294 = arith.addi %mul3A_5, %add3A_293 : vector<16xi32>
          tpu.vector_store_idx %arg15[%broadcast_in_dim3A_291, %add3A_294], %get3A_286 : memref<8x544xf32, #tpu.memory_space<vmem>>[vector<16xi32>, vector<16xi32>], vector<16xf32>,
          %mul3A_295 = arith.constant 16 : i32
          %mul3A_296 = arith.muli %scan3A_165, %mul3A_295 : i32
          %add3A_297 = arith.constant 7 : i32
          %add3A_298 = arith.addi %mul3A_296, %add3A_297 : i32
          %get3A_299 = arith.index_cast %add3A_298 : i32 to index
          %get3A_300 = arith.constant 0 : index
          %get3A_301 = tpu.vector_load %arg13[%get3A_299, %get3A_300] {strides = array<i32>} : memref<128x32xf32, #tpu.memory_space<vmem>>, vector<16xf32>,
          %get3A_302 = arith.index_cast %add3A_298 : i32 to index
          %get3A_303 = arith.constant 16 : index
          %get3A_304 = tpu.vector_load %arg13[%get3A_302, %get3A_303] {strides = array<i32>} : memref<128x32xf32, #tpu.memory_space<vmem>>, vector<16xf32>,
          %broadcast_in_dim3A_305 = vector.broadcast %scan3A_165 : i32 to vector<16xi32>
          %add3A_306 = arith.constant 7 : i32
          %add3A_307 = vector.broadcast %add3A_306 : i32 to vector<16xi32>
          %add3A_308 = arith.addi %mul3A_5, %add3A_307 : vector<16xi32>
          tpu.vector_store_idx %arg15[%broadcast_in_dim3A_305, %add3A_308], %get3A_301 : memref<8x544xf32, #tpu.memory_space<vmem>>[vector<16xi32>, vector<16xi32>], vector<16xf32>,
          %broadcast_in_dim3A_309 = vector.broadcast %scan3A_165 : i32 to vector<16xi32>
          %add3A_310 = arith.constant 279 : i32
          %add3A_311 = vector.broadcast %add3A_310 : i32 to vector<16xi32>
          %add3A_312 = arith.addi %mul3A_5, %add3A_311 : vector<16xi32>
          tpu.vector_store_idx %arg15[%broadcast_in_dim3A_309, %add3A_312], %get3A_304 : memref<8x544xf32, #tpu.memory_space<vmem>>[vector<16xi32>, vector<16xi32>], vector<16xf32>,
          %mul3A_313 = arith.constant 16 : i32
          %mul3A_314 = arith.muli %scan3A_165, %mul3A_313 : i32
          %add3A_315 = arith.constant 8 : i32
          %add3A_316 = arith.addi %mul3A_314, %add3A_315 : i32
          %get3A_317 = arith.index_cast %add3A_316 : i32 to index
          %get3A_318 = arith.constant 0 : index
          %get3A_319 = tpu.vector_load %arg13[%get3A_317, %get3A_318] {strides = array<i32>} : memref<128x32xf32, #tpu.memory_space<vmem>>, vector<16xf32>,
          %get3A_320 = arith.index_cast %add3A_316 : i32 to index
          %get3A_321 = arith.constant 16 : index
          %get3A_322 = tpu.vector_load %arg13[%get3A_320, %get3A_321] {strides = array<i32>} : memref<128x32xf32, #tpu.memory_space<vmem>>, vector<16xf32>,
          %broadcast_in_dim3A_323 = vector.broadcast %scan3A_165 : i32 to vector<16xi32>
          %add3A_324 = arith.constant 8 : i32
          %add3A_325 = vector.broadcast %add3A_324 : i32 to vector<16xi32>
          %add3A_326 = arith.addi %mul3A_5, %add3A_325 : vector<16xi32>
          tpu.vector_store_idx %arg15[%broadcast_in_dim3A_323, %add3A_326], %get3A_319 : memref<8x544xf32, #tpu.memory_space<vmem>>[vector<16xi32>, vector<16xi32>], vector<16xf32>,
          %broadcast_in_dim3A_327 = vector.broadcast %scan3A_165 : i32 to vector<16xi32>
          %add3A_328 = arith.constant 280 : i32
          %add3A_329 = vector.broadcast %add3A_328 : i32 to vector<16xi32>
          %add3A_330 = arith.addi %mul3A_5, %add3A_329 : vector<16xi32>
          tpu.vector_store_idx %arg15[%broadcast_in_dim3A_327, %add3A_330], %get3A_322 : memref<8x544xf32, #tpu.memory_space<vmem>>[vector<16xi32>, vector<16xi32>], vector<16xf32>,
          %mul3A_331 = arith.constant 16 : i32
          %mul3A_332 = arith.muli %scan3A_165, %mul3A_331 : i32
          %add3A_333 = arith.constant 9 : i32
          %add3A_334 = arith.addi %mul3A_332, %add3A_333 : i32
          %get3A_335 = arith.index_cast %add3A_334 : i32 to index
          %get3A_336 = arith.constant 0 : index
          %get3A_337 = tpu.vector_load %arg13[%get3A_335, %get3A_336] {strides = array<i32>} : memref<128x32xf32, #tpu.memory_space<vmem>>, vector<16xf32>,
          %get3A_338 = arith.index_cast %add3A_334 : i32 to index
          %get3A_339 = arith.constant 16 : index
          %get3A_340 = tpu.vector_load %arg13[%get3A_338, %get3A_339] {strides = array<i32>} : memref<128x32xf32, #tpu.memory_space<vmem>>, vector<16xf32>,
          %broadcast_in_dim3A_341 = vector.broadcast %scan3A_165 : i32 to vector<16xi32>
          %add3A_342 = arith.constant 9 : i32
          %add3A_343 = vector.broadcast %add3A_342 : i32 to vector<16xi32>
          %add3A_344 = arith.addi %mul3A_5, %add3A_343 : vector<16xi32>
          tpu.vector_store_idx %arg15[%broadcast_in_dim3A_341, %add3A_344], %get3A_337 : memref<8x544xf32, #tpu.memory_space<vmem>>[vector<16xi32>, vector<16xi32>], vector<16xf32>,
          %broadcast_in_dim3A_345 = vector.broadcast %scan3A_165 : i32 to vector<16xi32>
          %add3A_346 = arith.constant 281 : i32
          %add3A_347 = vector.broadcast %add3A_346 : i32 to vector<16xi32>
          %add3A_348 = arith.addi %mul3A_5, %add3A_347 : vector<16xi32>
          tpu.vector_store_idx %arg15[%broadcast_in_dim3A_345, %add3A_348], %get3A_340 : memref<8x544xf32, #tpu.memory_space<vmem>>[vector<16xi32>, vector<16xi32>], vector<16xf32>,
          %mul3A_349 = arith.constant 16 : i32
          %mul3A_350 = arith.muli %scan3A_165, %mul3A_349 : i32
          %add3A_351 = arith.constant 10 : i32
          %add3A_352 = arith.addi %mul3A_350, %add3A_351 : i32
          %get3A_353 = arith.index_cast %add3A_352 : i32 to index
          %get3A_354 = arith.constant 0 : index
          %get3A_355 = tpu.vector_load %arg13[%get3A_353, %get3A_354] {strides = array<i32>} : memref<128x32xf32, #tpu.memory_space<vmem>>, vector<16xf32>,
          %get3A_356 = arith.index_cast %add3A_352 : i32 to index
          %get3A_357 = arith.constant 16 : index
          %get3A_358 = tpu.vector_load %arg13[%get3A_356, %get3A_357] {strides = array<i32>} : memref<128x32xf32, #tpu.memory_space<vmem>>, vector<16xf32>,
          %broadcast_in_dim3A_359 = vector.broadcast %scan3A_165 : i32 to vector<16xi32>
          %add3A_360 = arith.constant 10 : i32
          %add3A_361 = vector.broadcast %add3A_360 : i32 to vector<16xi32>
          %add3A_362 = arith.addi %mul3A_5, %add3A_361 : vector<16xi32>
          tpu.vector_store_idx %arg15[%broadcast_in_dim3A_359, %add3A_362], %get3A_355 : memref<8x544xf32, #tpu.memory_space<vmem>>[vector<16xi32>, vector<16xi32>], vector<16xf32>,
          %broadcast_in_dim3A_363 = vector.broadcast %scan3A_165 : i32 to vector<16xi32>
          %add3A_364 = arith.constant 282 : i32
          %add3A_365 = vector.broadcast %add3A_364 : i32 to vector<16xi32>
          %add3A_366 = arith.addi %mul3A_5, %add3A_365 : vector<16xi32>
          tpu.vector_store_idx %arg15[%broadcast_in_dim3A_363, %add3A_366], %get3A_358 : memref<8x544xf32, #tpu.memory_space<vmem>>[vector<16xi32>, vector<16xi32>], vector<16xf32>,
          %mul3A_367 = arith.constant 16 : i32
          %mul3A_368 = arith.muli %scan3A_165, %mul3A_367 : i32
          %add3A_369 = arith.constant 11 : i32
          %add3A_370 = arith.addi %mul3A_368, %add3A_369 : i32
          %get3A_371 = arith.index_cast %add3A_370 : i32 to index
          %get3A_372 = arith.constant 0 : index
          %get3A_373 = tpu.vector_load %arg13[%get3A_371, %get3A_372] {strides = array<i32>} : memref<128x32xf32, #tpu.memory_space<vmem>>, vector<16xf32>,
          %get3A_374 = arith.index_cast %add3A_370 : i32 to index
          %get3A_375 = arith.constant 16 : index
          %get3A_376 = tpu.vector_load %arg13[%get3A_374, %get3A_375] {strides = array<i32>} : memref<128x32xf32, #tpu.memory_space<vmem>>, vector<16xf32>,
          %broadcast_in_dim3A_377 = vector.broadcast %scan3A_165 : i32 to vector<16xi32>
          %add3A_378 = arith.constant 11 : i32
          %add3A_379 = vector.broadcast %add3A_378 : i32 to vector<16xi32>
          %add3A_380 = arith.addi %mul3A_5, %add3A_379 : vector<16xi32>
          tpu.vector_store_idx %arg15[%broadcast_in_dim3A_377, %add3A_380], %get3A_373 : memref<8x544xf32, #tpu.memory_space<vmem>>[vector<16xi32>, vector<16xi32>], vector<16xf32>,
          %broadcast_in_dim3A_381 = vector.broadcast %scan3A_165 : i32 to vector<16xi32>
          %add3A_382 = arith.constant 283 : i32
          %add3A_383 = vector.broadcast %add3A_382 : i32 to vector<16xi32>
          %add3A_384 = arith.addi %mul3A_5, %add3A_383 : vector<16xi32>
          tpu.vector_store_idx %arg15[%broadcast_in_dim3A_381, %add3A_384], %get3A_376 : memref<8x544xf32, #tpu.memory_space<vmem>>[vector<16xi32>, vector<16xi32>], vector<16xf32>,
          %mul3A_385 = arith.constant 16 : i32
          %mul3A_386 = arith.muli %scan3A_165, %mul3A_385 : i32
          %add3A_387 = arith.constant 12 : i32
          %add3A_388 = arith.addi %mul3A_386, %add3A_387 : i32
          %get3A_389 = arith.index_cast %add3A_388 : i32 to index
          %get3A_390 = arith.constant 0 : index
          %get3A_391 = tpu.vector_load %arg13[%get3A_389, %get3A_390] {strides = array<i32>} : memref<128x32xf32, #tpu.memory_space<vmem>>, vector<16xf32>,
          %get3A_392 = arith.index_cast %add3A_388 : i32 to index
          %get3A_393 = arith.constant 16 : index
          %get3A_394 = tpu.vector_load %arg13[%get3A_392, %get3A_393] {strides = array<i32>} : memref<128x32xf32, #tpu.memory_space<vmem>>, vector<16xf32>,
          %broadcast_in_dim3A_395 = vector.broadcast %scan3A_165 : i32 to vector<16xi32>
          %add3A_396 = arith.constant 12 : i32
          %add3A_397 = vector.broadcast %add3A_396 : i32 to vector<16xi32>
          %add3A_398 = arith.addi %mul3A_5, %add3A_397 : vector<16xi32>
          tpu.vector_store_idx %arg15[%broadcast_in_dim3A_395, %add3A_398], %get3A_391 : memref<8x544xf32, #tpu.memory_space<vmem>>[vector<16xi32>, vector<16xi32>], vector<16xf32>,
          %broadcast_in_dim3A_399 = vector.broadcast %scan3A_165 : i32 to vector<16xi32>
          %add3A_400 = arith.constant 284 : i32
          %add3A_401 = vector.broadcast %add3A_400 : i32 to vector<16xi32>
          %add3A_402 = arith.addi %mul3A_5, %add3A_401 : vector<16xi32>
          tpu.vector_store_idx %arg15[%broadcast_in_dim3A_399, %add3A_402], %get3A_394 : memref<8x544xf32, #tpu.memory_space<vmem>>[vector<16xi32>, vector<16xi32>], vector<16xf32>,
          %mul3A_403 = arith.constant 16 : i32
          %mul3A_404 = arith.muli %scan3A_165, %mul3A_403 : i32
          %add3A_405 = arith.constant 13 : i32
          %add3A_406 = arith.addi %mul3A_404, %add3A_405 : i32
          %get3A_407 = arith.index_cast %add3A_406 : i32 to index
          %get3A_408 = arith.constant 0 : index
          %get3A_409 = tpu.vector_load %arg13[%get3A_407, %get3A_408] {strides = array<i32>} : memref<128x32xf32, #tpu.memory_space<vmem>>, vector<16xf32>,
          %get3A_410 = arith.index_cast %add3A_406 : i32 to index
          %get3A_411 = arith.constant 16 : index
          %get3A_412 = tpu.vector_load %arg13[%get3A_410, %get3A_411] {strides = array<i32>} : memref<128x32xf32, #tpu.memory_space<vmem>>, vector<16xf32>,
          %broadcast_in_dim3A_413 = vector.broadcast %scan3A_165 : i32 to vector<16xi32>
          %add3A_414 = arith.constant 13 : i32
          %add3A_415 = vector.broadcast %add3A_414 : i32 to vector<16xi32>
          %add3A_416 = arith.addi %mul3A_5, %add3A_415 : vector<16xi32>
          tpu.vector_store_idx %arg15[%broadcast_in_dim3A_413, %add3A_416], %get3A_409 : memref<8x544xf32, #tpu.memory_space<vmem>>[vector<16xi32>, vector<16xi32>], vector<16xf32>,
          %broadcast_in_dim3A_417 = vector.broadcast %scan3A_165 : i32 to vector<16xi32>
          %add3A_418 = arith.constant 285 : i32
          %add3A_419 = vector.broadcast %add3A_418 : i32 to vector<16xi32>
          %add3A_420 = arith.addi %mul3A_5, %add3A_419 : vector<16xi32>
          tpu.vector_store_idx %arg15[%broadcast_in_dim3A_417, %add3A_420], %get3A_412 : memref<8x544xf32, #tpu.memory_space<vmem>>[vector<16xi32>, vector<16xi32>], vector<16xf32>,
          %mul3A_421 = arith.constant 16 : i32
          %mul3A_422 = arith.muli %scan3A_165, %mul3A_421 : i32
          %add3A_423 = arith.constant 14 : i32
          %add3A_424 = arith.addi %mul3A_422, %add3A_423 : i32
          %get3A_425 = arith.index_cast %add3A_424 : i32 to index
          %get3A_426 = arith.constant 0 : index
          %get3A_427 = tpu.vector_load %arg13[%get3A_425, %get3A_426] {strides = array<i32>} : memref<128x32xf32, #tpu.memory_space<vmem>>, vector<16xf32>,
          %get3A_428 = arith.index_cast %add3A_424 : i32 to index
          %get3A_429 = arith.constant 16 : index
          %get3A_430 = tpu.vector_load %arg13[%get3A_428, %get3A_429] {strides = array<i32>} : memref<128x32xf32, #tpu.memory_space<vmem>>, vector<16xf32>,
          %broadcast_in_dim3A_431 = vector.broadcast %scan3A_165 : i32 to vector<16xi32>
          %add3A_432 = arith.constant 14 : i32
          %add3A_433 = vector.broadcast %add3A_432 : i32 to vector<16xi32>
          %add3A_434 = arith.addi %mul3A_5, %add3A_433 : vector<16xi32>
          tpu.vector_store_idx %arg15[%broadcast_in_dim3A_431, %add3A_434], %get3A_427 : memref<8x544xf32, #tpu.memory_space<vmem>>[vector<16xi32>, vector<16xi32>], vector<16xf32>,
          %broadcast_in_dim3A_435 = vector.broadcast %scan3A_165 : i32 to vector<16xi32>
          %add3A_436 = arith.constant 286 : i32
          %add3A_437 = vector.broadcast %add3A_436 : i32 to vector<16xi32>
          %add3A_438 = arith.addi %mul3A_5, %add3A_437 : vector<16xi32>
          tpu.vector_store_idx %arg15[%broadcast_in_dim3A_435, %add3A_438], %get3A_430 : memref<8x544xf32, #tpu.memory_space<vmem>>[vector<16xi32>, vector<16xi32>], vector<16xf32>,
          %mul3A_439 = arith.constant 16 : i32
          %mul3A_440 = arith.muli %scan3A_165, %mul3A_439 : i32
          %add3A_441 = arith.constant 15 : i32
          %add3A_442 = arith.addi %mul3A_440, %add3A_441 : i32
          %get3A_443 = arith.index_cast %add3A_442 : i32 to index
          %get3A_444 = arith.constant 0 : index
          %get3A_445 = tpu.vector_load %arg13[%get3A_443, %get3A_444] {strides = array<i32>} : memref<128x32xf32, #tpu.memory_space<vmem>>, vector<16xf32>,
          %get3A_446 = arith.index_cast %add3A_442 : i32 to index
          %get3A_447 = arith.constant 16 : index
          %get3A_448 = tpu.vector_load %arg13[%get3A_446, %get3A_447] {strides = array<i32>} : memref<128x32xf32, #tpu.memory_space<vmem>>, vector<16xf32>,
          %broadcast_in_dim3A_449 = vector.broadcast %scan3A_165 : i32 to vector<16xi32>
          %add3A_450 = arith.constant 15 : i32
          %add3A_451 = vector.broadcast %add3A_450 : i32 to vector<16xi32>
          %add3A_452 = arith.addi %mul3A_5, %add3A_451 : vector<16xi32>
          tpu.vector_store_idx %arg15[%broadcast_in_dim3A_449, %add3A_452], %get3A_445 : memref<8x544xf32, #tpu.memory_space<vmem>>[vector<16xi32>, vector<16xi32>], vector<16xf32>,
          %broadcast_in_dim3A_453 = vector.broadcast %scan3A_165 : i32 to vector<16xi32>
          %add3A_454 = arith.constant 287 : i32
          %add3A_455 = vector.broadcast %add3A_454 : i32 to vector<16xi32>
          %add3A_456 = arith.addi %mul3A_5, %add3A_455 : vector<16xi32>
          tpu.vector_store_idx %arg15[%broadcast_in_dim3A_453, %add3A_456], %get3A_448 : memref<8x544xf32, #tpu.memory_space<vmem>>[vector<16xi32>, vector<16xi32>], vector<16xf32>,
          %get3A_457 = arith.index_cast %scan3A_165 : i32 to index
          %get3A_458 = arith.constant 0 : index
          %get3A_459 = tpu.vector_load %arg15[%get3A_457, %get3A_458] {strides = array<i32>} : memref<8x544xf32, #tpu.memory_space<vmem>>, vector<16xf32>,
          %get3A_460 = arith.index_cast %scan3A_165 : i32 to index
          %get3A_461 = arith.constant 17 : index
          %get3A_462 = tpu.vector_load %arg15[%get3A_460, %get3A_461] {strides = array<i32>} : memref<8x544xf32, #tpu.memory_space<vmem>>, vector<16xf32>,
          %get3A_463 = arith.index_cast %scan3A_165 : i32 to index
          %get3A_464 = arith.constant 34 : index
          %get3A_465 = tpu.vector_load %arg15[%get3A_463, %get3A_464] {strides = array<i32>} : memref<8x544xf32, #tpu.memory_space<vmem>>, vector<16xf32>,
          %get3A_466 = arith.index_cast %scan3A_165 : i32 to index
          %get3A_467 = arith.constant 51 : index
          %get3A_468 = tpu.vector_load %arg15[%get3A_466, %get3A_467] {strides = array<i32>} : memref<8x544xf32, #tpu.memory_space<vmem>>, vector<16xf32>,
          %get3A_469 = arith.index_cast %scan3A_165 : i32 to index
          %get3A_470 = arith.constant 68 : index
          %get3A_471 = tpu.vector_load %arg15[%get3A_469, %get3A_470] {strides = array<i32>} : memref<8x544xf32, #tpu.memory_space<vmem>>, vector<16xf32>,
          %get3A_472 = arith.index_cast %scan3A_165 : i32 to index
          %get3A_473 = arith.constant 85 : index
          %get3A_474 = tpu.vector_load %arg15[%get3A_472, %get3A_473] {strides = array<i32>} : memref<8x544xf32, #tpu.memory_space<vmem>>, vector<16xf32>,
          %get3A_475 = arith.index_cast %scan3A_165 : i32 to index
          %get3A_476 = arith.constant 102 : index
          %get3A_477 = tpu.vector_load %arg15[%get3A_475, %get3A_476] {strides = array<i32>} : memref<8x544xf32, #tpu.memory_space<vmem>>, vector<16xf32>,
          %get3A_478 = arith.index_cast %scan3A_165 : i32 to index
          %get3A_479 = arith.constant 119 : index
          %get3A_480 = tpu.vector_load %arg15[%get3A_478, %get3A_479] {strides = array<i32>} : memref<8x544xf32, #tpu.memory_space<vmem>>, vector<16xf32>,
          %get3A_481 = arith.index_cast %scan3A_165 : i32 to index
          %get3A_482 = arith.constant 136 : index
          %get3A_483 = tpu.vector_load %arg15[%get3A_481, %get3A_482] {strides = array<i32>} : memref<8x544xf32, #tpu.memory_space<vmem>>, vector<16xf32>,
          %get3A_484 = arith.index_cast %scan3A_165 : i32 to index
          %get3A_485 = arith.constant 153 : index
          %get3A_486 = tpu.vector_load %arg15[%get3A_484, %get3A_485] {strides = array<i32>} : memref<8x544xf32, #tpu.memory_space<vmem>>, vector<16xf32>,
          %get3A_487 = arith.index_cast %scan3A_165 : i32 to index
          %get3A_488 = arith.constant 170 : index
          %get3A_489 = tpu.vector_load %arg15[%get3A_487, %get3A_488] {strides = array<i32>} : memref<8x544xf32, #tpu.memory_space<vmem>>, vector<16xf32>,
          %get3A_490 = arith.index_cast %scan3A_165 : i32 to index
          %get3A_491 = arith.constant 187 : index
          %get3A_492 = tpu.vector_load %arg15[%get3A_490, %get3A_491] {strides = array<i32>} : memref<8x544xf32, #tpu.memory_space<vmem>>, vector<16xf32>,
          %get3A_493 = arith.index_cast %scan3A_165 : i32 to index
          %get3A_494 = arith.constant 204 : index
          %get3A_495 = tpu.vector_load %arg15[%get3A_493, %get3A_494] {strides = array<i32>} : memref<8x544xf32, #tpu.memory_space<vmem>>, vector<16xf32>,
          %get3A_496 = arith.index_cast %scan3A_165 : i32 to index
          %get3A_497 = arith.constant 221 : index
          %get3A_498 = tpu.vector_load %arg15[%get3A_496, %get3A_497] {strides = array<i32>} : memref<8x544xf32, #tpu.memory_space<vmem>>, vector<16xf32>,
          %get3A_499 = arith.index_cast %scan3A_165 : i32 to index
          %get3A_500 = arith.constant 238 : index
          %get3A_501 = tpu.vector_load %arg15[%get3A_499, %get3A_500] {strides = array<i32>} : memref<8x544xf32, #tpu.memory_space<vmem>>, vector<16xf32>,
          %get3A_502 = arith.index_cast %scan3A_165 : i32 to index
          %get3A_503 = arith.constant 255 : index
          %get3A_504 = tpu.vector_load %arg15[%get3A_502, %get3A_503] {strides = array<i32>} : memref<8x544xf32, #tpu.memory_space<vmem>>, vector<16xf32>,
          %get3A_505 = arith.index_cast %scan3A_165 : i32 to index
          %get3A_506 = arith.constant 272 : index
          %get3A_507 = tpu.vector_load %arg15[%get3A_505, %get3A_506] {strides = array<i32>} : memref<8x544xf32, #tpu.memory_space<vmem>>, vector<16xf32>,
          %get3A_508 = arith.index_cast %scan3A_165 : i32 to index
          %get3A_509 = arith.constant 289 : index
          %get3A_510 = tpu.vector_load %arg15[%get3A_508, %get3A_509] {strides = array<i32>} : memref<8x544xf32, #tpu.memory_space<vmem>>, vector<16xf32>,
          %get3A_511 = arith.index_cast %scan3A_165 : i32 to index
          %get3A_512 = arith.constant 306 : index
          %get3A_513 = tpu.vector_load %arg15[%get3A_511, %get3A_512] {strides = array<i32>} : memref<8x544xf32, #tpu.memory_space<vmem>>, vector<16xf32>,
          %get3A_514 = arith.index_cast %scan3A_165 : i32 to index
          %get3A_515 = arith.constant 323 : index
          %get3A_516 = tpu.vector_load %arg15[%get3A_514, %get3A_515] {strides = array<i32>} : memref<8x544xf32, #tpu.memory_space<vmem>>, vector<16xf32>,
          %get3A_517 = arith.index_cast %scan3A_165 : i32 to index
          %get3A_518 = arith.constant 340 : index
          %get3A_519 = tpu.vector_load %arg15[%get3A_517, %get3A_518] {strides = array<i32>} : memref<8x544xf32, #tpu.memory_space<vmem>>, vector<16xf32>,
          %get3A_520 = arith.index_cast %scan3A_165 : i32 to index
          %get3A_521 = arith.constant 357 : index
          %get3A_522 = tpu.vector_load %arg15[%get3A_520, %get3A_521] {strides = array<i32>} : memref<8x544xf32, #tpu.memory_space<vmem>>, vector<16xf32>,
          %get3A_523 = arith.index_cast %scan3A_165 : i32 to index
          %get3A_524 = arith.constant 374 : index
          %get3A_525 = tpu.vector_load %arg15[%get3A_523, %get3A_524] {strides = array<i32>} : memref<8x544xf32, #tpu.memory_space<vmem>>, vector<16xf32>,
          %get3A_526 = arith.index_cast %scan3A_165 : i32 to index
          %get3A_527 = arith.constant 391 : index
          %get3A_528 = tpu.vector_load %arg15[%get3A_526, %get3A_527] {strides = array<i32>} : memref<8x544xf32, #tpu.memory_space<vmem>>, vector<16xf32>,
          %get3A_529 = arith.index_cast %scan3A_165 : i32 to index
          %get3A_530 = arith.constant 408 : index
          %get3A_531 = tpu.vector_load %arg15[%get3A_529, %get3A_530] {strides = array<i32>} : memref<8x544xf32, #tpu.memory_space<vmem>>, vector<16xf32>,
          %get3A_532 = arith.index_cast %scan3A_165 : i32 to index
          %get3A_533 = arith.constant 425 : index
          %get3A_534 = tpu.vector_load %arg15[%get3A_532, %get3A_533] {strides = array<i32>} : memref<8x544xf32, #tpu.memory_space<vmem>>, vector<16xf32>,
          %get3A_535 = arith.index_cast %scan3A_165 : i32 to index
          %get3A_536 = arith.constant 442 : index
          %get3A_537 = tpu.vector_load %arg15[%get3A_535, %get3A_536] {strides = array<i32>} : memref<8x544xf32, #tpu.memory_space<vmem>>, vector<16xf32>,
          %get3A_538 = arith.index_cast %scan3A_165 : i32 to index
          %get3A_539 = arith.constant 459 : index
          %get3A_540 = tpu.vector_load %arg15[%get3A_538, %get3A_539] {strides = array<i32>} : memref<8x544xf32, #tpu.memory_space<vmem>>, vector<16xf32>,
          %get3A_541 = arith.index_cast %scan3A_165 : i32 to index
          %get3A_542 = arith.constant 476 : index
          %get3A_543 = tpu.vector_load %arg15[%get3A_541, %get3A_542] {strides = array<i32>} : memref<8x544xf32, #tpu.memory_space<vmem>>, vector<16xf32>,
          %get3A_544 = arith.index_cast %scan3A_165 : i32 to index
          %get3A_545 = arith.constant 493 : index
          %get3A_546 = tpu.vector_load %arg15[%get3A_544, %get3A_545] {strides = array<i32>} : memref<8x544xf32, #tpu.memory_space<vmem>>, vector<16xf32>,
          %get3A_547 = arith.index_cast %scan3A_165 : i32 to index
          %get3A_548 = arith.constant 510 : index
          %get3A_549 = tpu.vector_load %arg15[%get3A_547, %get3A_548] {strides = array<i32>} : memref<8x544xf32, #tpu.memory_space<vmem>>, vector<16xf32>,
          %get3A_550 = arith.index_cast %scan3A_165 : i32 to index
          %get3A_551 = arith.constant 527 : index
          %get3A_552 = tpu.vector_load %arg15[%get3A_550, %get3A_551] {strides = array<i32>} : memref<8x544xf32, #tpu.memory_space<vmem>>, vector<16xf32>,
          %get3A_553 = arith.index_cast %add3A_170 : i32 to index
          %get3A_554 = tpu.vector_load %arg8[%get3A_553] {strides = array<i32>} : memref<4096xf32, #tpu.memory_space<vmem>>, vector<16xf32>,
          %get3A_555 = arith.index_cast %add3A_170 : i32 to index
          %get3A_556 = tpu.vector_load %arg9[%get3A_555] {strides = array<i32>} : memref<4096xf32, #tpu.memory_space<vmem>>, vector<16xf32>,
          %mul3A_557 = arith.mulf %get3A_468, %get3A_556 : vector<16xf32>
          %add3A_558 = arith.addf %mul3A_557, %get3A_465 : vector<16xf32>
          %mul3A_559 = arith.mulf %add3A_558, %get3A_556 : vector<16xf32>
          %add3A_560 = arith.addf %mul3A_559, %get3A_462 : vector<16xf32>
          %mul3A_561 = arith.mulf %add3A_560, %get3A_556 : vector<16xf32>
          %add3A_562 = arith.addf %mul3A_561, %get3A_459 : vector<16xf32>
          %mul3A_563 = arith.mulf %get3A_480, %get3A_556 : vector<16xf32>
          %add3A_564 = arith.addf %mul3A_563, %get3A_477 : vector<16xf32>
          %mul3A_565 = arith.mulf %add3A_564, %get3A_556 : vector<16xf32>
          %add3A_566 = arith.addf %mul3A_565, %get3A_474 : vector<16xf32>
          %mul3A_567 = arith.mulf %add3A_566, %get3A_556 : vector<16xf32>
          %add3A_568 = arith.addf %mul3A_567, %get3A_471 : vector<16xf32>
          %mul3A_569 = arith.mulf %get3A_492, %get3A_556 : vector<16xf32>
          %add3A_570 = arith.addf %mul3A_569, %get3A_489 : vector<16xf32>
          %mul3A_571 = arith.mulf %add3A_570, %get3A_556 : vector<16xf32>
          %add3A_572 = arith.addf %mul3A_571, %get3A_486 : vector<16xf32>
          %mul3A_573 = arith.mulf %add3A_572, %get3A_556 : vector<16xf32>
          %add3A_574 = arith.addf %mul3A_573, %get3A_483 : vector<16xf32>
          %mul3A_575 = arith.mulf %get3A_504, %get3A_556 : vector<16xf32>
          %add3A_576 = arith.addf %mul3A_575, %get3A_501 : vector<16xf32>
          %mul3A_577 = arith.mulf %add3A_576, %get3A_556 : vector<16xf32>
          %add3A_578 = arith.addf %mul3A_577, %get3A_498 : vector<16xf32>
          %mul3A_579 = arith.mulf %add3A_578, %get3A_556 : vector<16xf32>
          %add3A_580 = arith.addf %mul3A_579, %get3A_495 : vector<16xf32>
          %mul3A_581 = arith.mulf %add3A_580, %get3A_554 : vector<16xf32>
          %add3A_582 = arith.addf %mul3A_581, %add3A_574 : vector<16xf32>
          %mul3A_583 = arith.mulf %add3A_582, %get3A_554 : vector<16xf32>
          %add3A_584 = arith.addf %mul3A_583, %add3A_568 : vector<16xf32>
          %mul3A_585 = arith.mulf %add3A_584, %get3A_554 : vector<16xf32>
          %add3A_586 = arith.addf %mul3A_585, %add3A_562 : vector<16xf32>
          %mul3A_587 = arith.mulf %get3A_516, %get3A_556 : vector<16xf32>
          %add3A_588 = arith.addf %mul3A_587, %get3A_513 : vector<16xf32>
          %mul3A_589 = arith.mulf %add3A_588, %get3A_556 : vector<16xf32>
          %add3A_590 = arith.addf %mul3A_589, %get3A_510 : vector<16xf32>
          %mul3A_591 = arith.mulf %add3A_590, %get3A_556 : vector<16xf32>
          %add3A_592 = arith.addf %mul3A_591, %get3A_507 : vector<16xf32>
          %mul3A_593 = arith.mulf %get3A_528, %get3A_556 : vector<16xf32>
          %add3A_594 = arith.addf %mul3A_593, %get3A_525 : vector<16xf32>
          %mul3A_595 = arith.mulf %add3A_594, %get3A_556 : vector<16xf32>
          %add3A_596 = arith.addf %mul3A_595, %get3A_522 : vector<16xf32>
          %mul3A_597 = arith.mulf %add3A_596, %get3A_556 : vector<16xf32>
          %add3A_598 = arith.addf %mul3A_597, %get3A_519 : vector<16xf32>
          %mul3A_599 = arith.mulf %get3A_540, %get3A_556 : vector<16xf32>
          %add3A_600 = arith.addf %mul3A_599, %get3A_537 : vector<16xf32>
          %mul3A_601 = arith.mulf %add3A_600, %get3A_556 : vector<16xf32>
          %add3A_602 = arith.addf %mul3A_601, %get3A_534 : vector<16xf32>
          %mul3A_603 = arith.mulf %add3A_602, %get3A_556 : vector<16xf32>
          %add3A_604 = arith.addf %mul3A_603, %get3A_531 : vector<16xf32>
          %mul3A_605 = arith.mulf %get3A_552, %get3A_556 : vector<16xf32>
          %add3A_606 = arith.addf %mul3A_605, %get3A_549 : vector<16xf32>
          %mul3A_607 = arith.mulf %add3A_606, %get3A_556 : vector<16xf32>
          %add3A_608 = arith.addf %mul3A_607, %get3A_546 : vector<16xf32>
          %mul3A_609 = arith.mulf %add3A_608, %get3A_556 : vector<16xf32>
          %add3A_610 = arith.addf %mul3A_609, %get3A_543 : vector<16xf32>
          %mul3A_611 = arith.mulf %add3A_610, %get3A_554 : vector<16xf32>
          %add3A_612 = arith.addf %mul3A_611, %add3A_604 : vector<16xf32>
          %mul3A_613 = arith.mulf %add3A_612, %get3A_554 : vector<16xf32>
          %add3A_614 = arith.addf %mul3A_613, %add3A_598 : vector<16xf32>
          %mul3A_615 = arith.mulf %add3A_614, %get3A_554 : vector<16xf32>
          %add3A_616 = arith.addf %mul3A_615, %add3A_592 : vector<16xf32>
          %div3A_617 = arith.constant 128 : i32
          %div3A_618 = arith.divsi %add3A_170, %div3A_617 : i32
          %rem3A_619 = arith.constant 128 : i32
          %rem3A_620 = arith.remsi %add3A_170, %rem3A_619 : i32
          %get3A_621 = arith.constant 0 : i32
          %get3A_622 = arith.index_cast %div3A_618 : i32 to index
          %get3A_623 = arith.index_cast %get3A_621 : i32 to index
          %get3A_624 = arith.index_cast %rem3A_620 : i32 to index
          %get3A_625 = tpu.vector_load %arg7[%get3A_622, %get3A_623, %get3A_624] {strides = array<i32>} : memref<32x2x128xf32, #tpu.memory_space<vmem>>, vector<16xf32>,
          %sub3A_626 = arith.subf %add3A_586, %get3A_625 : vector<16xf32>
          %div3A_627 = arith.constant 3.000000e-03 : f32
          %div3A_628 = vector.broadcast %div3A_627 : f32 to vector<16xf32>
          %div3A_629 = arith.divf %sub3A_626, %div3A_628 : vector<16xf32>
          %get3A_630 = arith.constant 1 : i32
          %get3A_631 = arith.index_cast %div3A_618 : i32 to index
          %get3A_632 = arith.index_cast %get3A_630 : i32 to index
          %get3A_633 = arith.index_cast %rem3A_620 : i32 to index
          %get3A_634 = tpu.vector_load %arg7[%get3A_631, %get3A_632, %get3A_633] {strides = array<i32>} : memref<32x2x128xf32, #tpu.memory_space<vmem>>, vector<16xf32>,
          %sub3A_635 = arith.subf %add3A_616, %get3A_634 : vector<16xf32>
          %div3A_636 = arith.constant 3.000000e-03 : f32
          %div3A_637 = vector.broadcast %div3A_636 : f32 to vector<16xf32>
          %div3A_638 = arith.divf %sub3A_635, %div3A_637 : vector<16xf32>
          %mul3A_639 = arith.mulf %div3A_629, %div3A_629 : vector<16xf32>
          %mul3A_640 = arith.mulf %div3A_638, %div3A_638 : vector<16xf32>
          %add3A_641 = arith.addf %mul3A_639, %mul3A_640 : vector<16xf32>
          %mul3A_642 = arith.constant -5.000000e-01 : f32
          %mul3A_643 = vector.broadcast %mul3A_642 : f32 to vector<16xf32>
          %mul3A_644 = arith.mulf %mul3A_643, %add3A_641 : vector<16xf32>
          %exp3A = math.exp %mul3A_644 : vector<16xf32>
          %mul3A_645 = arith.constant 53.0516472 : f32
          %mul3A_646 = vector.broadcast %mul3A_645 : f32 to vector<16xf32>
          %mul3A_647 = arith.mulf %mul3A_646, %exp3A : vector<16xf32>
          %swap3A = arith.index_cast %add3A_170 : i32 to index
          %swap3A_648 = tpu.vector_load %arg16[%swap3A] {strides = array<i32>} : memref<4096xf32, #tpu.memory_space<vmem>>, vector<16xf32>,
          tpu.vector_store %arg16[%swap3A], %mul3A_647 {strides = array<i32>} : memref<4096xf32, #tpu.memory_space<vmem>>, vector<16xf32>,
        }
        %scan3A_136 = arith.constant 8 : i32
        %add3A_137 = arith.constant 4 : i32
        %add3A_138 = arith.addi %add3A_124, %add3A_137 : i32
        %lt3A_139 = arith.constant 32 : i32
        %lt3A_140 = arith.cmpi slt, %add3A_138, %lt3A_139 : i32
        %convert_element_type3A_141 = arith.extui %lt3A_140 : i1 to i32
        %cond3A_142 = arith.constant 0 : i32
        %cond3A_143 = arith.cmpi ne, %convert_element_type3A_141, %cond3A_142 : i32
        scf.if %cond3A_143 {
          %add3A_165 = arith.constant 4 : i32
          %add3A_166 = arith.addi %add3A_124, %add3A_165 : i32
          %mul3A_167 = arith.constant 128 : i32
          %mul3A_168 = arith.muli %add3A_166, %mul3A_167 : i32
          %dma_start3A_169 = tpu.memref_slice %arg10[%mul3A_168] : memref<4096xi32, #tpu.memory_space<vmem>> -> memref<128xi32, #tpu.memory_space<vmem>>
          %dma_start3A_170 = arith.constant 0 : i32
          %dma_start3A_171 = arith.constant 0 : i32
          %dma_start3A_172 = tpu.memref_slice %arg4[%dma_start3A_170, %dma_start3A_171] : memref<1048576x32xf32, #tpu.memory_space<hbm>> -> memref<1048576x32xf32, #tpu.memory_space<hbm>>
          tpu.enqueue_indirect_dma source(%dma_start3A_172 : memref<1048576x32xf32, #tpu.memory_space<hbm>>) target(%arg13 : memref<128x32xf32, #tpu.memory_space<vmem>>) offsets(%dma_start3A_169 : memref<128xi32, #tpu.memory_space<vmem>>) semaphore(%arg19 : memref<!tpu.dma_semaphore, #tpu.memory_space<semaphore_mem>>)
        } else {
        }
        %add3A_144 = arith.constant 3 : i32
        %add3A_145 = arith.addi %mul3A_84, %add3A_144 : i32
        %mul3A_146 = arith.constant 128 : i32
        %mul3A_147 = arith.muli %add3A_145, %mul3A_146 : i32
        %dma_wait3A_148 = tpu.memref_slice %arg10[%mul3A_147] : memref<4096xi32, #tpu.memory_space<vmem>> -> memref<128xi32, #tpu.memory_space<vmem>>
        %dma_wait3A_149 = arith.constant 0 : i32
        %dma_wait3A_150 = arith.constant 0 : i32
        %dma_wait3A_151 = tpu.memref_slice %arg4[%dma_wait3A_149, %dma_wait3A_150] : memref<1048576x32xf32, #tpu.memory_space<hbm>> -> memref<1048576x32xf32, #tpu.memory_space<hbm>>
        tpu.wait_indirect_dma semaphore(%arg20 : memref<!tpu.dma_semaphore, #tpu.memory_space<semaphore_mem>>) src(%dma_wait3A_151 : memref<1048576x32xf32, #tpu.memory_space<hbm>>) dst(%arg14 : memref<128x32xf32, #tpu.memory_space<vmem>>)
        %scan3A_152 = arith.constant 0 : i32
        %scan3A_153 = arith.constant 0 : i32
        %scan3A_154 = arith.constant 8 : i32
        %scan3A_155 = arith.addi %scan3A_153, %scan3A_154 : i32
        %scan3A_156 = arith.constant 1 : i32
        scf.for %scan3A_165 = %scan3A_153 to %scan3A_155 step %scan3A_156  : i32 {
          %mul3A_166 = arith.constant 128 : i32
          %mul3A_167 = arith.muli %add3A_145, %mul3A_166 : i32
          %mul3A_168 = arith.constant 16 : i32
          %mul3A_169 = arith.muli %scan3A_165, %mul3A_168 : i32
          %add3A_170 = arith.addi %mul3A_167, %mul3A_169 : i32
          %mul3A_171 = arith.constant 16 : i32
          %mul3A_172 = arith.muli %scan3A_165, %mul3A_171 : i32
          %add3A_173 = arith.constant 0 : i32
          %add3A_174 = arith.addi %mul3A_172, %add3A_173 : i32
          %get3A = arith.index_cast %add3A_174 : i32 to index
          %get3A_175 = arith.constant 0 : index
          %get3A_176 = tpu.vector_load %arg14[%get3A, %get3A_175] {strides = array<i32>} : memref<128x32xf32, #tpu.memory_space<vmem>>, vector<16xf32>,
          %get3A_177 = arith.index_cast %add3A_174 : i32 to index
          %get3A_178 = arith.constant 16 : index
          %get3A_179 = tpu.vector_load %arg14[%get3A_177, %get3A_178] {strides = array<i32>} : memref<128x32xf32, #tpu.memory_space<vmem>>, vector<16xf32>,
          %broadcast_in_dim3A = vector.broadcast %scan3A_165 : i32 to vector<16xi32>
          %add3A_180 = arith.constant 0 : i32
          %add3A_181 = vector.broadcast %add3A_180 : i32 to vector<16xi32>
          %add3A_182 = arith.addi %mul3A_5, %add3A_181 : vector<16xi32>
          tpu.vector_store_idx %arg15[%broadcast_in_dim3A, %add3A_182], %get3A_176 : memref<8x544xf32, #tpu.memory_space<vmem>>[vector<16xi32>, vector<16xi32>], vector<16xf32>,
          %broadcast_in_dim3A_183 = vector.broadcast %scan3A_165 : i32 to vector<16xi32>
          %add3A_184 = arith.constant 272 : i32
          %add3A_185 = vector.broadcast %add3A_184 : i32 to vector<16xi32>
          %add3A_186 = arith.addi %mul3A_5, %add3A_185 : vector<16xi32>
          tpu.vector_store_idx %arg15[%broadcast_in_dim3A_183, %add3A_186], %get3A_179 : memref<8x544xf32, #tpu.memory_space<vmem>>[vector<16xi32>, vector<16xi32>], vector<16xf32>,
          %mul3A_187 = arith.constant 16 : i32
          %mul3A_188 = arith.muli %scan3A_165, %mul3A_187 : i32
          %add3A_189 = arith.constant 1 : i32
          %add3A_190 = arith.addi %mul3A_188, %add3A_189 : i32
          %get3A_191 = arith.index_cast %add3A_190 : i32 to index
          %get3A_192 = arith.constant 0 : index
          %get3A_193 = tpu.vector_load %arg14[%get3A_191, %get3A_192] {strides = array<i32>} : memref<128x32xf32, #tpu.memory_space<vmem>>, vector<16xf32>,
          %get3A_194 = arith.index_cast %add3A_190 : i32 to index
          %get3A_195 = arith.constant 16 : index
          %get3A_196 = tpu.vector_load %arg14[%get3A_194, %get3A_195] {strides = array<i32>} : memref<128x32xf32, #tpu.memory_space<vmem>>, vector<16xf32>,
          %broadcast_in_dim3A_197 = vector.broadcast %scan3A_165 : i32 to vector<16xi32>
          %add3A_198 = arith.constant 1 : i32
          %add3A_199 = vector.broadcast %add3A_198 : i32 to vector<16xi32>
          %add3A_200 = arith.addi %mul3A_5, %add3A_199 : vector<16xi32>
          tpu.vector_store_idx %arg15[%broadcast_in_dim3A_197, %add3A_200], %get3A_193 : memref<8x544xf32, #tpu.memory_space<vmem>>[vector<16xi32>, vector<16xi32>], vector<16xf32>,
          %broadcast_in_dim3A_201 = vector.broadcast %scan3A_165 : i32 to vector<16xi32>
          %add3A_202 = arith.constant 273 : i32
          %add3A_203 = vector.broadcast %add3A_202 : i32 to vector<16xi32>
          %add3A_204 = arith.addi %mul3A_5, %add3A_203 : vector<16xi32>
          tpu.vector_store_idx %arg15[%broadcast_in_dim3A_201, %add3A_204], %get3A_196 : memref<8x544xf32, #tpu.memory_space<vmem>>[vector<16xi32>, vector<16xi32>], vector<16xf32>,
          %mul3A_205 = arith.constant 16 : i32
          %mul3A_206 = arith.muli %scan3A_165, %mul3A_205 : i32
          %add3A_207 = arith.constant 2 : i32
          %add3A_208 = arith.addi %mul3A_206, %add3A_207 : i32
          %get3A_209 = arith.index_cast %add3A_208 : i32 to index
          %get3A_210 = arith.constant 0 : index
          %get3A_211 = tpu.vector_load %arg14[%get3A_209, %get3A_210] {strides = array<i32>} : memref<128x32xf32, #tpu.memory_space<vmem>>, vector<16xf32>,
          %get3A_212 = arith.index_cast %add3A_208 : i32 to index
          %get3A_213 = arith.constant 16 : index
          %get3A_214 = tpu.vector_load %arg14[%get3A_212, %get3A_213] {strides = array<i32>} : memref<128x32xf32, #tpu.memory_space<vmem>>, vector<16xf32>,
          %broadcast_in_dim3A_215 = vector.broadcast %scan3A_165 : i32 to vector<16xi32>
          %add3A_216 = arith.constant 2 : i32
          %add3A_217 = vector.broadcast %add3A_216 : i32 to vector<16xi32>
          %add3A_218 = arith.addi %mul3A_5, %add3A_217 : vector<16xi32>
          tpu.vector_store_idx %arg15[%broadcast_in_dim3A_215, %add3A_218], %get3A_211 : memref<8x544xf32, #tpu.memory_space<vmem>>[vector<16xi32>, vector<16xi32>], vector<16xf32>,
          %broadcast_in_dim3A_219 = vector.broadcast %scan3A_165 : i32 to vector<16xi32>
          %add3A_220 = arith.constant 274 : i32
          %add3A_221 = vector.broadcast %add3A_220 : i32 to vector<16xi32>
          %add3A_222 = arith.addi %mul3A_5, %add3A_221 : vector<16xi32>
          tpu.vector_store_idx %arg15[%broadcast_in_dim3A_219, %add3A_222], %get3A_214 : memref<8x544xf32, #tpu.memory_space<vmem>>[vector<16xi32>, vector<16xi32>], vector<16xf32>,
          %mul3A_223 = arith.constant 16 : i32
          %mul3A_224 = arith.muli %scan3A_165, %mul3A_223 : i32
          %add3A_225 = arith.constant 3 : i32
          %add3A_226 = arith.addi %mul3A_224, %add3A_225 : i32
          %get3A_227 = arith.index_cast %add3A_226 : i32 to index
          %get3A_228 = arith.constant 0 : index
          %get3A_229 = tpu.vector_load %arg14[%get3A_227, %get3A_228] {strides = array<i32>} : memref<128x32xf32, #tpu.memory_space<vmem>>, vector<16xf32>,
          %get3A_230 = arith.index_cast %add3A_226 : i32 to index
          %get3A_231 = arith.constant 16 : index
          %get3A_232 = tpu.vector_load %arg14[%get3A_230, %get3A_231] {strides = array<i32>} : memref<128x32xf32, #tpu.memory_space<vmem>>, vector<16xf32>,
          %broadcast_in_dim3A_233 = vector.broadcast %scan3A_165 : i32 to vector<16xi32>
          %add3A_234 = arith.constant 3 : i32
          %add3A_235 = vector.broadcast %add3A_234 : i32 to vector<16xi32>
          %add3A_236 = arith.addi %mul3A_5, %add3A_235 : vector<16xi32>
          tpu.vector_store_idx %arg15[%broadcast_in_dim3A_233, %add3A_236], %get3A_229 : memref<8x544xf32, #tpu.memory_space<vmem>>[vector<16xi32>, vector<16xi32>], vector<16xf32>,
          %broadcast_in_dim3A_237 = vector.broadcast %scan3A_165 : i32 to vector<16xi32>
          %add3A_238 = arith.constant 275 : i32
          %add3A_239 = vector.broadcast %add3A_238 : i32 to vector<16xi32>
          %add3A_240 = arith.addi %mul3A_5, %add3A_239 : vector<16xi32>
          tpu.vector_store_idx %arg15[%broadcast_in_dim3A_237, %add3A_240], %get3A_232 : memref<8x544xf32, #tpu.memory_space<vmem>>[vector<16xi32>, vector<16xi32>], vector<16xf32>,
          %mul3A_241 = arith.constant 16 : i32
          %mul3A_242 = arith.muli %scan3A_165, %mul3A_241 : i32
          %add3A_243 = arith.constant 4 : i32
          %add3A_244 = arith.addi %mul3A_242, %add3A_243 : i32
          %get3A_245 = arith.index_cast %add3A_244 : i32 to index
          %get3A_246 = arith.constant 0 : index
          %get3A_247 = tpu.vector_load %arg14[%get3A_245, %get3A_246] {strides = array<i32>} : memref<128x32xf32, #tpu.memory_space<vmem>>, vector<16xf32>,
          %get3A_248 = arith.index_cast %add3A_244 : i32 to index
          %get3A_249 = arith.constant 16 : index
          %get3A_250 = tpu.vector_load %arg14[%get3A_248, %get3A_249] {strides = array<i32>} : memref<128x32xf32, #tpu.memory_space<vmem>>, vector<16xf32>,
          %broadcast_in_dim3A_251 = vector.broadcast %scan3A_165 : i32 to vector<16xi32>
          %add3A_252 = arith.constant 4 : i32
          %add3A_253 = vector.broadcast %add3A_252 : i32 to vector<16xi32>
          %add3A_254 = arith.addi %mul3A_5, %add3A_253 : vector<16xi32>
          tpu.vector_store_idx %arg15[%broadcast_in_dim3A_251, %add3A_254], %get3A_247 : memref<8x544xf32, #tpu.memory_space<vmem>>[vector<16xi32>, vector<16xi32>], vector<16xf32>,
          %broadcast_in_dim3A_255 = vector.broadcast %scan3A_165 : i32 to vector<16xi32>
          %add3A_256 = arith.constant 276 : i32
          %add3A_257 = vector.broadcast %add3A_256 : i32 to vector<16xi32>
          %add3A_258 = arith.addi %mul3A_5, %add3A_257 : vector<16xi32>
          tpu.vector_store_idx %arg15[%broadcast_in_dim3A_255, %add3A_258], %get3A_250 : memref<8x544xf32, #tpu.memory_space<vmem>>[vector<16xi32>, vector<16xi32>], vector<16xf32>,
          %mul3A_259 = arith.constant 16 : i32
          %mul3A_260 = arith.muli %scan3A_165, %mul3A_259 : i32
          %add3A_261 = arith.constant 5 : i32
          %add3A_262 = arith.addi %mul3A_260, %add3A_261 : i32
          %get3A_263 = arith.index_cast %add3A_262 : i32 to index
          %get3A_264 = arith.constant 0 : index
          %get3A_265 = tpu.vector_load %arg14[%get3A_263, %get3A_264] {strides = array<i32>} : memref<128x32xf32, #tpu.memory_space<vmem>>, vector<16xf32>,
          %get3A_266 = arith.index_cast %add3A_262 : i32 to index
          %get3A_267 = arith.constant 16 : index
          %get3A_268 = tpu.vector_load %arg14[%get3A_266, %get3A_267] {strides = array<i32>} : memref<128x32xf32, #tpu.memory_space<vmem>>, vector<16xf32>,
          %broadcast_in_dim3A_269 = vector.broadcast %scan3A_165 : i32 to vector<16xi32>
          %add3A_270 = arith.constant 5 : i32
          %add3A_271 = vector.broadcast %add3A_270 : i32 to vector<16xi32>
          %add3A_272 = arith.addi %mul3A_5, %add3A_271 : vector<16xi32>
          tpu.vector_store_idx %arg15[%broadcast_in_dim3A_269, %add3A_272], %get3A_265 : memref<8x544xf32, #tpu.memory_space<vmem>>[vector<16xi32>, vector<16xi32>], vector<16xf32>,
          %broadcast_in_dim3A_273 = vector.broadcast %scan3A_165 : i32 to vector<16xi32>
          %add3A_274 = arith.constant 277 : i32
          %add3A_275 = vector.broadcast %add3A_274 : i32 to vector<16xi32>
          %add3A_276 = arith.addi %mul3A_5, %add3A_275 : vector<16xi32>
          tpu.vector_store_idx %arg15[%broadcast_in_dim3A_273, %add3A_276], %get3A_268 : memref<8x544xf32, #tpu.memory_space<vmem>>[vector<16xi32>, vector<16xi32>], vector<16xf32>,
          %mul3A_277 = arith.constant 16 : i32
          %mul3A_278 = arith.muli %scan3A_165, %mul3A_277 : i32
          %add3A_279 = arith.constant 6 : i32
          %add3A_280 = arith.addi %mul3A_278, %add3A_279 : i32
          %get3A_281 = arith.index_cast %add3A_280 : i32 to index
          %get3A_282 = arith.constant 0 : index
          %get3A_283 = tpu.vector_load %arg14[%get3A_281, %get3A_282] {strides = array<i32>} : memref<128x32xf32, #tpu.memory_space<vmem>>, vector<16xf32>,
          %get3A_284 = arith.index_cast %add3A_280 : i32 to index
          %get3A_285 = arith.constant 16 : index
          %get3A_286 = tpu.vector_load %arg14[%get3A_284, %get3A_285] {strides = array<i32>} : memref<128x32xf32, #tpu.memory_space<vmem>>, vector<16xf32>,
          %broadcast_in_dim3A_287 = vector.broadcast %scan3A_165 : i32 to vector<16xi32>
          %add3A_288 = arith.constant 6 : i32
          %add3A_289 = vector.broadcast %add3A_288 : i32 to vector<16xi32>
          %add3A_290 = arith.addi %mul3A_5, %add3A_289 : vector<16xi32>
          tpu.vector_store_idx %arg15[%broadcast_in_dim3A_287, %add3A_290], %get3A_283 : memref<8x544xf32, #tpu.memory_space<vmem>>[vector<16xi32>, vector<16xi32>], vector<16xf32>,
          %broadcast_in_dim3A_291 = vector.broadcast %scan3A_165 : i32 to vector<16xi32>
          %add3A_292 = arith.constant 278 : i32
          %add3A_293 = vector.broadcast %add3A_292 : i32 to vector<16xi32>
          %add3A_294 = arith.addi %mul3A_5, %add3A_293 : vector<16xi32>
          tpu.vector_store_idx %arg15[%broadcast_in_dim3A_291, %add3A_294], %get3A_286 : memref<8x544xf32, #tpu.memory_space<vmem>>[vector<16xi32>, vector<16xi32>], vector<16xf32>,
          %mul3A_295 = arith.constant 16 : i32
          %mul3A_296 = arith.muli %scan3A_165, %mul3A_295 : i32
          %add3A_297 = arith.constant 7 : i32
          %add3A_298 = arith.addi %mul3A_296, %add3A_297 : i32
          %get3A_299 = arith.index_cast %add3A_298 : i32 to index
          %get3A_300 = arith.constant 0 : index
          %get3A_301 = tpu.vector_load %arg14[%get3A_299, %get3A_300] {strides = array<i32>} : memref<128x32xf32, #tpu.memory_space<vmem>>, vector<16xf32>,
          %get3A_302 = arith.index_cast %add3A_298 : i32 to index
          %get3A_303 = arith.constant 16 : index
          %get3A_304 = tpu.vector_load %arg14[%get3A_302, %get3A_303] {strides = array<i32>} : memref<128x32xf32, #tpu.memory_space<vmem>>, vector<16xf32>,
          %broadcast_in_dim3A_305 = vector.broadcast %scan3A_165 : i32 to vector<16xi32>
          %add3A_306 = arith.constant 7 : i32
          %add3A_307 = vector.broadcast %add3A_306 : i32 to vector<16xi32>
          %add3A_308 = arith.addi %mul3A_5, %add3A_307 : vector<16xi32>
          tpu.vector_store_idx %arg15[%broadcast_in_dim3A_305, %add3A_308], %get3A_301 : memref<8x544xf32, #tpu.memory_space<vmem>>[vector<16xi32>, vector<16xi32>], vector<16xf32>,
          %broadcast_in_dim3A_309 = vector.broadcast %scan3A_165 : i32 to vector<16xi32>
          %add3A_310 = arith.constant 279 : i32
          %add3A_311 = vector.broadcast %add3A_310 : i32 to vector<16xi32>
          %add3A_312 = arith.addi %mul3A_5, %add3A_311 : vector<16xi32>
          tpu.vector_store_idx %arg15[%broadcast_in_dim3A_309, %add3A_312], %get3A_304 : memref<8x544xf32, #tpu.memory_space<vmem>>[vector<16xi32>, vector<16xi32>], vector<16xf32>,
          %mul3A_313 = arith.constant 16 : i32
          %mul3A_314 = arith.muli %scan3A_165, %mul3A_313 : i32
          %add3A_315 = arith.constant 8 : i32
          %add3A_316 = arith.addi %mul3A_314, %add3A_315 : i32
          %get3A_317 = arith.index_cast %add3A_316 : i32 to index
          %get3A_318 = arith.constant 0 : index
          %get3A_319 = tpu.vector_load %arg14[%get3A_317, %get3A_318] {strides = array<i32>} : memref<128x32xf32, #tpu.memory_space<vmem>>, vector<16xf32>,
          %get3A_320 = arith.index_cast %add3A_316 : i32 to index
          %get3A_321 = arith.constant 16 : index
          %get3A_322 = tpu.vector_load %arg14[%get3A_320, %get3A_321] {strides = array<i32>} : memref<128x32xf32, #tpu.memory_space<vmem>>, vector<16xf32>,
          %broadcast_in_dim3A_323 = vector.broadcast %scan3A_165 : i32 to vector<16xi32>
          %add3A_324 = arith.constant 8 : i32
          %add3A_325 = vector.broadcast %add3A_324 : i32 to vector<16xi32>
          %add3A_326 = arith.addi %mul3A_5, %add3A_325 : vector<16xi32>
          tpu.vector_store_idx %arg15[%broadcast_in_dim3A_323, %add3A_326], %get3A_319 : memref<8x544xf32, #tpu.memory_space<vmem>>[vector<16xi32>, vector<16xi32>], vector<16xf32>,
          %broadcast_in_dim3A_327 = vector.broadcast %scan3A_165 : i32 to vector<16xi32>
          %add3A_328 = arith.constant 280 : i32
          %add3A_329 = vector.broadcast %add3A_328 : i32 to vector<16xi32>
          %add3A_330 = arith.addi %mul3A_5, %add3A_329 : vector<16xi32>
          tpu.vector_store_idx %arg15[%broadcast_in_dim3A_327, %add3A_330], %get3A_322 : memref<8x544xf32, #tpu.memory_space<vmem>>[vector<16xi32>, vector<16xi32>], vector<16xf32>,
          %mul3A_331 = arith.constant 16 : i32
          %mul3A_332 = arith.muli %scan3A_165, %mul3A_331 : i32
          %add3A_333 = arith.constant 9 : i32
          %add3A_334 = arith.addi %mul3A_332, %add3A_333 : i32
          %get3A_335 = arith.index_cast %add3A_334 : i32 to index
          %get3A_336 = arith.constant 0 : index
          %get3A_337 = tpu.vector_load %arg14[%get3A_335, %get3A_336] {strides = array<i32>} : memref<128x32xf32, #tpu.memory_space<vmem>>, vector<16xf32>,
          %get3A_338 = arith.index_cast %add3A_334 : i32 to index
          %get3A_339 = arith.constant 16 : index
          %get3A_340 = tpu.vector_load %arg14[%get3A_338, %get3A_339] {strides = array<i32>} : memref<128x32xf32, #tpu.memory_space<vmem>>, vector<16xf32>,
          %broadcast_in_dim3A_341 = vector.broadcast %scan3A_165 : i32 to vector<16xi32>
          %add3A_342 = arith.constant 9 : i32
          %add3A_343 = vector.broadcast %add3A_342 : i32 to vector<16xi32>
          %add3A_344 = arith.addi %mul3A_5, %add3A_343 : vector<16xi32>
          tpu.vector_store_idx %arg15[%broadcast_in_dim3A_341, %add3A_344], %get3A_337 : memref<8x544xf32, #tpu.memory_space<vmem>>[vector<16xi32>, vector<16xi32>], vector<16xf32>,
          %broadcast_in_dim3A_345 = vector.broadcast %scan3A_165 : i32 to vector<16xi32>
          %add3A_346 = arith.constant 281 : i32
          %add3A_347 = vector.broadcast %add3A_346 : i32 to vector<16xi32>
          %add3A_348 = arith.addi %mul3A_5, %add3A_347 : vector<16xi32>
          tpu.vector_store_idx %arg15[%broadcast_in_dim3A_345, %add3A_348], %get3A_340 : memref<8x544xf32, #tpu.memory_space<vmem>>[vector<16xi32>, vector<16xi32>], vector<16xf32>,
          %mul3A_349 = arith.constant 16 : i32
          %mul3A_350 = arith.muli %scan3A_165, %mul3A_349 : i32
          %add3A_351 = arith.constant 10 : i32
          %add3A_352 = arith.addi %mul3A_350, %add3A_351 : i32
          %get3A_353 = arith.index_cast %add3A_352 : i32 to index
          %get3A_354 = arith.constant 0 : index
          %get3A_355 = tpu.vector_load %arg14[%get3A_353, %get3A_354] {strides = array<i32>} : memref<128x32xf32, #tpu.memory_space<vmem>>, vector<16xf32>,
          %get3A_356 = arith.index_cast %add3A_352 : i32 to index
          %get3A_357 = arith.constant 16 : index
          %get3A_358 = tpu.vector_load %arg14[%get3A_356, %get3A_357] {strides = array<i32>} : memref<128x32xf32, #tpu.memory_space<vmem>>, vector<16xf32>,
          %broadcast_in_dim3A_359 = vector.broadcast %scan3A_165 : i32 to vector<16xi32>
          %add3A_360 = arith.constant 10 : i32
          %add3A_361 = vector.broadcast %add3A_360 : i32 to vector<16xi32>
          %add3A_362 = arith.addi %mul3A_5, %add3A_361 : vector<16xi32>
          tpu.vector_store_idx %arg15[%broadcast_in_dim3A_359, %add3A_362], %get3A_355 : memref<8x544xf32, #tpu.memory_space<vmem>>[vector<16xi32>, vector<16xi32>], vector<16xf32>,
          %broadcast_in_dim3A_363 = vector.broadcast %scan3A_165 : i32 to vector<16xi32>
          %add3A_364 = arith.constant 282 : i32
          %add3A_365 = vector.broadcast %add3A_364 : i32 to vector<16xi32>
          %add3A_366 = arith.addi %mul3A_5, %add3A_365 : vector<16xi32>
          tpu.vector_store_idx %arg15[%broadcast_in_dim3A_363, %add3A_366], %get3A_358 : memref<8x544xf32, #tpu.memory_space<vmem>>[vector<16xi32>, vector<16xi32>], vector<16xf32>,
          %mul3A_367 = arith.constant 16 : i32
          %mul3A_368 = arith.muli %scan3A_165, %mul3A_367 : i32
          %add3A_369 = arith.constant 11 : i32
          %add3A_370 = arith.addi %mul3A_368, %add3A_369 : i32
          %get3A_371 = arith.index_cast %add3A_370 : i32 to index
          %get3A_372 = arith.constant 0 : index
          %get3A_373 = tpu.vector_load %arg14[%get3A_371, %get3A_372] {strides = array<i32>} : memref<128x32xf32, #tpu.memory_space<vmem>>, vector<16xf32>,
          %get3A_374 = arith.index_cast %add3A_370 : i32 to index
          %get3A_375 = arith.constant 16 : index
          %get3A_376 = tpu.vector_load %arg14[%get3A_374, %get3A_375] {strides = array<i32>} : memref<128x32xf32, #tpu.memory_space<vmem>>, vector<16xf32>,
          %broadcast_in_dim3A_377 = vector.broadcast %scan3A_165 : i32 to vector<16xi32>
          %add3A_378 = arith.constant 11 : i32
          %add3A_379 = vector.broadcast %add3A_378 : i32 to vector<16xi32>
          %add3A_380 = arith.addi %mul3A_5, %add3A_379 : vector<16xi32>
          tpu.vector_store_idx %arg15[%broadcast_in_dim3A_377, %add3A_380], %get3A_373 : memref<8x544xf32, #tpu.memory_space<vmem>>[vector<16xi32>, vector<16xi32>], vector<16xf32>,
          %broadcast_in_dim3A_381 = vector.broadcast %scan3A_165 : i32 to vector<16xi32>
          %add3A_382 = arith.constant 283 : i32
          %add3A_383 = vector.broadcast %add3A_382 : i32 to vector<16xi32>
          %add3A_384 = arith.addi %mul3A_5, %add3A_383 : vector<16xi32>
          tpu.vector_store_idx %arg15[%broadcast_in_dim3A_381, %add3A_384], %get3A_376 : memref<8x544xf32, #tpu.memory_space<vmem>>[vector<16xi32>, vector<16xi32>], vector<16xf32>,
          %mul3A_385 = arith.constant 16 : i32
          %mul3A_386 = arith.muli %scan3A_165, %mul3A_385 : i32
          %add3A_387 = arith.constant 12 : i32
          %add3A_388 = arith.addi %mul3A_386, %add3A_387 : i32
          %get3A_389 = arith.index_cast %add3A_388 : i32 to index
          %get3A_390 = arith.constant 0 : index
          %get3A_391 = tpu.vector_load %arg14[%get3A_389, %get3A_390] {strides = array<i32>} : memref<128x32xf32, #tpu.memory_space<vmem>>, vector<16xf32>,
          %get3A_392 = arith.index_cast %add3A_388 : i32 to index
          %get3A_393 = arith.constant 16 : index
          %get3A_394 = tpu.vector_load %arg14[%get3A_392, %get3A_393] {strides = array<i32>} : memref<128x32xf32, #tpu.memory_space<vmem>>, vector<16xf32>,
          %broadcast_in_dim3A_395 = vector.broadcast %scan3A_165 : i32 to vector<16xi32>
          %add3A_396 = arith.constant 12 : i32
          %add3A_397 = vector.broadcast %add3A_396 : i32 to vector<16xi32>
          %add3A_398 = arith.addi %mul3A_5, %add3A_397 : vector<16xi32>
          tpu.vector_store_idx %arg15[%broadcast_in_dim3A_395, %add3A_398], %get3A_391 : memref<8x544xf32, #tpu.memory_space<vmem>>[vector<16xi32>, vector<16xi32>], vector<16xf32>,
          %broadcast_in_dim3A_399 = vector.broadcast %scan3A_165 : i32 to vector<16xi32>
          %add3A_400 = arith.constant 284 : i32
          %add3A_401 = vector.broadcast %add3A_400 : i32 to vector<16xi32>
          %add3A_402 = arith.addi %mul3A_5, %add3A_401 : vector<16xi32>
          tpu.vector_store_idx %arg15[%broadcast_in_dim3A_399, %add3A_402], %get3A_394 : memref<8x544xf32, #tpu.memory_space<vmem>>[vector<16xi32>, vector<16xi32>], vector<16xf32>,
          %mul3A_403 = arith.constant 16 : i32
          %mul3A_404 = arith.muli %scan3A_165, %mul3A_403 : i32
          %add3A_405 = arith.constant 13 : i32
          %add3A_406 = arith.addi %mul3A_404, %add3A_405 : i32
          %get3A_407 = arith.index_cast %add3A_406 : i32 to index
          %get3A_408 = arith.constant 0 : index
          %get3A_409 = tpu.vector_load %arg14[%get3A_407, %get3A_408] {strides = array<i32>} : memref<128x32xf32, #tpu.memory_space<vmem>>, vector<16xf32>,
          %get3A_410 = arith.index_cast %add3A_406 : i32 to index
          %get3A_411 = arith.constant 16 : index
          %get3A_412 = tpu.vector_load %arg14[%get3A_410, %get3A_411] {strides = array<i32>} : memref<128x32xf32, #tpu.memory_space<vmem>>, vector<16xf32>,
          %broadcast_in_dim3A_413 = vector.broadcast %scan3A_165 : i32 to vector<16xi32>
          %add3A_414 = arith.constant 13 : i32
          %add3A_415 = vector.broadcast %add3A_414 : i32 to vector<16xi32>
          %add3A_416 = arith.addi %mul3A_5, %add3A_415 : vector<16xi32>
          tpu.vector_store_idx %arg15[%broadcast_in_dim3A_413, %add3A_416], %get3A_409 : memref<8x544xf32, #tpu.memory_space<vmem>>[vector<16xi32>, vector<16xi32>], vector<16xf32>,
          %broadcast_in_dim3A_417 = vector.broadcast %scan3A_165 : i32 to vector<16xi32>
          %add3A_418 = arith.constant 285 : i32
          %add3A_419 = vector.broadcast %add3A_418 : i32 to vector<16xi32>
          %add3A_420 = arith.addi %mul3A_5, %add3A_419 : vector<16xi32>
          tpu.vector_store_idx %arg15[%broadcast_in_dim3A_417, %add3A_420], %get3A_412 : memref<8x544xf32, #tpu.memory_space<vmem>>[vector<16xi32>, vector<16xi32>], vector<16xf32>,
          %mul3A_421 = arith.constant 16 : i32
          %mul3A_422 = arith.muli %scan3A_165, %mul3A_421 : i32
          %add3A_423 = arith.constant 14 : i32
          %add3A_424 = arith.addi %mul3A_422, %add3A_423 : i32
          %get3A_425 = arith.index_cast %add3A_424 : i32 to index
          %get3A_426 = arith.constant 0 : index
          %get3A_427 = tpu.vector_load %arg14[%get3A_425, %get3A_426] {strides = array<i32>} : memref<128x32xf32, #tpu.memory_space<vmem>>, vector<16xf32>,
          %get3A_428 = arith.index_cast %add3A_424 : i32 to index
          %get3A_429 = arith.constant 16 : index
          %get3A_430 = tpu.vector_load %arg14[%get3A_428, %get3A_429] {strides = array<i32>} : memref<128x32xf32, #tpu.memory_space<vmem>>, vector<16xf32>,
          %broadcast_in_dim3A_431 = vector.broadcast %scan3A_165 : i32 to vector<16xi32>
          %add3A_432 = arith.constant 14 : i32
          %add3A_433 = vector.broadcast %add3A_432 : i32 to vector<16xi32>
          %add3A_434 = arith.addi %mul3A_5, %add3A_433 : vector<16xi32>
          tpu.vector_store_idx %arg15[%broadcast_in_dim3A_431, %add3A_434], %get3A_427 : memref<8x544xf32, #tpu.memory_space<vmem>>[vector<16xi32>, vector<16xi32>], vector<16xf32>,
          %broadcast_in_dim3A_435 = vector.broadcast %scan3A_165 : i32 to vector<16xi32>
          %add3A_436 = arith.constant 286 : i32
          %add3A_437 = vector.broadcast %add3A_436 : i32 to vector<16xi32>
          %add3A_438 = arith.addi %mul3A_5, %add3A_437 : vector<16xi32>
          tpu.vector_store_idx %arg15[%broadcast_in_dim3A_435, %add3A_438], %get3A_430 : memref<8x544xf32, #tpu.memory_space<vmem>>[vector<16xi32>, vector<16xi32>], vector<16xf32>,
          %mul3A_439 = arith.constant 16 : i32
          %mul3A_440 = arith.muli %scan3A_165, %mul3A_439 : i32
          %add3A_441 = arith.constant 15 : i32
          %add3A_442 = arith.addi %mul3A_440, %add3A_441 : i32
          %get3A_443 = arith.index_cast %add3A_442 : i32 to index
          %get3A_444 = arith.constant 0 : index
          %get3A_445 = tpu.vector_load %arg14[%get3A_443, %get3A_444] {strides = array<i32>} : memref<128x32xf32, #tpu.memory_space<vmem>>, vector<16xf32>,
          %get3A_446 = arith.index_cast %add3A_442 : i32 to index
          %get3A_447 = arith.constant 16 : index
          %get3A_448 = tpu.vector_load %arg14[%get3A_446, %get3A_447] {strides = array<i32>} : memref<128x32xf32, #tpu.memory_space<vmem>>, vector<16xf32>,
          %broadcast_in_dim3A_449 = vector.broadcast %scan3A_165 : i32 to vector<16xi32>
          %add3A_450 = arith.constant 15 : i32
          %add3A_451 = vector.broadcast %add3A_450 : i32 to vector<16xi32>
          %add3A_452 = arith.addi %mul3A_5, %add3A_451 : vector<16xi32>
          tpu.vector_store_idx %arg15[%broadcast_in_dim3A_449, %add3A_452], %get3A_445 : memref<8x544xf32, #tpu.memory_space<vmem>>[vector<16xi32>, vector<16xi32>], vector<16xf32>,
          %broadcast_in_dim3A_453 = vector.broadcast %scan3A_165 : i32 to vector<16xi32>
          %add3A_454 = arith.constant 287 : i32
          %add3A_455 = vector.broadcast %add3A_454 : i32 to vector<16xi32>
          %add3A_456 = arith.addi %mul3A_5, %add3A_455 : vector<16xi32>
          tpu.vector_store_idx %arg15[%broadcast_in_dim3A_453, %add3A_456], %get3A_448 : memref<8x544xf32, #tpu.memory_space<vmem>>[vector<16xi32>, vector<16xi32>], vector<16xf32>,
          %get3A_457 = arith.index_cast %scan3A_165 : i32 to index
          %get3A_458 = arith.constant 0 : index
          %get3A_459 = tpu.vector_load %arg15[%get3A_457, %get3A_458] {strides = array<i32>} : memref<8x544xf32, #tpu.memory_space<vmem>>, vector<16xf32>,
          %get3A_460 = arith.index_cast %scan3A_165 : i32 to index
          %get3A_461 = arith.constant 17 : index
          %get3A_462 = tpu.vector_load %arg15[%get3A_460, %get3A_461] {strides = array<i32>} : memref<8x544xf32, #tpu.memory_space<vmem>>, vector<16xf32>,
          %get3A_463 = arith.index_cast %scan3A_165 : i32 to index
          %get3A_464 = arith.constant 34 : index
          %get3A_465 = tpu.vector_load %arg15[%get3A_463, %get3A_464] {strides = array<i32>} : memref<8x544xf32, #tpu.memory_space<vmem>>, vector<16xf32>,
          %get3A_466 = arith.index_cast %scan3A_165 : i32 to index
          %get3A_467 = arith.constant 51 : index
          %get3A_468 = tpu.vector_load %arg15[%get3A_466, %get3A_467] {strides = array<i32>} : memref<8x544xf32, #tpu.memory_space<vmem>>, vector<16xf32>,
          %get3A_469 = arith.index_cast %scan3A_165 : i32 to index
          %get3A_470 = arith.constant 68 : index
          %get3A_471 = tpu.vector_load %arg15[%get3A_469, %get3A_470] {strides = array<i32>} : memref<8x544xf32, #tpu.memory_space<vmem>>, vector<16xf32>,
          %get3A_472 = arith.index_cast %scan3A_165 : i32 to index
          %get3A_473 = arith.constant 85 : index
          %get3A_474 = tpu.vector_load %arg15[%get3A_472, %get3A_473] {strides = array<i32>} : memref<8x544xf32, #tpu.memory_space<vmem>>, vector<16xf32>,
          %get3A_475 = arith.index_cast %scan3A_165 : i32 to index
          %get3A_476 = arith.constant 102 : index
          %get3A_477 = tpu.vector_load %arg15[%get3A_475, %get3A_476] {strides = array<i32>} : memref<8x544xf32, #tpu.memory_space<vmem>>, vector<16xf32>,
          %get3A_478 = arith.index_cast %scan3A_165 : i32 to index
          %get3A_479 = arith.constant 119 : index
          %get3A_480 = tpu.vector_load %arg15[%get3A_478, %get3A_479] {strides = array<i32>} : memref<8x544xf32, #tpu.memory_space<vmem>>, vector<16xf32>,
          %get3A_481 = arith.index_cast %scan3A_165 : i32 to index
          %get3A_482 = arith.constant 136 : index
          %get3A_483 = tpu.vector_load %arg15[%get3A_481, %get3A_482] {strides = array<i32>} : memref<8x544xf32, #tpu.memory_space<vmem>>, vector<16xf32>,
          %get3A_484 = arith.index_cast %scan3A_165 : i32 to index
          %get3A_485 = arith.constant 153 : index
          %get3A_486 = tpu.vector_load %arg15[%get3A_484, %get3A_485] {strides = array<i32>} : memref<8x544xf32, #tpu.memory_space<vmem>>, vector<16xf32>,
          %get3A_487 = arith.index_cast %scan3A_165 : i32 to index
          %get3A_488 = arith.constant 170 : index
          %get3A_489 = tpu.vector_load %arg15[%get3A_487, %get3A_488] {strides = array<i32>} : memref<8x544xf32, #tpu.memory_space<vmem>>, vector<16xf32>,
          %get3A_490 = arith.index_cast %scan3A_165 : i32 to index
          %get3A_491 = arith.constant 187 : index
          %get3A_492 = tpu.vector_load %arg15[%get3A_490, %get3A_491] {strides = array<i32>} : memref<8x544xf32, #tpu.memory_space<vmem>>, vector<16xf32>,
          %get3A_493 = arith.index_cast %scan3A_165 : i32 to index
          %get3A_494 = arith.constant 204 : index
          %get3A_495 = tpu.vector_load %arg15[%get3A_493, %get3A_494] {strides = array<i32>} : memref<8x544xf32, #tpu.memory_space<vmem>>, vector<16xf32>,
          %get3A_496 = arith.index_cast %scan3A_165 : i32 to index
          %get3A_497 = arith.constant 221 : index
          %get3A_498 = tpu.vector_load %arg15[%get3A_496, %get3A_497] {strides = array<i32>} : memref<8x544xf32, #tpu.memory_space<vmem>>, vector<16xf32>,
          %get3A_499 = arith.index_cast %scan3A_165 : i32 to index
          %get3A_500 = arith.constant 238 : index
          %get3A_501 = tpu.vector_load %arg15[%get3A_499, %get3A_500] {strides = array<i32>} : memref<8x544xf32, #tpu.memory_space<vmem>>, vector<16xf32>,
          %get3A_502 = arith.index_cast %scan3A_165 : i32 to index
          %get3A_503 = arith.constant 255 : index
          %get3A_504 = tpu.vector_load %arg15[%get3A_502, %get3A_503] {strides = array<i32>} : memref<8x544xf32, #tpu.memory_space<vmem>>, vector<16xf32>,
          %get3A_505 = arith.index_cast %scan3A_165 : i32 to index
          %get3A_506 = arith.constant 272 : index
          %get3A_507 = tpu.vector_load %arg15[%get3A_505, %get3A_506] {strides = array<i32>} : memref<8x544xf32, #tpu.memory_space<vmem>>, vector<16xf32>,
          %get3A_508 = arith.index_cast %scan3A_165 : i32 to index
          %get3A_509 = arith.constant 289 : index
          %get3A_510 = tpu.vector_load %arg15[%get3A_508, %get3A_509] {strides = array<i32>} : memref<8x544xf32, #tpu.memory_space<vmem>>, vector<16xf32>,
          %get3A_511 = arith.index_cast %scan3A_165 : i32 to index
          %get3A_512 = arith.constant 306 : index
          %get3A_513 = tpu.vector_load %arg15[%get3A_511, %get3A_512] {strides = array<i32>} : memref<8x544xf32, #tpu.memory_space<vmem>>, vector<16xf32>,
          %get3A_514 = arith.index_cast %scan3A_165 : i32 to index
          %get3A_515 = arith.constant 323 : index
          %get3A_516 = tpu.vector_load %arg15[%get3A_514, %get3A_515] {strides = array<i32>} : memref<8x544xf32, #tpu.memory_space<vmem>>, vector<16xf32>,
          %get3A_517 = arith.index_cast %scan3A_165 : i32 to index
          %get3A_518 = arith.constant 340 : index
          %get3A_519 = tpu.vector_load %arg15[%get3A_517, %get3A_518] {strides = array<i32>} : memref<8x544xf32, #tpu.memory_space<vmem>>, vector<16xf32>,
          %get3A_520 = arith.index_cast %scan3A_165 : i32 to index
          %get3A_521 = arith.constant 357 : index
          %get3A_522 = tpu.vector_load %arg15[%get3A_520, %get3A_521] {strides = array<i32>} : memref<8x544xf32, #tpu.memory_space<vmem>>, vector<16xf32>,
          %get3A_523 = arith.index_cast %scan3A_165 : i32 to index
          %get3A_524 = arith.constant 374 : index
          %get3A_525 = tpu.vector_load %arg15[%get3A_523, %get3A_524] {strides = array<i32>} : memref<8x544xf32, #tpu.memory_space<vmem>>, vector<16xf32>,
          %get3A_526 = arith.index_cast %scan3A_165 : i32 to index
          %get3A_527 = arith.constant 391 : index
          %get3A_528 = tpu.vector_load %arg15[%get3A_526, %get3A_527] {strides = array<i32>} : memref<8x544xf32, #tpu.memory_space<vmem>>, vector<16xf32>,
          %get3A_529 = arith.index_cast %scan3A_165 : i32 to index
          %get3A_530 = arith.constant 408 : index
          %get3A_531 = tpu.vector_load %arg15[%get3A_529, %get3A_530] {strides = array<i32>} : memref<8x544xf32, #tpu.memory_space<vmem>>, vector<16xf32>,
          %get3A_532 = arith.index_cast %scan3A_165 : i32 to index
          %get3A_533 = arith.constant 425 : index
          %get3A_534 = tpu.vector_load %arg15[%get3A_532, %get3A_533] {strides = array<i32>} : memref<8x544xf32, #tpu.memory_space<vmem>>, vector<16xf32>,
          %get3A_535 = arith.index_cast %scan3A_165 : i32 to index
          %get3A_536 = arith.constant 442 : index
          %get3A_537 = tpu.vector_load %arg15[%get3A_535, %get3A_536] {strides = array<i32>} : memref<8x544xf32, #tpu.memory_space<vmem>>, vector<16xf32>,
          %get3A_538 = arith.index_cast %scan3A_165 : i32 to index
          %get3A_539 = arith.constant 459 : index
          %get3A_540 = tpu.vector_load %arg15[%get3A_538, %get3A_539] {strides = array<i32>} : memref<8x544xf32, #tpu.memory_space<vmem>>, vector<16xf32>,
          %get3A_541 = arith.index_cast %scan3A_165 : i32 to index
          %get3A_542 = arith.constant 476 : index
          %get3A_543 = tpu.vector_load %arg15[%get3A_541, %get3A_542] {strides = array<i32>} : memref<8x544xf32, #tpu.memory_space<vmem>>, vector<16xf32>,
          %get3A_544 = arith.index_cast %scan3A_165 : i32 to index
          %get3A_545 = arith.constant 493 : index
          %get3A_546 = tpu.vector_load %arg15[%get3A_544, %get3A_545] {strides = array<i32>} : memref<8x544xf32, #tpu.memory_space<vmem>>, vector<16xf32>,
          %get3A_547 = arith.index_cast %scan3A_165 : i32 to index
          %get3A_548 = arith.constant 510 : index
          %get3A_549 = tpu.vector_load %arg15[%get3A_547, %get3A_548] {strides = array<i32>} : memref<8x544xf32, #tpu.memory_space<vmem>>, vector<16xf32>,
          %get3A_550 = arith.index_cast %scan3A_165 : i32 to index
          %get3A_551 = arith.constant 527 : index
          %get3A_552 = tpu.vector_load %arg15[%get3A_550, %get3A_551] {strides = array<i32>} : memref<8x544xf32, #tpu.memory_space<vmem>>, vector<16xf32>,
          %get3A_553 = arith.index_cast %add3A_170 : i32 to index
          %get3A_554 = tpu.vector_load %arg8[%get3A_553] {strides = array<i32>} : memref<4096xf32, #tpu.memory_space<vmem>>, vector<16xf32>,
          %get3A_555 = arith.index_cast %add3A_170 : i32 to index
          %get3A_556 = tpu.vector_load %arg9[%get3A_555] {strides = array<i32>} : memref<4096xf32, #tpu.memory_space<vmem>>, vector<16xf32>,
          %mul3A_557 = arith.mulf %get3A_468, %get3A_556 : vector<16xf32>
          %add3A_558 = arith.addf %mul3A_557, %get3A_465 : vector<16xf32>
          %mul3A_559 = arith.mulf %add3A_558, %get3A_556 : vector<16xf32>
          %add3A_560 = arith.addf %mul3A_559, %get3A_462 : vector<16xf32>
          %mul3A_561 = arith.mulf %add3A_560, %get3A_556 : vector<16xf32>
          %add3A_562 = arith.addf %mul3A_561, %get3A_459 : vector<16xf32>
          %mul3A_563 = arith.mulf %get3A_480, %get3A_556 : vector<16xf32>
          %add3A_564 = arith.addf %mul3A_563, %get3A_477 : vector<16xf32>
          %mul3A_565 = arith.mulf %add3A_564, %get3A_556 : vector<16xf32>
          %add3A_566 = arith.addf %mul3A_565, %get3A_474 : vector<16xf32>
          %mul3A_567 = arith.mulf %add3A_566, %get3A_556 : vector<16xf32>
          %add3A_568 = arith.addf %mul3A_567, %get3A_471 : vector<16xf32>
          %mul3A_569 = arith.mulf %get3A_492, %get3A_556 : vector<16xf32>
          %add3A_570 = arith.addf %mul3A_569, %get3A_489 : vector<16xf32>
          %mul3A_571 = arith.mulf %add3A_570, %get3A_556 : vector<16xf32>
          %add3A_572 = arith.addf %mul3A_571, %get3A_486 : vector<16xf32>
          %mul3A_573 = arith.mulf %add3A_572, %get3A_556 : vector<16xf32>
          %add3A_574 = arith.addf %mul3A_573, %get3A_483 : vector<16xf32>
          %mul3A_575 = arith.mulf %get3A_504, %get3A_556 : vector<16xf32>
          %add3A_576 = arith.addf %mul3A_575, %get3A_501 : vector<16xf32>
          %mul3A_577 = arith.mulf %add3A_576, %get3A_556 : vector<16xf32>
          %add3A_578 = arith.addf %mul3A_577, %get3A_498 : vector<16xf32>
          %mul3A_579 = arith.mulf %add3A_578, %get3A_556 : vector<16xf32>
          %add3A_580 = arith.addf %mul3A_579, %get3A_495 : vector<16xf32>
          %mul3A_581 = arith.mulf %add3A_580, %get3A_554 : vector<16xf32>
          %add3A_582 = arith.addf %mul3A_581, %add3A_574 : vector<16xf32>
          %mul3A_583 = arith.mulf %add3A_582, %get3A_554 : vector<16xf32>
          %add3A_584 = arith.addf %mul3A_583, %add3A_568 : vector<16xf32>
          %mul3A_585 = arith.mulf %add3A_584, %get3A_554 : vector<16xf32>
          %add3A_586 = arith.addf %mul3A_585, %add3A_562 : vector<16xf32>
          %mul3A_587 = arith.mulf %get3A_516, %get3A_556 : vector<16xf32>
          %add3A_588 = arith.addf %mul3A_587, %get3A_513 : vector<16xf32>
          %mul3A_589 = arith.mulf %add3A_588, %get3A_556 : vector<16xf32>
          %add3A_590 = arith.addf %mul3A_589, %get3A_510 : vector<16xf32>
          %mul3A_591 = arith.mulf %add3A_590, %get3A_556 : vector<16xf32>
          %add3A_592 = arith.addf %mul3A_591, %get3A_507 : vector<16xf32>
          %mul3A_593 = arith.mulf %get3A_528, %get3A_556 : vector<16xf32>
          %add3A_594 = arith.addf %mul3A_593, %get3A_525 : vector<16xf32>
          %mul3A_595 = arith.mulf %add3A_594, %get3A_556 : vector<16xf32>
          %add3A_596 = arith.addf %mul3A_595, %get3A_522 : vector<16xf32>
          %mul3A_597 = arith.mulf %add3A_596, %get3A_556 : vector<16xf32>
          %add3A_598 = arith.addf %mul3A_597, %get3A_519 : vector<16xf32>
          %mul3A_599 = arith.mulf %get3A_540, %get3A_556 : vector<16xf32>
          %add3A_600 = arith.addf %mul3A_599, %get3A_537 : vector<16xf32>
          %mul3A_601 = arith.mulf %add3A_600, %get3A_556 : vector<16xf32>
          %add3A_602 = arith.addf %mul3A_601, %get3A_534 : vector<16xf32>
          %mul3A_603 = arith.mulf %add3A_602, %get3A_556 : vector<16xf32>
          %add3A_604 = arith.addf %mul3A_603, %get3A_531 : vector<16xf32>
          %mul3A_605 = arith.mulf %get3A_552, %get3A_556 : vector<16xf32>
          %add3A_606 = arith.addf %mul3A_605, %get3A_549 : vector<16xf32>
          %mul3A_607 = arith.mulf %add3A_606, %get3A_556 : vector<16xf32>
          %add3A_608 = arith.addf %mul3A_607, %get3A_546 : vector<16xf32>
          %mul3A_609 = arith.mulf %add3A_608, %get3A_556 : vector<16xf32>
          %add3A_610 = arith.addf %mul3A_609, %get3A_543 : vector<16xf32>
          %mul3A_611 = arith.mulf %add3A_610, %get3A_554 : vector<16xf32>
          %add3A_612 = arith.addf %mul3A_611, %add3A_604 : vector<16xf32>
          %mul3A_613 = arith.mulf %add3A_612, %get3A_554 : vector<16xf32>
          %add3A_614 = arith.addf %mul3A_613, %add3A_598 : vector<16xf32>
          %mul3A_615 = arith.mulf %add3A_614, %get3A_554 : vector<16xf32>
          %add3A_616 = arith.addf %mul3A_615, %add3A_592 : vector<16xf32>
          %div3A_617 = arith.constant 128 : i32
          %div3A_618 = arith.divsi %add3A_170, %div3A_617 : i32
          %rem3A_619 = arith.constant 128 : i32
          %rem3A_620 = arith.remsi %add3A_170, %rem3A_619 : i32
          %get3A_621 = arith.constant 0 : i32
          %get3A_622 = arith.index_cast %div3A_618 : i32 to index
          %get3A_623 = arith.index_cast %get3A_621 : i32 to index
          %get3A_624 = arith.index_cast %rem3A_620 : i32 to index
          %get3A_625 = tpu.vector_load %arg7[%get3A_622, %get3A_623, %get3A_624] {strides = array<i32>} : memref<32x2x128xf32, #tpu.memory_space<vmem>>, vector<16xf32>,
          %sub3A_626 = arith.subf %add3A_586, %get3A_625 : vector<16xf32>
          %div3A_627 = arith.constant 3.000000e-03 : f32
          %div3A_628 = vector.broadcast %div3A_627 : f32 to vector<16xf32>
          %div3A_629 = arith.divf %sub3A_626, %div3A_628 : vector<16xf32>
          %get3A_630 = arith.constant 1 : i32
          %get3A_631 = arith.index_cast %div3A_618 : i32 to index
          %get3A_632 = arith.index_cast %get3A_630 : i32 to index
          %get3A_633 = arith.index_cast %rem3A_620 : i32 to index
          %get3A_634 = tpu.vector_load %arg7[%get3A_631, %get3A_632, %get3A_633] {strides = array<i32>} : memref<32x2x128xf32, #tpu.memory_space<vmem>>, vector<16xf32>,
          %sub3A_635 = arith.subf %add3A_616, %get3A_634 : vector<16xf32>
          %div3A_636 = arith.constant 3.000000e-03 : f32
          %div3A_637 = vector.broadcast %div3A_636 : f32 to vector<16xf32>
          %div3A_638 = arith.divf %sub3A_635, %div3A_637 : vector<16xf32>
          %mul3A_639 = arith.mulf %div3A_629, %div3A_629 : vector<16xf32>
          %mul3A_640 = arith.mulf %div3A_638, %div3A_638 : vector<16xf32>
          %add3A_641 = arith.addf %mul3A_639, %mul3A_640 : vector<16xf32>
          %mul3A_642 = arith.constant -5.000000e-01 : f32
          %mul3A_643 = vector.broadcast %mul3A_642 : f32 to vector<16xf32>
          %mul3A_644 = arith.mulf %mul3A_643, %add3A_641 : vector<16xf32>
          %exp3A = math.exp %mul3A_644 : vector<16xf32>
          %mul3A_645 = arith.constant 53.0516472 : f32
          %mul3A_646 = vector.broadcast %mul3A_645 : f32 to vector<16xf32>
          %mul3A_647 = arith.mulf %mul3A_646, %exp3A : vector<16xf32>
          %swap3A = arith.index_cast %add3A_170 : i32 to index
          %swap3A_648 = tpu.vector_load %arg16[%swap3A] {strides = array<i32>} : memref<4096xf32, #tpu.memory_space<vmem>>, vector<16xf32>,
          tpu.vector_store %arg16[%swap3A], %mul3A_647 {strides = array<i32>} : memref<4096xf32, #tpu.memory_space<vmem>>, vector<16xf32>,
        }
        %scan3A_157 = arith.constant 8 : i32
        %add3A_158 = arith.constant 4 : i32
        %add3A_159 = arith.addi %add3A_145, %add3A_158 : i32
        %lt3A_160 = arith.constant 32 : i32
        %lt3A_161 = arith.cmpi slt, %add3A_159, %lt3A_160 : i32
        %convert_element_type3A_162 = arith.extui %lt3A_161 : i1 to i32
        %cond3A_163 = arith.constant 0 : i32
        %cond3A_164 = arith.cmpi ne, %convert_element_type3A_162, %cond3A_163 : i32
        scf.if %cond3A_164 {
          %add3A_165 = arith.constant 4 : i32
          %add3A_166 = arith.addi %add3A_145, %add3A_165 : i32
          %mul3A_167 = arith.constant 128 : i32
          %mul3A_168 = arith.muli %add3A_166, %mul3A_167 : i32
          %dma_start3A_169 = tpu.memref_slice %arg10[%mul3A_168] : memref<4096xi32, #tpu.memory_space<vmem>> -> memref<128xi32, #tpu.memory_space<vmem>>
          %dma_start3A_170 = arith.constant 0 : i32
          %dma_start3A_171 = arith.constant 0 : i32
          %dma_start3A_172 = tpu.memref_slice %arg4[%dma_start3A_170, %dma_start3A_171] : memref<1048576x32xf32, #tpu.memory_space<hbm>> -> memref<1048576x32xf32, #tpu.memory_space<hbm>>
          tpu.enqueue_indirect_dma source(%dma_start3A_172 : memref<1048576x32xf32, #tpu.memory_space<hbm>>) target(%arg14 : memref<128x32xf32, #tpu.memory_space<vmem>>) offsets(%dma_start3A_169 : memref<128xi32, #tpu.memory_space<vmem>>) semaphore(%arg20 : memref<!tpu.dma_semaphore, #tpu.memory_space<semaphore_mem>>)
        } else {
        }
      }
      %scan3A_81 = arith.constant 8 : i32
      "tpu.region"() ({
        %run_scoped3A = tpu.sem_alloc : memref<!tpu.dma_semaphore, #tpu.memory_space<semaphore_mem>>
        %dma_start3A_82 = tpu.memref_slice %arg5[%add3A_14] : memref<1048576xf32, #tpu.memory_space<hbm>> -> memref<4096xf32, #tpu.memory_space<hbm>>
        %dma_start3A_83 = tpu.memref_slice %arg5[%add3A_14] : memref<1048576xf32, #tpu.memory_space<hbm>> -> memref<4096xf32, #tpu.memory_space<hbm>>
        tpu.enqueue_dma source(%arg16 : memref<4096xf32, #tpu.memory_space<vmem>>) target(%dma_start3A_83 : memref<4096xf32, #tpu.memory_space<hbm>>) target_semaphore(%run_scoped3A : memref<!tpu.dma_semaphore, #tpu.memory_space<semaphore_mem>>)
        %dma_wait3A = tpu.memref_slice %arg5[%add3A_14] : memref<1048576xf32, #tpu.memory_space<hbm>> -> memref<4096xf32, #tpu.memory_space<hbm>>
        %dma_wait3A_84 = tpu.memref_slice %arg5[%add3A_14] : memref<1048576xf32, #tpu.memory_space<hbm>> -> memref<4096xf32, #tpu.memory_space<hbm>>
        tpu.wait_dma2 semaphore(%run_scoped3A : memref<!tpu.dma_semaphore, #tpu.memory_space<semaphore_mem>>) src(%arg16 : memref<4096xf32, #tpu.memory_space<vmem>>) dst(%dma_wait3A_84 : memref<4096xf32, #tpu.memory_space<hbm>>)
        tpu.yield
      }) : () -> ()
    }
    %scan3A_10 = arith.constant 8 : i32
    return
  }
}

#map = affine_map<(d0, d1) -> (0, 0, 0, 0, 0, 0)>
#map1 = affine_map<(d0, d1) -> (0, 0)>
module attributes {stable_mosaic.version = 14 : i64} {
  func.func @relayout(%arg0: i32, %arg1: i32, %arg2: memref<1024x2x4x8x4x128xf32, #tpu.memory_space<hbm>>, %arg3: memref<1048576x32xf32, #tpu.memory_space<hbm>>, %arg4: memref<2x4x4x4x128xf32, #tpu.memory_space<vmem>>, %arg5: memref<2x4x4x4x128xf32, #tpu.memory_space<vmem>>, %arg6: memref<512x33xf32, #tpu.memory_space<vmem>>, %arg7: memref<512x33xf32, #tpu.memory_space<vmem>>, %arg8: memref<!tpu.dma_semaphore, #tpu.memory_space<semaphore_mem>>, %arg9: memref<!tpu.dma_semaphore, #tpu.memory_space<semaphore_mem>>, %arg10: memref<!tpu.dma_semaphore, #tpu.memory_space<semaphore_mem>>, %arg11: memref<!tpu.dma_semaphore, #tpu.memory_space<semaphore_mem>>) attributes {dimension_semantics = [#tpu.dimension_semantics<core_parallel>, #tpu.dimension_semantics<subcore_parallel>], iteration_bounds = array<i64: 2, 16>, scalar_prefetch = 0 : i64, scratch_operands = 8 : i64, tpu.core_type = #tpu.core_type<sc_vector_subcore>, window_params = [{transform_indices = #map}, {transform_indices = #map1}]} {
    %mul3A = arith.constant 16 : i32
    %mul3A_0 = arith.muli %arg0, %mul3A : i32
    %add3A = arith.addi %mul3A_0, %arg1 : i32
    %mul3A_1 = arith.constant 32 : i32
    %mul3A_2 = arith.muli %add3A, %mul3A_1 : i32
    %iota3A = tpu.iota {dimensions = array<i32: 0>} : vector<16xi32>
    %div3A = arith.constant 0 : i32
    %div3A_3 = arith.constant 2 : i32
    %div3A_4 = arith.divsi %div3A, %div3A_3 : i32
    %add3A_5 = arith.addi %mul3A_2, %div3A_4 : i32
    %rem3A = arith.constant 0 : i32
    %rem3A_6 = arith.constant 2 : i32
    %rem3A_7 = arith.remsi %rem3A, %rem3A_6 : i32
    %mul3A_8 = arith.constant 4 : i32
    %mul3A_9 = arith.muli %rem3A_7, %mul3A_8 : i32
    %dma_start3A = arith.constant 0 : i32
    %dma_start3A_10 = arith.constant 0 : i32
    %dma_start3A_11 = arith.constant 0 : i32
    %dma_start3A_12 = arith.constant 0 : i32
    %dma_start3A_13 = tpu.memref_slice %arg2[%add3A_5, %dma_start3A, %dma_start3A_10, %mul3A_9, %dma_start3A_11, %dma_start3A_12] : memref<1024x2x4x8x4x128xf32, #tpu.memory_space<hbm>> -> memref<1x2x4x4x4x128xf32, #tpu.memory_space<hbm>>
    %dma_start3A_14 = tpu.memref_squeeze %dma_start3A_13 : memref<1x2x4x4x4x128xf32, #tpu.memory_space<hbm>> -> memref<2x4x4x4x128xf32, #tpu.memory_space<hbm>>
    %dma_start3A_15 = arith.constant 0 : i32
    %dma_start3A_16 = arith.constant 0 : i32
    %dma_start3A_17 = arith.constant 0 : i32
    %dma_start3A_18 = arith.constant 0 : i32
    %dma_start3A_19 = tpu.memref_slice %arg2[%add3A_5, %dma_start3A_15, %dma_start3A_16, %mul3A_9, %dma_start3A_17, %dma_start3A_18] : memref<1024x2x4x8x4x128xf32, #tpu.memory_space<hbm>> -> memref<1x2x4x4x4x128xf32, #tpu.memory_space<hbm>>
    %dma_start3A_20 = tpu.memref_squeeze %dma_start3A_19 : memref<1x2x4x4x4x128xf32, #tpu.memory_space<hbm>> -> memref<2x4x4x4x128xf32, #tpu.memory_space<hbm>>
    tpu.enqueue_dma source(%dma_start3A_20 : memref<2x4x4x4x128xf32, #tpu.memory_space<hbm>>) target(%arg4 : memref<2x4x4x4x128xf32, #tpu.memory_space<vmem>>) target_semaphore(%arg8 : memref<!tpu.dma_semaphore, #tpu.memory_space<semaphore_mem>>)
    %div3A_21 = arith.constant 1 : i32
    %div3A_22 = arith.constant 2 : i32
    %div3A_23 = arith.divsi %div3A_21, %div3A_22 : i32
    %add3A_24 = arith.addi %mul3A_2, %div3A_23 : i32
    %rem3A_25 = arith.constant 1 : i32
    %rem3A_26 = arith.constant 2 : i32
    %rem3A_27 = arith.remsi %rem3A_25, %rem3A_26 : i32
    %mul3A_28 = arith.constant 4 : i32
    %mul3A_29 = arith.muli %rem3A_27, %mul3A_28 : i32
    %dma_start3A_30 = arith.constant 0 : i32
    %dma_start3A_31 = arith.constant 0 : i32
    %dma_start3A_32 = arith.constant 0 : i32
    %dma_start3A_33 = arith.constant 0 : i32
    %dma_start3A_34 = tpu.memref_slice %arg2[%add3A_24, %dma_start3A_30, %dma_start3A_31, %mul3A_29, %dma_start3A_32, %dma_start3A_33] : memref<1024x2x4x8x4x128xf32, #tpu.memory_space<hbm>> -> memref<1x2x4x4x4x128xf32, #tpu.memory_space<hbm>>
    %dma_start3A_35 = tpu.memref_squeeze %dma_start3A_34 : memref<1x2x4x4x4x128xf32, #tpu.memory_space<hbm>> -> memref<2x4x4x4x128xf32, #tpu.memory_space<hbm>>
    %dma_start3A_36 = arith.constant 0 : i32
    %dma_start3A_37 = arith.constant 0 : i32
    %dma_start3A_38 = arith.constant 0 : i32
    %dma_start3A_39 = arith.constant 0 : i32
    %dma_start3A_40 = tpu.memref_slice %arg2[%add3A_24, %dma_start3A_36, %dma_start3A_37, %mul3A_29, %dma_start3A_38, %dma_start3A_39] : memref<1024x2x4x8x4x128xf32, #tpu.memory_space<hbm>> -> memref<1x2x4x4x4x128xf32, #tpu.memory_space<hbm>>
    %dma_start3A_41 = tpu.memref_squeeze %dma_start3A_40 : memref<1x2x4x4x4x128xf32, #tpu.memory_space<hbm>> -> memref<2x4x4x4x128xf32, #tpu.memory_space<hbm>>
    tpu.enqueue_dma source(%dma_start3A_41 : memref<2x4x4x4x128xf32, #tpu.memory_space<hbm>>) target(%arg5 : memref<2x4x4x4x128xf32, #tpu.memory_space<vmem>>) target_semaphore(%arg9 : memref<!tpu.dma_semaphore, #tpu.memory_space<semaphore_mem>>)
    %scan3A = arith.constant 0 : i32
    %scan3A_42 = arith.constant 0 : i32
    %scan3A_43 = arith.constant 32 : i32
    %scan3A_44 = arith.addi %scan3A_42, %scan3A_43 : i32
    %scan3A_45 = arith.constant 1 : i32
    scf.for %scan3A_90 = %scan3A_42 to %scan3A_44 step %scan3A_45  : i32 {
      %mul3A_91 = arith.constant 2 : i32
      %mul3A_92 = arith.muli %scan3A_90, %mul3A_91 : i32
      %add3A_93 = arith.constant 0 : i32
      %add3A_94 = arith.addi %mul3A_92, %add3A_93 : i32
      %dma_wait3A_95 = arith.constant 0 : i32
      %dma_wait3A_96 = arith.constant 0 : i32
      %dma_wait3A_97 = arith.constant 0 : i32
      %dma_wait3A_98 = arith.constant 0 : i32
      %dma_wait3A_99 = arith.constant 0 : i32
      %dma_wait3A_100 = tpu.memref_slice %arg2[%mul3A_2, %dma_wait3A_95, %dma_wait3A_96, %dma_wait3A_97, %dma_wait3A_98, %dma_wait3A_99] : memref<1024x2x4x8x4x128xf32, #tpu.memory_space<hbm>> -> memref<1x2x4x4x4x128xf32, #tpu.memory_space<hbm>>
      %dma_wait3A_101 = tpu.memref_squeeze %dma_wait3A_100 : memref<1x2x4x4x4x128xf32, #tpu.memory_space<hbm>> -> memref<2x4x4x4x128xf32, #tpu.memory_space<hbm>>
      %dma_wait3A_102 = arith.constant 0 : i32
      %dma_wait3A_103 = arith.constant 0 : i32
      %dma_wait3A_104 = arith.constant 0 : i32
      %dma_wait3A_105 = arith.constant 0 : i32
      %dma_wait3A_106 = arith.constant 0 : i32
      %dma_wait3A_107 = tpu.memref_slice %arg2[%mul3A_2, %dma_wait3A_102, %dma_wait3A_103, %dma_wait3A_104, %dma_wait3A_105, %dma_wait3A_106] : memref<1024x2x4x8x4x128xf32, #tpu.memory_space<hbm>> -> memref<1x2x4x4x4x128xf32, #tpu.memory_space<hbm>>
      %dma_wait3A_108 = tpu.memref_squeeze %dma_wait3A_107 : memref<1x2x4x4x4x128xf32, #tpu.memory_space<hbm>> -> memref<2x4x4x4x128xf32, #tpu.memory_space<hbm>>
      tpu.wait_dma2 semaphore(%arg8 : memref<!tpu.dma_semaphore, #tpu.memory_space<semaphore_mem>>) src(%dma_wait3A_108 : memref<2x4x4x4x128xf32, #tpu.memory_space<hbm>>) dst(%arg4 : memref<2x4x4x4x128xf32, #tpu.memory_space<vmem>>)
      %ge3A = arith.constant 2 : i32
      %ge3A_109 = arith.cmpi sge, %add3A_94, %ge3A : i32
      %convert_element_type3A = arith.extui %ge3A_109 : i1 to i32
      %cond3A = arith.constant 0 : i32
      %cond3A_110 = arith.cmpi ne, %convert_element_type3A, %cond3A : i32
      scf.if %cond3A_110 {
        %div3A_199 = arith.constant 2 : i32
        %div3A_200 = arith.divsi %add3A_94, %div3A_199 : i32
        %add3A_201 = arith.addi %mul3A_2, %div3A_200 : i32
        %rem3A_202 = arith.constant 2 : i32
        %rem3A_203 = arith.remsi %add3A_94, %rem3A_202 : i32
        %mul3A_204 = arith.constant 1024 : i32
        %mul3A_205 = arith.muli %add3A_201, %mul3A_204 : i32
        %mul3A_206 = arith.constant 512 : i32
        %mul3A_207 = arith.muli %rem3A_203, %mul3A_206 : i32
        %add3A_208 = arith.addi %mul3A_205, %mul3A_207 : i32
        %dma_wait3A_209 = arith.constant 0 : i32
        %dma_wait3A_210 = arith.constant 0 : i32
        %dma_wait3A_211 = tpu.memref_slice %arg6[%dma_wait3A_209, %dma_wait3A_210] : memref<512x33xf32, #tpu.memory_space<vmem>> -> memref<512x32xf32, #tpu.memory_space<vmem>>
        %dma_wait3A_212 = arith.constant 0 : i32
        %dma_wait3A_213 = tpu.memref_slice %arg3[%add3A_208, %dma_wait3A_212] : memref<1048576x32xf32, #tpu.memory_space<hbm>> -> memref<512x32xf32, #tpu.memory_space<hbm>>
        %dma_wait3A_214 = arith.constant 0 : i32
        %dma_wait3A_215 = tpu.memref_slice %arg3[%add3A_208, %dma_wait3A_214] : memref<1048576x32xf32, #tpu.memory_space<hbm>> -> memref<512x32xf32, #tpu.memory_space<hbm>>
        %dma_wait3A_216 = arith.constant 0 : i32
        %dma_wait3A_217 = arith.constant 0 : i32
        %dma_wait3A_218 = tpu.memref_slice %arg6[%dma_wait3A_216, %dma_wait3A_217] : memref<512x33xf32, #tpu.memory_space<vmem>> -> memref<512x32xf32, #tpu.memory_space<vmem>>
        tpu.wait_dma2 semaphore(%arg10 : memref<!tpu.dma_semaphore, #tpu.memory_space<semaphore_mem>>) src(%dma_wait3A_218 : memref<512x32xf32, #tpu.memory_space<vmem>>) dst(%dma_wait3A_215 : memref<512x32xf32, #tpu.memory_space<hbm>>)
      } else {
      }
      %scan3A_111 = arith.constant 0 : i32
      %scan3A_112 = arith.constant 0 : i32
      %scan3A_113 = arith.constant 32 : i32
      %scan3A_114 = arith.addi %scan3A_112, %scan3A_113 : i32
      %scan3A_115 = arith.constant 1 : i32
      scf.for %scan3A_199 = %scan3A_112 to %scan3A_114 step %scan3A_115  : i32 {
        %div3A_200 = arith.constant 8 : i32
        %div3A_201 = arith.divsi %scan3A_199, %div3A_200 : i32
        %rem3A_202 = arith.constant 8 : i32
        %rem3A_203 = arith.remsi %scan3A_199, %rem3A_202 : i32
        %mul3A_204 = arith.constant 16 : i32
        %mul3A_205 = arith.muli %rem3A_203, %mul3A_204 : i32
        %mul3A_206 = arith.constant 128 : i32
        %mul3A_207 = arith.muli %div3A_201, %mul3A_206 : i32
        %add3A_208 = arith.addi %mul3A_207, %mul3A_205 : i32
        %add3A_209 = vector.broadcast %add3A_208 : i32 to vector<16xi32>
        %add3A_210 = arith.addi %add3A_209, %iota3A : vector<16xi32>
        %get3A = arith.constant 0 : i32
        %get3A_211 = arith.constant 0 : i32
        %get3A_212 = arith.constant 0 : i32
        %get3A_213 = arith.index_cast %get3A : i32 to index
        %get3A_214 = arith.index_cast %get3A_211 : i32 to index
        %get3A_215 = arith.index_cast %div3A_201 : i32 to index
        %get3A_216 = arith.index_cast %get3A_212 : i32 to index
        %get3A_217 = arith.index_cast %mul3A_205 : i32 to index
        %get3A_218 = tpu.vector_load %arg4[%get3A_213, %get3A_214, %get3A_215, %get3A_216, %get3A_217] {strides = array<i32>} : memref<2x4x4x4x128xf32, #tpu.memory_space<vmem>>, vector<16xf32>,
        %broadcast_in_dim3A = arith.constant 0 : i32
        %broadcast_in_dim3A_219 = vector.broadcast %broadcast_in_dim3A : i32 to vector<16xi32>
        tpu.vector_store_idx %arg6[%add3A_210, %broadcast_in_dim3A_219], %get3A_218 : memref<512x33xf32, #tpu.memory_space<vmem>>[vector<16xi32>, vector<16xi32>], vector<16xf32>,
        %get3A_220 = arith.constant 0 : i32
        %get3A_221 = arith.constant 0 : i32
        %get3A_222 = arith.constant 1 : i32
        %get3A_223 = arith.index_cast %get3A_220 : i32 to index
        %get3A_224 = arith.index_cast %get3A_221 : i32 to index
        %get3A_225 = arith.index_cast %div3A_201 : i32 to index
        %get3A_226 = arith.index_cast %get3A_222 : i32 to index
        %get3A_227 = arith.index_cast %mul3A_205 : i32 to index
        %get3A_228 = tpu.vector_load %arg4[%get3A_223, %get3A_224, %get3A_225, %get3A_226, %get3A_227] {strides = array<i32>} : memref<2x4x4x4x128xf32, #tpu.memory_space<vmem>>, vector<16xf32>,
        %broadcast_in_dim3A_229 = arith.constant 1 : i32
        %broadcast_in_dim3A_230 = vector.broadcast %broadcast_in_dim3A_229 : i32 to vector<16xi32>
        tpu.vector_store_idx %arg6[%add3A_210, %broadcast_in_dim3A_230], %get3A_228 : memref<512x33xf32, #tpu.memory_space<vmem>>[vector<16xi32>, vector<16xi32>], vector<16xf32>,
        %get3A_231 = arith.constant 0 : i32
        %get3A_232 = arith.constant 0 : i32
        %get3A_233 = arith.constant 2 : i32
        %get3A_234 = arith.index_cast %get3A_231 : i32 to index
        %get3A_235 = arith.index_cast %get3A_232 : i32 to index
        %get3A_236 = arith.index_cast %div3A_201 : i32 to index
        %get3A_237 = arith.index_cast %get3A_233 : i32 to index
        %get3A_238 = arith.index_cast %mul3A_205 : i32 to index
        %get3A_239 = tpu.vector_load %arg4[%get3A_234, %get3A_235, %get3A_236, %get3A_237, %get3A_238] {strides = array<i32>} : memref<2x4x4x4x128xf32, #tpu.memory_space<vmem>>, vector<16xf32>,
        %broadcast_in_dim3A_240 = arith.constant 2 : i32
        %broadcast_in_dim3A_241 = vector.broadcast %broadcast_in_dim3A_240 : i32 to vector<16xi32>
        tpu.vector_store_idx %arg6[%add3A_210, %broadcast_in_dim3A_241], %get3A_239 : memref<512x33xf32, #tpu.memory_space<vmem>>[vector<16xi32>, vector<16xi32>], vector<16xf32>,
        %get3A_242 = arith.constant 0 : i32
        %get3A_243 = arith.constant 0 : i32
        %get3A_244 = arith.constant 3 : i32
        %get3A_245 = arith.index_cast %get3A_242 : i32 to index
        %get3A_246 = arith.index_cast %get3A_243 : i32 to index
        %get3A_247 = arith.index_cast %div3A_201 : i32 to index
        %get3A_248 = arith.index_cast %get3A_244 : i32 to index
        %get3A_249 = arith.index_cast %mul3A_205 : i32 to index
        %get3A_250 = tpu.vector_load %arg4[%get3A_245, %get3A_246, %get3A_247, %get3A_248, %get3A_249] {strides = array<i32>} : memref<2x4x4x4x128xf32, #tpu.memory_space<vmem>>, vector<16xf32>,
        %broadcast_in_dim3A_251 = arith.constant 3 : i32
        %broadcast_in_dim3A_252 = vector.broadcast %broadcast_in_dim3A_251 : i32 to vector<16xi32>
        tpu.vector_store_idx %arg6[%add3A_210, %broadcast_in_dim3A_252], %get3A_250 : memref<512x33xf32, #tpu.memory_space<vmem>>[vector<16xi32>, vector<16xi32>], vector<16xf32>,
        %get3A_253 = arith.constant 0 : i32
        %get3A_254 = arith.constant 1 : i32
        %get3A_255 = arith.constant 0 : i32
        %get3A_256 = arith.index_cast %get3A_253 : i32 to index
        %get3A_257 = arith.index_cast %get3A_254 : i32 to index
        %get3A_258 = arith.index_cast %div3A_201 : i32 to index
        %get3A_259 = arith.index_cast %get3A_255 : i32 to index
        %get3A_260 = arith.index_cast %mul3A_205 : i32 to index
        %get3A_261 = tpu.vector_load %arg4[%get3A_256, %get3A_257, %get3A_258, %get3A_259, %get3A_260] {strides = array<i32>} : memref<2x4x4x4x128xf32, #tpu.memory_space<vmem>>, vector<16xf32>,
        %broadcast_in_dim3A_262 = arith.constant 4 : i32
        %broadcast_in_dim3A_263 = vector.broadcast %broadcast_in_dim3A_262 : i32 to vector<16xi32>
        tpu.vector_store_idx %arg6[%add3A_210, %broadcast_in_dim3A_263], %get3A_261 : memref<512x33xf32, #tpu.memory_space<vmem>>[vector<16xi32>, vector<16xi32>], vector<16xf32>,
        %get3A_264 = arith.constant 0 : i32
        %get3A_265 = arith.constant 1 : i32
        %get3A_266 = arith.constant 1 : i32
        %get3A_267 = arith.index_cast %get3A_264 : i32 to index
        %get3A_268 = arith.index_cast %get3A_265 : i32 to index
        %get3A_269 = arith.index_cast %div3A_201 : i32 to index
        %get3A_270 = arith.index_cast %get3A_266 : i32 to index
        %get3A_271 = arith.index_cast %mul3A_205 : i32 to index
        %get3A_272 = tpu.vector_load %arg4[%get3A_267, %get3A_268, %get3A_269, %get3A_270, %get3A_271] {strides = array<i32>} : memref<2x4x4x4x128xf32, #tpu.memory_space<vmem>>, vector<16xf32>,
        %broadcast_in_dim3A_273 = arith.constant 5 : i32
        %broadcast_in_dim3A_274 = vector.broadcast %broadcast_in_dim3A_273 : i32 to vector<16xi32>
        tpu.vector_store_idx %arg6[%add3A_210, %broadcast_in_dim3A_274], %get3A_272 : memref<512x33xf32, #tpu.memory_space<vmem>>[vector<16xi32>, vector<16xi32>], vector<16xf32>,
        %get3A_275 = arith.constant 0 : i32
        %get3A_276 = arith.constant 1 : i32
        %get3A_277 = arith.constant 2 : i32
        %get3A_278 = arith.index_cast %get3A_275 : i32 to index
        %get3A_279 = arith.index_cast %get3A_276 : i32 to index
        %get3A_280 = arith.index_cast %div3A_201 : i32 to index
        %get3A_281 = arith.index_cast %get3A_277 : i32 to index
        %get3A_282 = arith.index_cast %mul3A_205 : i32 to index
        %get3A_283 = tpu.vector_load %arg4[%get3A_278, %get3A_279, %get3A_280, %get3A_281, %get3A_282] {strides = array<i32>} : memref<2x4x4x4x128xf32, #tpu.memory_space<vmem>>, vector<16xf32>,
        %broadcast_in_dim3A_284 = arith.constant 6 : i32
        %broadcast_in_dim3A_285 = vector.broadcast %broadcast_in_dim3A_284 : i32 to vector<16xi32>
        tpu.vector_store_idx %arg6[%add3A_210, %broadcast_in_dim3A_285], %get3A_283 : memref<512x33xf32, #tpu.memory_space<vmem>>[vector<16xi32>, vector<16xi32>], vector<16xf32>,
        %get3A_286 = arith.constant 0 : i32
        %get3A_287 = arith.constant 1 : i32
        %get3A_288 = arith.constant 3 : i32
        %get3A_289 = arith.index_cast %get3A_286 : i32 to index
        %get3A_290 = arith.index_cast %get3A_287 : i32 to index
        %get3A_291 = arith.index_cast %div3A_201 : i32 to index
        %get3A_292 = arith.index_cast %get3A_288 : i32 to index
        %get3A_293 = arith.index_cast %mul3A_205 : i32 to index
        %get3A_294 = tpu.vector_load %arg4[%get3A_289, %get3A_290, %get3A_291, %get3A_292, %get3A_293] {strides = array<i32>} : memref<2x4x4x4x128xf32, #tpu.memory_space<vmem>>, vector<16xf32>,
        %broadcast_in_dim3A_295 = arith.constant 7 : i32
        %broadcast_in_dim3A_296 = vector.broadcast %broadcast_in_dim3A_295 : i32 to vector<16xi32>
        tpu.vector_store_idx %arg6[%add3A_210, %broadcast_in_dim3A_296], %get3A_294 : memref<512x33xf32, #tpu.memory_space<vmem>>[vector<16xi32>, vector<16xi32>], vector<16xf32>,
        %get3A_297 = arith.constant 0 : i32
        %get3A_298 = arith.constant 2 : i32
        %get3A_299 = arith.constant 0 : i32
        %get3A_300 = arith.index_cast %get3A_297 : i32 to index
        %get3A_301 = arith.index_cast %get3A_298 : i32 to index
        %get3A_302 = arith.index_cast %div3A_201 : i32 to index
        %get3A_303 = arith.index_cast %get3A_299 : i32 to index
        %get3A_304 = arith.index_cast %mul3A_205 : i32 to index
        %get3A_305 = tpu.vector_load %arg4[%get3A_300, %get3A_301, %get3A_302, %get3A_303, %get3A_304] {strides = array<i32>} : memref<2x4x4x4x128xf32, #tpu.memory_space<vmem>>, vector<16xf32>,
        %broadcast_in_dim3A_306 = arith.constant 8 : i32
        %broadcast_in_dim3A_307 = vector.broadcast %broadcast_in_dim3A_306 : i32 to vector<16xi32>
        tpu.vector_store_idx %arg6[%add3A_210, %broadcast_in_dim3A_307], %get3A_305 : memref<512x33xf32, #tpu.memory_space<vmem>>[vector<16xi32>, vector<16xi32>], vector<16xf32>,
        %get3A_308 = arith.constant 0 : i32
        %get3A_309 = arith.constant 2 : i32
        %get3A_310 = arith.constant 1 : i32
        %get3A_311 = arith.index_cast %get3A_308 : i32 to index
        %get3A_312 = arith.index_cast %get3A_309 : i32 to index
        %get3A_313 = arith.index_cast %div3A_201 : i32 to index
        %get3A_314 = arith.index_cast %get3A_310 : i32 to index
        %get3A_315 = arith.index_cast %mul3A_205 : i32 to index
        %get3A_316 = tpu.vector_load %arg4[%get3A_311, %get3A_312, %get3A_313, %get3A_314, %get3A_315] {strides = array<i32>} : memref<2x4x4x4x128xf32, #tpu.memory_space<vmem>>, vector<16xf32>,
        %broadcast_in_dim3A_317 = arith.constant 9 : i32
        %broadcast_in_dim3A_318 = vector.broadcast %broadcast_in_dim3A_317 : i32 to vector<16xi32>
        tpu.vector_store_idx %arg6[%add3A_210, %broadcast_in_dim3A_318], %get3A_316 : memref<512x33xf32, #tpu.memory_space<vmem>>[vector<16xi32>, vector<16xi32>], vector<16xf32>,
        %get3A_319 = arith.constant 0 : i32
        %get3A_320 = arith.constant 2 : i32
        %get3A_321 = arith.constant 2 : i32
        %get3A_322 = arith.index_cast %get3A_319 : i32 to index
        %get3A_323 = arith.index_cast %get3A_320 : i32 to index
        %get3A_324 = arith.index_cast %div3A_201 : i32 to index
        %get3A_325 = arith.index_cast %get3A_321 : i32 to index
        %get3A_326 = arith.index_cast %mul3A_205 : i32 to index
        %get3A_327 = tpu.vector_load %arg4[%get3A_322, %get3A_323, %get3A_324, %get3A_325, %get3A_326] {strides = array<i32>} : memref<2x4x4x4x128xf32, #tpu.memory_space<vmem>>, vector<16xf32>,
        %broadcast_in_dim3A_328 = arith.constant 10 : i32
        %broadcast_in_dim3A_329 = vector.broadcast %broadcast_in_dim3A_328 : i32 to vector<16xi32>
        tpu.vector_store_idx %arg6[%add3A_210, %broadcast_in_dim3A_329], %get3A_327 : memref<512x33xf32, #tpu.memory_space<vmem>>[vector<16xi32>, vector<16xi32>], vector<16xf32>,
        %get3A_330 = arith.constant 0 : i32
        %get3A_331 = arith.constant 2 : i32
        %get3A_332 = arith.constant 3 : i32
        %get3A_333 = arith.index_cast %get3A_330 : i32 to index
        %get3A_334 = arith.index_cast %get3A_331 : i32 to index
        %get3A_335 = arith.index_cast %div3A_201 : i32 to index
        %get3A_336 = arith.index_cast %get3A_332 : i32 to index
        %get3A_337 = arith.index_cast %mul3A_205 : i32 to index
        %get3A_338 = tpu.vector_load %arg4[%get3A_333, %get3A_334, %get3A_335, %get3A_336, %get3A_337] {strides = array<i32>} : memref<2x4x4x4x128xf32, #tpu.memory_space<vmem>>, vector<16xf32>,
        %broadcast_in_dim3A_339 = arith.constant 11 : i32
        %broadcast_in_dim3A_340 = vector.broadcast %broadcast_in_dim3A_339 : i32 to vector<16xi32>
        tpu.vector_store_idx %arg6[%add3A_210, %broadcast_in_dim3A_340], %get3A_338 : memref<512x33xf32, #tpu.memory_space<vmem>>[vector<16xi32>, vector<16xi32>], vector<16xf32>,
        %get3A_341 = arith.constant 0 : i32
        %get3A_342 = arith.constant 3 : i32
        %get3A_343 = arith.constant 0 : i32
        %get3A_344 = arith.index_cast %get3A_341 : i32 to index
        %get3A_345 = arith.index_cast %get3A_342 : i32 to index
        %get3A_346 = arith.index_cast %div3A_201 : i32 to index
        %get3A_347 = arith.index_cast %get3A_343 : i32 to index
        %get3A_348 = arith.index_cast %mul3A_205 : i32 to index
        %get3A_349 = tpu.vector_load %arg4[%get3A_344, %get3A_345, %get3A_346, %get3A_347, %get3A_348] {strides = array<i32>} : memref<2x4x4x4x128xf32, #tpu.memory_space<vmem>>, vector<16xf32>,
        %broadcast_in_dim3A_350 = arith.constant 12 : i32
        %broadcast_in_dim3A_351 = vector.broadcast %broadcast_in_dim3A_350 : i32 to vector<16xi32>
        tpu.vector_store_idx %arg6[%add3A_210, %broadcast_in_dim3A_351], %get3A_349 : memref<512x33xf32, #tpu.memory_space<vmem>>[vector<16xi32>, vector<16xi32>], vector<16xf32>,
        %get3A_352 = arith.constant 0 : i32
        %get3A_353 = arith.constant 3 : i32
        %get3A_354 = arith.constant 1 : i32
        %get3A_355 = arith.index_cast %get3A_352 : i32 to index
        %get3A_356 = arith.index_cast %get3A_353 : i32 to index
        %get3A_357 = arith.index_cast %div3A_201 : i32 to index
        %get3A_358 = arith.index_cast %get3A_354 : i32 to index
        %get3A_359 = arith.index_cast %mul3A_205 : i32 to index
        %get3A_360 = tpu.vector_load %arg4[%get3A_355, %get3A_356, %get3A_357, %get3A_358, %get3A_359] {strides = array<i32>} : memref<2x4x4x4x128xf32, #tpu.memory_space<vmem>>, vector<16xf32>,
        %broadcast_in_dim3A_361 = arith.constant 13 : i32
        %broadcast_in_dim3A_362 = vector.broadcast %broadcast_in_dim3A_361 : i32 to vector<16xi32>
        tpu.vector_store_idx %arg6[%add3A_210, %broadcast_in_dim3A_362], %get3A_360 : memref<512x33xf32, #tpu.memory_space<vmem>>[vector<16xi32>, vector<16xi32>], vector<16xf32>,
        %get3A_363 = arith.constant 0 : i32
        %get3A_364 = arith.constant 3 : i32
        %get3A_365 = arith.constant 2 : i32
        %get3A_366 = arith.index_cast %get3A_363 : i32 to index
        %get3A_367 = arith.index_cast %get3A_364 : i32 to index
        %get3A_368 = arith.index_cast %div3A_201 : i32 to index
        %get3A_369 = arith.index_cast %get3A_365 : i32 to index
        %get3A_370 = arith.index_cast %mul3A_205 : i32 to index
        %get3A_371 = tpu.vector_load %arg4[%get3A_366, %get3A_367, %get3A_368, %get3A_369, %get3A_370] {strides = array<i32>} : memref<2x4x4x4x128xf32, #tpu.memory_space<vmem>>, vector<16xf32>,
        %broadcast_in_dim3A_372 = arith.constant 14 : i32
        %broadcast_in_dim3A_373 = vector.broadcast %broadcast_in_dim3A_372 : i32 to vector<16xi32>
        tpu.vector_store_idx %arg6[%add3A_210, %broadcast_in_dim3A_373], %get3A_371 : memref<512x33xf32, #tpu.memory_space<vmem>>[vector<16xi32>, vector<16xi32>], vector<16xf32>,
        %get3A_374 = arith.constant 0 : i32
        %get3A_375 = arith.constant 3 : i32
        %get3A_376 = arith.constant 3 : i32
        %get3A_377 = arith.index_cast %get3A_374 : i32 to index
        %get3A_378 = arith.index_cast %get3A_375 : i32 to index
        %get3A_379 = arith.index_cast %div3A_201 : i32 to index
        %get3A_380 = arith.index_cast %get3A_376 : i32 to index
        %get3A_381 = arith.index_cast %mul3A_205 : i32 to index
        %get3A_382 = tpu.vector_load %arg4[%get3A_377, %get3A_378, %get3A_379, %get3A_380, %get3A_381] {strides = array<i32>} : memref<2x4x4x4x128xf32, #tpu.memory_space<vmem>>, vector<16xf32>,
        %broadcast_in_dim3A_383 = arith.constant 15 : i32
        %broadcast_in_dim3A_384 = vector.broadcast %broadcast_in_dim3A_383 : i32 to vector<16xi32>
        tpu.vector_store_idx %arg6[%add3A_210, %broadcast_in_dim3A_384], %get3A_382 : memref<512x33xf32, #tpu.memory_space<vmem>>[vector<16xi32>, vector<16xi32>], vector<16xf32>,
        %get3A_385 = arith.constant 1 : i32
        %get3A_386 = arith.constant 0 : i32
        %get3A_387 = arith.constant 0 : i32
        %get3A_388 = arith.index_cast %get3A_385 : i32 to index
        %get3A_389 = arith.index_cast %get3A_386 : i32 to index
        %get3A_390 = arith.index_cast %div3A_201 : i32 to index
        %get3A_391 = arith.index_cast %get3A_387 : i32 to index
        %get3A_392 = arith.index_cast %mul3A_205 : i32 to index
        %get3A_393 = tpu.vector_load %arg4[%get3A_388, %get3A_389, %get3A_390, %get3A_391, %get3A_392] {strides = array<i32>} : memref<2x4x4x4x128xf32, #tpu.memory_space<vmem>>, vector<16xf32>,
        %broadcast_in_dim3A_394 = arith.constant 16 : i32
        %broadcast_in_dim3A_395 = vector.broadcast %broadcast_in_dim3A_394 : i32 to vector<16xi32>
        tpu.vector_store_idx %arg6[%add3A_210, %broadcast_in_dim3A_395], %get3A_393 : memref<512x33xf32, #tpu.memory_space<vmem>>[vector<16xi32>, vector<16xi32>], vector<16xf32>,
        %get3A_396 = arith.constant 1 : i32
        %get3A_397 = arith.constant 0 : i32
        %get3A_398 = arith.constant 1 : i32
        %get3A_399 = arith.index_cast %get3A_396 : i32 to index
        %get3A_400 = arith.index_cast %get3A_397 : i32 to index
        %get3A_401 = arith.index_cast %div3A_201 : i32 to index
        %get3A_402 = arith.index_cast %get3A_398 : i32 to index
        %get3A_403 = arith.index_cast %mul3A_205 : i32 to index
        %get3A_404 = tpu.vector_load %arg4[%get3A_399, %get3A_400, %get3A_401, %get3A_402, %get3A_403] {strides = array<i32>} : memref<2x4x4x4x128xf32, #tpu.memory_space<vmem>>, vector<16xf32>,
        %broadcast_in_dim3A_405 = arith.constant 17 : i32
        %broadcast_in_dim3A_406 = vector.broadcast %broadcast_in_dim3A_405 : i32 to vector<16xi32>
        tpu.vector_store_idx %arg6[%add3A_210, %broadcast_in_dim3A_406], %get3A_404 : memref<512x33xf32, #tpu.memory_space<vmem>>[vector<16xi32>, vector<16xi32>], vector<16xf32>,
        %get3A_407 = arith.constant 1 : i32
        %get3A_408 = arith.constant 0 : i32
        %get3A_409 = arith.constant 2 : i32
        %get3A_410 = arith.index_cast %get3A_407 : i32 to index
        %get3A_411 = arith.index_cast %get3A_408 : i32 to index
        %get3A_412 = arith.index_cast %div3A_201 : i32 to index
        %get3A_413 = arith.index_cast %get3A_409 : i32 to index
        %get3A_414 = arith.index_cast %mul3A_205 : i32 to index
        %get3A_415 = tpu.vector_load %arg4[%get3A_410, %get3A_411, %get3A_412, %get3A_413, %get3A_414] {strides = array<i32>} : memref<2x4x4x4x128xf32, #tpu.memory_space<vmem>>, vector<16xf32>,
        %broadcast_in_dim3A_416 = arith.constant 18 : i32
        %broadcast_in_dim3A_417 = vector.broadcast %broadcast_in_dim3A_416 : i32 to vector<16xi32>
        tpu.vector_store_idx %arg6[%add3A_210, %broadcast_in_dim3A_417], %get3A_415 : memref<512x33xf32, #tpu.memory_space<vmem>>[vector<16xi32>, vector<16xi32>], vector<16xf32>,
        %get3A_418 = arith.constant 1 : i32
        %get3A_419 = arith.constant 0 : i32
        %get3A_420 = arith.constant 3 : i32
        %get3A_421 = arith.index_cast %get3A_418 : i32 to index
        %get3A_422 = arith.index_cast %get3A_419 : i32 to index
        %get3A_423 = arith.index_cast %div3A_201 : i32 to index
        %get3A_424 = arith.index_cast %get3A_420 : i32 to index
        %get3A_425 = arith.index_cast %mul3A_205 : i32 to index
        %get3A_426 = tpu.vector_load %arg4[%get3A_421, %get3A_422, %get3A_423, %get3A_424, %get3A_425] {strides = array<i32>} : memref<2x4x4x4x128xf32, #tpu.memory_space<vmem>>, vector<16xf32>,
        %broadcast_in_dim3A_427 = arith.constant 19 : i32
        %broadcast_in_dim3A_428 = vector.broadcast %broadcast_in_dim3A_427 : i32 to vector<16xi32>
        tpu.vector_store_idx %arg6[%add3A_210, %broadcast_in_dim3A_428], %get3A_426 : memref<512x33xf32, #tpu.memory_space<vmem>>[vector<16xi32>, vector<16xi32>], vector<16xf32>,
        %get3A_429 = arith.constant 1 : i32
        %get3A_430 = arith.constant 1 : i32
        %get3A_431 = arith.constant 0 : i32
        %get3A_432 = arith.index_cast %get3A_429 : i32 to index
        %get3A_433 = arith.index_cast %get3A_430 : i32 to index
        %get3A_434 = arith.index_cast %div3A_201 : i32 to index
        %get3A_435 = arith.index_cast %get3A_431 : i32 to index
        %get3A_436 = arith.index_cast %mul3A_205 : i32 to index
        %get3A_437 = tpu.vector_load %arg4[%get3A_432, %get3A_433, %get3A_434, %get3A_435, %get3A_436] {strides = array<i32>} : memref<2x4x4x4x128xf32, #tpu.memory_space<vmem>>, vector<16xf32>,
        %broadcast_in_dim3A_438 = arith.constant 20 : i32
        %broadcast_in_dim3A_439 = vector.broadcast %broadcast_in_dim3A_438 : i32 to vector<16xi32>
        tpu.vector_store_idx %arg6[%add3A_210, %broadcast_in_dim3A_439], %get3A_437 : memref<512x33xf32, #tpu.memory_space<vmem>>[vector<16xi32>, vector<16xi32>], vector<16xf32>,
        %get3A_440 = arith.constant 1 : i32
        %get3A_441 = arith.constant 1 : i32
        %get3A_442 = arith.constant 1 : i32
        %get3A_443 = arith.index_cast %get3A_440 : i32 to index
        %get3A_444 = arith.index_cast %get3A_441 : i32 to index
        %get3A_445 = arith.index_cast %div3A_201 : i32 to index
        %get3A_446 = arith.index_cast %get3A_442 : i32 to index
        %get3A_447 = arith.index_cast %mul3A_205 : i32 to index
        %get3A_448 = tpu.vector_load %arg4[%get3A_443, %get3A_444, %get3A_445, %get3A_446, %get3A_447] {strides = array<i32>} : memref<2x4x4x4x128xf32, #tpu.memory_space<vmem>>, vector<16xf32>,
        %broadcast_in_dim3A_449 = arith.constant 21 : i32
        %broadcast_in_dim3A_450 = vector.broadcast %broadcast_in_dim3A_449 : i32 to vector<16xi32>
        tpu.vector_store_idx %arg6[%add3A_210, %broadcast_in_dim3A_450], %get3A_448 : memref<512x33xf32, #tpu.memory_space<vmem>>[vector<16xi32>, vector<16xi32>], vector<16xf32>,
        %get3A_451 = arith.constant 1 : i32
        %get3A_452 = arith.constant 1 : i32
        %get3A_453 = arith.constant 2 : i32
        %get3A_454 = arith.index_cast %get3A_451 : i32 to index
        %get3A_455 = arith.index_cast %get3A_452 : i32 to index
        %get3A_456 = arith.index_cast %div3A_201 : i32 to index
        %get3A_457 = arith.index_cast %get3A_453 : i32 to index
        %get3A_458 = arith.index_cast %mul3A_205 : i32 to index
        %get3A_459 = tpu.vector_load %arg4[%get3A_454, %get3A_455, %get3A_456, %get3A_457, %get3A_458] {strides = array<i32>} : memref<2x4x4x4x128xf32, #tpu.memory_space<vmem>>, vector<16xf32>,
        %broadcast_in_dim3A_460 = arith.constant 22 : i32
        %broadcast_in_dim3A_461 = vector.broadcast %broadcast_in_dim3A_460 : i32 to vector<16xi32>
        tpu.vector_store_idx %arg6[%add3A_210, %broadcast_in_dim3A_461], %get3A_459 : memref<512x33xf32, #tpu.memory_space<vmem>>[vector<16xi32>, vector<16xi32>], vector<16xf32>,
        %get3A_462 = arith.constant 1 : i32
        %get3A_463 = arith.constant 1 : i32
        %get3A_464 = arith.constant 3 : i32
        %get3A_465 = arith.index_cast %get3A_462 : i32 to index
        %get3A_466 = arith.index_cast %get3A_463 : i32 to index
        %get3A_467 = arith.index_cast %div3A_201 : i32 to index
        %get3A_468 = arith.index_cast %get3A_464 : i32 to index
        %get3A_469 = arith.index_cast %mul3A_205 : i32 to index
        %get3A_470 = tpu.vector_load %arg4[%get3A_465, %get3A_466, %get3A_467, %get3A_468, %get3A_469] {strides = array<i32>} : memref<2x4x4x4x128xf32, #tpu.memory_space<vmem>>, vector<16xf32>,
        %broadcast_in_dim3A_471 = arith.constant 23 : i32
        %broadcast_in_dim3A_472 = vector.broadcast %broadcast_in_dim3A_471 : i32 to vector<16xi32>
        tpu.vector_store_idx %arg6[%add3A_210, %broadcast_in_dim3A_472], %get3A_470 : memref<512x33xf32, #tpu.memory_space<vmem>>[vector<16xi32>, vector<16xi32>], vector<16xf32>,
        %get3A_473 = arith.constant 1 : i32
        %get3A_474 = arith.constant 2 : i32
        %get3A_475 = arith.constant 0 : i32
        %get3A_476 = arith.index_cast %get3A_473 : i32 to index
        %get3A_477 = arith.index_cast %get3A_474 : i32 to index
        %get3A_478 = arith.index_cast %div3A_201 : i32 to index
        %get3A_479 = arith.index_cast %get3A_475 : i32 to index
        %get3A_480 = arith.index_cast %mul3A_205 : i32 to index
        %get3A_481 = tpu.vector_load %arg4[%get3A_476, %get3A_477, %get3A_478, %get3A_479, %get3A_480] {strides = array<i32>} : memref<2x4x4x4x128xf32, #tpu.memory_space<vmem>>, vector<16xf32>,
        %broadcast_in_dim3A_482 = arith.constant 24 : i32
        %broadcast_in_dim3A_483 = vector.broadcast %broadcast_in_dim3A_482 : i32 to vector<16xi32>
        tpu.vector_store_idx %arg6[%add3A_210, %broadcast_in_dim3A_483], %get3A_481 : memref<512x33xf32, #tpu.memory_space<vmem>>[vector<16xi32>, vector<16xi32>], vector<16xf32>,
        %get3A_484 = arith.constant 1 : i32
        %get3A_485 = arith.constant 2 : i32
        %get3A_486 = arith.constant 1 : i32
        %get3A_487 = arith.index_cast %get3A_484 : i32 to index
        %get3A_488 = arith.index_cast %get3A_485 : i32 to index
        %get3A_489 = arith.index_cast %div3A_201 : i32 to index
        %get3A_490 = arith.index_cast %get3A_486 : i32 to index
        %get3A_491 = arith.index_cast %mul3A_205 : i32 to index
        %get3A_492 = tpu.vector_load %arg4[%get3A_487, %get3A_488, %get3A_489, %get3A_490, %get3A_491] {strides = array<i32>} : memref<2x4x4x4x128xf32, #tpu.memory_space<vmem>>, vector<16xf32>,
        %broadcast_in_dim3A_493 = arith.constant 25 : i32
        %broadcast_in_dim3A_494 = vector.broadcast %broadcast_in_dim3A_493 : i32 to vector<16xi32>
        tpu.vector_store_idx %arg6[%add3A_210, %broadcast_in_dim3A_494], %get3A_492 : memref<512x33xf32, #tpu.memory_space<vmem>>[vector<16xi32>, vector<16xi32>], vector<16xf32>,
        %get3A_495 = arith.constant 1 : i32
        %get3A_496 = arith.constant 2 : i32
        %get3A_497 = arith.constant 2 : i32
        %get3A_498 = arith.index_cast %get3A_495 : i32 to index
        %get3A_499 = arith.index_cast %get3A_496 : i32 to index
        %get3A_500 = arith.index_cast %div3A_201 : i32 to index
        %get3A_501 = arith.index_cast %get3A_497 : i32 to index
        %get3A_502 = arith.index_cast %mul3A_205 : i32 to index
        %get3A_503 = tpu.vector_load %arg4[%get3A_498, %get3A_499, %get3A_500, %get3A_501, %get3A_502] {strides = array<i32>} : memref<2x4x4x4x128xf32, #tpu.memory_space<vmem>>, vector<16xf32>,
        %broadcast_in_dim3A_504 = arith.constant 26 : i32
        %broadcast_in_dim3A_505 = vector.broadcast %broadcast_in_dim3A_504 : i32 to vector<16xi32>
        tpu.vector_store_idx %arg6[%add3A_210, %broadcast_in_dim3A_505], %get3A_503 : memref<512x33xf32, #tpu.memory_space<vmem>>[vector<16xi32>, vector<16xi32>], vector<16xf32>,
        %get3A_506 = arith.constant 1 : i32
        %get3A_507 = arith.constant 2 : i32
        %get3A_508 = arith.constant 3 : i32
        %get3A_509 = arith.index_cast %get3A_506 : i32 to index
        %get3A_510 = arith.index_cast %get3A_507 : i32 to index
        %get3A_511 = arith.index_cast %div3A_201 : i32 to index
        %get3A_512 = arith.index_cast %get3A_508 : i32 to index
        %get3A_513 = arith.index_cast %mul3A_205 : i32 to index
        %get3A_514 = tpu.vector_load %arg4[%get3A_509, %get3A_510, %get3A_511, %get3A_512, %get3A_513] {strides = array<i32>} : memref<2x4x4x4x128xf32, #tpu.memory_space<vmem>>, vector<16xf32>,
        %broadcast_in_dim3A_515 = arith.constant 27 : i32
        %broadcast_in_dim3A_516 = vector.broadcast %broadcast_in_dim3A_515 : i32 to vector<16xi32>
        tpu.vector_store_idx %arg6[%add3A_210, %broadcast_in_dim3A_516], %get3A_514 : memref<512x33xf32, #tpu.memory_space<vmem>>[vector<16xi32>, vector<16xi32>], vector<16xf32>,
        %get3A_517 = arith.constant 1 : i32
        %get3A_518 = arith.constant 3 : i32
        %get3A_519 = arith.constant 0 : i32
        %get3A_520 = arith.index_cast %get3A_517 : i32 to index
        %get3A_521 = arith.index_cast %get3A_518 : i32 to index
        %get3A_522 = arith.index_cast %div3A_201 : i32 to index
        %get3A_523 = arith.index_cast %get3A_519 : i32 to index
        %get3A_524 = arith.index_cast %mul3A_205 : i32 to index
        %get3A_525 = tpu.vector_load %arg4[%get3A_520, %get3A_521, %get3A_522, %get3A_523, %get3A_524] {strides = array<i32>} : memref<2x4x4x4x128xf32, #tpu.memory_space<vmem>>, vector<16xf32>,
        %broadcast_in_dim3A_526 = arith.constant 28 : i32
        %broadcast_in_dim3A_527 = vector.broadcast %broadcast_in_dim3A_526 : i32 to vector<16xi32>
        tpu.vector_store_idx %arg6[%add3A_210, %broadcast_in_dim3A_527], %get3A_525 : memref<512x33xf32, #tpu.memory_space<vmem>>[vector<16xi32>, vector<16xi32>], vector<16xf32>,
        %get3A_528 = arith.constant 1 : i32
        %get3A_529 = arith.constant 3 : i32
        %get3A_530 = arith.constant 1 : i32
        %get3A_531 = arith.index_cast %get3A_528 : i32 to index
        %get3A_532 = arith.index_cast %get3A_529 : i32 to index
        %get3A_533 = arith.index_cast %div3A_201 : i32 to index
        %get3A_534 = arith.index_cast %get3A_530 : i32 to index
        %get3A_535 = arith.index_cast %mul3A_205 : i32 to index
        %get3A_536 = tpu.vector_load %arg4[%get3A_531, %get3A_532, %get3A_533, %get3A_534, %get3A_535] {strides = array<i32>} : memref<2x4x4x4x128xf32, #tpu.memory_space<vmem>>, vector<16xf32>,
        %broadcast_in_dim3A_537 = arith.constant 29 : i32
        %broadcast_in_dim3A_538 = vector.broadcast %broadcast_in_dim3A_537 : i32 to vector<16xi32>
        tpu.vector_store_idx %arg6[%add3A_210, %broadcast_in_dim3A_538], %get3A_536 : memref<512x33xf32, #tpu.memory_space<vmem>>[vector<16xi32>, vector<16xi32>], vector<16xf32>,
        %get3A_539 = arith.constant 1 : i32
        %get3A_540 = arith.constant 3 : i32
        %get3A_541 = arith.constant 2 : i32
        %get3A_542 = arith.index_cast %get3A_539 : i32 to index
        %get3A_543 = arith.index_cast %get3A_540 : i32 to index
        %get3A_544 = arith.index_cast %div3A_201 : i32 to index
        %get3A_545 = arith.index_cast %get3A_541 : i32 to index
        %get3A_546 = arith.index_cast %mul3A_205 : i32 to index
        %get3A_547 = tpu.vector_load %arg4[%get3A_542, %get3A_543, %get3A_544, %get3A_545, %get3A_546] {strides = array<i32>} : memref<2x4x4x4x128xf32, #tpu.memory_space<vmem>>, vector<16xf32>,
        %broadcast_in_dim3A_548 = arith.constant 30 : i32
        %broadcast_in_dim3A_549 = vector.broadcast %broadcast_in_dim3A_548 : i32 to vector<16xi32>
        tpu.vector_store_idx %arg6[%add3A_210, %broadcast_in_dim3A_549], %get3A_547 : memref<512x33xf32, #tpu.memory_space<vmem>>[vector<16xi32>, vector<16xi32>], vector<16xf32>,
        %get3A_550 = arith.constant 1 : i32
        %get3A_551 = arith.constant 3 : i32
        %get3A_552 = arith.constant 3 : i32
        %get3A_553 = arith.index_cast %get3A_550 : i32 to index
        %get3A_554 = arith.index_cast %get3A_551 : i32 to index
        %get3A_555 = arith.index_cast %div3A_201 : i32 to index
        %get3A_556 = arith.index_cast %get3A_552 : i32 to index
        %get3A_557 = arith.index_cast %mul3A_205 : i32 to index
        %get3A_558 = tpu.vector_load %arg4[%get3A_553, %get3A_554, %get3A_555, %get3A_556, %get3A_557] {strides = array<i32>} : memref<2x4x4x4x128xf32, #tpu.memory_space<vmem>>, vector<16xf32>,
        %broadcast_in_dim3A_559 = arith.constant 31 : i32
        %broadcast_in_dim3A_560 = vector.broadcast %broadcast_in_dim3A_559 : i32 to vector<16xi32>
        tpu.vector_store_idx %arg6[%add3A_210, %broadcast_in_dim3A_560], %get3A_558 : memref<512x33xf32, #tpu.memory_space<vmem>>[vector<16xi32>, vector<16xi32>], vector<16xf32>,
      }
      %scan3A_116 = arith.constant 32 : i32
      %div3A_117 = arith.constant 2 : i32
      %div3A_118 = arith.divsi %add3A_94, %div3A_117 : i32
      %add3A_119 = arith.addi %mul3A_2, %div3A_118 : i32
      %rem3A_120 = arith.constant 2 : i32
      %rem3A_121 = arith.remsi %add3A_94, %rem3A_120 : i32
      %mul3A_122 = arith.constant 1024 : i32
      %mul3A_123 = arith.muli %add3A_119, %mul3A_122 : i32
      %mul3A_124 = arith.constant 512 : i32
      %mul3A_125 = arith.muli %rem3A_121, %mul3A_124 : i32
      %add3A_126 = arith.addi %mul3A_123, %mul3A_125 : i32
      %dma_start3A_127 = arith.constant 0 : i32
      %dma_start3A_128 = arith.constant 0 : i32
      %dma_start3A_129 = tpu.memref_slice %arg6[%dma_start3A_127, %dma_start3A_128] : memref<512x33xf32, #tpu.memory_space<vmem>> -> memref<512x32xf32, #tpu.memory_space<vmem>>
      %dma_start3A_130 = arith.constant 0 : i32
      %dma_start3A_131 = tpu.memref_slice %arg3[%add3A_126, %dma_start3A_130] : memref<1048576x32xf32, #tpu.memory_space<hbm>> -> memref<512x32xf32, #tpu.memory_space<hbm>>
      %dma_start3A_132 = arith.constant 0 : i32
      %dma_start3A_133 = tpu.memref_slice %arg3[%add3A_126, %dma_start3A_132] : memref<1048576x32xf32, #tpu.memory_space<hbm>> -> memref<512x32xf32, #tpu.memory_space<hbm>>
      %dma_start3A_134 = arith.constant 0 : i32
      %dma_start3A_135 = arith.constant 0 : i32
      %dma_start3A_136 = tpu.memref_slice %arg6[%dma_start3A_134, %dma_start3A_135] : memref<512x33xf32, #tpu.memory_space<vmem>> -> memref<512x32xf32, #tpu.memory_space<vmem>>
      tpu.enqueue_dma source(%dma_start3A_136 : memref<512x32xf32, #tpu.memory_space<vmem>>) target(%dma_start3A_133 : memref<512x32xf32, #tpu.memory_space<hbm>>) target_semaphore(%arg10 : memref<!tpu.dma_semaphore, #tpu.memory_space<semaphore_mem>>)
      %add3A_137 = arith.constant 2 : i32
      %add3A_138 = arith.addi %add3A_94, %add3A_137 : i32
      %lt3A = arith.constant 64 : i32
      %lt3A_139 = arith.cmpi slt, %add3A_138, %lt3A : i32
      %convert_element_type3A_140 = arith.extui %lt3A_139 : i1 to i32
      %cond3A_141 = arith.constant 0 : i32
      %cond3A_142 = arith.cmpi ne, %convert_element_type3A_140, %cond3A_141 : i32
      scf.if %cond3A_142 {
        %add3A_199 = arith.constant 2 : i32
        %add3A_200 = arith.addi %add3A_94, %add3A_199 : i32
        %div3A_201 = arith.constant 2 : i32
        %div3A_202 = arith.divsi %add3A_200, %div3A_201 : i32
        %add3A_203 = arith.addi %mul3A_2, %div3A_202 : i32
        %rem3A_204 = arith.constant 2 : i32
        %rem3A_205 = arith.remsi %add3A_200, %rem3A_204 : i32
        %mul3A_206 = arith.constant 4 : i32
        %mul3A_207 = arith.muli %rem3A_205, %mul3A_206 : i32
        %dma_start3A_208 = arith.constant 0 : i32
        %dma_start3A_209 = arith.constant 0 : i32
        %dma_start3A_210 = arith.constant 0 : i32
        %dma_start3A_211 = arith.constant 0 : i32
        %dma_start3A_212 = tpu.memref_slice %arg2[%add3A_203, %dma_start3A_208, %dma_start3A_209, %mul3A_207, %dma_start3A_210, %dma_start3A_211] : memref<1024x2x4x8x4x128xf32, #tpu.memory_space<hbm>> -> memref<1x2x4x4x4x128xf32, #tpu.memory_space<hbm>>
        %dma_start3A_213 = tpu.memref_squeeze %dma_start3A_212 : memref<1x2x4x4x4x128xf32, #tpu.memory_space<hbm>> -> memref<2x4x4x4x128xf32, #tpu.memory_space<hbm>>
        %dma_start3A_214 = arith.constant 0 : i32
        %dma_start3A_215 = arith.constant 0 : i32
        %dma_start3A_216 = arith.constant 0 : i32
        %dma_start3A_217 = arith.constant 0 : i32
        %dma_start3A_218 = tpu.memref_slice %arg2[%add3A_203, %dma_start3A_214, %dma_start3A_215, %mul3A_207, %dma_start3A_216, %dma_start3A_217] : memref<1024x2x4x8x4x128xf32, #tpu.memory_space<hbm>> -> memref<1x2x4x4x4x128xf32, #tpu.memory_space<hbm>>
        %dma_start3A_219 = tpu.memref_squeeze %dma_start3A_218 : memref<1x2x4x4x4x128xf32, #tpu.memory_space<hbm>> -> memref<2x4x4x4x128xf32, #tpu.memory_space<hbm>>
        tpu.enqueue_dma source(%dma_start3A_219 : memref<2x4x4x4x128xf32, #tpu.memory_space<hbm>>) target(%arg4 : memref<2x4x4x4x128xf32, #tpu.memory_space<vmem>>) target_semaphore(%arg8 : memref<!tpu.dma_semaphore, #tpu.memory_space<semaphore_mem>>)
      } else {
      }
      %mul3A_143 = arith.constant 2 : i32
      %mul3A_144 = arith.muli %scan3A_90, %mul3A_143 : i32
      %add3A_145 = arith.constant 1 : i32
      %add3A_146 = arith.addi %mul3A_144, %add3A_145 : i32
      %dma_wait3A_147 = arith.constant 0 : i32
      %dma_wait3A_148 = arith.constant 0 : i32
      %dma_wait3A_149 = arith.constant 0 : i32
      %dma_wait3A_150 = arith.constant 0 : i32
      %dma_wait3A_151 = arith.constant 0 : i32
      %dma_wait3A_152 = tpu.memref_slice %arg2[%mul3A_2, %dma_wait3A_147, %dma_wait3A_148, %dma_wait3A_149, %dma_wait3A_150, %dma_wait3A_151] : memref<1024x2x4x8x4x128xf32, #tpu.memory_space<hbm>> -> memref<1x2x4x4x4x128xf32, #tpu.memory_space<hbm>>
      %dma_wait3A_153 = tpu.memref_squeeze %dma_wait3A_152 : memref<1x2x4x4x4x128xf32, #tpu.memory_space<hbm>> -> memref<2x4x4x4x128xf32, #tpu.memory_space<hbm>>
      %dma_wait3A_154 = arith.constant 0 : i32
      %dma_wait3A_155 = arith.constant 0 : i32
      %dma_wait3A_156 = arith.constant 0 : i32
      %dma_wait3A_157 = arith.constant 0 : i32
      %dma_wait3A_158 = arith.constant 0 : i32
      %dma_wait3A_159 = tpu.memref_slice %arg2[%mul3A_2, %dma_wait3A_154, %dma_wait3A_155, %dma_wait3A_156, %dma_wait3A_157, %dma_wait3A_158] : memref<1024x2x4x8x4x128xf32, #tpu.memory_space<hbm>> -> memref<1x2x4x4x4x128xf32, #tpu.memory_space<hbm>>
      %dma_wait3A_160 = tpu.memref_squeeze %dma_wait3A_159 : memref<1x2x4x4x4x128xf32, #tpu.memory_space<hbm>> -> memref<2x4x4x4x128xf32, #tpu.memory_space<hbm>>
      tpu.wait_dma2 semaphore(%arg9 : memref<!tpu.dma_semaphore, #tpu.memory_space<semaphore_mem>>) src(%dma_wait3A_160 : memref<2x4x4x4x128xf32, #tpu.memory_space<hbm>>) dst(%arg5 : memref<2x4x4x4x128xf32, #tpu.memory_space<vmem>>)
      %ge3A_161 = arith.constant 2 : i32
      %ge3A_162 = arith.cmpi sge, %add3A_146, %ge3A_161 : i32
      %convert_element_type3A_163 = arith.extui %ge3A_162 : i1 to i32
      %cond3A_164 = arith.constant 0 : i32
      %cond3A_165 = arith.cmpi ne, %convert_element_type3A_163, %cond3A_164 : i32
      scf.if %cond3A_165 {
        %div3A_199 = arith.constant 2 : i32
        %div3A_200 = arith.divsi %add3A_146, %div3A_199 : i32
        %add3A_201 = arith.addi %mul3A_2, %div3A_200 : i32
        %rem3A_202 = arith.constant 2 : i32
        %rem3A_203 = arith.remsi %add3A_146, %rem3A_202 : i32
        %mul3A_204 = arith.constant 1024 : i32
        %mul3A_205 = arith.muli %add3A_201, %mul3A_204 : i32
        %mul3A_206 = arith.constant 512 : i32
        %mul3A_207 = arith.muli %rem3A_203, %mul3A_206 : i32
        %add3A_208 = arith.addi %mul3A_205, %mul3A_207 : i32
        %dma_wait3A_209 = arith.constant 0 : i32
        %dma_wait3A_210 = arith.constant 0 : i32
        %dma_wait3A_211 = tpu.memref_slice %arg7[%dma_wait3A_209, %dma_wait3A_210] : memref<512x33xf32, #tpu.memory_space<vmem>> -> memref<512x32xf32, #tpu.memory_space<vmem>>
        %dma_wait3A_212 = arith.constant 0 : i32
        %dma_wait3A_213 = tpu.memref_slice %arg3[%add3A_208, %dma_wait3A_212] : memref<1048576x32xf32, #tpu.memory_space<hbm>> -> memref<512x32xf32, #tpu.memory_space<hbm>>
        %dma_wait3A_214 = arith.constant 0 : i32
        %dma_wait3A_215 = tpu.memref_slice %arg3[%add3A_208, %dma_wait3A_214] : memref<1048576x32xf32, #tpu.memory_space<hbm>> -> memref<512x32xf32, #tpu.memory_space<hbm>>
        %dma_wait3A_216 = arith.constant 0 : i32
        %dma_wait3A_217 = arith.constant 0 : i32
        %dma_wait3A_218 = tpu.memref_slice %arg7[%dma_wait3A_216, %dma_wait3A_217] : memref<512x33xf32, #tpu.memory_space<vmem>> -> memref<512x32xf32, #tpu.memory_space<vmem>>
        tpu.wait_dma2 semaphore(%arg11 : memref<!tpu.dma_semaphore, #tpu.memory_space<semaphore_mem>>) src(%dma_wait3A_218 : memref<512x32xf32, #tpu.memory_space<vmem>>) dst(%dma_wait3A_215 : memref<512x32xf32, #tpu.memory_space<hbm>>)
      } else {
      }
      %scan3A_166 = arith.constant 0 : i32
      %scan3A_167 = arith.constant 0 : i32
      %scan3A_168 = arith.constant 32 : i32
      %scan3A_169 = arith.addi %scan3A_167, %scan3A_168 : i32
      %scan3A_170 = arith.constant 1 : i32
      scf.for %scan3A_199 = %scan3A_167 to %scan3A_169 step %scan3A_170  : i32 {
        %div3A_200 = arith.constant 8 : i32
        %div3A_201 = arith.divsi %scan3A_199, %div3A_200 : i32
        %rem3A_202 = arith.constant 8 : i32
        %rem3A_203 = arith.remsi %scan3A_199, %rem3A_202 : i32
        %mul3A_204 = arith.constant 16 : i32
        %mul3A_205 = arith.muli %rem3A_203, %mul3A_204 : i32
        %mul3A_206 = arith.constant 128 : i32
        %mul3A_207 = arith.muli %div3A_201, %mul3A_206 : i32
        %add3A_208 = arith.addi %mul3A_207, %mul3A_205 : i32
        %add3A_209 = vector.broadcast %add3A_208 : i32 to vector<16xi32>
        %add3A_210 = arith.addi %add3A_209, %iota3A : vector<16xi32>
        %get3A = arith.constant 0 : i32
        %get3A_211 = arith.constant 0 : i32
        %get3A_212 = arith.constant 0 : i32
        %get3A_213 = arith.index_cast %get3A : i32 to index
        %get3A_214 = arith.index_cast %get3A_211 : i32 to index
        %get3A_215 = arith.index_cast %div3A_201 : i32 to index
        %get3A_216 = arith.index_cast %get3A_212 : i32 to index
        %get3A_217 = arith.index_cast %mul3A_205 : i32 to index
        %get3A_218 = tpu.vector_load %arg5[%get3A_213, %get3A_214, %get3A_215, %get3A_216, %get3A_217] {strides = array<i32>} : memref<2x4x4x4x128xf32, #tpu.memory_space<vmem>>, vector<16xf32>,
        %broadcast_in_dim3A = arith.constant 0 : i32
        %broadcast_in_dim3A_219 = vector.broadcast %broadcast_in_dim3A : i32 to vector<16xi32>
        tpu.vector_store_idx %arg7[%add3A_210, %broadcast_in_dim3A_219], %get3A_218 : memref<512x33xf32, #tpu.memory_space<vmem>>[vector<16xi32>, vector<16xi32>], vector<16xf32>,
        %get3A_220 = arith.constant 0 : i32
        %get3A_221 = arith.constant 0 : i32
        %get3A_222 = arith.constant 1 : i32
        %get3A_223 = arith.index_cast %get3A_220 : i32 to index
        %get3A_224 = arith.index_cast %get3A_221 : i32 to index
        %get3A_225 = arith.index_cast %div3A_201 : i32 to index
        %get3A_226 = arith.index_cast %get3A_222 : i32 to index
        %get3A_227 = arith.index_cast %mul3A_205 : i32 to index
        %get3A_228 = tpu.vector_load %arg5[%get3A_223, %get3A_224, %get3A_225, %get3A_226, %get3A_227] {strides = array<i32>} : memref<2x4x4x4x128xf32, #tpu.memory_space<vmem>>, vector<16xf32>,
        %broadcast_in_dim3A_229 = arith.constant 1 : i32
        %broadcast_in_dim3A_230 = vector.broadcast %broadcast_in_dim3A_229 : i32 to vector<16xi32>
        tpu.vector_store_idx %arg7[%add3A_210, %broadcast_in_dim3A_230], %get3A_228 : memref<512x33xf32, #tpu.memory_space<vmem>>[vector<16xi32>, vector<16xi32>], vector<16xf32>,
        %get3A_231 = arith.constant 0 : i32
        %get3A_232 = arith.constant 0 : i32
        %get3A_233 = arith.constant 2 : i32
        %get3A_234 = arith.index_cast %get3A_231 : i32 to index
        %get3A_235 = arith.index_cast %get3A_232 : i32 to index
        %get3A_236 = arith.index_cast %div3A_201 : i32 to index
        %get3A_237 = arith.index_cast %get3A_233 : i32 to index
        %get3A_238 = arith.index_cast %mul3A_205 : i32 to index
        %get3A_239 = tpu.vector_load %arg5[%get3A_234, %get3A_235, %get3A_236, %get3A_237, %get3A_238] {strides = array<i32>} : memref<2x4x4x4x128xf32, #tpu.memory_space<vmem>>, vector<16xf32>,
        %broadcast_in_dim3A_240 = arith.constant 2 : i32
        %broadcast_in_dim3A_241 = vector.broadcast %broadcast_in_dim3A_240 : i32 to vector<16xi32>
        tpu.vector_store_idx %arg7[%add3A_210, %broadcast_in_dim3A_241], %get3A_239 : memref<512x33xf32, #tpu.memory_space<vmem>>[vector<16xi32>, vector<16xi32>], vector<16xf32>,
        %get3A_242 = arith.constant 0 : i32
        %get3A_243 = arith.constant 0 : i32
        %get3A_244 = arith.constant 3 : i32
        %get3A_245 = arith.index_cast %get3A_242 : i32 to index
        %get3A_246 = arith.index_cast %get3A_243 : i32 to index
        %get3A_247 = arith.index_cast %div3A_201 : i32 to index
        %get3A_248 = arith.index_cast %get3A_244 : i32 to index
        %get3A_249 = arith.index_cast %mul3A_205 : i32 to index
        %get3A_250 = tpu.vector_load %arg5[%get3A_245, %get3A_246, %get3A_247, %get3A_248, %get3A_249] {strides = array<i32>} : memref<2x4x4x4x128xf32, #tpu.memory_space<vmem>>, vector<16xf32>,
        %broadcast_in_dim3A_251 = arith.constant 3 : i32
        %broadcast_in_dim3A_252 = vector.broadcast %broadcast_in_dim3A_251 : i32 to vector<16xi32>
        tpu.vector_store_idx %arg7[%add3A_210, %broadcast_in_dim3A_252], %get3A_250 : memref<512x33xf32, #tpu.memory_space<vmem>>[vector<16xi32>, vector<16xi32>], vector<16xf32>,
        %get3A_253 = arith.constant 0 : i32
        %get3A_254 = arith.constant 1 : i32
        %get3A_255 = arith.constant 0 : i32
        %get3A_256 = arith.index_cast %get3A_253 : i32 to index
        %get3A_257 = arith.index_cast %get3A_254 : i32 to index
        %get3A_258 = arith.index_cast %div3A_201 : i32 to index
        %get3A_259 = arith.index_cast %get3A_255 : i32 to index
        %get3A_260 = arith.index_cast %mul3A_205 : i32 to index
        %get3A_261 = tpu.vector_load %arg5[%get3A_256, %get3A_257, %get3A_258, %get3A_259, %get3A_260] {strides = array<i32>} : memref<2x4x4x4x128xf32, #tpu.memory_space<vmem>>, vector<16xf32>,
        %broadcast_in_dim3A_262 = arith.constant 4 : i32
        %broadcast_in_dim3A_263 = vector.broadcast %broadcast_in_dim3A_262 : i32 to vector<16xi32>
        tpu.vector_store_idx %arg7[%add3A_210, %broadcast_in_dim3A_263], %get3A_261 : memref<512x33xf32, #tpu.memory_space<vmem>>[vector<16xi32>, vector<16xi32>], vector<16xf32>,
        %get3A_264 = arith.constant 0 : i32
        %get3A_265 = arith.constant 1 : i32
        %get3A_266 = arith.constant 1 : i32
        %get3A_267 = arith.index_cast %get3A_264 : i32 to index
        %get3A_268 = arith.index_cast %get3A_265 : i32 to index
        %get3A_269 = arith.index_cast %div3A_201 : i32 to index
        %get3A_270 = arith.index_cast %get3A_266 : i32 to index
        %get3A_271 = arith.index_cast %mul3A_205 : i32 to index
        %get3A_272 = tpu.vector_load %arg5[%get3A_267, %get3A_268, %get3A_269, %get3A_270, %get3A_271] {strides = array<i32>} : memref<2x4x4x4x128xf32, #tpu.memory_space<vmem>>, vector<16xf32>,
        %broadcast_in_dim3A_273 = arith.constant 5 : i32
        %broadcast_in_dim3A_274 = vector.broadcast %broadcast_in_dim3A_273 : i32 to vector<16xi32>
        tpu.vector_store_idx %arg7[%add3A_210, %broadcast_in_dim3A_274], %get3A_272 : memref<512x33xf32, #tpu.memory_space<vmem>>[vector<16xi32>, vector<16xi32>], vector<16xf32>,
        %get3A_275 = arith.constant 0 : i32
        %get3A_276 = arith.constant 1 : i32
        %get3A_277 = arith.constant 2 : i32
        %get3A_278 = arith.index_cast %get3A_275 : i32 to index
        %get3A_279 = arith.index_cast %get3A_276 : i32 to index
        %get3A_280 = arith.index_cast %div3A_201 : i32 to index
        %get3A_281 = arith.index_cast %get3A_277 : i32 to index
        %get3A_282 = arith.index_cast %mul3A_205 : i32 to index
        %get3A_283 = tpu.vector_load %arg5[%get3A_278, %get3A_279, %get3A_280, %get3A_281, %get3A_282] {strides = array<i32>} : memref<2x4x4x4x128xf32, #tpu.memory_space<vmem>>, vector<16xf32>,
        %broadcast_in_dim3A_284 = arith.constant 6 : i32
        %broadcast_in_dim3A_285 = vector.broadcast %broadcast_in_dim3A_284 : i32 to vector<16xi32>
        tpu.vector_store_idx %arg7[%add3A_210, %broadcast_in_dim3A_285], %get3A_283 : memref<512x33xf32, #tpu.memory_space<vmem>>[vector<16xi32>, vector<16xi32>], vector<16xf32>,
        %get3A_286 = arith.constant 0 : i32
        %get3A_287 = arith.constant 1 : i32
        %get3A_288 = arith.constant 3 : i32
        %get3A_289 = arith.index_cast %get3A_286 : i32 to index
        %get3A_290 = arith.index_cast %get3A_287 : i32 to index
        %get3A_291 = arith.index_cast %div3A_201 : i32 to index
        %get3A_292 = arith.index_cast %get3A_288 : i32 to index
        %get3A_293 = arith.index_cast %mul3A_205 : i32 to index
        %get3A_294 = tpu.vector_load %arg5[%get3A_289, %get3A_290, %get3A_291, %get3A_292, %get3A_293] {strides = array<i32>} : memref<2x4x4x4x128xf32, #tpu.memory_space<vmem>>, vector<16xf32>,
        %broadcast_in_dim3A_295 = arith.constant 7 : i32
        %broadcast_in_dim3A_296 = vector.broadcast %broadcast_in_dim3A_295 : i32 to vector<16xi32>
        tpu.vector_store_idx %arg7[%add3A_210, %broadcast_in_dim3A_296], %get3A_294 : memref<512x33xf32, #tpu.memory_space<vmem>>[vector<16xi32>, vector<16xi32>], vector<16xf32>,
        %get3A_297 = arith.constant 0 : i32
        %get3A_298 = arith.constant 2 : i32
        %get3A_299 = arith.constant 0 : i32
        %get3A_300 = arith.index_cast %get3A_297 : i32 to index
        %get3A_301 = arith.index_cast %get3A_298 : i32 to index
        %get3A_302 = arith.index_cast %div3A_201 : i32 to index
        %get3A_303 = arith.index_cast %get3A_299 : i32 to index
        %get3A_304 = arith.index_cast %mul3A_205 : i32 to index
        %get3A_305 = tpu.vector_load %arg5[%get3A_300, %get3A_301, %get3A_302, %get3A_303, %get3A_304] {strides = array<i32>} : memref<2x4x4x4x128xf32, #tpu.memory_space<vmem>>, vector<16xf32>,
        %broadcast_in_dim3A_306 = arith.constant 8 : i32
        %broadcast_in_dim3A_307 = vector.broadcast %broadcast_in_dim3A_306 : i32 to vector<16xi32>
        tpu.vector_store_idx %arg7[%add3A_210, %broadcast_in_dim3A_307], %get3A_305 : memref<512x33xf32, #tpu.memory_space<vmem>>[vector<16xi32>, vector<16xi32>], vector<16xf32>,
        %get3A_308 = arith.constant 0 : i32
        %get3A_309 = arith.constant 2 : i32
        %get3A_310 = arith.constant 1 : i32
        %get3A_311 = arith.index_cast %get3A_308 : i32 to index
        %get3A_312 = arith.index_cast %get3A_309 : i32 to index
        %get3A_313 = arith.index_cast %div3A_201 : i32 to index
        %get3A_314 = arith.index_cast %get3A_310 : i32 to index
        %get3A_315 = arith.index_cast %mul3A_205 : i32 to index
        %get3A_316 = tpu.vector_load %arg5[%get3A_311, %get3A_312, %get3A_313, %get3A_314, %get3A_315] {strides = array<i32>} : memref<2x4x4x4x128xf32, #tpu.memory_space<vmem>>, vector<16xf32>,
        %broadcast_in_dim3A_317 = arith.constant 9 : i32
        %broadcast_in_dim3A_318 = vector.broadcast %broadcast_in_dim3A_317 : i32 to vector<16xi32>
        tpu.vector_store_idx %arg7[%add3A_210, %broadcast_in_dim3A_318], %get3A_316 : memref<512x33xf32, #tpu.memory_space<vmem>>[vector<16xi32>, vector<16xi32>], vector<16xf32>,
        %get3A_319 = arith.constant 0 : i32
        %get3A_320 = arith.constant 2 : i32
        %get3A_321 = arith.constant 2 : i32
        %get3A_322 = arith.index_cast %get3A_319 : i32 to index
        %get3A_323 = arith.index_cast %get3A_320 : i32 to index
        %get3A_324 = arith.index_cast %div3A_201 : i32 to index
        %get3A_325 = arith.index_cast %get3A_321 : i32 to index
        %get3A_326 = arith.index_cast %mul3A_205 : i32 to index
        %get3A_327 = tpu.vector_load %arg5[%get3A_322, %get3A_323, %get3A_324, %get3A_325, %get3A_326] {strides = array<i32>} : memref<2x4x4x4x128xf32, #tpu.memory_space<vmem>>, vector<16xf32>,
        %broadcast_in_dim3A_328 = arith.constant 10 : i32
        %broadcast_in_dim3A_329 = vector.broadcast %broadcast_in_dim3A_328 : i32 to vector<16xi32>
        tpu.vector_store_idx %arg7[%add3A_210, %broadcast_in_dim3A_329], %get3A_327 : memref<512x33xf32, #tpu.memory_space<vmem>>[vector<16xi32>, vector<16xi32>], vector<16xf32>,
        %get3A_330 = arith.constant 0 : i32
        %get3A_331 = arith.constant 2 : i32
        %get3A_332 = arith.constant 3 : i32
        %get3A_333 = arith.index_cast %get3A_330 : i32 to index
        %get3A_334 = arith.index_cast %get3A_331 : i32 to index
        %get3A_335 = arith.index_cast %div3A_201 : i32 to index
        %get3A_336 = arith.index_cast %get3A_332 : i32 to index
        %get3A_337 = arith.index_cast %mul3A_205 : i32 to index
        %get3A_338 = tpu.vector_load %arg5[%get3A_333, %get3A_334, %get3A_335, %get3A_336, %get3A_337] {strides = array<i32>} : memref<2x4x4x4x128xf32, #tpu.memory_space<vmem>>, vector<16xf32>,
        %broadcast_in_dim3A_339 = arith.constant 11 : i32
        %broadcast_in_dim3A_340 = vector.broadcast %broadcast_in_dim3A_339 : i32 to vector<16xi32>
        tpu.vector_store_idx %arg7[%add3A_210, %broadcast_in_dim3A_340], %get3A_338 : memref<512x33xf32, #tpu.memory_space<vmem>>[vector<16xi32>, vector<16xi32>], vector<16xf32>,
        %get3A_341 = arith.constant 0 : i32
        %get3A_342 = arith.constant 3 : i32
        %get3A_343 = arith.constant 0 : i32
        %get3A_344 = arith.index_cast %get3A_341 : i32 to index
        %get3A_345 = arith.index_cast %get3A_342 : i32 to index
        %get3A_346 = arith.index_cast %div3A_201 : i32 to index
        %get3A_347 = arith.index_cast %get3A_343 : i32 to index
        %get3A_348 = arith.index_cast %mul3A_205 : i32 to index
        %get3A_349 = tpu.vector_load %arg5[%get3A_344, %get3A_345, %get3A_346, %get3A_347, %get3A_348] {strides = array<i32>} : memref<2x4x4x4x128xf32, #tpu.memory_space<vmem>>, vector<16xf32>,
        %broadcast_in_dim3A_350 = arith.constant 12 : i32
        %broadcast_in_dim3A_351 = vector.broadcast %broadcast_in_dim3A_350 : i32 to vector<16xi32>
        tpu.vector_store_idx %arg7[%add3A_210, %broadcast_in_dim3A_351], %get3A_349 : memref<512x33xf32, #tpu.memory_space<vmem>>[vector<16xi32>, vector<16xi32>], vector<16xf32>,
        %get3A_352 = arith.constant 0 : i32
        %get3A_353 = arith.constant 3 : i32
        %get3A_354 = arith.constant 1 : i32
        %get3A_355 = arith.index_cast %get3A_352 : i32 to index
        %get3A_356 = arith.index_cast %get3A_353 : i32 to index
        %get3A_357 = arith.index_cast %div3A_201 : i32 to index
        %get3A_358 = arith.index_cast %get3A_354 : i32 to index
        %get3A_359 = arith.index_cast %mul3A_205 : i32 to index
        %get3A_360 = tpu.vector_load %arg5[%get3A_355, %get3A_356, %get3A_357, %get3A_358, %get3A_359] {strides = array<i32>} : memref<2x4x4x4x128xf32, #tpu.memory_space<vmem>>, vector<16xf32>,
        %broadcast_in_dim3A_361 = arith.constant 13 : i32
        %broadcast_in_dim3A_362 = vector.broadcast %broadcast_in_dim3A_361 : i32 to vector<16xi32>
        tpu.vector_store_idx %arg7[%add3A_210, %broadcast_in_dim3A_362], %get3A_360 : memref<512x33xf32, #tpu.memory_space<vmem>>[vector<16xi32>, vector<16xi32>], vector<16xf32>,
        %get3A_363 = arith.constant 0 : i32
        %get3A_364 = arith.constant 3 : i32
        %get3A_365 = arith.constant 2 : i32
        %get3A_366 = arith.index_cast %get3A_363 : i32 to index
        %get3A_367 = arith.index_cast %get3A_364 : i32 to index
        %get3A_368 = arith.index_cast %div3A_201 : i32 to index
        %get3A_369 = arith.index_cast %get3A_365 : i32 to index
        %get3A_370 = arith.index_cast %mul3A_205 : i32 to index
        %get3A_371 = tpu.vector_load %arg5[%get3A_366, %get3A_367, %get3A_368, %get3A_369, %get3A_370] {strides = array<i32>} : memref<2x4x4x4x128xf32, #tpu.memory_space<vmem>>, vector<16xf32>,
        %broadcast_in_dim3A_372 = arith.constant 14 : i32
        %broadcast_in_dim3A_373 = vector.broadcast %broadcast_in_dim3A_372 : i32 to vector<16xi32>
        tpu.vector_store_idx %arg7[%add3A_210, %broadcast_in_dim3A_373], %get3A_371 : memref<512x33xf32, #tpu.memory_space<vmem>>[vector<16xi32>, vector<16xi32>], vector<16xf32>,
        %get3A_374 = arith.constant 0 : i32
        %get3A_375 = arith.constant 3 : i32
        %get3A_376 = arith.constant 3 : i32
        %get3A_377 = arith.index_cast %get3A_374 : i32 to index
        %get3A_378 = arith.index_cast %get3A_375 : i32 to index
        %get3A_379 = arith.index_cast %div3A_201 : i32 to index
        %get3A_380 = arith.index_cast %get3A_376 : i32 to index
        %get3A_381 = arith.index_cast %mul3A_205 : i32 to index
        %get3A_382 = tpu.vector_load %arg5[%get3A_377, %get3A_378, %get3A_379, %get3A_380, %get3A_381] {strides = array<i32>} : memref<2x4x4x4x128xf32, #tpu.memory_space<vmem>>, vector<16xf32>,
        %broadcast_in_dim3A_383 = arith.constant 15 : i32
        %broadcast_in_dim3A_384 = vector.broadcast %broadcast_in_dim3A_383 : i32 to vector<16xi32>
        tpu.vector_store_idx %arg7[%add3A_210, %broadcast_in_dim3A_384], %get3A_382 : memref<512x33xf32, #tpu.memory_space<vmem>>[vector<16xi32>, vector<16xi32>], vector<16xf32>,
        %get3A_385 = arith.constant 1 : i32
        %get3A_386 = arith.constant 0 : i32
        %get3A_387 = arith.constant 0 : i32
        %get3A_388 = arith.index_cast %get3A_385 : i32 to index
        %get3A_389 = arith.index_cast %get3A_386 : i32 to index
        %get3A_390 = arith.index_cast %div3A_201 : i32 to index
        %get3A_391 = arith.index_cast %get3A_387 : i32 to index
        %get3A_392 = arith.index_cast %mul3A_205 : i32 to index
        %get3A_393 = tpu.vector_load %arg5[%get3A_388, %get3A_389, %get3A_390, %get3A_391, %get3A_392] {strides = array<i32>} : memref<2x4x4x4x128xf32, #tpu.memory_space<vmem>>, vector<16xf32>,
        %broadcast_in_dim3A_394 = arith.constant 16 : i32
        %broadcast_in_dim3A_395 = vector.broadcast %broadcast_in_dim3A_394 : i32 to vector<16xi32>
        tpu.vector_store_idx %arg7[%add3A_210, %broadcast_in_dim3A_395], %get3A_393 : memref<512x33xf32, #tpu.memory_space<vmem>>[vector<16xi32>, vector<16xi32>], vector<16xf32>,
        %get3A_396 = arith.constant 1 : i32
        %get3A_397 = arith.constant 0 : i32
        %get3A_398 = arith.constant 1 : i32
        %get3A_399 = arith.index_cast %get3A_396 : i32 to index
        %get3A_400 = arith.index_cast %get3A_397 : i32 to index
        %get3A_401 = arith.index_cast %div3A_201 : i32 to index
        %get3A_402 = arith.index_cast %get3A_398 : i32 to index
        %get3A_403 = arith.index_cast %mul3A_205 : i32 to index
        %get3A_404 = tpu.vector_load %arg5[%get3A_399, %get3A_400, %get3A_401, %get3A_402, %get3A_403] {strides = array<i32>} : memref<2x4x4x4x128xf32, #tpu.memory_space<vmem>>, vector<16xf32>,
        %broadcast_in_dim3A_405 = arith.constant 17 : i32
        %broadcast_in_dim3A_406 = vector.broadcast %broadcast_in_dim3A_405 : i32 to vector<16xi32>
        tpu.vector_store_idx %arg7[%add3A_210, %broadcast_in_dim3A_406], %get3A_404 : memref<512x33xf32, #tpu.memory_space<vmem>>[vector<16xi32>, vector<16xi32>], vector<16xf32>,
        %get3A_407 = arith.constant 1 : i32
        %get3A_408 = arith.constant 0 : i32
        %get3A_409 = arith.constant 2 : i32
        %get3A_410 = arith.index_cast %get3A_407 : i32 to index
        %get3A_411 = arith.index_cast %get3A_408 : i32 to index
        %get3A_412 = arith.index_cast %div3A_201 : i32 to index
        %get3A_413 = arith.index_cast %get3A_409 : i32 to index
        %get3A_414 = arith.index_cast %mul3A_205 : i32 to index
        %get3A_415 = tpu.vector_load %arg5[%get3A_410, %get3A_411, %get3A_412, %get3A_413, %get3A_414] {strides = array<i32>} : memref<2x4x4x4x128xf32, #tpu.memory_space<vmem>>, vector<16xf32>,
        %broadcast_in_dim3A_416 = arith.constant 18 : i32
        %broadcast_in_dim3A_417 = vector.broadcast %broadcast_in_dim3A_416 : i32 to vector<16xi32>
        tpu.vector_store_idx %arg7[%add3A_210, %broadcast_in_dim3A_417], %get3A_415 : memref<512x33xf32, #tpu.memory_space<vmem>>[vector<16xi32>, vector<16xi32>], vector<16xf32>,
        %get3A_418 = arith.constant 1 : i32
        %get3A_419 = arith.constant 0 : i32
        %get3A_420 = arith.constant 3 : i32
        %get3A_421 = arith.index_cast %get3A_418 : i32 to index
        %get3A_422 = arith.index_cast %get3A_419 : i32 to index
        %get3A_423 = arith.index_cast %div3A_201 : i32 to index
        %get3A_424 = arith.index_cast %get3A_420 : i32 to index
        %get3A_425 = arith.index_cast %mul3A_205 : i32 to index
        %get3A_426 = tpu.vector_load %arg5[%get3A_421, %get3A_422, %get3A_423, %get3A_424, %get3A_425] {strides = array<i32>} : memref<2x4x4x4x128xf32, #tpu.memory_space<vmem>>, vector<16xf32>,
        %broadcast_in_dim3A_427 = arith.constant 19 : i32
        %broadcast_in_dim3A_428 = vector.broadcast %broadcast_in_dim3A_427 : i32 to vector<16xi32>
        tpu.vector_store_idx %arg7[%add3A_210, %broadcast_in_dim3A_428], %get3A_426 : memref<512x33xf32, #tpu.memory_space<vmem>>[vector<16xi32>, vector<16xi32>], vector<16xf32>,
        %get3A_429 = arith.constant 1 : i32
        %get3A_430 = arith.constant 1 : i32
        %get3A_431 = arith.constant 0 : i32
        %get3A_432 = arith.index_cast %get3A_429 : i32 to index
        %get3A_433 = arith.index_cast %get3A_430 : i32 to index
        %get3A_434 = arith.index_cast %div3A_201 : i32 to index
        %get3A_435 = arith.index_cast %get3A_431 : i32 to index
        %get3A_436 = arith.index_cast %mul3A_205 : i32 to index
        %get3A_437 = tpu.vector_load %arg5[%get3A_432, %get3A_433, %get3A_434, %get3A_435, %get3A_436] {strides = array<i32>} : memref<2x4x4x4x128xf32, #tpu.memory_space<vmem>>, vector<16xf32>,
        %broadcast_in_dim3A_438 = arith.constant 20 : i32
        %broadcast_in_dim3A_439 = vector.broadcast %broadcast_in_dim3A_438 : i32 to vector<16xi32>
        tpu.vector_store_idx %arg7[%add3A_210, %broadcast_in_dim3A_439], %get3A_437 : memref<512x33xf32, #tpu.memory_space<vmem>>[vector<16xi32>, vector<16xi32>], vector<16xf32>,
        %get3A_440 = arith.constant 1 : i32
        %get3A_441 = arith.constant 1 : i32
        %get3A_442 = arith.constant 1 : i32
        %get3A_443 = arith.index_cast %get3A_440 : i32 to index
        %get3A_444 = arith.index_cast %get3A_441 : i32 to index
        %get3A_445 = arith.index_cast %div3A_201 : i32 to index
        %get3A_446 = arith.index_cast %get3A_442 : i32 to index
        %get3A_447 = arith.index_cast %mul3A_205 : i32 to index
        %get3A_448 = tpu.vector_load %arg5[%get3A_443, %get3A_444, %get3A_445, %get3A_446, %get3A_447] {strides = array<i32>} : memref<2x4x4x4x128xf32, #tpu.memory_space<vmem>>, vector<16xf32>,
        %broadcast_in_dim3A_449 = arith.constant 21 : i32
        %broadcast_in_dim3A_450 = vector.broadcast %broadcast_in_dim3A_449 : i32 to vector<16xi32>
        tpu.vector_store_idx %arg7[%add3A_210, %broadcast_in_dim3A_450], %get3A_448 : memref<512x33xf32, #tpu.memory_space<vmem>>[vector<16xi32>, vector<16xi32>], vector<16xf32>,
        %get3A_451 = arith.constant 1 : i32
        %get3A_452 = arith.constant 1 : i32
        %get3A_453 = arith.constant 2 : i32
        %get3A_454 = arith.index_cast %get3A_451 : i32 to index
        %get3A_455 = arith.index_cast %get3A_452 : i32 to index
        %get3A_456 = arith.index_cast %div3A_201 : i32 to index
        %get3A_457 = arith.index_cast %get3A_453 : i32 to index
        %get3A_458 = arith.index_cast %mul3A_205 : i32 to index
        %get3A_459 = tpu.vector_load %arg5[%get3A_454, %get3A_455, %get3A_456, %get3A_457, %get3A_458] {strides = array<i32>} : memref<2x4x4x4x128xf32, #tpu.memory_space<vmem>>, vector<16xf32>,
        %broadcast_in_dim3A_460 = arith.constant 22 : i32
        %broadcast_in_dim3A_461 = vector.broadcast %broadcast_in_dim3A_460 : i32 to vector<16xi32>
        tpu.vector_store_idx %arg7[%add3A_210, %broadcast_in_dim3A_461], %get3A_459 : memref<512x33xf32, #tpu.memory_space<vmem>>[vector<16xi32>, vector<16xi32>], vector<16xf32>,
        %get3A_462 = arith.constant 1 : i32
        %get3A_463 = arith.constant 1 : i32
        %get3A_464 = arith.constant 3 : i32
        %get3A_465 = arith.index_cast %get3A_462 : i32 to index
        %get3A_466 = arith.index_cast %get3A_463 : i32 to index
        %get3A_467 = arith.index_cast %div3A_201 : i32 to index
        %get3A_468 = arith.index_cast %get3A_464 : i32 to index
        %get3A_469 = arith.index_cast %mul3A_205 : i32 to index
        %get3A_470 = tpu.vector_load %arg5[%get3A_465, %get3A_466, %get3A_467, %get3A_468, %get3A_469] {strides = array<i32>} : memref<2x4x4x4x128xf32, #tpu.memory_space<vmem>>, vector<16xf32>,
        %broadcast_in_dim3A_471 = arith.constant 23 : i32
        %broadcast_in_dim3A_472 = vector.broadcast %broadcast_in_dim3A_471 : i32 to vector<16xi32>
        tpu.vector_store_idx %arg7[%add3A_210, %broadcast_in_dim3A_472], %get3A_470 : memref<512x33xf32, #tpu.memory_space<vmem>>[vector<16xi32>, vector<16xi32>], vector<16xf32>,
        %get3A_473 = arith.constant 1 : i32
        %get3A_474 = arith.constant 2 : i32
        %get3A_475 = arith.constant 0 : i32
        %get3A_476 = arith.index_cast %get3A_473 : i32 to index
        %get3A_477 = arith.index_cast %get3A_474 : i32 to index
        %get3A_478 = arith.index_cast %div3A_201 : i32 to index
        %get3A_479 = arith.index_cast %get3A_475 : i32 to index
        %get3A_480 = arith.index_cast %mul3A_205 : i32 to index
        %get3A_481 = tpu.vector_load %arg5[%get3A_476, %get3A_477, %get3A_478, %get3A_479, %get3A_480] {strides = array<i32>} : memref<2x4x4x4x128xf32, #tpu.memory_space<vmem>>, vector<16xf32>,
        %broadcast_in_dim3A_482 = arith.constant 24 : i32
        %broadcast_in_dim3A_483 = vector.broadcast %broadcast_in_dim3A_482 : i32 to vector<16xi32>
        tpu.vector_store_idx %arg7[%add3A_210, %broadcast_in_dim3A_483], %get3A_481 : memref<512x33xf32, #tpu.memory_space<vmem>>[vector<16xi32>, vector<16xi32>], vector<16xf32>,
        %get3A_484 = arith.constant 1 : i32
        %get3A_485 = arith.constant 2 : i32
        %get3A_486 = arith.constant 1 : i32
        %get3A_487 = arith.index_cast %get3A_484 : i32 to index
        %get3A_488 = arith.index_cast %get3A_485 : i32 to index
        %get3A_489 = arith.index_cast %div3A_201 : i32 to index
        %get3A_490 = arith.index_cast %get3A_486 : i32 to index
        %get3A_491 = arith.index_cast %mul3A_205 : i32 to index
        %get3A_492 = tpu.vector_load %arg5[%get3A_487, %get3A_488, %get3A_489, %get3A_490, %get3A_491] {strides = array<i32>} : memref<2x4x4x4x128xf32, #tpu.memory_space<vmem>>, vector<16xf32>,
        %broadcast_in_dim3A_493 = arith.constant 25 : i32
        %broadcast_in_dim3A_494 = vector.broadcast %broadcast_in_dim3A_493 : i32 to vector<16xi32>
        tpu.vector_store_idx %arg7[%add3A_210, %broadcast_in_dim3A_494], %get3A_492 : memref<512x33xf32, #tpu.memory_space<vmem>>[vector<16xi32>, vector<16xi32>], vector<16xf32>,
        %get3A_495 = arith.constant 1 : i32
        %get3A_496 = arith.constant 2 : i32
        %get3A_497 = arith.constant 2 : i32
        %get3A_498 = arith.index_cast %get3A_495 : i32 to index
        %get3A_499 = arith.index_cast %get3A_496 : i32 to index
        %get3A_500 = arith.index_cast %div3A_201 : i32 to index
        %get3A_501 = arith.index_cast %get3A_497 : i32 to index
        %get3A_502 = arith.index_cast %mul3A_205 : i32 to index
        %get3A_503 = tpu.vector_load %arg5[%get3A_498, %get3A_499, %get3A_500, %get3A_501, %get3A_502] {strides = array<i32>} : memref<2x4x4x4x128xf32, #tpu.memory_space<vmem>>, vector<16xf32>,
        %broadcast_in_dim3A_504 = arith.constant 26 : i32
        %broadcast_in_dim3A_505 = vector.broadcast %broadcast_in_dim3A_504 : i32 to vector<16xi32>
        tpu.vector_store_idx %arg7[%add3A_210, %broadcast_in_dim3A_505], %get3A_503 : memref<512x33xf32, #tpu.memory_space<vmem>>[vector<16xi32>, vector<16xi32>], vector<16xf32>,
        %get3A_506 = arith.constant 1 : i32
        %get3A_507 = arith.constant 2 : i32
        %get3A_508 = arith.constant 3 : i32
        %get3A_509 = arith.index_cast %get3A_506 : i32 to index
        %get3A_510 = arith.index_cast %get3A_507 : i32 to index
        %get3A_511 = arith.index_cast %div3A_201 : i32 to index
        %get3A_512 = arith.index_cast %get3A_508 : i32 to index
        %get3A_513 = arith.index_cast %mul3A_205 : i32 to index
        %get3A_514 = tpu.vector_load %arg5[%get3A_509, %get3A_510, %get3A_511, %get3A_512, %get3A_513] {strides = array<i32>} : memref<2x4x4x4x128xf32, #tpu.memory_space<vmem>>, vector<16xf32>,
        %broadcast_in_dim3A_515 = arith.constant 27 : i32
        %broadcast_in_dim3A_516 = vector.broadcast %broadcast_in_dim3A_515 : i32 to vector<16xi32>
        tpu.vector_store_idx %arg7[%add3A_210, %broadcast_in_dim3A_516], %get3A_514 : memref<512x33xf32, #tpu.memory_space<vmem>>[vector<16xi32>, vector<16xi32>], vector<16xf32>,
        %get3A_517 = arith.constant 1 : i32
        %get3A_518 = arith.constant 3 : i32
        %get3A_519 = arith.constant 0 : i32
        %get3A_520 = arith.index_cast %get3A_517 : i32 to index
        %get3A_521 = arith.index_cast %get3A_518 : i32 to index
        %get3A_522 = arith.index_cast %div3A_201 : i32 to index
        %get3A_523 = arith.index_cast %get3A_519 : i32 to index
        %get3A_524 = arith.index_cast %mul3A_205 : i32 to index
        %get3A_525 = tpu.vector_load %arg5[%get3A_520, %get3A_521, %get3A_522, %get3A_523, %get3A_524] {strides = array<i32>} : memref<2x4x4x4x128xf32, #tpu.memory_space<vmem>>, vector<16xf32>,
        %broadcast_in_dim3A_526 = arith.constant 28 : i32
        %broadcast_in_dim3A_527 = vector.broadcast %broadcast_in_dim3A_526 : i32 to vector<16xi32>
        tpu.vector_store_idx %arg7[%add3A_210, %broadcast_in_dim3A_527], %get3A_525 : memref<512x33xf32, #tpu.memory_space<vmem>>[vector<16xi32>, vector<16xi32>], vector<16xf32>,
        %get3A_528 = arith.constant 1 : i32
        %get3A_529 = arith.constant 3 : i32
        %get3A_530 = arith.constant 1 : i32
        %get3A_531 = arith.index_cast %get3A_528 : i32 to index
        %get3A_532 = arith.index_cast %get3A_529 : i32 to index
        %get3A_533 = arith.index_cast %div3A_201 : i32 to index
        %get3A_534 = arith.index_cast %get3A_530 : i32 to index
        %get3A_535 = arith.index_cast %mul3A_205 : i32 to index
        %get3A_536 = tpu.vector_load %arg5[%get3A_531, %get3A_532, %get3A_533, %get3A_534, %get3A_535] {strides = array<i32>} : memref<2x4x4x4x128xf32, #tpu.memory_space<vmem>>, vector<16xf32>,
        %broadcast_in_dim3A_537 = arith.constant 29 : i32
        %broadcast_in_dim3A_538 = vector.broadcast %broadcast_in_dim3A_537 : i32 to vector<16xi32>
        tpu.vector_store_idx %arg7[%add3A_210, %broadcast_in_dim3A_538], %get3A_536 : memref<512x33xf32, #tpu.memory_space<vmem>>[vector<16xi32>, vector<16xi32>], vector<16xf32>,
        %get3A_539 = arith.constant 1 : i32
        %get3A_540 = arith.constant 3 : i32
        %get3A_541 = arith.constant 2 : i32
        %get3A_542 = arith.index_cast %get3A_539 : i32 to index
        %get3A_543 = arith.index_cast %get3A_540 : i32 to index
        %get3A_544 = arith.index_cast %div3A_201 : i32 to index
        %get3A_545 = arith.index_cast %get3A_541 : i32 to index
        %get3A_546 = arith.index_cast %mul3A_205 : i32 to index
        %get3A_547 = tpu.vector_load %arg5[%get3A_542, %get3A_543, %get3A_544, %get3A_545, %get3A_546] {strides = array<i32>} : memref<2x4x4x4x128xf32, #tpu.memory_space<vmem>>, vector<16xf32>,
        %broadcast_in_dim3A_548 = arith.constant 30 : i32
        %broadcast_in_dim3A_549 = vector.broadcast %broadcast_in_dim3A_548 : i32 to vector<16xi32>
        tpu.vector_store_idx %arg7[%add3A_210, %broadcast_in_dim3A_549], %get3A_547 : memref<512x33xf32, #tpu.memory_space<vmem>>[vector<16xi32>, vector<16xi32>], vector<16xf32>,
        %get3A_550 = arith.constant 1 : i32
        %get3A_551 = arith.constant 3 : i32
        %get3A_552 = arith.constant 3 : i32
        %get3A_553 = arith.index_cast %get3A_550 : i32 to index
        %get3A_554 = arith.index_cast %get3A_551 : i32 to index
        %get3A_555 = arith.index_cast %div3A_201 : i32 to index
        %get3A_556 = arith.index_cast %get3A_552 : i32 to index
        %get3A_557 = arith.index_cast %mul3A_205 : i32 to index
        %get3A_558 = tpu.vector_load %arg5[%get3A_553, %get3A_554, %get3A_555, %get3A_556, %get3A_557] {strides = array<i32>} : memref<2x4x4x4x128xf32, #tpu.memory_space<vmem>>, vector<16xf32>,
        %broadcast_in_dim3A_559 = arith.constant 31 : i32
        %broadcast_in_dim3A_560 = vector.broadcast %broadcast_in_dim3A_559 : i32 to vector<16xi32>
        tpu.vector_store_idx %arg7[%add3A_210, %broadcast_in_dim3A_560], %get3A_558 : memref<512x33xf32, #tpu.memory_space<vmem>>[vector<16xi32>, vector<16xi32>], vector<16xf32>,
      }
      %scan3A_171 = arith.constant 32 : i32
      %div3A_172 = arith.constant 2 : i32
      %div3A_173 = arith.divsi %add3A_146, %div3A_172 : i32
      %add3A_174 = arith.addi %mul3A_2, %div3A_173 : i32
      %rem3A_175 = arith.constant 2 : i32
      %rem3A_176 = arith.remsi %add3A_146, %rem3A_175 : i32
      %mul3A_177 = arith.constant 1024 : i32
      %mul3A_178 = arith.muli %add3A_174, %mul3A_177 : i32
      %mul3A_179 = arith.constant 512 : i32
      %mul3A_180 = arith.muli %rem3A_176, %mul3A_179 : i32
      %add3A_181 = arith.addi %mul3A_178, %mul3A_180 : i32
      %dma_start3A_182 = arith.constant 0 : i32
      %dma_start3A_183 = arith.constant 0 : i32
      %dma_start3A_184 = tpu.memref_slice %arg7[%dma_start3A_182, %dma_start3A_183] : memref<512x33xf32, #tpu.memory_space<vmem>> -> memref<512x32xf32, #tpu.memory_space<vmem>>
      %dma_start3A_185 = arith.constant 0 : i32
      %dma_start3A_186 = tpu.memref_slice %arg3[%add3A_181, %dma_start3A_185] : memref<1048576x32xf32, #tpu.memory_space<hbm>> -> memref<512x32xf32, #tpu.memory_space<hbm>>
      %dma_start3A_187 = arith.constant 0 : i32
      %dma_start3A_188 = tpu.memref_slice %arg3[%add3A_181, %dma_start3A_187] : memref<1048576x32xf32, #tpu.memory_space<hbm>> -> memref<512x32xf32, #tpu.memory_space<hbm>>
      %dma_start3A_189 = arith.constant 0 : i32
      %dma_start3A_190 = arith.constant 0 : i32
      %dma_start3A_191 = tpu.memref_slice %arg7[%dma_start3A_189, %dma_start3A_190] : memref<512x33xf32, #tpu.memory_space<vmem>> -> memref<512x32xf32, #tpu.memory_space<vmem>>
      tpu.enqueue_dma source(%dma_start3A_191 : memref<512x32xf32, #tpu.memory_space<vmem>>) target(%dma_start3A_188 : memref<512x32xf32, #tpu.memory_space<hbm>>) target_semaphore(%arg11 : memref<!tpu.dma_semaphore, #tpu.memory_space<semaphore_mem>>)
      %add3A_192 = arith.constant 2 : i32
      %add3A_193 = arith.addi %add3A_146, %add3A_192 : i32
      %lt3A_194 = arith.constant 64 : i32
      %lt3A_195 = arith.cmpi slt, %add3A_193, %lt3A_194 : i32
      %convert_element_type3A_196 = arith.extui %lt3A_195 : i1 to i32
      %cond3A_197 = arith.constant 0 : i32
      %cond3A_198 = arith.cmpi ne, %convert_element_type3A_196, %cond3A_197 : i32
      scf.if %cond3A_198 {
        %add3A_199 = arith.constant 2 : i32
        %add3A_200 = arith.addi %add3A_146, %add3A_199 : i32
        %div3A_201 = arith.constant 2 : i32
        %div3A_202 = arith.divsi %add3A_200, %div3A_201 : i32
        %add3A_203 = arith.addi %mul3A_2, %div3A_202 : i32
        %rem3A_204 = arith.constant 2 : i32
        %rem3A_205 = arith.remsi %add3A_200, %rem3A_204 : i32
        %mul3A_206 = arith.constant 4 : i32
        %mul3A_207 = arith.muli %rem3A_205, %mul3A_206 : i32
        %dma_start3A_208 = arith.constant 0 : i32
        %dma_start3A_209 = arith.constant 0 : i32
        %dma_start3A_210 = arith.constant 0 : i32
        %dma_start3A_211 = arith.constant 0 : i32
        %dma_start3A_212 = tpu.memref_slice %arg2[%add3A_203, %dma_start3A_208, %dma_start3A_209, %mul3A_207, %dma_start3A_210, %dma_start3A_211] : memref<1024x2x4x8x4x128xf32, #tpu.memory_space<hbm>> -> memref<1x2x4x4x4x128xf32, #tpu.memory_space<hbm>>
        %dma_start3A_213 = tpu.memref_squeeze %dma_start3A_212 : memref<1x2x4x4x4x128xf32, #tpu.memory_space<hbm>> -> memref<2x4x4x4x128xf32, #tpu.memory_space<hbm>>
        %dma_start3A_214 = arith.constant 0 : i32
        %dma_start3A_215 = arith.constant 0 : i32
        %dma_start3A_216 = arith.constant 0 : i32
        %dma_start3A_217 = arith.constant 0 : i32
        %dma_start3A_218 = tpu.memref_slice %arg2[%add3A_203, %dma_start3A_214, %dma_start3A_215, %mul3A_207, %dma_start3A_216, %dma_start3A_217] : memref<1024x2x4x8x4x128xf32, #tpu.memory_space<hbm>> -> memref<1x2x4x4x4x128xf32, #tpu.memory_space<hbm>>
        %dma_start3A_219 = tpu.memref_squeeze %dma_start3A_218 : memref<1x2x4x4x4x128xf32, #tpu.memory_space<hbm>> -> memref<2x4x4x4x128xf32, #tpu.memory_space<hbm>>
        tpu.enqueue_dma source(%dma_start3A_219 : memref<2x4x4x4x128xf32, #tpu.memory_space<hbm>>) target(%arg5 : memref<2x4x4x4x128xf32, #tpu.memory_space<vmem>>) target_semaphore(%arg9 : memref<!tpu.dma_semaphore, #tpu.memory_space<semaphore_mem>>)
      } else {
      }
    }
    %scan3A_46 = arith.constant 32 : i32
    %div3A_47 = arith.constant 62 : i32
    %div3A_48 = arith.constant 2 : i32
    %div3A_49 = arith.divsi %div3A_47, %div3A_48 : i32
    %add3A_50 = arith.addi %mul3A_2, %div3A_49 : i32
    %rem3A_51 = arith.constant 62 : i32
    %rem3A_52 = arith.constant 2 : i32
    %rem3A_53 = arith.remsi %rem3A_51, %rem3A_52 : i32
    %mul3A_54 = arith.constant 1024 : i32
    %mul3A_55 = arith.muli %add3A_50, %mul3A_54 : i32
    %mul3A_56 = arith.constant 512 : i32
    %mul3A_57 = arith.muli %rem3A_53, %mul3A_56 : i32
    %add3A_58 = arith.addi %mul3A_55, %mul3A_57 : i32
    %dma_wait3A = arith.constant 0 : i32
    %dma_wait3A_59 = arith.constant 0 : i32
    %dma_wait3A_60 = tpu.memref_slice %arg6[%dma_wait3A, %dma_wait3A_59] : memref<512x33xf32, #tpu.memory_space<vmem>> -> memref<512x32xf32, #tpu.memory_space<vmem>>
    %dma_wait3A_61 = arith.constant 0 : i32
    %dma_wait3A_62 = tpu.memref_slice %arg3[%add3A_58, %dma_wait3A_61] : memref<1048576x32xf32, #tpu.memory_space<hbm>> -> memref<512x32xf32, #tpu.memory_space<hbm>>
    %dma_wait3A_63 = arith.constant 0 : i32
    %dma_wait3A_64 = tpu.memref_slice %arg3[%add3A_58, %dma_wait3A_63] : memref<1048576x32xf32, #tpu.memory_space<hbm>> -> memref<512x32xf32, #tpu.memory_space<hbm>>
    %dma_wait3A_65 = arith.constant 0 : i32
    %dma_wait3A_66 = arith.constant 0 : i32
    %dma_wait3A_67 = tpu.memref_slice %arg6[%dma_wait3A_65, %dma_wait3A_66] : memref<512x33xf32, #tpu.memory_space<vmem>> -> memref<512x32xf32, #tpu.memory_space<vmem>>
    tpu.wait_dma2 semaphore(%arg10 : memref<!tpu.dma_semaphore, #tpu.memory_space<semaphore_mem>>) src(%dma_wait3A_67 : memref<512x32xf32, #tpu.memory_space<vmem>>) dst(%dma_wait3A_64 : memref<512x32xf32, #tpu.memory_space<hbm>>)
    %div3A_68 = arith.constant 63 : i32
    %div3A_69 = arith.constant 2 : i32
    %div3A_70 = arith.divsi %div3A_68, %div3A_69 : i32
    %add3A_71 = arith.addi %mul3A_2, %div3A_70 : i32
    %rem3A_72 = arith.constant 63 : i32
    %rem3A_73 = arith.constant 2 : i32
    %rem3A_74 = arith.remsi %rem3A_72, %rem3A_73 : i32
    %mul3A_75 = arith.constant 1024 : i32
    %mul3A_76 = arith.muli %add3A_71, %mul3A_75 : i32
    %mul3A_77 = arith.constant 512 : i32
    %mul3A_78 = arith.muli %rem3A_74, %mul3A_77 : i32
    %add3A_79 = arith.addi %mul3A_76, %mul3A_78 : i32
    %dma_wait3A_80 = arith.constant 0 : i32
    %dma_wait3A_81 = arith.constant 0 : i32
    %dma_wait3A_82 = tpu.memref_slice %arg7[%dma_wait3A_80, %dma_wait3A_81] : memref<512x33xf32, #tpu.memory_space<vmem>> -> memref<512x32xf32, #tpu.memory_space<vmem>>
    %dma_wait3A_83 = arith.constant 0 : i32
    %dma_wait3A_84 = tpu.memref_slice %arg3[%add3A_79, %dma_wait3A_83] : memref<1048576x32xf32, #tpu.memory_space<hbm>> -> memref<512x32xf32, #tpu.memory_space<hbm>>
    %dma_wait3A_85 = arith.constant 0 : i32
    %dma_wait3A_86 = tpu.memref_slice %arg3[%add3A_79, %dma_wait3A_85] : memref<1048576x32xf32, #tpu.memory_space<hbm>> -> memref<512x32xf32, #tpu.memory_space<hbm>>
    %dma_wait3A_87 = arith.constant 0 : i32
    %dma_wait3A_88 = arith.constant 0 : i32
    %dma_wait3A_89 = tpu.memref_slice %arg7[%dma_wait3A_87, %dma_wait3A_88] : memref<512x33xf32, #tpu.memory_space<vmem>> -> memref<512x32xf32, #tpu.memory_space<vmem>>
    tpu.wait_dma2 semaphore(%arg11 : memref<!tpu.dma_semaphore, #tpu.memory_space<semaphore_mem>>) src(%dma_wait3A_89 : memref<512x32xf32, #tpu.memory_space<vmem>>) dst(%dma_wait3A_86 : memref<512x32xf32, #tpu.memory_space<hbm>>)
    return
  }
}

</mosaic_0001>

<sc_bundles>
// kernel: kernel.4.cloned.1.call-start
scs
__scs_entry_jumppad:
0x0: {  	(pc) =	sbr.rel $0x88, $3  }
0x1: {  	(tag) =	ssettag $0x0;
	lr =	simm.s32 $0x1  }
0x2: {  	[smem:$0x3F9E] =	sst lr;
	_ =	strace $0xD0000000  }
0x3: {  	_ = 	snop  }
0x4: {  	_ = 	snop  }
0x5: {  	_ = 	snop  }
0x6: {  	_ = 	snop  }
0x7: {  	_ = 	snop  }
__scs_overlays_trampoline_lowered:
0x8: {  	[smem:$0x3FAD] =	sst s0  }
0x9: {  	[smem:$0x3FAE] =	sst s1  }
0xa: {  	[smem:$0x3FAF] =	sst s2  }
0xb: {  	[smem:$0x3FB0] =	sst s3  }
0xc: {  	[smem:$0x3FB1] =	sst s4  }
0xd: {  	[smem:$0x3FB2] =	sst s5  }
0xe: {  	[smem:$0x3FB3] =	sst s6  }
0xf: {  	[smem:$0x3FB4] =	sst s7  }
0x10: {  	[smem:$0x3FB5] =	sst s8  }
0x11: {  	[smem:$0x3FB6] =	sst s9;
	s0 =	simm.s32 @!p0 $0x0  }
0x12: {  	s1 =	sld [smem:$0x3F9C];
	s0 =	simm.s32 @p0 $0x1  }
0x13: {  	[smem:$0x3FB7] =	sst s0;
	s0 =	simm.s32 @!p1 $0x0  }
0x14: {  	s2 =	sld [smem:$0x3F9B];
	s0 =	simm.s32 @p1 $0x1  }
0x15: {  	[smem:$0x3FB8] =	sst s0;
	s0 =	simm.s32 @!p2 $0x0  }
0x16: {  	s3 =	sld [smem:$0x3FDB];
	s0 =	simm.s32 @p2 $0x1  }
0x17: {  	s4 =	simm.s32 $0x1BF5;
	[smem:$0x3FBA] =	sst s0  }
0x18: {  	s0 =	sld [smem:$0x3F9D];
	_ =	swait.ge [sflag:s4], $0x0  }
0x19: {  	s7 =	sld [smem:$0x3F9E]  }
0x1a: {  	s8 =	sadd.s32 $0xFFFFE003, lr  }
0x1b: {  	s9 =	sadd.s32 $0xFFFFFEF7, lr;
	s5 =	simm.s32 $0xFFFFFFFF;
	p2 =	slt.u32 s8, $0xFFFFF086  }
0x1c: {  	p1 =	slt.u32 s9, $0xF7A;
	s5 =	simm.s32 @!p2 $0x0  }
0x1d: {  	s5 =	simm.s32 @p1 $0x1;
	p0 =	seq.s32 s7, s2  }
0x1e: {  	s7 =	smul.u32 @!p0 $0xF7A, s2;
	p2 =	seq.s32 @!p0 s5, $0x0  }
0x1f: {  	s9 =	smul.u32 $0xF7A, s1;
	s8 =	simm.s32 @!p0 $0x1BF5;
	p2 =	por !p2, p0  }
0x20: {  	[sflag:s8] =	ssyncset.s32 @!p0 $0xFFFFF086;
	s6 =	sadd.s32 @!p0 s3, s7;
	s7 =	simm.s32 @!p0 $0x108  }
0x21: {  	s3 =	sadd.s32 s3, s9;
	s6 =	sadd.s32 @!p0 $0x88, s6;
	s7 =	simm.s32 @p2 $0x1082  }
0x22: {  	[simem:s7], [sflag:s8] =	dma.local @!p0 [hbm:s6], $0xF7A  }
0x23: {  	s9 =	sor.u32 $0xD0000000, s2;
	s6 =	simm.s32 $0x108;
	_ =	swait.ge @!p0 [sflag:s8], $0x0  }
0x24: {  	s3 =	sadd.s32 $0x88, s3;
	s6 =	simm.s32 @!p1 $0x1082;
	[sflag:s4] =	ssyncset.s32 $0xFFFFF086  }
0x25: {  	[simem:s6], [sflag:s4] =	dma.local [hbm:s3], $0xF7A  }
0x26: {  	[smem:$0x3F9E] =	sst s1;
	(tag) =	ssettag s2;
	_ =	strace s9  }
0x27: {  	s1 =	sld [smem:$0x3FAE]  }
0x28: {  	s2 =	sld [smem:$0x3FAF]  }
0x29: {  	s4 =	sld [smem:$0x3FB1]  }
0x2a: {  	p0 =	seq.s32 s5, $0x0;
	s5 =	sld [smem:$0x3FB2]  }
0x2b: {  	s6 =	sld [smem:$0x3FB3]  }
0x2c: {  	s7 =	sld [smem:$0x3FB4]  }
0x2d: {  	s3 =	simm.s32 $0x108;
	s8 =	sld [smem:$0x3FB5]  }
0x2e: {  	s3 =	simm.s32 @!p0 $0x1082;
	s9 =	sld [smem:$0x3FB6]  }
0x2f: {  	lr =	sadd.s32 s0, s3;
	s0 =	sld [smem:$0x3FAD]  }
0x30: {  	s3 =	sld [smem:$0x3FB0]  }
0x31: {  	[smem:$0x3FB9] =	sst s10  }
0x32: {  	s10 =	sld [smem:$0x3FB7];
	_ =	sdelay $0x3  }
0x33: {  	p0 =	seq.s32 s10, $0x1;
	s10 =	sld [smem:$0x3FB9];
	_ =	sdelay $0x3  }
0x34: {  	[smem:$0x3FB9] =	sst s10  }
0x35: {  	s10 =	sld [smem:$0x3FB8];
	_ =	sdelay $0x3  }
0x36: {  	p1 =	seq.s32 s10, $0x1;
	s10 =	sld [smem:$0x3FB9];
	_ =	sdelay $0x3  }
0x37: {  	[smem:$0x3FB9] =	sst s10  }
0x38: {  	s10 =	sld [smem:$0x3FBA]  }
0x39: {  	_ = 	snop;
	(pc) =	sbr.ind lr, $3  }
0x3a: {  	_ = 	snop  }
0x3b: {  	_ = 	snop  }
0x3c: {  	p2 =	seq.s32 s10, $0x1;
	s10 =	sld [smem:$0x3FB9]  }
0x3d: {  	_ =	shalt  }
0x3e: {  	_ =	shalt  }
0x3f: {  	_ =	shalt  }
0x40: {  	_ =	shalt  }
0x41: {  	_ =	shalt  }
0x42: {  	_ =	shalt  }
0x43: {  	_ =	shalt  }
0x44: {  	_ =	shalt  }
0x45: {  	_ =	shalt  }
0x46: {  	_ =	shalt  }
0x47: {  	_ =	shalt  }
0x48: {  	_ =	shalt  }
0x49: {  	_ =	shalt  }
0x4a: {  	_ =	shalt  }
0x4b: {  	_ =	shalt  }
0x4c: {  	_ =	shalt  }
0x4d: {  	_ =	shalt  }
0x4e: {  	_ =	shalt  }
0x4f: {  	_ =	shalt  }
0x50: {  	_ =	shalt  }
0x51: {  	_ =	shalt  }
0x52: {  	_ =	shalt  }
0x53: {  	_ =	shalt  }
0x54: {  	_ =	shalt  }
0x55: {  	_ =	shalt  }
0x56: {  	_ =	shalt  }
0x57: {  	_ =	shalt  }
0x58: {  	_ =	shalt  }
0x59: {  	_ =	shalt  }
0x5a: {  	_ =	shalt  }
0x5b: {  	_ =	shalt  }
0x5c: {  	_ =	shalt  }
0x5d: {  	_ =	shalt  }
0x5e: {  	_ =	shalt  }
0x5f: {  	_ =	shalt  }
0x60: {  	_ =	shalt  }
0x61: {  	_ =	shalt  }
0x62: {  	_ =	shalt  }
0x63: {  	_ =	shalt  }
0x64: {  	_ =	shalt  }
0x65: {  	_ =	shalt  }
0x66: {  	_ =	shalt  }
0x67: {  	_ =	shalt  }
0x68: {  	_ =	shalt  }
0x69: {  	_ =	shalt  }
0x6a: {  	_ =	shalt  }
0x6b: {  	_ =	shalt  }
0x6c: {  	_ =	shalt  }
0x6d: {  	_ =	shalt  }
0x6e: {  	_ =	shalt  }
0x6f: {  	_ =	shalt  }
0x70: {  	_ =	shalt  }
0x71: {  	_ =	shalt  }
0x72: {  	_ =	shalt  }
0x73: {  	_ =	shalt  }
0x74: {  	_ =	shalt  }
0x75: {  	_ =	shalt  }
0x76: {  	_ =	shalt  }
0x77: {  	_ =	shalt  }
0x78: {  	_ =	shalt  }
0x79: {  	_ =	shalt  }
0x7a: {  	_ =	shalt  }
0x7b: {  	_ =	shalt  }
0x7c: {  	_ =	shalt  }
0x7d: {  	_ =	shalt  }
0x7e: {  	_ =	shalt  }
0x7f: {  	_ =	shalt  }
0x80: {  	_ =	shalt  }
0x81: {  	_ =	shalt  }
0x82: {  	_ =	shalt  }
0x83: {  	_ =	shalt  }
0x84: {  	_ =	shalt  }
0x85: {  	_ =	shalt  }
0x86: {  	_ =	shalt  }
0x87: {  	_ =	shalt  }
.Lfunc_end0:
.L_simem_size_0:
called_computation_lowered:
.L_overlay_start_0:
0x88: {  	s2 =	sld [smem:$0x3FD9]  }
0x89: {  	s3 =	sld [smem:$0x3FFE];
	_ =	sdelay $0x1  }
0x8a: {  	s1 =	srdreg.scid  }
0x8b: {  	s0 =	sand.u32 $0x1, s1  }
0x8c: {  	s17 =	sshll.u32 s0, $0xA;
	s2 =	sadd.s32 s3, s2  }
0x8d: {  	s2 =	sadd.s32 s2, s17  }
0x8e: {  	[smem:$0x3FC5] =	sst s2  }
0x8f: {  	_ = 	snop  }
0x90: {  	s2 =	sld [smem:$0x3FC7];
	(tm) =	ssettm $0x1  }
0x91: {  	s18 =	sld [smem:$0x3FFB];
	_ =	sdelay $0x3  }
0x92: {  	_ =	strace s18  }
0x93: {  	s3 =	sld [smem:$0x3FFC];
	_ =	sdelay $0x3  }
0x94: {  	_ =	strace s3  }
0x95: {  	s3 =	sld [smem:$0x3FFD];
	_ =	sdelay $0x3  }
0x96: {  	_ =	strace s3  }
0x97: {  	_ =	strace $0x8FFFFFFF  }
0x98: {  	s19 =	sld [smem:$0x3FDB];
	_ =	sdelay $0x1  }
0x99: {  	s4 =	simm.s32 $_scs_section_size  }
0x9a: {  	s5 =	simm.s32 $_size__tile_overlayer_lowered;
	s6 =	simm.s32 $_tile_overlayer_lowered  }
0x9b: {  	s22 =	simm.s32 $0x1BFF;
	s21 =	sshll.u32 s6, $0x1;
	s3 =	sadd.s32 s4, s19  }
0x9c: {  	s7 =	simm.s32 $0x0;
	s20 =	sshll.u32 s5, $0x1;
	s5 =	sadd.s32 s21, s3  }
0x9d: {  	[timem:s7], [sflag:s22] =	dma.local [hbm:s5], s20  }
0x9e: {  	_ =	swait.ge [sflag:s22], s20  }
0x9f: {  	s4 =	ssub.s32 $0x0, s20;
	[sflag:s22] =	ssyncset.done $0x0  }
0xa0: {  	[sflag:s22] =	ssyncadd.s32 s4;
	_ =	sdelay $0x1  }
0xa1: {  	s23 =	simm.s32 $0x1B8B  }
0xa2: {  	_ =	swait.ge [sflag:s23], $0x1  }
0xa3: {  	[sflag:s23] =	ssyncset.done $0x0  }
0xa4: {  	s25 =	simm.s32 $0x1B8E;
	s24 =	sld [smem:$0x3FFE];
	[sflag:s23] =	ssyncadd.s32 $0xFFFFFFFF  }
0xa5: {  	s26 =	simm.s32 $execute0_lowered;
	[smem:$0x3FD2] =	sst s25  }
0xa6: {  	s5 =	sshll.u32 s26, $0x1;
	_ =	strace $0x80000046;
	[dreg:$0x1] =	wrdreg $0xFFFFFFFF  }
0xa7: {  	s28 =	simm.s32 $_size_execute0_lowered;
	s3 =	sadd.s32 s3, s5;
	[dreg:$0x0] =	wrdreg $0x0  }
0xa8: {  	s5 =	sshll.u32 s28, $0x1;
	[dreg:$0x2] =	wrdreg s3  }
0xa9: {  	[dreg:$0x3] =	wrdreg s5  }
0xaa: {  	[dreg:$0x4] =	wrdreg $0xC0  }
0xab: {  	_ =	task [dreg:s7], $0x5FFFF  }
0xac: {  	[dreg:$0x1] =	wrdreg $0xFFFFFFFF  }
0xad: {  	[dreg:$0x0] =	wrdreg $0x60  }
0xae: {  	[dreg:$0x2] =	wrdreg s2  }
0xaf: {  	[dreg:$0x3] =	wrdreg s24  }
0xb0: {  	[dreg:$0x4] =	wrdreg $0x9  }
0xb1: {  	_ =	task.clear_ibuf [dreg:s7], $0x5FFFF;
	_ =	strace $0x90000046  }
0xb2: {  	s29 =	simm.s32 $0x9;
	_ =	strace $0x80000048  }
0xb3: {  	_ =	swait.ge [sflag:s29], $0x1  }
0xb4: {  	[sflag:s29] =	ssyncadd.s32 $0xFFFFFFFF  }
0xb5: {  	_ =	strace $0x90000048  }
0xb6: {  	_ =	sfence  }
0xb7: {  	s30 =	sld [smem:$0x0];
	_ =	sdelay $0x2  }
0xb8: {  	s31 =	sshll.u32 s1, $0xD;
	s1 =	sshrl.u32 s1, $0x2  }
0xb9: {  	s3 =	sand.u32 $0x4000, s31;
	s1 =	sadd.s32 s1, s30  }
0xba: {  	s0 =	sor.u32 s3, s0;
	s1 =	sshll.u32 s1, $0x11  }
0xbb: {  	s0 =	sor.u32 s1, s0  }
0xbc: {  	s0 =	sadd.s32 $0x8F2B, s0  }
0xbd: {  	[sflag:s0] =	ssyncadd.remote.s32 $0x1  }
0xbe: {  	_ =	sfence.sel $0xFFFF  }
0xbf: {  	[dreg:$0x0] =	wrdreg $0xFFFFFFFF;
	(pc) =	sbr.abs _section_cstart, $3  }
0xc0: {  	[dreg:$0x1] =	wrdreg $0xFFFFFFFF  }
0xc1: {  	_ =	task.clear_ibuf [dreg:s7], $0x2FFFF;
	_ =	strace $0x9FFFFFFF  }
0xc2: {  	(tm) =	ssettm $0x7FFFFFFF  }
0xc3: {  	_ =	shalt  }
tec
execute0_lowered:
.L_overlay_start_1:
0x0: {  	(tag) =	ssettag $0x1  }
0x1: {  	v0 =	vlaneseq.u32  }
0x2: {  	s1 =	rddreg [dreg:$0x0];
	v0 =	vmul.u32 $0x28, v0  }
0x3: {  	s10 =	rddreg [dreg:$0x1]  }
0x4: {  	s0 =	rddreg [dreg:$0x2];
	s2 =	simm.s32 $0x0;
	v1 =	vor.u32 $0x1, v0  }
0x5: {  	s4 =	srdreg.scid;
	s3 =	stileid.u32;
	s12 =	simm.s32 $0x800;
	v2 =	vor.u32 $0x2, v0;
	v3 =	vor.u32 $0x3, v0;
	v4 =	vor.u32 $0x4, v0  }
0x6: {  	s13 =	simm.s32 $0x1000;
	s14 =	simm.s32 $0x4000;
	s15 =	simm.s32 $0x1;
	v5 =	vor.u32 $0x5, v0;
	v6 =	vor.u32 $0x6, v0;
	v7 =	vor.u32 $0x7, v0  }
0x7: {  	s16 =	simm.s32 $0x8000;
	s17 =	simm.s32 $0x2;
	s18 =	simm.s32 $0x4;
	v8 =	vadd.s32 $0x8, v0;
	v9 =	vadd.s32 $0x9, v0;
	v10 =	vadd.s32 $0xA, v0  }
0x8: {  	s19 =	simm.s32 $0xD000;
	s20 =	simm.s32 $0x3;
	s21 =	simm.s32 $0x0;
	v11 =	vadd.s32 $0xB, v0;
	v12 =	vadd.s32 $0xC, v0;
	v13 =	vadd.s32 $0xD, v0  }
0x9: {  	[smem:$0x7FF] =	sst s2;
	s4 =	sand.u32 $0x1, s4;
	s7 =	sshll.u32 s3, $0x5;
	v14 =	vadd.s32 $0xE, v0;
	v15 =	vadd.s32 $0xF, v0;
	v16 =	vadd.s32 $0x10, v0  }
.Ltmp0:
0xa: {  	_ =	strace $0x80000047;
	s6 =	ssub.s32 $0x2, s4;
	v17 =	vadd.s32 $0x11, v0;
	v18 =	vadd.s32 $0x12, v0;
	v19 =	vadd.s32 $0x13, v0;
	(pc) =	sbr.rel .LBB2_1-.Ltmp0, $4  }
0xb: {  	s5 =	sshll.u32 s4, $0x9;
	s4 =	sadd.s32 $0x800, s10;
	s8 =	sshrl.u32 s6, $0x1;
	v20 =	vadd.s32 $0x14, v0;
	v21 =	vadd.s32 $0x15, v0;
	v22 =	vadd.s32 $0x16, v0  }
0xc: {  	s10 =	sadd.s32 $0x1000, s10;
	s5 =	sor.u32 s7, s5;
	v23 =	vadd.s32 $0x17, v0;
	v24 =	vadd.s32 $0x18, v0;
	v25 =	vadd.s32 $0x19, v0;
	s11 =	ssub.s32 s6, s8  }
0xd: {  	v26 =	vadd.s32 $0x1A, v0;
	v27 =	vadd.s32 $0x1B, v0;
	v28 =	vadd.s32 $0x1C, v0;
	s31 =	sshll.u32 s5, $0xC;
	s6 =	sadd.s32 $0x100, s1;
	s9 =	sor.u32 $0x1, s5  }
0xe: {  	v29 =	vadd.s32 $0x1D, v0;
	v30 =	vadd.s32 $0x1E, v0;
	v31 =	vadd.s32 $0x1F, v0;
	s7 =	sadd.s32 s1, s31;
	s8 =	sadd.s32 s31, s6;
	s11 =	smax.u32 s11, $0x1  }
.LBB2_16:
0xf: {  	s21 =	sadd.s32 $0x1, s21  }
0x10: {  	_ =	swait.ge [sflag:s20], $0x4000;
	p0 =	sne.s32 s21, s11  }
.Ltmp1:
0x11: {  	[sflag:s20] =	ssyncset.done $0x0;
	(pc) =	sbr.rel @!p0 .LBB2_17-.Ltmp1, $4  }
0x12: {  	[sflag:s20] =	ssyncadd.s32 $0xFFFFC000  }
0x13: {  	_ =	swait.ge [sflag:s18], $0x4000  }
0x14: {  	[sflag:s18] =	ssyncset.done $0x0  }
0x15: {  	[sflag:s18] =	ssyncadd.s32 $0xFFFFC000  }
.LBB2_1:
0x16: {  	[tilespmem:s2], [sflag:$0x1] =	stream.strided.gather [hbm4b:s7+s12], $0x4000, s13, s12, $0x38;
	[tilespmem:$0x12000] =	vst v63  }
0x17: {  	s22 =	simm.s32 $0x0  }
0x18: {  	[tilespmem:s14], [sflag:$0x2] =	stream.strided.gather [hbm4b:s8+s12], $0x4000, s13, s12, $0x38;
	[tilespmem:$0x12000] =	vst v63  }
.LBB2_2:
0x19: {  	s23 =	simm.s32 $0x0;
	s24 =	simm.s32 $0x0  }
0x1a: {  	s23 =	sand.u32 $0x70, s23;
	s24 =	sand.u32 $0xFFFFFF80, s24  }
0x1b: {  	_ =	swait.ge [sflag:s15], $0x4000;
	s24 =	sor.u32 s23, s24  }
0x1c: {  	p0 =	seq.s32 s22, $0x0;
	[sflag:s15] =	ssyncset.done $0x0;
	v32 =	vmov s24  }
0x1d: {  	[sflag:s15] =	ssyncadd.s32 $0xFFFFC000;
	s24 =	simm.s32 @!p0 $0x3;
	v32 =	vmul.u32 $0x28, v32  }
0x1e: {  	s25 =	simm.s32 $0x0;
	_ =	swait.ge @!p0 [sflag:s24], $0x4000  }
0x1f: {  	s25 =	sand.u32 $0x3FFFFE00, s25;
	[sflag:s24] =	ssyncset.done @!p0 $0x0;
	v32 =	vbroadcast v32, $0x0  }
0x20: {  	s23 =	sor.u32 s23, s25;
	[sflag:s24] =	ssyncadd.s32 @!p0 $0xFFFFC000  }
0x21: {  	v33 =	vld [tilespmem:s23+$0x0];
	v34 =	vadd.s32 v0, v32;
	_ =	sdelay $0x4  }
0x22: {  	[tilespmem:v34+s16+$0x0] =	vst.idx.msk $0xffff, v33  }
0x23: {  	v63 =	vadd.s32 v1, v32;
	v33 =	vld [tilespmem:s23+$0x80];
	_ =	sdelay $0x4  }
0x24: {  	[tilespmem:v63+s16+$0x0] =	vst.idx.msk $0xffff, v33  }
0x25: {  	v36 =	vadd.s32 v2, v32;
	v33 =	vld [tilespmem:s23+$0x100];
	_ =	sdelay $0x4  }
0x26: {  	[tilespmem:v36+s16+$0x0] =	vst.idx.msk $0xffff, v33  }
0x27: {  	v37 =	vadd.s32 v3, v32;
	v33 =	vld [tilespmem:s23+$0x180];
	_ =	sdelay $0x4  }
0x28: {  	[tilespmem:v37+s16+$0x0] =	vst.idx.msk $0xffff, v33  }
0x29: {  	v38 =	vadd.s32 v4, v32;
	v33 =	vld [tilespmem:s23+$0x800];
	_ =	sdelay $0x4  }
0x2a: {  	[tilespmem:v38+s16+$0x0] =	vst.idx.msk $0xffff, v33  }
0x2b: {  	v39 =	vadd.s32 v5, v32;
	v33 =	vld [tilespmem:s23+$0x880];
	_ =	sdelay $0x4  }
0x2c: {  	[tilespmem:v39+s16+$0x0] =	vst.idx.msk $0xffff, v33  }
0x2d: {  	v40 =	vadd.s32 v6, v32;
	v33 =	vld [tilespmem:s23+$0x900];
	_ =	sdelay $0x4  }
0x2e: {  	[tilespmem:v40+s16+$0x0] =	vst.idx.msk $0xffff, v33  }
0x2f: {  	v41 =	vadd.s32 v7, v32;
	v33 =	vld [tilespmem:s23+$0x980];
	_ =	sdelay $0x4  }
0x30: {  	[tilespmem:v41+s16+$0x0] =	vst.idx.msk $0xffff, v33  }
0x31: {  	v42 =	vadd.s32 v8, v32;
	v33 =	vld [tilespmem:s23+$0x1000];
	_ =	sdelay $0x4  }
0x32: {  	[tilespmem:v42+s16+$0x0] =	vst.idx.msk $0xffff, v33  }
0x33: {  	v43 =	vadd.s32 v9, v32;
	v33 =	vld [tilespmem:s23+$0x1080];
	_ =	sdelay $0x4  }
0x34: {  	[tilespmem:v43+s16+$0x0] =	vst.idx.msk $0xffff, v33  }
0x35: {  	v44 =	vadd.s32 v10, v32;
	v33 =	vld [tilespmem:s23+$0x1100];
	_ =	sdelay $0x4  }
0x36: {  	[tilespmem:v44+s16+$0x0] =	vst.idx.msk $0xffff, v33  }
0x37: {  	v45 =	vadd.s32 v11, v32;
	v33 =	vld [tilespmem:s23+$0x1180];
	_ =	sdelay $0x4  }
0x38: {  	[tilespmem:v45+s16+$0x0] =	vst.idx.msk $0xffff, v33  }
0x39: {  	v46 =	vadd.s32 v12, v32;
	v33 =	vld [tilespmem:s23+$0x1800];
	_ =	sdelay $0x4  }
0x3a: {  	[tilespmem:v46+s16+$0x0] =	vst.idx.msk $0xffff, v33  }
0x3b: {  	v47 =	vadd.s32 v13, v32;
	v33 =	vld [tilespmem:s23+$0x1880];
	_ =	sdelay $0x4  }
0x3c: {  	[tilespmem:v47+s16+$0x0] =	vst.idx.msk $0xffff, v33  }
0x3d: {  	v48 =	vadd.s32 v14, v32;
	v33 =	vld [tilespmem:s23+$0x1900];
	_ =	sdelay $0x4  }
0x3e: {  	[tilespmem:v48+s16+$0x0] =	vst.idx.msk $0xffff, v33  }
0x3f: {  	v49 =	vadd.s32 v15, v32;
	v33 =	vld [tilespmem:s23+$0x1980];
	_ =	sdelay $0x4  }
0x40: {  	[tilespmem:v49+s16+$0x0] =	vst.idx.msk $0xffff, v33  }
0x41: {  	v50 =	vadd.s32 v16, v32;
	v33 =	vld [tilespmem:s23+$0x2000];
	_ =	sdelay $0x4  }
0x42: {  	[tilespmem:v50+s16+$0x0] =	vst.idx.msk $0xffff, v33  }
0x43: {  	v51 =	vadd.s32 v17, v32;
	v33 =	vld [tilespmem:s23+$0x2080];
	_ =	sdelay $0x4  }
0x44: {  	[tilespmem:v51+s16+$0x0] =	vst.idx.msk $0xffff, v33  }
0x45: {  	v52 =	vadd.s32 v18, v32;
	v33 =	vld [tilespmem:s23+$0x2100];
	_ =	sdelay $0x4  }
0x46: {  	[tilespmem:v52+s16+$0x0] =	vst.idx.msk $0xffff, v33  }
0x47: {  	v53 =	vadd.s32 v19, v32;
	v33 =	vld [tilespmem:s23+$0x2180];
	_ =	sdelay $0x4  }
0x48: {  	[tilespmem:v53+s16+$0x0] =	vst.idx.msk $0xffff, v33  }
0x49: {  	v54 =	vadd.s32 v20, v32;
	v33 =	vld [tilespmem:s23+$0x2800];
	_ =	sdelay $0x4  }
0x4a: {  	[tilespmem:v54+s16+$0x0] =	vst.idx.msk $0xffff, v33  }
0x4b: {  	v55 =	vadd.s32 v21, v32;
	v33 =	vld [tilespmem:s23+$0x2880];
	_ =	sdelay $0x4  }
0x4c: {  	[tilespmem:v55+s16+$0x0] =	vst.idx.msk $0xffff, v33  }
0x4d: {  	v56 =	vadd.s32 v22, v32;
	v33 =	vld [tilespmem:s23+$0x2900];
	_ =	sdelay $0x4  }
0x4e: {  	[tilespmem:v56+s16+$0x0] =	vst.idx.msk $0xffff, v33  }
0x4f: {  	v57 =	vadd.s32 v23, v32;
	v33 =	vld [tilespmem:s23+$0x2980];
	_ =	sdelay $0x4  }
0x50: {  	[tilespmem:v57+s16+$0x0] =	vst.idx.msk $0xffff, v33  }
0x51: {  	v58 =	vadd.s32 v24, v32;
	v33 =	vld [tilespmem:s23+$0x3000];
	_ =	sdelay $0x4  }
0x52: {  	[tilespmem:v58+s16+$0x0] =	vst.idx.msk $0xffff, v33  }
0x53: {  	v59 =	vadd.s32 v25, v32;
	v33 =	vld [tilespmem:s23+$0x3080];
	_ =	sdelay $0x4  }
0x54: {  	[tilespmem:v59+s16+$0x0] =	vst.idx.msk $0xffff, v33  }
0x55: {  	v60 =	vadd.s32 v26, v32;
	v33 =	vld [tilespmem:s23+$0x3100];
	_ =	sdelay $0x4  }
0x56: {  	[tilespmem:v60+s16+$0x0] =	vst.idx.msk $0xffff, v33  }
0x57: {  	v61 =	vadd.s32 v27, v32;
	v33 =	vld [tilespmem:s23+$0x3180];
	_ =	sdelay $0x4  }
0x58: {  	[tilespmem:v61+s16+$0x0] =	vst.idx.msk $0xffff, v33  }
0x59: {  	v62 =	vadd.s32 v28, v32;
	v33 =	vld [tilespmem:s23+$0x3800];
	_ =	sdelay $0x4  }
0x5a: {  	[tilespmem:v62+s16+$0x0] =	vst.idx.msk $0xffff, v33  }
0x5b: {  	v63 =	vadd.s32 v29, v32;
	v33 =	vld [tilespmem:s23+$0x3880];
	_ =	sdelay $0x4  }
0x5c: {  	[tilespmem:v63+s16+$0x0] =	vst.idx.msk $0xffff, v33  }
0x5d: {  	v34 =	vadd.s32 v30, v32;
	v33 =	vld [tilespmem:s23+$0x3900];
	_ =	sdelay $0x2  }
0x5e: {  	s28 =	simm.s32 $0x10  }
0x5f: {  	s26 =	simm.s32 $0x2;
	s25 =	simm.s32 $0x10;
	s24 =	simm.s32 $0x1  }
.LBB2_3:
0x60: {  	p1 =	sne.s32 s26, $0x1F;
	s29 =	sand.u32 $0x70, s25;
	s28 =	sand.u32 $0xFFFFFF80, s28;
	[tilespmem:v34+s16+$0x0] =	vst.idx.msk $0xffff, v33  }
0x61: {  	v34 =	vadd.s32 v31, v32;
	s28 =	sor.u32 s29, s28;
	v33 =	vld [tilespmem:s23+$0x3980]  }
0x62: {  	v32 =	vmov s28  }
0x63: {  	v32 =	vmul.u32 $0x28, v32  }
0x64: {  	s23 =	sshll.u32 s24, $0x6;
	s24 =	smov.u32 s26  }
0x65: {  	s23 =	sand.u32 $0x3FFFFE00, s23;
	v32 =	vbroadcast v32, $0x0  }
0x66: {  	s23 =	sor.u32 s29, s23;
	[tilespmem:v34+s16+$0x0] =	vst.idx.msk $0xffff, v33  }
0x67: {  	v33 =	vld [tilespmem:s23+$0x0];
	v34 =	vadd.s32 v0, v32;
	_ =	sdelay $0x4  }
0x68: {  	[tilespmem:v34+s16+$0x0] =	vst.idx.msk $0xffff, v33  }
0x69: {  	v34 =	vadd.s32 v1, v32;
	v33 =	vld [tilespmem:s23+$0x80];
	_ =	sdelay $0x4  }
0x6a: {  	[tilespmem:v34+s16+$0x0] =	vst.idx.msk $0xffff, v33  }
0x6b: {  	v34 =	vadd.s32 v2, v32;
	v33 =	vld [tilespmem:s23+$0x100];
	_ =	sdelay $0x4  }
0x6c: {  	[tilespmem:v34+s16+$0x0] =	vst.idx.msk $0xffff, v33  }
0x6d: {  	v34 =	vadd.s32 v3, v32;
	v33 =	vld [tilespmem:s23+$0x180];
	_ =	sdelay $0x4  }
0x6e: {  	[tilespmem:v34+s16+$0x0] =	vst.idx.msk $0xffff, v33  }
0x6f: {  	v34 =	vadd.s32 v4, v32;
	v33 =	vld [tilespmem:s23+$0x800];
	_ =	sdelay $0x4  }
0x70: {  	[tilespmem:v34+s16+$0x0] =	vst.idx.msk $0xffff, v33  }
0x71: {  	v34 =	vadd.s32 v5, v32;
	v33 =	vld [tilespmem:s23+$0x880];
	_ =	sdelay $0x4  }
0x72: {  	[tilespmem:v34+s16+$0x0] =	vst.idx.msk $0xffff, v33  }
0x73: {  	v34 =	vadd.s32 v6, v32;
	v33 =	vld [tilespmem:s23+$0x900];
	_ =	sdelay $0x4  }
0x74: {  	[tilespmem:v34+s16+$0x0] =	vst.idx.msk $0xffff, v33  }
0x75: {  	v34 =	vadd.s32 v7, v32;
	v33 =	vld [tilespmem:s23+$0x980];
	_ =	sdelay $0x4  }
0x76: {  	[tilespmem:v34+s16+$0x0] =	vst.idx.msk $0xffff, v33  }
0x77: {  	v34 =	vadd.s32 v8, v32;
	v33 =	vld [tilespmem:s23+$0x1000];
	_ =	sdelay $0x4  }
0x78: {  	[tilespmem:v34+s16+$0x0] =	vst.idx.msk $0xffff, v33  }
0x79: {  	v34 =	vadd.s32 v9, v32;
	v33 =	vld [tilespmem:s23+$0x1080];
	_ =	sdelay $0x4  }
0x7a: {  	[tilespmem:v34+s16+$0x0] =	vst.idx.msk $0xffff, v33  }
0x7b: {  	v34 =	vadd.s32 v10, v32;
	v33 =	vld [tilespmem:s23+$0x1100];
	_ =	sdelay $0x4  }
0x7c: {  	[tilespmem:v34+s16+$0x0] =	vst.idx.msk $0xffff, v33  }
0x7d: {  	v34 =	vadd.s32 v11, v32;
	v33 =	vld [tilespmem:s23+$0x1180];
	_ =	sdelay $0x4  }
0x7e: {  	[tilespmem:v34+s16+$0x0] =	vst.idx.msk $0xffff, v33  }
0x7f: {  	v34 =	vadd.s32 v12, v32;
	v33 =	vld [tilespmem:s23+$0x1800];
	_ =	sdelay $0x4  }
0x80: {  	[tilespmem:v34+s16+$0x0] =	vst.idx.msk $0xffff, v33  }
0x81: {  	v34 =	vadd.s32 v13, v32;
	v33 =	vld [tilespmem:s23+$0x1880];
	_ =	sdelay $0x4  }
0x82: {  	[tilespmem:v34+s16+$0x0] =	vst.idx.msk $0xffff, v33  }
0x83: {  	v34 =	vadd.s32 v14, v32;
	v33 =	vld [tilespmem:s23+$0x1900];
	_ =	sdelay $0x4  }
0x84: {  	[tilespmem:v34+s16+$0x0] =	vst.idx.msk $0xffff, v33  }
0x85: {  	v34 =	vadd.s32 v15, v32;
	v33 =	vld [tilespmem:s23+$0x1980];
	_ =	sdelay $0x4  }
0x86: {  	[tilespmem:v34+s16+$0x0] =	vst.idx.msk $0xffff, v33  }
0x87: {  	v34 =	vadd.s32 v16, v32;
	v33 =	vld [tilespmem:s23+$0x2000];
	_ =	sdelay $0x4  }
0x88: {  	[tilespmem:v34+s16+$0x0] =	vst.idx.msk $0xffff, v33  }
0x89: {  	v34 =	vadd.s32 v17, v32;
	v33 =	vld [tilespmem:s23+$0x2080];
	_ =	sdelay $0x4  }
0x8a: {  	[tilespmem:v34+s16+$0x0] =	vst.idx.msk $0xffff, v33  }
0x8b: {  	v34 =	vadd.s32 v18, v32;
	v33 =	vld [tilespmem:s23+$0x2100];
	_ =	sdelay $0x4  }
0x8c: {  	[tilespmem:v34+s16+$0x0] =	vst.idx.msk $0xffff, v33  }
0x8d: {  	v34 =	vadd.s32 v19, v32;
	v33 =	vld [tilespmem:s23+$0x2180];
	_ =	sdelay $0x4  }
0x8e: {  	[tilespmem:v34+s16+$0x0] =	vst.idx.msk $0xffff, v33  }
0x8f: {  	v34 =	vadd.s32 v20, v32;
	v33 =	vld [tilespmem:s23+$0x2800];
	_ =	sdelay $0x4  }
0x90: {  	[tilespmem:v34+s16+$0x0] =	vst.idx.msk $0xffff, v33  }
0x91: {  	v34 =	vadd.s32 v21, v32;
	v33 =	vld [tilespmem:s23+$0x2880];
	_ =	sdelay $0x4  }
0x92: {  	[tilespmem:v34+s16+$0x0] =	vst.idx.msk $0xffff, v33  }
0x93: {  	v34 =	vadd.s32 v22, v32;
	v33 =	vld [tilespmem:s23+$0x2900];
	_ =	sdelay $0x4  }
0x94: {  	[tilespmem:v34+s16+$0x0] =	vst.idx.msk $0xffff, v33  }
0x95: {  	v34 =	vadd.s32 v23, v32;
	v33 =	vld [tilespmem:s23+$0x2980];
	_ =	sdelay $0x4  }
0x96: {  	[tilespmem:v34+s16+$0x0] =	vst.idx.msk $0xffff, v33  }
0x97: {  	v34 =	vadd.s32 v24, v32;
	v33 =	vld [tilespmem:s23+$0x3000];
	_ =	sdelay $0x4  }
0x98: {  	[tilespmem:v34+s16+$0x0] =	vst.idx.msk $0xffff, v33  }
0x99: {  	v34 =	vadd.s32 v25, v32;
	v33 =	vld [tilespmem:s23+$0x3080];
	_ =	sdelay $0x4  }
0x9a: {  	[tilespmem:v34+s16+$0x0] =	vst.idx.msk $0xffff, v33  }
0x9b: {  	v34 =	vadd.s32 v26, v32;
	v33 =	vld [tilespmem:s23+$0x3100];
	_ =	sdelay $0x4  }
0x9c: {  	[tilespmem:v34+s16+$0x0] =	vst.idx.msk $0xffff, v33  }
0x9d: {  	v34 =	vadd.s32 v27, v32;
	v33 =	vld [tilespmem:s23+$0x3180];
	_ =	sdelay $0x4  }
0x9e: {  	[tilespmem:v34+s16+$0x0] =	vst.idx.msk $0xffff, v33  }
0x9f: {  	v34 =	vadd.s32 v28, v32;
	v33 =	vld [tilespmem:s23+$0x3800];
	_ =	sdelay $0x4  }
0xa0: {  	[tilespmem:v34+s16+$0x0] =	vst.idx.msk $0xffff, v33  }
0xa1: {  	v34 =	vadd.s32 v29, v32;
	v33 =	vld [tilespmem:s23+$0x3880];
	_ =	sdelay $0x4  }
0xa2: {  	[tilespmem:v34+s16+$0x0] =	vst.idx.msk $0xffff, v33  }
.Ltmp2:
0xa3: {  	v34 =	vadd.s32 v30, v32;
	v33 =	vld [tilespmem:s23+$0x3900];
	(pc) =	sbr.rel @p1 .LBB2_3-.Ltmp2, $2  }
0xa4: {  	_ =	sdelay $0x2  }
0xa5: {  	s25 =	sadd.s32 $0x10, s25;
	s26 =	sadd.s32 $0x1, s26;
	s28 =	sshll.u32 s24, $0x4  }
0xa6: {  	_ =	sdelay $0x3  }
0xa7: {  	s25 =	sand.u32 $0x70, s25;
	s26 =	sand.u32 $0xFFFFFF80, s28;
	[tilespmem:v34+s16+$0x0] =	vst.idx.msk $0xffff, v33  }
0xa8: {  	v32 =	vadd.s32 v31, v32;
	s26 =	sor.u32 s25, s26;
	v33 =	vld [tilespmem:s23+$0x3980]  }
0xa9: {  	v59 =	vmov s26  }
0xaa: {  	v34 =	vmul.u32 $0x28, v59  }
0xab: {  	s30 =	sshll.u32 s24, $0x6  }
0xac: {  	s23 =	sand.u32 $0x3FFFFE00, s30;
	v34 =	vbroadcast v34, $0x0  }
0xad: {  	s23 =	sor.u32 s25, s23;
	[tilespmem:v32+s16+$0x0] =	vst.idx.msk $0xffff, v33  }
0xae: {  	v32 =	vld [tilespmem:s23+$0x0];
	v60 =	vadd.s32 v0, v34;
	_ =	sdelay $0x4  }
0xaf: {  	[tilespmem:v60+s16+$0x0] =	vst.idx.msk $0xffff, v32  }
0xb0: {  	v61 =	vadd.s32 v1, v34;
	v32 =	vld [tilespmem:s23+$0x80];
	_ =	sdelay $0x4  }
0xb1: {  	[tilespmem:v61+s16+$0x0] =	vst.idx.msk $0xffff, v32  }
0xb2: {  	v62 =	vadd.s32 v2, v34;
	v32 =	vld [tilespmem:s23+$0x100];
	_ =	sdelay $0x4  }
0xb3: {  	[tilespmem:v62+s16+$0x0] =	vst.idx.msk $0xffff, v32  }
0xb4: {  	v63 =	vadd.s32 v3, v34;
	v32 =	vld [tilespmem:s23+$0x180];
	_ =	sdelay $0x4  }
0xb5: {  	[tilespmem:v63+s16+$0x0] =	vst.idx.msk $0xffff, v32  }
0xb6: {  	v36 =	vadd.s32 v4, v34;
	v32 =	vld [tilespmem:s23+$0x800];
	_ =	sdelay $0x4  }
0xb7: {  	[tilespmem:v36+s16+$0x0] =	vst.idx.msk $0xffff, v32  }
0xb8: {  	v37 =	vadd.s32 v5, v34;
	v32 =	vld [tilespmem:s23+$0x880];
	_ =	sdelay $0x4  }
0xb9: {  	[tilespmem:v37+s16+$0x0] =	vst.idx.msk $0xffff, v32  }
0xba: {  	v38 =	vadd.s32 v6, v34;
	v32 =	vld [tilespmem:s23+$0x900];
	_ =	sdelay $0x4  }
0xbb: {  	[tilespmem:v38+s16+$0x0] =	vst.idx.msk $0xffff, v32  }
0xbc: {  	v39 =	vadd.s32 v7, v34;
	v32 =	vld [tilespmem:s23+$0x980];
	_ =	sdelay $0x4  }
0xbd: {  	[tilespmem:v39+s16+$0x0] =	vst.idx.msk $0xffff, v32  }
0xbe: {  	v40 =	vadd.s32 v8, v34;
	v32 =	vld [tilespmem:s23+$0x1000];
	_ =	sdelay $0x4  }
0xbf: {  	[tilespmem:v40+s16+$0x0] =	vst.idx.msk $0xffff, v32  }
0xc0: {  	v41 =	vadd.s32 v9, v34;
	v32 =	vld [tilespmem:s23+$0x1080];
	_ =	sdelay $0x4  }
0xc1: {  	[tilespmem:v41+s16+$0x0] =	vst.idx.msk $0xffff, v32  }
0xc2: {  	v42 =	vadd.s32 v10, v34;
	v32 =	vld [tilespmem:s23+$0x1100];
	_ =	sdelay $0x4  }
0xc3: {  	[tilespmem:v42+s16+$0x0] =	vst.idx.msk $0xffff, v32  }
0xc4: {  	v43 =	vadd.s32 v11, v34;
	v32 =	vld [tilespmem:s23+$0x1180];
	_ =	sdelay $0x4  }
0xc5: {  	[tilespmem:v43+s16+$0x0] =	vst.idx.msk $0xffff, v32  }
0xc6: {  	v44 =	vadd.s32 v12, v34;
	v32 =	vld [tilespmem:s23+$0x1800];
	_ =	sdelay $0x4  }
0xc7: {  	[tilespmem:v44+s16+$0x0] =	vst.idx.msk $0xffff, v32  }
0xc8: {  	v45 =	vadd.s32 v13, v34;
	v32 =	vld [tilespmem:s23+$0x1880];
	_ =	sdelay $0x4  }
0xc9: {  	[tilespmem:v45+s16+$0x0] =	vst.idx.msk $0xffff, v32  }
0xca: {  	v46 =	vadd.s32 v14, v34;
	v32 =	vld [tilespmem:s23+$0x1900];
	_ =	sdelay $0x4  }
0xcb: {  	[tilespmem:v46+s16+$0x0] =	vst.idx.msk $0xffff, v32  }
0xcc: {  	v47 =	vadd.s32 v15, v34;
	v32 =	vld [tilespmem:s23+$0x1980];
	_ =	sdelay $0x4  }
0xcd: {  	[tilespmem:v47+s16+$0x0] =	vst.idx.msk $0xffff, v32  }
0xce: {  	v48 =	vadd.s32 v16, v34;
	v32 =	vld [tilespmem:s23+$0x2000];
	_ =	sdelay $0x4  }
0xcf: {  	[tilespmem:v48+s16+$0x0] =	vst.idx.msk $0xffff, v32  }
0xd0: {  	v49 =	vadd.s32 v17, v34;
	v32 =	vld [tilespmem:s23+$0x2080];
	_ =	sdelay $0x4  }
0xd1: {  	[tilespmem:v49+s16+$0x0] =	vst.idx.msk $0xffff, v32  }
0xd2: {  	v50 =	vadd.s32 v18, v34;
	v32 =	vld [tilespmem:s23+$0x2100];
	_ =	sdelay $0x4  }
0xd3: {  	[tilespmem:v50+s16+$0x0] =	vst.idx.msk $0xffff, v32  }
0xd4: {  	v51 =	vadd.s32 v19, v34;
	v32 =	vld [tilespmem:s23+$0x2180];
	_ =	sdelay $0x4  }
0xd5: {  	[tilespmem:v51+s16+$0x0] =	vst.idx.msk $0xffff, v32  }
0xd6: {  	v52 =	vadd.s32 v20, v34;
	v32 =	vld [tilespmem:s23+$0x2800];
	_ =	sdelay $0x4  }
0xd7: {  	[tilespmem:v52+s16+$0x0] =	vst.idx.msk $0xffff, v32  }
0xd8: {  	v53 =	vadd.s32 v21, v34;
	v32 =	vld [tilespmem:s23+$0x2880];
	_ =	sdelay $0x4  }
0xd9: {  	[tilespmem:v53+s16+$0x0] =	vst.idx.msk $0xffff, v32  }
0xda: {  	v54 =	vadd.s32 v22, v34;
	v32 =	vld [tilespmem:s23+$0x2900];
	_ =	sdelay $0x4  }
0xdb: {  	[tilespmem:v54+s16+$0x0] =	vst.idx.msk $0xffff, v32  }
0xdc: {  	v55 =	vadd.s32 v23, v34;
	v32 =	vld [tilespmem:s23+$0x2980];
	_ =	sdelay $0x4  }
0xdd: {  	[tilespmem:v55+s16+$0x0] =	vst.idx.msk $0xffff, v32  }
0xde: {  	v56 =	vadd.s32 v24, v34;
	v32 =	vld [tilespmem:s23+$0x3000];
	_ =	sdelay $0x4  }
0xdf: {  	[tilespmem:v56+s16+$0x0] =	vst.idx.msk $0xffff, v32  }
0xe0: {  	v57 =	vadd.s32 v25, v34;
	v32 =	vld [tilespmem:s23+$0x3080];
	_ =	sdelay $0x4  }
0xe1: {  	[tilespmem:v57+s16+$0x0] =	vst.idx.msk $0xffff, v32  }
0xe2: {  	v58 =	vadd.s32 v26, v34;
	v32 =	vld [tilespmem:s23+$0x3100];
	_ =	sdelay $0x4  }
0xe3: {  	[tilespmem:v58+s16+$0x0] =	vst.idx.msk $0xffff, v32  }
0xe4: {  	v59 =	vadd.s32 v27, v34;
	v32 =	vld [tilespmem:s23+$0x3180];
	_ =	sdelay $0x4  }
0xe5: {  	[tilespmem:v59+s16+$0x0] =	vst.idx.msk $0xffff, v32  }
0xe6: {  	v60 =	vadd.s32 v28, v34;
	v32 =	vld [tilespmem:s23+$0x3800];
	_ =	sdelay $0x4  }
0xe7: {  	[tilespmem:v60+s16+$0x0] =	vst.idx.msk $0xffff, v32  }
0xe8: {  	v61 =	vadd.s32 v29, v34;
	v32 =	vld [tilespmem:s23+$0x3880];
	_ =	sdelay $0x4  }
0xe9: {  	[tilespmem:v61+s16+$0x0] =	vst.idx.msk $0xffff, v32  }
0xea: {  	v62 =	vadd.s32 v30, v34;
	v32 =	vld [tilespmem:s23+$0x3900];
	_ =	sdelay $0x4  }
0xeb: {  	[tilespmem:v62+s16+$0x0] =	vst.idx.msk $0xffff, v32  }
0xec: {  	v63 =	vadd.s32 v31, v34;
	v32 =	vld [tilespmem:s23+$0x3980];
	_ =	sdelay $0x1  }
0xed: {  	s31 =	sor.u32 s5, s22  }
0xee: {  	s23 =	sshll.u32 s31, $0xC  }
0xef: {  	s28 =	simm.s32 $0x8028;
	s24 =	sadd.s32 s4, s23  }
0xf0: {  	s25 =	simm.s32 $0x8000;
	s26 =	simm.s32 $0x4;
	s29 =	sadd.s32 $0x0, s24;
	[tilespmem:v63+s16+$0x0] =	vst.idx.msk $0xffff, v32  }
.LBB2_5:
0xf1: {  	[hbm4b:s29+s2] =	stream.linear.scatter [tilespmem:s25], [sflag:$0x3], $0x20, $0x38;
	[tilespmem:$0x12000] =	vst v63  }
0xf2: {  	s29 =	smov.u32 s26;
	s25 =	smov.u32 s28;
	p1 =	sne.s32 s26, $0x7FC  }
.Ltmp3:
0xf3: {  	s26 =	sadd.s32 $0x4, s26;
	(pc) =	sbr.rel @p1 .LBB2_5-.Ltmp3, $2  }
0xf4: {  	_ =	sdelay $0x2  }
0xf5: {  	s28 =	sadd.s32 $0x28, s28;
	s29 =	sadd.s32 s29, s24  }
0xf6: {  	p1 =	sne.s32 s22, $0x1F  }
.Ltmp4:
0xf7: {  	_ = 	snop;
	(pc) =	sbr.rel @p1 .LBB2_8-.Ltmp4, $2  }
0xf8: {  	_ =	sdelay $0x2  }
0xf9: {  	[hbm4b:s29+s2] =	stream.linear.scatter [tilespmem:s25], [sflag:$0x3], $0x20, $0x38;
	[tilespmem:$0x12000] =	vst v63  }
.Ltmp5:
0xfa: {  	(pc) =	sbr.rel .LBB2_9-.Ltmp5, $4  }
0xfb: {  	_ = 	snop  }
0xfc: {  	_ =	swait.ge [sflag:s17], $0x4000  }
0xfd: {  	[sflag:s17] =	ssyncset.done $0x0  }
0xfe: {  	[sflag:s17] =	ssyncadd.s32 $0xFFFFC000  }
.LBB2_8:
0xff: {  	s24 =	sadd.s32 s22, s9  }
0x100: {  	s24 =	sshll.u32 s24, $0xC  }
.Ltmp6:
0x101: {  	s24 =	sadd.s32 s1, s24;
	(pc) =	sbr.rel @p0 .LBB2_10-.Ltmp6, $4  }
0x102: {  	[tilespmem:s2], [sflag:$0x1] =	stream.strided.gather [hbm4b:s24+s12], $0x4000, s13, s12, $0x38;
	[tilespmem:$0x12000] =	vst v63  }
0x103: {  	_ =	swait.ge [sflag:s17], $0x4000  }
0x104: {  	[sflag:s17] =	ssyncset.done $0x0  }
0x105: {  	[sflag:s17] =	ssyncadd.s32 $0xFFFFC000  }
.LBB2_9:
0x106: {  	_ =	swait.ge [sflag:s18], $0x4000  }
0x107: {  	[sflag:s18] =	ssyncset.done $0x0  }
0x108: {  	[sflag:s18] =	ssyncadd.s32 $0xFFFFC000  }
.LBB2_10:
0x109: {  	s24 =	simm.s32 $0x0;
	s25 =	simm.s32 $0x0  }
0x10a: {  	s24 =	sand.u32 $0x70, s24;
	s25 =	sand.u32 $0xFFFFFF80, s25  }
0x10b: {  	s25 =	sor.u32 s24, s25  }
0x10c: {  	v32 =	vmov s25  }
0x10d: {  	v32 =	vmul.u32 $0x28, v32  }
0x10e: {  	s31 =	simm.s32 $0x0  }
0x10f: {  	s25 =	sand.u32 $0x3FFFFE00, s31;
	v32 =	vbroadcast v32, $0x0  }
0x110: {  	s24 =	sor.u32 s24, s25  }
0x111: {  	v33 =	vld [tilespmem:s24+$0x4000];
	v34 =	vadd.s32 v0, v32;
	_ =	sdelay $0x4  }
0x112: {  	[tilespmem:v34+s19+$0x0] =	vst.idx.msk $0xffff, v33  }
0x113: {  	v63 =	vadd.s32 v1, v32;
	v33 =	vld [tilespmem:s24+$0x4080];
	_ =	sdelay $0x4  }
0x114: {  	[tilespmem:v63+s19+$0x0] =	vst.idx.msk $0xffff, v33  }
0x115: {  	v36 =	vadd.s32 v2, v32;
	v33 =	vld [tilespmem:s24+$0x4100];
	_ =	sdelay $0x4  }
0x116: {  	[tilespmem:v36+s19+$0x0] =	vst.idx.msk $0xffff, v33  }
0x117: {  	v37 =	vadd.s32 v3, v32;
	v33 =	vld [tilespmem:s24+$0x4180];
	_ =	sdelay $0x4  }
0x118: {  	[tilespmem:v37+s19+$0x0] =	vst.idx.msk $0xffff, v33  }
0x119: {  	v38 =	vadd.s32 v4, v32;
	v33 =	vld [tilespmem:s24+$0x4800];
	_ =	sdelay $0x4  }
0x11a: {  	[tilespmem:v38+s19+$0x0] =	vst.idx.msk $0xffff, v33  }
0x11b: {  	v39 =	vadd.s32 v5, v32;
	v33 =	vld [tilespmem:s24+$0x4880];
	_ =	sdelay $0x4  }
0x11c: {  	[tilespmem:v39+s19+$0x0] =	vst.idx.msk $0xffff, v33  }
0x11d: {  	v40 =	vadd.s32 v6, v32;
	v33 =	vld [tilespmem:s24+$0x4900];
	_ =	sdelay $0x4  }
0x11e: {  	[tilespmem:v40+s19+$0x0] =	vst.idx.msk $0xffff, v33  }
0x11f: {  	v41 =	vadd.s32 v7, v32;
	v33 =	vld [tilespmem:s24+$0x4980];
	_ =	sdelay $0x4  }
0x120: {  	[tilespmem:v41+s19+$0x0] =	vst.idx.msk $0xffff, v33  }
0x121: {  	v42 =	vadd.s32 v8, v32;
	v33 =	vld [tilespmem:s24+$0x5000];
	_ =	sdelay $0x4  }
0x122: {  	[tilespmem:v42+s19+$0x0] =	vst.idx.msk $0xffff, v33  }
0x123: {  	v43 =	vadd.s32 v9, v32;
	v33 =	vld [tilespmem:s24+$0x5080];
	_ =	sdelay $0x4  }
0x124: {  	[tilespmem:v43+s19+$0x0] =	vst.idx.msk $0xffff, v33  }
0x125: {  	v44 =	vadd.s32 v10, v32;
	v33 =	vld [tilespmem:s24+$0x5100];
	_ =	sdelay $0x4  }
0x126: {  	[tilespmem:v44+s19+$0x0] =	vst.idx.msk $0xffff, v33  }
0x127: {  	v45 =	vadd.s32 v11, v32;
	v33 =	vld [tilespmem:s24+$0x5180];
	_ =	sdelay $0x4  }
0x128: {  	[tilespmem:v45+s19+$0x0] =	vst.idx.msk $0xffff, v33  }
0x129: {  	v46 =	vadd.s32 v12, v32;
	v33 =	vld [tilespmem:s24+$0x5800];
	_ =	sdelay $0x4  }
0x12a: {  	[tilespmem:v46+s19+$0x0] =	vst.idx.msk $0xffff, v33  }
0x12b: {  	v47 =	vadd.s32 v13, v32;
	v33 =	vld [tilespmem:s24+$0x5880];
	_ =	sdelay $0x4  }
0x12c: {  	[tilespmem:v47+s19+$0x0] =	vst.idx.msk $0xffff, v33  }
0x12d: {  	v48 =	vadd.s32 v14, v32;
	v33 =	vld [tilespmem:s24+$0x5900];
	_ =	sdelay $0x4  }
0x12e: {  	[tilespmem:v48+s19+$0x0] =	vst.idx.msk $0xffff, v33  }
0x12f: {  	v49 =	vadd.s32 v15, v32;
	v33 =	vld [tilespmem:s24+$0x5980];
	_ =	sdelay $0x4  }
0x130: {  	[tilespmem:v49+s19+$0x0] =	vst.idx.msk $0xffff, v33  }
0x131: {  	v50 =	vadd.s32 v16, v32;
	v33 =	vld [tilespmem:s24+$0x6000];
	_ =	sdelay $0x4  }
0x132: {  	[tilespmem:v50+s19+$0x0] =	vst.idx.msk $0xffff, v33  }
0x133: {  	v51 =	vadd.s32 v17, v32;
	v33 =	vld [tilespmem:s24+$0x6080];
	_ =	sdelay $0x4  }
0x134: {  	[tilespmem:v51+s19+$0x0] =	vst.idx.msk $0xffff, v33  }
0x135: {  	v52 =	vadd.s32 v18, v32;
	v33 =	vld [tilespmem:s24+$0x6100];
	_ =	sdelay $0x4  }
0x136: {  	[tilespmem:v52+s19+$0x0] =	vst.idx.msk $0xffff, v33  }
0x137: {  	v53 =	vadd.s32 v19, v32;
	v33 =	vld [tilespmem:s24+$0x6180];
	_ =	sdelay $0x4  }
0x138: {  	[tilespmem:v53+s19+$0x0] =	vst.idx.msk $0xffff, v33  }
0x139: {  	v54 =	vadd.s32 v20, v32;
	v33 =	vld [tilespmem:s24+$0x6800];
	_ =	sdelay $0x4  }
0x13a: {  	[tilespmem:v54+s19+$0x0] =	vst.idx.msk $0xffff, v33  }
0x13b: {  	v55 =	vadd.s32 v21, v32;
	v33 =	vld [tilespmem:s24+$0x6880];
	_ =	sdelay $0x4  }
0x13c: {  	[tilespmem:v55+s19+$0x0] =	vst.idx.msk $0xffff, v33  }
0x13d: {  	v56 =	vadd.s32 v22, v32;
	v33 =	vld [tilespmem:s24+$0x6900];
	_ =	sdelay $0x4  }
0x13e: {  	[tilespmem:v56+s19+$0x0] =	vst.idx.msk $0xffff, v33  }
0x13f: {  	v57 =	vadd.s32 v23, v32;
	v33 =	vld [tilespmem:s24+$0x6980];
	_ =	sdelay $0x4  }
0x140: {  	[tilespmem:v57+s19+$0x0] =	vst.idx.msk $0xffff, v33  }
0x141: {  	v58 =	vadd.s32 v24, v32;
	v33 =	vld [tilespmem:s24+$0x7000];
	_ =	sdelay $0x4  }
0x142: {  	[tilespmem:v58+s19+$0x0] =	vst.idx.msk $0xffff, v33  }
0x143: {  	v59 =	vadd.s32 v25, v32;
	v33 =	vld [tilespmem:s24+$0x7080];
	_ =	sdelay $0x4  }
0x144: {  	[tilespmem:v59+s19+$0x0] =	vst.idx.msk $0xffff, v33  }
0x145: {  	v60 =	vadd.s32 v26, v32;
	v33 =	vld [tilespmem:s24+$0x7100];
	_ =	sdelay $0x4  }
0x146: {  	[tilespmem:v60+s19+$0x0] =	vst.idx.msk $0xffff, v33  }
0x147: {  	v61 =	vadd.s32 v27, v32;
	v33 =	vld [tilespmem:s24+$0x7180];
	_ =	sdelay $0x4  }
0x148: {  	[tilespmem:v61+s19+$0x0] =	vst.idx.msk $0xffff, v33  }
0x149: {  	v62 =	vadd.s32 v28, v32;
	v33 =	vld [tilespmem:s24+$0x7800];
	_ =	sdelay $0x4  }
0x14a: {  	[tilespmem:v62+s19+$0x0] =	vst.idx.msk $0xffff, v33  }
0x14b: {  	v63 =	vadd.s32 v29, v32;
	v33 =	vld [tilespmem:s24+$0x7880];
	_ =	sdelay $0x4  }
0x14c: {  	[tilespmem:v63+s19+$0x0] =	vst.idx.msk $0xffff, v33  }
0x14d: {  	v34 =	vadd.s32 v30, v32;
	v33 =	vld [tilespmem:s24+$0x7900];
	_ =	sdelay $0x2  }
0x14e: {  	s29 =	simm.s32 $0x10  }
0x14f: {  	s28 =	simm.s32 $0x2;
	s26 =	simm.s32 $0x10;
	s25 =	simm.s32 $0x1  }
.LBB2_11:
0x150: {  	p0 =	sne.s32 s28, $0x1F;
	s30 =	sand.u32 $0x70, s26;
	s29 =	sand.u32 $0xFFFFFF80, s29;
	[tilespmem:v34+s19+$0x0] =	vst.idx.msk $0xffff, v33  }
0x151: {  	v34 =	vadd.s32 v31, v32;
	s29 =	sor.u32 s30, s29;
	v33 =	vld [tilespmem:s24+$0x7980]  }
0x152: {  	v32 =	vmov s29  }
0x153: {  	v32 =	vmul.u32 $0x28, v32  }
0x154: {  	s24 =	sshll.u32 s25, $0x6;
	s25 =	smov.u32 s28  }
0x155: {  	s24 =	sand.u32 $0x3FFFFE00, s24;
	v32 =	vbroadcast v32, $0x0  }
0x156: {  	s24 =	sor.u32 s30, s24;
	[tilespmem:v34+s19+$0x0] =	vst.idx.msk $0xffff, v33  }
0x157: {  	v33 =	vld [tilespmem:s24+$0x4000];
	v34 =	vadd.s32 v0, v32;
	_ =	sdelay $0x4  }
0x158: {  	[tilespmem:v34+s19+$0x0] =	vst.idx.msk $0xffff, v33  }
0x159: {  	v34 =	vadd.s32 v1, v32;
	v33 =	vld [tilespmem:s24+$0x4080];
	_ =	sdelay $0x4  }
0x15a: {  	[tilespmem:v34+s19+$0x0] =	vst.idx.msk $0xffff, v33  }
0x15b: {  	v34 =	vadd.s32 v2, v32;
	v33 =	vld [tilespmem:s24+$0x4100];
	_ =	sdelay $0x4  }
0x15c: {  	[tilespmem:v34+s19+$0x0] =	vst.idx.msk $0xffff, v33  }
0x15d: {  	v34 =	vadd.s32 v3, v32;
	v33 =	vld [tilespmem:s24+$0x4180];
	_ =	sdelay $0x4  }
0x15e: {  	[tilespmem:v34+s19+$0x0] =	vst.idx.msk $0xffff, v33  }
0x15f: {  	v34 =	vadd.s32 v4, v32;
	v33 =	vld [tilespmem:s24+$0x4800];
	_ =	sdelay $0x4  }
0x160: {  	[tilespmem:v34+s19+$0x0] =	vst.idx.msk $0xffff, v33  }
0x161: {  	v34 =	vadd.s32 v5, v32;
	v33 =	vld [tilespmem:s24+$0x4880];
	_ =	sdelay $0x4  }
0x162: {  	[tilespmem:v34+s19+$0x0] =	vst.idx.msk $0xffff, v33  }
0x163: {  	v34 =	vadd.s32 v6, v32;
	v33 =	vld [tilespmem:s24+$0x4900];
	_ =	sdelay $0x4  }
0x164: {  	[tilespmem:v34+s19+$0x0] =	vst.idx.msk $0xffff, v33  }
0x165: {  	v34 =	vadd.s32 v7, v32;
	v33 =	vld [tilespmem:s24+$0x4980];
	_ =	sdelay $0x4  }
0x166: {  	[tilespmem:v34+s19+$0x0] =	vst.idx.msk $0xffff, v33  }
0x167: {  	v34 =	vadd.s32 v8, v32;
	v33 =	vld [tilespmem:s24+$0x5000];
	_ =	sdelay $0x4  }
0x168: {  	[tilespmem:v34+s19+$0x0] =	vst.idx.msk $0xffff, v33  }
0x169: {  	v34 =	vadd.s32 v9, v32;
	v33 =	vld [tilespmem:s24+$0x5080];
	_ =	sdelay $0x4  }
0x16a: {  	[tilespmem:v34+s19+$0x0] =	vst.idx.msk $0xffff, v33  }
0x16b: {  	v34 =	vadd.s32 v10, v32;
	v33 =	vld [tilespmem:s24+$0x5100];
	_ =	sdelay $0x4  }
0x16c: {  	[tilespmem:v34+s19+$0x0] =	vst.idx.msk $0xffff, v33  }
0x16d: {  	v34 =	vadd.s32 v11, v32;
	v33 =	vld [tilespmem:s24+$0x5180];
	_ =	sdelay $0x4  }
0x16e: {  	[tilespmem:v34+s19+$0x0] =	vst.idx.msk $0xffff, v33  }
0x16f: {  	v34 =	vadd.s32 v12, v32;
	v33 =	vld [tilespmem:s24+$0x5800];
	_ =	sdelay $0x4  }
0x170: {  	[tilespmem:v34+s19+$0x0] =	vst.idx.msk $0xffff, v33  }
0x171: {  	v34 =	vadd.s32 v13, v32;
	v33 =	vld [tilespmem:s24+$0x5880];
	_ =	sdelay $0x4  }
0x172: {  	[tilespmem:v34+s19+$0x0] =	vst.idx.msk $0xffff, v33  }
0x173: {  	v34 =	vadd.s32 v14, v32;
	v33 =	vld [tilespmem:s24+$0x5900];
	_ =	sdelay $0x4  }
0x174: {  	[tilespmem:v34+s19+$0x0] =	vst.idx.msk $0xffff, v33  }
0x175: {  	v34 =	vadd.s32 v15, v32;
	v33 =	vld [tilespmem:s24+$0x5980];
	_ =	sdelay $0x4  }
0x176: {  	[tilespmem:v34+s19+$0x0] =	vst.idx.msk $0xffff, v33  }
0x177: {  	v34 =	vadd.s32 v16, v32;
	v33 =	vld [tilespmem:s24+$0x6000];
	_ =	sdelay $0x4  }
0x178: {  	[tilespmem:v34+s19+$0x0] =	vst.idx.msk $0xffff, v33  }
0x179: {  	v34 =	vadd.s32 v17, v32;
	v33 =	vld [tilespmem:s24+$0x6080];
	_ =	sdelay $0x4  }
0x17a: {  	[tilespmem:v34+s19+$0x0] =	vst.idx.msk $0xffff, v33  }
0x17b: {  	v34 =	vadd.s32 v18, v32;
	v33 =	vld [tilespmem:s24+$0x6100];
	_ =	sdelay $0x4  }
0x17c: {  	[tilespmem:v34+s19+$0x0] =	vst.idx.msk $0xffff, v33  }
0x17d: {  	v34 =	vadd.s32 v19, v32;
	v33 =	vld [tilespmem:s24+$0x6180];
	_ =	sdelay $0x4  }
0x17e: {  	[tilespmem:v34+s19+$0x0] =	vst.idx.msk $0xffff, v33  }
0x17f: {  	v34 =	vadd.s32 v20, v32;
	v33 =	vld [tilespmem:s24+$0x6800];
	_ =	sdelay $0x4  }
0x180: {  	[tilespmem:v34+s19+$0x0] =	vst.idx.msk $0xffff, v33  }
0x181: {  	v34 =	vadd.s32 v21, v32;
	v33 =	vld [tilespmem:s24+$0x6880];
	_ =	sdelay $0x4  }
0x182: {  	[tilespmem:v34+s19+$0x0] =	vst.idx.msk $0xffff, v33  }
0x183: {  	v34 =	vadd.s32 v22, v32;
	v33 =	vld [tilespmem:s24+$0x6900];
	_ =	sdelay $0x4  }
0x184: {  	[tilespmem:v34+s19+$0x0] =	vst.idx.msk $0xffff, v33  }
0x185: {  	v34 =	vadd.s32 v23, v32;
	v33 =	vld [tilespmem:s24+$0x6980];
	_ =	sdelay $0x4  }
0x186: {  	[tilespmem:v34+s19+$0x0] =	vst.idx.msk $0xffff, v33  }
0x187: {  	v34 =	vadd.s32 v24, v32;
	v33 =	vld [tilespmem:s24+$0x7000];
	_ =	sdelay $0x4  }
0x188: {  	[tilespmem:v34+s19+$0x0] =	vst.idx.msk $0xffff, v33  }
0x189: {  	v34 =	vadd.s32 v25, v32;
	v33 =	vld [tilespmem:s24+$0x7080];
	_ =	sdelay $0x4  }
0x18a: {  	[tilespmem:v34+s19+$0x0] =	vst.idx.msk $0xffff, v33  }
0x18b: {  	v34 =	vadd.s32 v26, v32;
	v33 =	vld [tilespmem:s24+$0x7100];
	_ =	sdelay $0x4  }
0x18c: {  	[tilespmem:v34+s19+$0x0] =	vst.idx.msk $0xffff, v33  }
0x18d: {  	v34 =	vadd.s32 v27, v32;
	v33 =	vld [tilespmem:s24+$0x7180];
	_ =	sdelay $0x4  }
0x18e: {  	[tilespmem:v34+s19+$0x0] =	vst.idx.msk $0xffff, v33  }
0x18f: {  	v34 =	vadd.s32 v28, v32;
	v33 =	vld [tilespmem:s24+$0x7800];
	_ =	sdelay $0x4  }
0x190: {  	[tilespmem:v34+s19+$0x0] =	vst.idx.msk $0xffff, v33  }
0x191: {  	v34 =	vadd.s32 v29, v32;
	v33 =	vld [tilespmem:s24+$0x7880];
	_ =	sdelay $0x4  }
0x192: {  	[tilespmem:v34+s19+$0x0] =	vst.idx.msk $0xffff, v33  }
.Ltmp7:
0x193: {  	v34 =	vadd.s32 v30, v32;
	v33 =	vld [tilespmem:s24+$0x7900];
	(pc) =	sbr.rel @p0 .LBB2_11-.Ltmp7, $2  }
0x194: {  	_ =	sdelay $0x2  }
0x195: {  	s26 =	sadd.s32 $0x10, s26;
	s28 =	sadd.s32 $0x1, s28;
	s29 =	sshll.u32 s25, $0x4  }
0x196: {  	_ =	sdelay $0x3  }
0x197: {  	s26 =	sand.u32 $0x70, s26;
	s28 =	sand.u32 $0xFFFFFF80, s29;
	[tilespmem:v34+s19+$0x0] =	vst.idx.msk $0xffff, v33  }
0x198: {  	v32 =	vadd.s32 v31, v32;
	s28 =	sor.u32 s26, s28;
	v33 =	vld [tilespmem:s24+$0x7980]  }
0x199: {  	v59 =	vmov s28  }
0x19a: {  	v34 =	vmul.u32 $0x28, v59  }
0x19b: {  	s31 =	sshll.u32 s25, $0x6  }
0x19c: {  	s24 =	sand.u32 $0x3FFFFE00, s31;
	v34 =	vbroadcast v34, $0x0  }
0x19d: {  	s24 =	sor.u32 s26, s24;
	[tilespmem:v32+s19+$0x0] =	vst.idx.msk $0xffff, v33  }
0x19e: {  	v32 =	vld [tilespmem:s24+$0x4000];
	v60 =	vadd.s32 v0, v34;
	_ =	sdelay $0x4  }
0x19f: {  	[tilespmem:v60+s19+$0x0] =	vst.idx.msk $0xffff, v32  }
0x1a0: {  	v61 =	vadd.s32 v1, v34;
	v32 =	vld [tilespmem:s24+$0x4080];
	_ =	sdelay $0x4  }
0x1a1: {  	[tilespmem:v61+s19+$0x0] =	vst.idx.msk $0xffff, v32  }
0x1a2: {  	v62 =	vadd.s32 v2, v34;
	v32 =	vld [tilespmem:s24+$0x4100];
	_ =	sdelay $0x4  }
0x1a3: {  	[tilespmem:v62+s19+$0x0] =	vst.idx.msk $0xffff, v32  }
0x1a4: {  	v63 =	vadd.s32 v3, v34;
	v32 =	vld [tilespmem:s24+$0x4180];
	_ =	sdelay $0x4  }
0x1a5: {  	[tilespmem:v63+s19+$0x0] =	vst.idx.msk $0xffff, v32  }
0x1a6: {  	v36 =	vadd.s32 v4, v34;
	v32 =	vld [tilespmem:s24+$0x4800];
	_ =	sdelay $0x4  }
0x1a7: {  	[tilespmem:v36+s19+$0x0] =	vst.idx.msk $0xffff, v32  }
0x1a8: {  	v37 =	vadd.s32 v5, v34;
	v32 =	vld [tilespmem:s24+$0x4880];
	_ =	sdelay $0x4  }
0x1a9: {  	[tilespmem:v37+s19+$0x0] =	vst.idx.msk $0xffff, v32  }
0x1aa: {  	v38 =	vadd.s32 v6, v34;
	v32 =	vld [tilespmem:s24+$0x4900];
	_ =	sdelay $0x4  }
0x1ab: {  	[tilespmem:v38+s19+$0x0] =	vst.idx.msk $0xffff, v32  }
0x1ac: {  	v39 =	vadd.s32 v7, v34;
	v32 =	vld [tilespmem:s24+$0x4980];
	_ =	sdelay $0x4  }
0x1ad: {  	[tilespmem:v39+s19+$0x0] =	vst.idx.msk $0xffff, v32  }
0x1ae: {  	v40 =	vadd.s32 v8, v34;
	v32 =	vld [tilespmem:s24+$0x5000];
	_ =	sdelay $0x4  }
0x1af: {  	[tilespmem:v40+s19+$0x0] =	vst.idx.msk $0xffff, v32  }
0x1b0: {  	v41 =	vadd.s32 v9, v34;
	v32 =	vld [tilespmem:s24+$0x5080];
	_ =	sdelay $0x4  }
0x1b1: {  	[tilespmem:v41+s19+$0x0] =	vst.idx.msk $0xffff, v32  }
0x1b2: {  	v42 =	vadd.s32 v10, v34;
	v32 =	vld [tilespmem:s24+$0x5100];
	_ =	sdelay $0x4  }
0x1b3: {  	[tilespmem:v42+s19+$0x0] =	vst.idx.msk $0xffff, v32  }
0x1b4: {  	v43 =	vadd.s32 v11, v34;
	v32 =	vld [tilespmem:s24+$0x5180];
	_ =	sdelay $0x4  }
0x1b5: {  	[tilespmem:v43+s19+$0x0] =	vst.idx.msk $0xffff, v32  }
0x1b6: {  	v44 =	vadd.s32 v12, v34;
	v32 =	vld [tilespmem:s24+$0x5800];
	_ =	sdelay $0x4  }
0x1b7: {  	[tilespmem:v44+s19+$0x0] =	vst.idx.msk $0xffff, v32  }
0x1b8: {  	v45 =	vadd.s32 v13, v34;
	v32 =	vld [tilespmem:s24+$0x5880];
	_ =	sdelay $0x4  }
0x1b9: {  	[tilespmem:v45+s19+$0x0] =	vst.idx.msk $0xffff, v32  }
0x1ba: {  	v46 =	vadd.s32 v14, v34;
	v32 =	vld [tilespmem:s24+$0x5900];
	_ =	sdelay $0x4  }
0x1bb: {  	[tilespmem:v46+s19+$0x0] =	vst.idx.msk $0xffff, v32  }
0x1bc: {  	v47 =	vadd.s32 v15, v34;
	v32 =	vld [tilespmem:s24+$0x5980];
	_ =	sdelay $0x4  }
0x1bd: {  	[tilespmem:v47+s19+$0x0] =	vst.idx.msk $0xffff, v32  }
0x1be: {  	v48 =	vadd.s32 v16, v34;
	v32 =	vld [tilespmem:s24+$0x6000];
	_ =	sdelay $0x4  }
0x1bf: {  	[tilespmem:v48+s19+$0x0] =	vst.idx.msk $0xffff, v32  }
0x1c0: {  	v49 =	vadd.s32 v17, v34;
	v32 =	vld [tilespmem:s24+$0x6080];
	_ =	sdelay $0x4  }
0x1c1: {  	[tilespmem:v49+s19+$0x0] =	vst.idx.msk $0xffff, v32  }
0x1c2: {  	v50 =	vadd.s32 v18, v34;
	v32 =	vld [tilespmem:s24+$0x6100];
	_ =	sdelay $0x4  }
0x1c3: {  	[tilespmem:v50+s19+$0x0] =	vst.idx.msk $0xffff, v32  }
0x1c4: {  	v51 =	vadd.s32 v19, v34;
	v32 =	vld [tilespmem:s24+$0x6180];
	_ =	sdelay $0x4  }
0x1c5: {  	[tilespmem:v51+s19+$0x0] =	vst.idx.msk $0xffff, v32  }
0x1c6: {  	v52 =	vadd.s32 v20, v34;
	v32 =	vld [tilespmem:s24+$0x6800];
	_ =	sdelay $0x4  }
0x1c7: {  	[tilespmem:v52+s19+$0x0] =	vst.idx.msk $0xffff, v32  }
0x1c8: {  	v53 =	vadd.s32 v21, v34;
	v32 =	vld [tilespmem:s24+$0x6880];
	_ =	sdelay $0x4  }
0x1c9: {  	[tilespmem:v53+s19+$0x0] =	vst.idx.msk $0xffff, v32  }
0x1ca: {  	v54 =	vadd.s32 v22, v34;
	v32 =	vld [tilespmem:s24+$0x6900];
	_ =	sdelay $0x4  }
0x1cb: {  	[tilespmem:v54+s19+$0x0] =	vst.idx.msk $0xffff, v32  }
0x1cc: {  	v55 =	vadd.s32 v23, v34;
	v32 =	vld [tilespmem:s24+$0x6980];
	_ =	sdelay $0x4  }
0x1cd: {  	[tilespmem:v55+s19+$0x0] =	vst.idx.msk $0xffff, v32  }
0x1ce: {  	v56 =	vadd.s32 v24, v34;
	v32 =	vld [tilespmem:s24+$0x7000];
	_ =	sdelay $0x4  }
0x1cf: {  	[tilespmem:v56+s19+$0x0] =	vst.idx.msk $0xffff, v32  }
0x1d0: {  	v57 =	vadd.s32 v25, v34;
	v32 =	vld [tilespmem:s24+$0x7080];
	_ =	sdelay $0x4  }
0x1d1: {  	[tilespmem:v57+s19+$0x0] =	vst.idx.msk $0xffff, v32  }
0x1d2: {  	v58 =	vadd.s32 v26, v34;
	v32 =	vld [tilespmem:s24+$0x7100];
	_ =	sdelay $0x4  }
0x1d3: {  	[tilespmem:v58+s19+$0x0] =	vst.idx.msk $0xffff, v32  }
0x1d4: {  	v59 =	vadd.s32 v27, v34;
	v32 =	vld [tilespmem:s24+$0x7180];
	_ =	sdelay $0x4  }
0x1d5: {  	[tilespmem:v59+s19+$0x0] =	vst.idx.msk $0xffff, v32  }
0x1d6: {  	v60 =	vadd.s32 v28, v34;
	v32 =	vld [tilespmem:s24+$0x7800];
	_ =	sdelay $0x4  }
0x1d7: {  	[tilespmem:v60+s19+$0x0] =	vst.idx.msk $0xffff, v32  }
0x1d8: {  	v61 =	vadd.s32 v29, v34;
	v32 =	vld [tilespmem:s24+$0x7880];
	_ =	sdelay $0x4  }
0x1d9: {  	[tilespmem:v61+s19+$0x0] =	vst.idx.msk $0xffff, v32  }
0x1da: {  	v62 =	vadd.s32 v30, v34;
	v32 =	vld [tilespmem:s24+$0x7900];
	_ =	sdelay $0x4  }
0x1db: {  	[tilespmem:v62+s19+$0x0] =	vst.idx.msk $0xffff, v32  }
0x1dc: {  	v63 =	vadd.s32 v31, v34;
	v32 =	vld [tilespmem:s24+$0x7980];
	_ =	sdelay $0x3  }
0x1dd: {  	s23 =	sadd.s32 s23, s10;
	s25 =	simm.s32 $0x4  }
0x1de: {  	s28 =	sadd.s32 $0x0, s23;
	s26 =	simm.s32 $0xD028;
	s24 =	simm.s32 $0xD000;
	[tilespmem:v63+s19+$0x0] =	vst.idx.msk $0xffff, v32  }
.LBB2_13:
0x1df: {  	[hbm4b:s28+s2] =	stream.linear.scatter [tilespmem:s24], [sflag:$0x4], $0x20, $0x38;
	[tilespmem:$0x12000] =	vst v63  }
0x1e0: {  	s28 =	smov.u32 s25;
	s24 =	smov.u32 s26;
	p0 =	sne.s32 s25, $0x7FC  }
.Ltmp8:
0x1e1: {  	s25 =	sadd.s32 $0x4, s25;
	(pc) =	sbr.rel @p0 .LBB2_13-.Ltmp8, $2  }
0x1e2: {  	_ =	sdelay $0x2  }
0x1e3: {  	s26 =	sadd.s32 $0x28, s26;
	s28 =	sadd.s32 s28, s23  }
0x1e4: {  	p0 =	seq.s32 s22, $0x1F  }
.Ltmp9:
0x1e5: {  	_ = 	snop;
	(pc) =	sbr.rel @p0 .LBB2_16-.Ltmp9, $2  }
0x1e6: {  	_ =	sdelay $0x2  }
0x1e7: {  	[hbm4b:s28+s2] =	stream.linear.scatter [tilespmem:s24], [sflag:$0x4], $0x20, $0x38;
	[tilespmem:$0x12000] =	vst v63  }
.Ltmp10:
0x1e8: {  	(pc) =	sbr.rel .LBB2_2-.Ltmp10, $4  }
0x1e9: {  	s23 =	sadd.s32 s22, s9  }
0x1ea: {  	s23 =	sshll.u32 s23, $0xC  }
0x1eb: {  	s22 =	sadd.s32 $0x1, s22;
	s23 =	sadd.s32 s23, s6  }
0x1ec: {  	[tilespmem:s14], [sflag:$0x2] =	stream.strided.gather [hbm4b:s23+s12], $0x4000, s13, s12, $0x38;
	[tilespmem:$0x12000] =	vst v63  }
.LBB2_17:
0x1ed: {  	_ =	sfence.sel $0x180000  }
0x1ee: {  	[bflag:$0x0] =	sbarrier.arrive $0xFFFF  }
0x1ef: {  	p0 =	sne.s32 s3, $0x0;
	_ =	strace $0x90000047  }
0x1f0: {  	s0 =	sadd.s32 @!p0 $0x100000, s0;
	[bflag:$0x2] =	sbarrier.arrive $0xFFFF  }
0x1f1: {  	[sflag:s0] =	ssyncadd.tile.s32 @!p0 $0x1;
	_ =	shalt  }
.Lfunc_end2:
_tile_overlayer_lowered:
.L_overlay_start_2:
0x1f2: {  	(tag) =	ssettag $0x2  }
0x1f3: {  	s0 =	rddreg [dreg:$0x0];
	s2 =	stileid.u32  }
0x1f4: {  	s1 =	rddreg [dreg:$0x1];
	p0 =	sne.s32 s2, $0x0  }
0x1f5: {  	s3 =	rddreg [dreg:$0x2];
	[bflag:$0x3] =	sbarrier.arrive $0xFFFF;
	s2 =	simm.s32 @!p0 $0x1C05  }
0x1f6: {  	[timem:s3], [sflag:s2] =	dma.local @!p0 [hbm:s0], s1  }
0x1f7: {  	s0 =	simm.s32 @!p0 $0x5  }
0x1f8: {  	_ =	swait.ge @!p0 [sflag:s0], s1  }
0x1f9: {  	s1 =	ssub.s32 @!p0 $0x0, s1;
	[sflag:s0] =	ssyncset.done @!p0 $0x0  }
0x1fa: {  	[sflag:s0] =	ssyncadd.s32 @!p0 s1  }
0x1fb: {  	[bflag:$0x3] =	sbarrier.arrive $0xFFFF  }
0x1fc: {  	_ =	shalt  }

// kernel: kernel.7.cloned.1.call-start
scs
__scs_entry_jumppad:
0x0: {  	(pc) =	sbr.rel $0x88, $3  }
0x1: {  	(tag) =	ssettag $0x0;
	lr =	simm.s32 $0x1  }
0x2: {  	[smem:$0x3F9E] =	sst lr;
	_ =	strace $0xD0000000  }
0x3: {  	_ = 	snop  }
0x4: {  	_ = 	snop  }
0x5: {  	_ = 	snop  }
0x6: {  	_ = 	snop  }
0x7: {  	_ = 	snop  }
__scs_overlays_trampoline_lowered:
0x8: {  	[smem:$0x3FAD] =	sst s0  }
0x9: {  	[smem:$0x3FAE] =	sst s1  }
0xa: {  	[smem:$0x3FAF] =	sst s2  }
0xb: {  	[smem:$0x3FB0] =	sst s3  }
0xc: {  	[smem:$0x3FB1] =	sst s4  }
0xd: {  	[smem:$0x3FB2] =	sst s5  }
0xe: {  	[smem:$0x3FB3] =	sst s6  }
0xf: {  	[smem:$0x3FB4] =	sst s7  }
0x10: {  	[smem:$0x3FB5] =	sst s8  }
0x11: {  	[smem:$0x3FB6] =	sst s9;
	s0 =	simm.s32 @!p0 $0x0  }
0x12: {  	s1 =	sld [smem:$0x3F9C];
	s0 =	simm.s32 @p0 $0x1  }
0x13: {  	[smem:$0x3FB7] =	sst s0;
	s0 =	simm.s32 @!p1 $0x0  }
0x14: {  	s2 =	sld [smem:$0x3F9B];
	s0 =	simm.s32 @p1 $0x1  }
0x15: {  	[smem:$0x3FB8] =	sst s0;
	s0 =	simm.s32 @!p2 $0x0  }
0x16: {  	s3 =	sld [smem:$0x3FDB];
	s0 =	simm.s32 @p2 $0x1  }
0x17: {  	s4 =	simm.s32 $0x1BF5;
	[smem:$0x3FBA] =	sst s0  }
0x18: {  	s0 =	sld [smem:$0x3F9D];
	_ =	swait.ge [sflag:s4], $0x0  }
0x19: {  	s7 =	sld [smem:$0x3F9E]  }
0x1a: {  	s8 =	sadd.s32 $0xFFFFE003, lr  }
0x1b: {  	s9 =	sadd.s32 $0xFFFFFEF7, lr;
	s5 =	simm.s32 $0xFFFFFFFF;
	p2 =	slt.u32 s8, $0xFFFFF086  }
0x1c: {  	p1 =	slt.u32 s9, $0xF7A;
	s5 =	simm.s32 @!p2 $0x0  }
0x1d: {  	s5 =	simm.s32 @p1 $0x1;
	p0 =	seq.s32 s7, s2  }
0x1e: {  	s7 =	smul.u32 @!p0 $0xF7A, s2;
	p2 =	seq.s32 @!p0 s5, $0x0  }
0x1f: {  	s9 =	smul.u32 $0xF7A, s1;
	s8 =	simm.s32 @!p0 $0x1BF5;
	p2 =	por !p2, p0  }
0x20: {  	[sflag:s8] =	ssyncset.s32 @!p0 $0xFFFFF086;
	s6 =	sadd.s32 @!p0 s3, s7;
	s7 =	simm.s32 @!p0 $0x108  }
0x21: {  	s3 =	sadd.s32 s3, s9;
	s6 =	sadd.s32 @!p0 $0x88, s6;
	s7 =	simm.s32 @p2 $0x1082  }
0x22: {  	[simem:s7], [sflag:s8] =	dma.local @!p0 [hbm:s6], $0xF7A  }
0x23: {  	s9 =	sor.u32 $0xD0000000, s2;
	s6 =	simm.s32 $0x108;
	_ =	swait.ge @!p0 [sflag:s8], $0x0  }
0x24: {  	s3 =	sadd.s32 $0x88, s3;
	s6 =	simm.s32 @!p1 $0x1082;
	[sflag:s4] =	ssyncset.s32 $0xFFFFF086  }
0x25: {  	[simem:s6], [sflag:s4] =	dma.local [hbm:s3], $0xF7A  }
0x26: {  	[smem:$0x3F9E] =	sst s1;
	(tag) =	ssettag s2;
	_ =	strace s9  }
0x27: {  	s1 =	sld [smem:$0x3FAE]  }
0x28: {  	s2 =	sld [smem:$0x3FAF]  }
0x29: {  	s4 =	sld [smem:$0x3FB1]  }
0x2a: {  	p0 =	seq.s32 s5, $0x0;
	s5 =	sld [smem:$0x3FB2]  }
0x2b: {  	s6 =	sld [smem:$0x3FB3]  }
0x2c: {  	s7 =	sld [smem:$0x3FB4]  }
0x2d: {  	s3 =	simm.s32 $0x108;
	s8 =	sld [smem:$0x3FB5]  }
0x2e: {  	s3 =	simm.s32 @!p0 $0x1082;
	s9 =	sld [smem:$0x3FB6]  }
0x2f: {  	lr =	sadd.s32 s0, s3;
	s0 =	sld [smem:$0x3FAD]  }
0x30: {  	s3 =	sld [smem:$0x3FB0]  }
0x31: {  	[smem:$0x3FB9] =	sst s10  }
0x32: {  	s10 =	sld [smem:$0x3FB7];
	_ =	sdelay $0x3  }
0x33: {  	p0 =	seq.s32 s10, $0x1;
	s10 =	sld [smem:$0x3FB9];
	_ =	sdelay $0x3  }
0x34: {  	[smem:$0x3FB9] =	sst s10  }
0x35: {  	s10 =	sld [smem:$0x3FB8];
	_ =	sdelay $0x3  }
0x36: {  	p1 =	seq.s32 s10, $0x1;
	s10 =	sld [smem:$0x3FB9];
	_ =	sdelay $0x3  }
0x37: {  	[smem:$0x3FB9] =	sst s10  }
0x38: {  	s10 =	sld [smem:$0x3FBA]  }
0x39: {  	_ = 	snop;
	(pc) =	sbr.ind lr, $3  }
0x3a: {  	_ = 	snop  }
0x3b: {  	_ = 	snop  }
0x3c: {  	p2 =	seq.s32 s10, $0x1;
	s10 =	sld [smem:$0x3FB9]  }
0x3d: {  	_ =	shalt  }
0x3e: {  	_ =	shalt  }
0x3f: {  	_ =	shalt  }
0x40: {  	_ =	shalt  }
0x41: {  	_ =	shalt  }
0x42: {  	_ =	shalt  }
0x43: {  	_ =	shalt  }
0x44: {  	_ =	shalt  }
0x45: {  	_ =	shalt  }
0x46: {  	_ =	shalt  }
0x47: {  	_ =	shalt  }
0x48: {  	_ =	shalt  }
0x49: {  	_ =	shalt  }
0x4a: {  	_ =	shalt  }
0x4b: {  	_ =	shalt  }
0x4c: {  	_ =	shalt  }
0x4d: {  	_ =	shalt  }
0x4e: {  	_ =	shalt  }
0x4f: {  	_ =	shalt  }
0x50: {  	_ =	shalt  }
0x51: {  	_ =	shalt  }
0x52: {  	_ =	shalt  }
0x53: {  	_ =	shalt  }
0x54: {  	_ =	shalt  }
0x55: {  	_ =	shalt  }
0x56: {  	_ =	shalt  }
0x57: {  	_ =	shalt  }
0x58: {  	_ =	shalt  }
0x59: {  	_ =	shalt  }
0x5a: {  	_ =	shalt  }
0x5b: {  	_ =	shalt  }
0x5c: {  	_ =	shalt  }
0x5d: {  	_ =	shalt  }
0x5e: {  	_ =	shalt  }
0x5f: {  	_ =	shalt  }
0x60: {  	_ =	shalt  }
0x61: {  	_ =	shalt  }
0x62: {  	_ =	shalt  }
0x63: {  	_ =	shalt  }
0x64: {  	_ =	shalt  }
0x65: {  	_ =	shalt  }
0x66: {  	_ =	shalt  }
0x67: {  	_ =	shalt  }
0x68: {  	_ =	shalt  }
0x69: {  	_ =	shalt  }
0x6a: {  	_ =	shalt  }
0x6b: {  	_ =	shalt  }
0x6c: {  	_ =	shalt  }
0x6d: {  	_ =	shalt  }
0x6e: {  	_ =	shalt  }
0x6f: {  	_ =	shalt  }
0x70: {  	_ =	shalt  }
0x71: {  	_ =	shalt  }
0x72: {  	_ =	shalt  }
0x73: {  	_ =	shalt  }
0x74: {  	_ =	shalt  }
0x75: {  	_ =	shalt  }
0x76: {  	_ =	shalt  }
0x77: {  	_ =	shalt  }
0x78: {  	_ =	shalt  }
0x79: {  	_ =	shalt  }
0x7a: {  	_ =	shalt  }
0x7b: {  	_ =	shalt  }
0x7c: {  	_ =	shalt  }
0x7d: {  	_ =	shalt  }
0x7e: {  	_ =	shalt  }
0x7f: {  	_ =	shalt  }
0x80: {  	_ =	shalt  }
0x81: {  	_ =	shalt  }
0x82: {  	_ =	shalt  }
0x83: {  	_ =	shalt  }
0x84: {  	_ =	shalt  }
0x85: {  	_ =	shalt  }
0x86: {  	_ =	shalt  }
0x87: {  	_ =	shalt  }
.Lfunc_end0:
.L_simem_size_0:
called_computation.1_lowered:
.L_overlay_start_0:
0x88: {  	s2 =	sld [smem:$0x3FD9]  }
0x89: {  	s3 =	sld [smem:$0x3FFE];
	_ =	sdelay $0x1  }
0x8a: {  	s1 =	srdreg.scid  }
0x8b: {  	s0 =	sand.u32 $0x1, s1  }
0x8c: {  	s17 =	sshll.u32 s0, $0xA;
	s2 =	sadd.s32 s3, s2  }
0x8d: {  	s2 =	sadd.s32 s2, s17  }
0x8e: {  	[smem:$0x3FC5] =	sst s2  }
0x8f: {  	_ = 	snop  }
0x90: {  	s2 =	sld [smem:$0x3FC9]  }
0x91: {  	s18 =	sld [smem:$0x3FC8]  }
0x92: {  	s4 =	sld [smem:$0x3FD0];
	(tm) =	ssettm $0x1  }
0x93: {  	s5 =	sld [smem:$0x3FFB];
	_ =	sdelay $0x3  }
0x94: {  	_ =	strace s5  }
0x95: {  	s5 =	sld [smem:$0x3FFC];
	_ =	sdelay $0x3  }
0x96: {  	_ =	strace s5  }
0x97: {  	s5 =	sld [smem:$0x3FFD];
	_ =	sdelay $0x3  }
0x98: {  	_ =	strace s5  }
0x99: {  	_ =	strace $0x8FFFFFFF  }
0x9a: {  	s19 =	sld [smem:$0x3FDB];
	_ =	sdelay $0x1  }
0x9b: {  	s6 =	simm.s32 $_scs_section_size  }
0x9c: {  	s7 =	simm.s32 $_size__tile_overlayer_lowered;
	s8 =	simm.s32 $_tile_overlayer_lowered  }
0x9d: {  	s22 =	simm.s32 $0x1BFF;
	s21 =	sshll.u32 s8, $0x1;
	s5 =	sadd.s32 s6, s19  }
0x9e: {  	s9 =	simm.s32 $0x0;
	s20 =	sshll.u32 s7, $0x1;
	s7 =	sadd.s32 s21, s5  }
0x9f: {  	[timem:s9], [sflag:s22] =	dma.local [hbm:s7], s20  }
0xa0: {  	_ =	swait.ge [sflag:s22], s20  }
0xa1: {  	s6 =	ssub.s32 $0x0, s20;
	[sflag:s22] =	ssyncset.done $0x0  }
0xa2: {  	[sflag:s22] =	ssyncadd.s32 s6;
	_ =	sdelay $0x1  }
0xa3: {  	s23 =	simm.s32 $0x1B8B  }
0xa4: {  	_ =	swait.ge [sflag:s23], $0x1  }
0xa5: {  	[sflag:s23] =	ssyncset.done $0x0  }
0xa6: {  	s25 =	simm.s32 $0x1B8E;
	s24 =	sld [smem:$0x3FFE];
	[sflag:s23] =	ssyncadd.s32 $0xFFFFFFFF  }
0xa7: {  	s26 =	simm.s32 $execute0_lowered;
	[smem:$0x3FD2] =	sst s25  }
0xa8: {  	s7 =	sshll.u32 s26, $0x1;
	_ =	strace $0x80000049;
	[dreg:$0x1] =	wrdreg $0xFFFFFFFF  }
0xa9: {  	s28 =	simm.s32 $_size_execute0_lowered;
	s5 =	sadd.s32 s5, s7;
	[dreg:$0x0] =	wrdreg $0x0  }
0xaa: {  	s7 =	sshll.u32 s28, $0x1;
	[dreg:$0x2] =	wrdreg s5  }
0xab: {  	[dreg:$0x3] =	wrdreg s7  }
0xac: {  	[dreg:$0x4] =	wrdreg $0xC0  }
0xad: {  	_ =	task [dreg:s9], $0x5FFFF  }
0xae: {  	[dreg:$0x1] =	wrdreg $0xFFFFFFFF  }
0xaf: {  	[dreg:$0x0] =	wrdreg $0x60  }
0xb0: {  	[dreg:$0x2] =	wrdreg s2  }
0xb1: {  	[dreg:$0x3] =	wrdreg s18  }
0xb2: {  	[dreg:$0x4] =	wrdreg s24  }
0xb3: {  	[dreg:$0x5] =	wrdreg s4  }
0xb4: {  	[dreg:$0x6] =	wrdreg $0x9  }
0xb5: {  	_ =	task.clear_ibuf [dreg:s9], $0x7FFFF;
	_ =	strace $0x90000049  }
0xb6: {  	s29 =	simm.s32 $0x9;
	_ =	strace $0x8000004B  }
0xb7: {  	_ =	swait.ge [sflag:s29], $0x1  }
0xb8: {  	[sflag:s29] =	ssyncadd.s32 $0xFFFFFFFF  }
0xb9: {  	_ =	strace $0x9000004B  }
0xba: {  	_ =	sfence  }
0xbb: {  	s30 =	sld [smem:$0x0];
	_ =	sdelay $0x2  }
0xbc: {  	s31 =	sshll.u32 s1, $0xD;
	s1 =	sshrl.u32 s1, $0x2  }
0xbd: {  	s3 =	sand.u32 $0x4000, s31;
	s1 =	sadd.s32 s1, s30  }
0xbe: {  	s0 =	sor.u32 s3, s0;
	s1 =	sshll.u32 s1, $0x11  }
0xbf: {  	s0 =	sor.u32 s1, s0  }
0xc0: {  	s0 =	sadd.s32 $0x8F2B, s0  }
0xc1: {  	[sflag:s0] =	ssyncadd.remote.s32 $0x1  }
0xc2: {  	_ =	sfence.sel $0xFFFF  }
0xc3: {  	[dreg:$0x0] =	wrdreg $0xFFFFFFFF;
	(pc) =	sbr.abs _section_cstart, $3  }
0xc4: {  	[dreg:$0x1] =	wrdreg $0xFFFFFFFF  }
0xc5: {  	_ =	task.clear_ibuf [dreg:s9], $0x2FFFF;
	_ =	strace $0x9FFFFFFF  }
0xc6: {  	(tm) =	ssettm $0x7FFFFFFF  }
0xc7: {  	_ =	shalt  }
tec
execute0_lowered:
.L_overlay_start_1:
0x0: {  	(tag) =	ssettag $0x1  }
0x1: {  	s1 =	simm.s32 $0x0;
	v0 =	vlaneseq.u32  }
0x2: {  	[smem:$0x7FF] =	sst s1;
	v0 =	vmul.u32 $0x11, v0  }
0x3: {  	s0 =	rddreg [dreg:$0x2];
	v1 =	vimm.f32 $3.000000030e-03;
	_ =	strace $0x8000004A  }
0x4: {  	(erf) = vrcp.f32 v1;
	v1 =	vadd.s32 $0x110, v0  }
0x5: {  	v2 =	vadd.s32 $0x1, v0;
	v3 =	vadd.s32 $0x111, v0;
	v4 =	vadd.s32 $0x2, v0  }
0x6: {  	v5 =	vadd.s32 $0x112, v0;
	v6 =	vadd.s32 $0x3, v0;
	v7 =	vadd.s32 $0x113, v0  }
0x7: {  	v8 =	vadd.s32 $0x4, v0;
	v9 =	vadd.s32 $0x114, v0;
	v10 =	vadd.s32 $0x5, v0  }
0x8: {  	s28 =	srdreg.scid;
	v11 =	vadd.s32 $0x115, v0;
	v12 =	vadd.s32 $0x6, v0;
	v13 =	vadd.s32 $0x116, v0  }
0x9: {  	s4 =	stileid.u32;
	s21 =	simm.s32 $0xB000;
	s1 =	sand.u32 $0x1, s28;
	v14 =	vadd.s32 $0x7, v0;
	v15 =	vadd.s32 $0x117, v0;
	v16 =	vadd.s32 $0x8, v0  }
.Ltmp0:
0xa: {  	s23 =	simm.s32 $0x3;
	s2 =	ssub.s32 $0x2, s1;
	v17 =	vadd.s32 $0x118, v0;
	v18 =	vadd.s32 $0x9, v0;
	v19 =	vadd.s32 $0x119, v0;
	(pc) =	sbr.rel .LBB2_1-.Ltmp0, $4  }
0xb: {  	s29 =	sshll.u32 s4, $0xF;
	s1 =	sshll.u32 s1, $0x13;
	s3 =	sshrl.u32 s2, $0x1;
	v20 =	vadd.s32 $0xA, v0;
	v21 =	vadd.s32 $0x11A, v0;
	v22 =	vadd.s32 $0xB, v0  }
0xc: {  	s24 =	simm.s32 $0x4;
	s30 =	sor.u32 s29, s1;
	v23 =	vadd.s32 $0x11B, v0;
	v24 =	vadd.s32 $0xC, v0;
	v25 =	vadd.s32 $0x11C, v0;
	s2 =	ssub.s32 s2, s3  }
0xd: {  	s6 =	sadd.s32 $0x800, s0;
	v26 =	vadd.s32 $0xD, v0;
	v27 =	vadd.s32 $0x11D, v0;
	v28 =	vadd.s32 $0xE, v0;
	[dreg:$0x5] =	wrdreg s30;
	s31 =	smax.u32 s2, $0x1  }
0xe: {  	v30 =	vadd.s32 $0x11E, v0;
	v31 =	vadd.s32 $0xF, v0;
	v32 =	vadd.s32 $0x11F, v0;
	s1 =	simm.s32 $0x0;
	s3 =	simm.s32 $0x5;
	[dreg:$0x6] =	wrdreg s31;
	v29 =	vpop (erf)  }
.LBB2_16:
0xf: {  	s1 =	rddreg [dreg:$0x7]  }
0x10: {  	s0 =	rddreg [dreg:$0x6];
	s1 =	sadd.s32 $0x1, s1  }
0x11: {  	p0 =	sne.s32 s1, s0  }
.Ltmp1:
0x12: {  	_ = 	snop;
	(pc) =	sbr.rel @!p0 .LBB2_17-.Ltmp1, $1  }
0x13: {  	_ =	sdelay $0x3  }
.LBB2_1:
.Ltmp2:
0x14: {  	(pc) =	sbr.rel .LBB2_2-.Ltmp2, $2  }
0x15: {  	_ =	sdelay $0x2  }
0x16: {  	[dreg:$0x7] =	wrdreg s1;
	s0 =	simm.s32 $0x0  }
.LBB2_15:
0x17: {  	s0 =	rddreg [dreg:$0x9]  }
0x18: {  	s1 =	rddreg [dreg:$0x3];
	s30 =	simm.s32 $0x0;
	s0 =	sshrl.u32 s0, $0x3  }
0x19: {  	s2 =	simm.s32 $0xC100;
	s3 =	simm.s32 $0x5;
	s0 =	sadd.s32 s1, s0  }
0x1a: {  	[hbm4b:s0+s30] =	stream.linear.scatter [tilespmem:s2], [sflag:$0x5], $0x1000, $0x38;
	[tilespmem:$0xD100] =	vst v63  }
0x1b: {  	_ =	swait.ge [sflag:s3], $0x1000  }
0x1c: {  	s31 =	rddreg [dreg:$0x8]  }
0x1d: {  	s0 =	sadd.s32 $0x1, s31  }
0x1e: {  	p0 =	sne.s32 s0, $0x8  }
.Ltmp3:
0x1f: {  	_ = 	snop;
	(pc) =	sbr.rel @!p0 .LBB2_16-.Ltmp3, $3  }
0x20: {  	_ =	sdelay $0x1  }
0x21: {  	[sflag:s3] =	ssyncset.done $0x0  }
0x22: {  	[sflag:s3] =	ssyncadd.s32 $0xFFFFF000  }
.LBB2_2:
0x23: {  	[dreg:$0x8] =	wrdreg s0  }
0x24: {  	s29 =	sshll.u32 s0, $0xC;
	s1 =	rddreg [dreg:$0x5]  }
0x25: {  	s30 =	rddreg [dreg:$0x0];
	s0 =	sadd.s32 s1, s29  }
0x26: {  	[dreg:$0x9] =	wrdreg s0;
	s0 =	sshrl.u32 s0, $0x2  }
0x27: {  	s2 =	simm.s32 $0x0;
	s1 =	sadd.s32 s30, s0  }
0x28: {  	[tilespmem:s2], [sflag:$0x5] =	stream.linear.gather [hbm4b:s1+s2], $0x2000, $0x38;
	[tilespmem:$0xD100] =	vst v63  }
0x29: {  	_ =	swait.ge [sflag:s3], $0x2000  }
0x2a: {  	[sflag:s3] =	ssyncset.done $0x0  }
0x2b: {  	[sflag:s3] =	ssyncadd.s32 $0xFFFFE000  }
0x2c: {  	s31 =	rddreg [dreg:$0x1]  }
0x2d: {  	s4 =	simm.s32 $0x2000;
	s0 =	sadd.s32 s31, s0  }
0x2e: {  	[tilespmem:s4], [sflag:$0x5] =	stream.linear.gather [hbm4b:s0+s2], $0x2000, $0x38;
	[tilespmem:$0xD100] =	vst v63  }
0x2f: {  	s5 =	simm.s32 $0x30;
	s9 =	simm.s32 $0x0;
	_ =	swait.ge [sflag:s3], $0x2000  }
0x30: {  	s7 =	sand.u32 $0x1F00, s2;
	s0 =	sand.u32 $0x70, s5;
	[sflag:s3] =	ssyncset.done $0x0  }
0x31: {  	s4 =	sor.u32 $0x80, s7;
	s2 =	sor.u32 s0, s7;
	[sflag:s3] =	ssyncadd.s32 $0xFFFFE000  }
0x32: {  	s12 =	simm.s32 $0x20;
	s10 =	sand.u32 $0x40, s9;
	s0 =	sor.u32 s0, s4;
	v33 =	vld [tilespmem:s2+$0x0]  }
0x33: {  	s8 =	simm.s32 $0x10;
	s13 =	sand.u32 $0x60, s12;
	s5 =	sor.u32 s10, s7;
	v34 =	vld [tilespmem:s0+$0x0]  }
0x34: {  	s1 =	sor.u32 s13, s7;
	s3 =	sand.u32 $0x50, s8;
	v36 =	vld [tilespmem:s5+$0x0]  }
0x35: {  	s11 =	sor.u32 s3, s7;
	v39 =	vld [tilespmem:s1+$0x0]  }
0x36: {  	s0 =	sor.u32 s10, s4;
	v35 =	vld [tilespmem:s11+$0x0]  }
0x37: {  	s14 =	sor.u32 s3, s4;
	v37 =	vld [tilespmem:s0+$0x0]  }
0x38: {  	v38 =	vld [tilespmem:s14+$0x0];
	s0 =	sor.u32 s13, s4  }
0x39: {  	v40 =	vld [tilespmem:s0+$0x0]  }
0x3a: {  	v33 =	vmul.f32 $5.000000000e-01, v33;
	v34 =	vmul.f32 $5.000000000e-01, v34  }
0x3b: {  	v36 =	vmul.f32 $5.000000000e-01, v36;
	v39 =	vmul.f32 $5.000000000e-01, v39  }
0x3c: {  	v35 =	vmul.f32 $5.000000000e-01, v35;
	v37 =	vmul.f32 $5.000000000e-01, v37;
	v33 =	vadd.f32 $5.000000000e-01, v33  }
0x3d: {  	v38 =	vmul.f32 $5.000000000e-01, v38;
	v34 =	vadd.f32 $5.000000000e-01, v34;
	v36 =	vadd.f32 $5.000000000e-01, v36  }
0x3e: {  	s16 =	simm.s32 $0x80;
	s19 =	simm.s32 $0x50;
	v40 =	vmul.f32 $5.000000000e-01, v40;
	v35 =	vadd.f32 $5.000000000e-01, v35;
	v37 =	vadd.f32 $5.000000000e-01, v37  }
0x3f: {  	s1 =	sand.u32 $0x1F00, s16;
	s4 =	sand.u32 $0x50, s19;
	v38 =	vadd.f32 $5.000000000e-01, v38;
	v33 =	vmul.f32 $1.024000000e+03, v33;
	v34 =	vmul.f32 $1.024000000e+03, v34  }
0x40: {  	s25 =	sor.u32 s4, s1;
	v36 =	vmul.f32 $1.024000000e+03, v36;
	v37 =	vmul.f32 $1.024000000e+03, v37  }
0x41: {  	v53 =	vld [tilespmem:s25+$0x0];
	v35 =	vmul.f32 $1.024000000e+03, v35;
	v38 =	vmul.f32 $1.024000000e+03, v38  }
0x42: {  	v41 =	vtrunc.f32 v33;
	v42 =	vtrunc.f32 v34  }
0x43: {  	v57 =	vtrunc.f32 v36;
	v41 =	vcvt.f32.s32 v41  }
0x44: {  	v42 =	vcvt.f32.s32 v42;
	v58 =	vtrunc.f32 v37  }
0x45: {  	v45 =	vtrunc.f32 v35;
	v46 =	vtrunc.f32 v38  }
0x46: {  	v39 =	vadd.f32 $5.000000000e-01, v39;
	v49 =	vcvt.f32.s32 v57;
	v57 =	vmul.f32 $5.000000000e-01, v53  }
0x47: {  	s15 =	simm.s32 $0x70;
	v40 =	vadd.f32 $5.000000000e-01, v40;
	v59 =	vcvt.f32.s32 v58;
	v60 =	vcvt.f32.s32 v46  }
0x48: {  	s20 =	simm.s32 $0x40;
	s17 =	sor.u32 $0x80, s1;
	s0 =	sand.u32 $0x70, s15;
	v43 =	vcvt.s32.f32 v41;
	v44 =	vcvt.s32.f32 v42;
	v42 =	vshll.u32 v42, $0xA  }
0x49: {  	s22 =	sand.u32 $0x40, s20;
	s18 =	sor.u32 s0, s1;
	s0 =	sor.u32 s0, s17;
	v41 =	vand.u32 $0x3FF, v41;
	v62 =	vcvt.s32.f32 v49;
	v42 =	vand.u32 $0xFFC00, v42  }
0x4a: {  	v46 =	vld [tilespmem:s0+$0x0];
	s0 =	sor.u32 s22, s17;
	v50 =	vshll.u32 v59, $0xA;
	v52 =	vshll.u32 v60, $0xA;
	v43 =	vsub.f32 v33, v43  }
0x4b: {  	v56 =	vld [tilespmem:s0+$0x0];
	v33 =	vmul.f32 $1.024000000e+03, v39;
	v39 =	vmul.f32 $1.024000000e+03, v40;
	v40 =	vsub.f32 v34, v44  }
0x4c: {  	s28 =	simm.s32 $0x60;
	v41 =	vor.u32 v41, v42;
	v42 =	vld [tilespmem:s18+$0x0];
	v44 =	vcvt.f32.s32 v45;
	v34 =	vcvt.s32.f32 v59  }
0x4d: {  	s29 =	sand.u32 $0x60, s28;
	v45 =	vcvt.s32.f32 v60;
	v36 =	vsub.f32 v36, v62;
	v47 =	vtrunc.f32 v33  }
0x4e: {  	s0 =	sor.u32 s29, s17;
	v48 =	vtrunc.f32 v39;
	v54 =	vcvt.s32.f32 v44;
	v37 =	vsub.f32 v37, v34  }
0x4f: {  	v58 =	vld [tilespmem:s0+$0x0];
	v38 =	vsub.f32 v38, v45;
	v62 =	vmul.f32 $5.000000000e-01, v46;
	v51 =	vcvt.f32.s32 v47  }
0x50: {  	s26 =	sor.u32 s22, s1;
	v61 =	vcvt.f32.s32 v48;
	v59 =	vmul.f32 $5.000000000e-01, v56;
	v54 =	vsub.f32 v35, v54  }
0x51: {  	s4 =	sor.u32 s4, s17;
	v48 =	vld [tilespmem:s26+$0x0];
	v45 =	vadd.f32 $5.000000000e-01, v62;
	v63 =	vcvt.s32.f32 v51;
	v60 =	vmul.f32 $5.000000000e-01, v42  }
0x52: {  	v55 =	vshll.u32 v61, $0xA;
	v47 =	vcvt.s32.f32 v61;
	v61 =	vld [tilespmem:s4+$0x0];
	v62 =	vadd.f32 $5.000000000e-01, v59  }
0x53: {  	s30 =	simm.s32 $0x5020;
	v34 =	vand.u32 $0xFFC00, v50;
	v46 =	vsub.f32 v33, v63;
	v63 =	vadd.f32 $5.000000000e-01, v60  }
0x54: {  	s1 =	sor.u32 s29, s1;
	v50 =	vadd.f32 $5.000000000e-01, v57;
	[tilespmem:s30+$0xFFFFFFE0] =	vst v36;
	v58 =	vmul.f32 $5.000000000e-01, v58;
	v45 =	vmul.f32 $1.024000000e+03, v45  }
0x55: {  	s31 =	simm.s32 $0x4020;
	[tilespmem:s30+$0xFFFFFFF0] =	vst v54;
	v39 =	vsub.f32 v39, v47;
	v47 =	vld [tilespmem:s1+$0x0];
	v36 =	vmul.f32 $1.024000000e+03, v62;
	v53 =	vmul.f32 $1.024000000e+03, v63  }
0x56: {  	v35 =	vand.u32 $0xFFC00, v52;
	[tilespmem:s31+$0xFFFFFFF0] =	vst v38;
	v38 =	vmul.f32 $1.024000000e+03, v50;
	v48 =	vmul.f32 $5.000000000e-01, v48  }
0x57: {  	v33 =	vand.u32 $0xFFC00, v55;
	v42 =	vmul.f32 $5.000000000e-01, v61;
	v61 =	vtrunc.f32 v53  }
0x58: {  	[tilespmem:s30+$0x10] =	vst v43;
	v63 =	vtrunc.f32 v45;
	v60 =	vadd.f32 $5.000000000e-01, v48;
	v43 =	vcvt.f32.s32 v61  }
0x59: {  	[tilespmem:s31+$0x10] =	vst v40;
	v57 =	vcvt.f32.s32 v63;
	v48 =	vadd.f32 $5.000000000e-01, v58;
	v55 =	vadd.f32 $5.000000000e-01, v42  }
0x5a: {  	[tilespmem:s31+$0xFFFFFFE0] =	vst v37;
	v56 =	vmul.f32 $5.000000000e-01, v47;
	v42 =	vand.u32 $0x3FF, v49;
	v59 =	vcvt.s32.f32 v43  }
0x5b: {  	[tilespmem:s30+$0x0] =	vst v46;
	v37 =	vmul.f32 $1.024000000e+03, v60;
	v61 =	vcvt.s32.f32 v57;
	v63 =	vshll.u32 v57, $0xA  }
0x5c: {  	s3 =	simm.s32 $0x6020;
	[tilespmem:s31+$0x0] =	vst v39;
	v39 =	vmul.f32 $1.024000000e+03, v48;
	v47 =	vand.u32 $0x3FF, v44;
	v62 =	vsub.f32 v53, v59  }
0x5d: {  	[tilespmem:s3+$0x10] =	vst v41;
	s1 =	simm.s32 $0x5060;
	v44 =	vtrunc.f32 v38;
	v60 =	vadd.f32 $5.000000000e-01, v56;
	v45 =	vsub.f32 v45, v61  }
0x5e: {  	s2 =	simm.s32 $0x4060;
	v46 =	vand.u32 $0xFFC00, v63;
	v40 =	vmul.f32 $1.024000000e+03, v55;
	v43 =	vand.u32 $0x3FF, v43;
	[tilespmem:s1+$0x10] =	vst v62  }
0x5f: {  	s0 =	simm.s32 $0x6060;
	v48 =	vtrunc.f32 v37;
	v43 =	vor.u32 v43, v46;
	v41 =	vmul.f32 $1.024000000e+03, v60;
	[tilespmem:s2+$0x10] =	vst v45  }
0x60: {  	s5 =	simm.s32 $0xB0;
	s7 =	simm.s32 $0x100;
	s4 =	simm.s32 $0x4;
	v46 =	vtrunc.f32 v36;
	v45 =	vand.u32 $0x3FF, v51;
	[tilespmem:s0+$0x10] =	vst v43;
	v43 =	vtrunc.f32 v40  }
.LBB2_3:
0x61: {  	s8 =	sand.u32 $0x1F00, s7;
	s9 =	sadd.s32 $0xFFFFFFE0, s5;
	s10 =	sand.u32 $0x70, s5;
	v49 =	vtrunc.f32 v41;
	v50 =	vtrunc.f32 v39;
	v34 =	vor.u32 v42, v34  }
0x62: {  	s4 =	sadd.s32 $0x4, s4;
	v42 =	vcvt.f32.s32 v48;
	v46 =	vcvt.f32.s32 v46;
	s11 =	sor.u32 $0x80, s8;
	s12 =	sor.u32 s10, s8;
	[tilespmem:s3+$0xFFFFFFE0] =	vst v34;
	v34 =	vor.u32 v47, v35  }
0x63: {  	s13 =	sadd.s32 $0xFFFFFFF0, s5;
	v44 =	vcvt.f32.s32 v44;
	v43 =	vcvt.f32.s32 v43;
	v33 =	vor.u32 v45, v33;
	p0 =	slt.u32 s4, $0xFC;
	v35 =	vld [tilespmem:s12+$0x0];
	s10 =	sor.u32 s10, s11;
	[tilespmem:s3+$0xFFFFFFF0] =	vst v34  }
0x64: {  	s9 =	sand.u32 $0x50, s9;
	s13 =	sand.u32 $0x60, s13;
	v49 =	vcvt.f32.s32 v49;
	v47 =	vcvt.f32.s32 v50;
	s12 =	sadd.s32 $0xFFFFFFD0, s5;
	v45 =	vshll.u32 v46, $0xA;
	v34 =	vld [tilespmem:s10+$0x0];
	[tilespmem:s3+$0x0] =	vst v33  }
0x65: {  	v46 =	vcvt.s32.f32 v46;
	v48 =	vshll.u32 v43, $0xA;
	s3 =	sand.u32 $0x40, s12;
	s10 =	sor.u32 s9, s8;
	s9 =	sor.u32 s9, s11;
	v33 =	vcvt.s32.f32 v42  }
0x66: {  	v51 =	vcvt.s32.f32 v44;
	v43 =	vcvt.s32.f32 v43;
	v52 =	vshll.u32 v47, $0xA;
	s12 =	sor.u32 s3, s8;
	s14 =	sor.u32 s3, s11;
	s8 =	sor.u32 s13, s8;
	v50 =	vld [tilespmem:s10+$0x0]  }
0x67: {  	v47 =	vcvt.s32.f32 v47;
	s3 =	smov.u32 s0;
	s10 =	sor.u32 s13, s11;
	v33 =	vsub.f32 v37, v33;
	v37 =	vcvt.s32.f32 v49;
	v53 =	vld [tilespmem:s12+$0x0]  }
0x68: {  	v36 =	vsub.f32 v36, v46;
	v38 =	vsub.f32 v38, v51;
	v54 =	vld [tilespmem:s14+$0x0];
	v35 =	vmul.f32 $5.000000000e-01, v35  }
0x69: {  	v37 =	vsub.f32 v41, v37;
	v46 =	vld [tilespmem:s9+$0x0];
	v51 =	vmul.f32 $5.000000000e-01, v34;
	[tilespmem:s1+$0xFFFFFFE0] =	vst v33;
	v33 =	vsub.f32 v40, v43  }
0x6a: {  	v34 =	vand.u32 $0xFFC00, v45;
	v40 =	vld [tilespmem:s8+$0x0];
	v41 =	vadd.f32 $5.000000000e-01, v35;
	[tilespmem:s2+$0xFFFFFFE0] =	vst v36;
	v36 =	vsub.f32 v39, v47  }
0x6b: {  	v35 =	vand.u32 $0xFFC00, v48;
	v39 =	vmul.f32 $5.000000000e-01, v50;
	v43 =	vld [tilespmem:s10+$0x0];
	v45 =	vadd.f32 $5.000000000e-01, v51;
	[tilespmem:s1+$0xFFFFFFF0] =	vst v38  }
0x6c: {  	v38 =	vmul.f32 $5.000000000e-01, v53;
	v41 =	vmul.f32 $1.024000000e+03, v41;
	[tilespmem:s2+$0xFFFFFFF0] =	vst v33;
	v33 =	vand.u32 $0xFFC00, v52  }
0x6d: {  	v47 =	vmul.f32 $5.000000000e-01, v54;
	v39 =	vadd.f32 $5.000000000e-01, v39;
	v45 =	vmul.f32 $1.024000000e+03, v45;
	[tilespmem:s1+$0x0] =	vst v37  }
0x6e: {  	v37 =	vadd.f32 $5.000000000e-01, v38;
	v38 =	vmul.f32 $5.000000000e-01, v46;
	v46 =	vtrunc.f32 v41;
	[tilespmem:s2+$0x0] =	vst v36  }
0x6f: {  	v36 =	vadd.f32 $5.000000000e-01, v47;
	v46 =	vcvt.f32.s32 v46;
	v47 =	vtrunc.f32 v45  }
0x70: {  	v48 =	vadd.f32 $5.000000000e-01, v38;
	v38 =	vmul.f32 $5.000000000e-01, v40;
	v40 =	vcvt.f32.s32 v47  }
0x71: {  	v42 =	vand.u32 $0x3FF, v42;
	v43 =	vmul.f32 $5.000000000e-01, v43;
	v47 =	vcvt.s32.f32 v46  }
0x72: {  	v37 =	vmul.f32 $1.024000000e+03, v37;
	v50 =	vadd.f32 $5.000000000e-01, v38;
	v51 =	vcvt.s32.f32 v40  }
0x73: {  	v36 =	vmul.f32 $1.024000000e+03, v36;
	v43 =	vadd.f32 $5.000000000e-01, v43;
	v41 =	vsub.f32 v41, v47  }
.Ltmp4:
0x74: {  	s1 =	sadd.s32 $0x40, s1;
	v38 =	vmul.f32 $1.024000000e+03, v39;
	v39 =	vshll.u32 v40, $0xA;
	v45 =	vsub.f32 v45, v51;
	(pc) =	sbr.rel @p0 .LBB2_3-.Ltmp4, $4  }
0x75: {  	s2 =	sadd.s32 $0x40, s2;
	v46 =	vand.u32 $0x3FF, v46;
	v40 =	vmul.f32 $1.024000000e+03, v48;
	v47 =	vand.u32 $0xFFC00, v39;
	[tilespmem:s1+$0x10] =	vst v41  }
0x76: {  	s0 =	sadd.s32 $0x40, s0;
	v39 =	vmul.f32 $1.024000000e+03, v43;
	v43 =	vor.u32 v46, v47;
	v41 =	vmul.f32 $1.024000000e+03, v50;
	[tilespmem:s2+$0x10] =	vst v45  }
0x77: {  	v48 =	vtrunc.f32 v37;
	v46 =	vtrunc.f32 v36;
	v47 =	vand.u32 $0x3FF, v44;
	[tilespmem:s0+$0x10] =	vst v43  }
0x78: {  	s7 =	sadd.s32 $0x80, s7;
	s5 =	sadd.s32 $0x40, s5;
	v44 =	vtrunc.f32 v38;
	v45 =	vand.u32 $0x3FF, v49;
	v43 =	vtrunc.f32 v40  }
0x79: {  	v49 =	vtrunc.f32 v41;
	v48 =	vcvt.f32.s32 v48  }
0x7a: {  	v50 =	vtrunc.f32 v39;
	v34 =	vor.u32 v42, v34;
	v44 =	vcvt.f32.s32 v44  }
0x7b: {  	v62 =	vcvt.f32.s32 v46;
	v35 =	vor.u32 v47, v35;
	v63 =	vcvt.s32.f32 v48  }
0x7c: {  	v51 =	vcvt.f32.s32 v43;
	v33 =	vor.u32 v45, v33;
	[tilespmem:s3+$0xFFFFFFE0] =	vst v34;
	v54 =	vcvt.s32.f32 v44  }
0x7d: {  	[tilespmem:s3+$0xFFFFFFF0] =	vst v35;
	v53 =	vcvt.f32.s32 v49;
	v52 =	vcvt.s32.f32 v62;
	v37 =	vsub.f32 v37, v63  }
0x7e: {  	v55 =	vcvt.f32.s32 v50;
	[tilespmem:s3+$0x0] =	vst v33;
	v56 =	vcvt.s32.f32 v51;
	v38 =	vsub.f32 v38, v54  }
0x7f: {  	v57 =	vcvt.s32.f32 v53;
	v36 =	vsub.f32 v36, v52;
	[tilespmem:s1+$0xFFFFFFE0] =	vst v37  }
0x80: {  	v58 =	vcvt.s32.f32 v55;
	v33 =	vsub.f32 v40, v56;
	[tilespmem:s1+$0xFFFFFFF0] =	vst v38  }
0x81: {  	v59 =	vsub.f32 v41, v57;
	[tilespmem:s2+$0xFFFFFFE0] =	vst v36  }
0x82: {  	v60 =	vshll.u32 v62, $0xA;
	v34 =	vshll.u32 v51, $0xA;
	v37 =	vsub.f32 v39, v58;
	[tilespmem:s2+$0xFFFFFFF0] =	vst v33  }
0x83: {  	s18 =	simm.s32 $0x80;
	s19 =	simm.s32 $0x6000;
	v62 =	vand.u32 $0x3FF, v48;
	v61 =	vshll.u32 v55, $0xA;
	v38 =	vand.u32 $0xFFC00, v60;
	[tilespmem:s1+$0x0] =	vst v59  }
0x84: {  	s20 =	simm.s32 $0x7000;
	s22 =	simm.s32 $0x6080;
	s25 =	simm.s32 $0x8000;
	v34 =	vand.u32 $0xFFC00, v34;
	v63 =	vand.u32 $0x3FF, v44;
	v36 =	vor.u32 v62, v38;
	[tilespmem:s2+$0x0] =	vst v37  }
0x85: {  	s26 =	simm.s32 $0x6100;
	s28 =	simm.s32 $0x9000;
	s29 =	simm.s32 $0x6180;
	v35 =	vand.u32 $0x3FF, v53;
	v34 =	vor.u32 v63, v34;
	v33 =	vand.u32 $0xFFC00, v61;
	[tilespmem:s0+$0xFFFFFFE0] =	vst v36  }
0x86: {  	s30 =	simm.s32 $0xA000;
	s31 =	simm.s32 $0x4000;
	s5 =	simm.s32 $0xC100;
	[tilespmem:s0+$0xFFFFFFF0] =	vst v34;
	v33 =	vor.u32 v35, v33  }
0x87: {  	s8 =	simm.s32 $0x2000;
	s11 =	simm.s32 $0x100;
	s4 =	simm.s32 $0x200;
	[tilespmem:s0+$0x0] =	vst v33  }
0x88: {  	[tilespmem:s20], [sflag:$0x1] =	stream.indirect.gather [hbm4b:s6+s18], $0x20, s19, s18, $0xb8;
	[tilespmem:$0xD100] =	vst v63  }
0x89: {  	s10 =	simm.s32 $0x4100;
	s12 =	simm.s32 $0x5100;
	s13 =	simm.s32 $0xC200  }
0x8a: {  	[tilespmem:s25], [sflag:$0x2] =	stream.indirect.gather [hbm4b:s6+s18], $0x20, s22, s18, $0xb8;
	[tilespmem:$0xD100] =	vst v63  }
0x8b: {  	s14 =	simm.s32 $0x300;
	s15 =	simm.s32 $0x4180;
	s16 =	simm.s32 $0x5180  }
0x8c: {  	[tilespmem:s28], [sflag:$0x3] =	stream.indirect.gather [hbm4b:s6+s18], $0x20, s26, s18, $0xb8;
	[tilespmem:$0xD100] =	vst v63  }
0x8d: {  	s17 =	simm.s32 $0xC280;
	s3 =	simm.s32 $0xC180;
	s1 =	simm.s32 $0x4080  }
0x8e: {  	[tilespmem:s30], [sflag:$0x4] =	stream.indirect.gather [hbm4b:s6+s18], $0x20, s29, s18, $0xb8;
	[tilespmem:$0xD100] =	vst v63  }
0x8f: {  	s2 =	simm.s32 $0x5080;
	s0 =	simm.s32 $0x5000;
	s18 =	simm.s32 $0x0  }
.LBB2_5:
0x90: {  	s7 =	simm.s32 $0x0  }
0x91: {  	v33 =	vmov s7  }
0x92: {  	s30 =	simm.s32 $0x1;
	v33 =	vmul.u32 $0x220, v33  }
0x93: {  	_ =	swait.ge [sflag:s30], $0x1000  }
0x94: {  	[sflag:s30] =	ssyncset.done $0x0;
	v33 =	vbroadcast v33, $0x0  }
0x95: {  	s7 =	simm.s32 $0x7100;
	[sflag:s30] =	ssyncadd.s32 $0xFFFFF000  }
0x96: {  	v35 =	vld [tilespmem:s7+$0xFFFFFF00];
	v34 =	vadd.s32 v0, v33  }
0x97: {  	v37 =	vld [tilespmem:s7+$0xFFFFFF10];
	v36 =	vadd.s32 v1, v33;
	_ =	sdelay $0x3  }
0x98: {  	[tilespmem:v34+s21+$0x0] =	vst.idx.msk $0xffff, v35  }
0x99: {  	[tilespmem:v36+s21+$0x0] =	vst.idx.msk $0xffff, v37  }
0x9a: {  	v56 =	vadd.s32 v2, v33;
	v35 =	vld [tilespmem:s7+$0xFFFFFF20]  }
0x9b: {  	v57 =	vadd.s32 v3, v33;
	v37 =	vld [tilespmem:s7+$0xFFFFFF30];
	_ =	sdelay $0x3  }
0x9c: {  	[tilespmem:v56+s21+$0x0] =	vst.idx.msk $0xffff, v35  }
0x9d: {  	[tilespmem:v57+s21+$0x0] =	vst.idx.msk $0xffff, v37  }
0x9e: {  	v58 =	vadd.s32 v4, v33;
	v35 =	vld [tilespmem:s7+$0xFFFFFF40]  }
0x9f: {  	v59 =	vadd.s32 v5, v33;
	v37 =	vld [tilespmem:s7+$0xFFFFFF50];
	_ =	sdelay $0x3  }
0xa0: {  	[tilespmem:v58+s21+$0x0] =	vst.idx.msk $0xffff, v35  }
0xa1: {  	[tilespmem:v59+s21+$0x0] =	vst.idx.msk $0xffff, v37  }
0xa2: {  	v60 =	vadd.s32 v6, v33;
	v35 =	vld [tilespmem:s7+$0xFFFFFF60]  }
0xa3: {  	v61 =	vadd.s32 v7, v33;
	v37 =	vld [tilespmem:s7+$0xFFFFFF70];
	_ =	sdelay $0x3  }
0xa4: {  	[tilespmem:v60+s21+$0x0] =	vst.idx.msk $0xffff, v35  }
0xa5: {  	[tilespmem:v61+s21+$0x0] =	vst.idx.msk $0xffff, v37  }
0xa6: {  	v62 =	vadd.s32 v8, v33;
	v34 =	vld [tilespmem:s7+$0xFFFFFF80]  }
0xa7: {  	v63 =	vadd.s32 v9, v33;
	v36 =	vld [tilespmem:s7+$0xFFFFFF90];
	_ =	sdelay $0x3  }
0xa8: {  	[tilespmem:v62+s21+$0x0] =	vst.idx.msk $0xffff, v34  }
0xa9: {  	[tilespmem:v63+s21+$0x0] =	vst.idx.msk $0xffff, v36  }
0xaa: {  	v40 =	vadd.s32 v10, v33;
	v34 =	vld [tilespmem:s7+$0xFFFFFFA0]  }
0xab: {  	v41 =	vadd.s32 v11, v33;
	v36 =	vld [tilespmem:s7+$0xFFFFFFB0];
	_ =	sdelay $0x3  }
0xac: {  	[tilespmem:v40+s21+$0x0] =	vst.idx.msk $0xffff, v34  }
0xad: {  	[tilespmem:v41+s21+$0x0] =	vst.idx.msk $0xffff, v36  }
0xae: {  	v42 =	vadd.s32 v12, v33;
	v34 =	vld [tilespmem:s7+$0xFFFFFFC0]  }
0xaf: {  	v43 =	vadd.s32 v13, v33;
	v36 =	vld [tilespmem:s7+$0xFFFFFFD0];
	_ =	sdelay $0x3  }
0xb0: {  	[tilespmem:v42+s21+$0x0] =	vst.idx.msk $0xffff, v34  }
0xb1: {  	[tilespmem:v43+s21+$0x0] =	vst.idx.msk $0xffff, v36  }
0xb2: {  	v44 =	vadd.s32 v14, v33;
	v34 =	vld [tilespmem:s7+$0xFFFFFFE0]  }
0xb3: {  	v45 =	vadd.s32 v15, v33;
	v36 =	vld [tilespmem:s7+$0xFFFFFFF0];
	_ =	sdelay $0x3  }
0xb4: {  	[tilespmem:v44+s21+$0x0] =	vst.idx.msk $0xffff, v34  }
0xb5: {  	[tilespmem:v45+s21+$0x0] =	vst.idx.msk $0xffff, v36  }
0xb6: {  	v46 =	vadd.s32 v16, v33;
	v34 =	vld [tilespmem:s7+$0x0]  }
0xb7: {  	v47 =	vadd.s32 v17, v33;
	v36 =	vld [tilespmem:s7+$0x10];
	_ =	sdelay $0x3  }
0xb8: {  	[tilespmem:v46+s21+$0x0] =	vst.idx.msk $0xffff, v34  }
0xb9: {  	[tilespmem:v47+s21+$0x0] =	vst.idx.msk $0xffff, v36  }
0xba: {  	v48 =	vadd.s32 v18, v33;
	v34 =	vld [tilespmem:s7+$0x20]  }
0xbb: {  	v49 =	vadd.s32 v19, v33;
	v36 =	vld [tilespmem:s7+$0x30];
	_ =	sdelay $0x3  }
0xbc: {  	[tilespmem:v48+s21+$0x0] =	vst.idx.msk $0xffff, v34  }
0xbd: {  	[tilespmem:v49+s21+$0x0] =	vst.idx.msk $0xffff, v36  }
0xbe: {  	v50 =	vadd.s32 v20, v33;
	v34 =	vld [tilespmem:s7+$0x40]  }
0xbf: {  	v51 =	vadd.s32 v21, v33;
	v36 =	vld [tilespmem:s7+$0x50];
	_ =	sdelay $0x3  }
0xc0: {  	[tilespmem:v50+s21+$0x0] =	vst.idx.msk $0xffff, v34  }
0xc1: {  	[tilespmem:v51+s21+$0x0] =	vst.idx.msk $0xffff, v36  }
0xc2: {  	v52 =	vadd.s32 v22, v33;
	v34 =	vld [tilespmem:s7+$0x60]  }
0xc3: {  	v53 =	vadd.s32 v23, v33;
	v36 =	vld [tilespmem:s7+$0x70];
	_ =	sdelay $0x3  }
0xc4: {  	[tilespmem:v52+s21+$0x0] =	vst.idx.msk $0xffff, v34  }
0xc5: {  	[tilespmem:v53+s21+$0x0] =	vst.idx.msk $0xffff, v36  }
0xc6: {  	v54 =	vadd.s32 v24, v33;
	v34 =	vld [tilespmem:s7+$0x80]  }
0xc7: {  	v55 =	vadd.s32 v25, v33;
	v36 =	vld [tilespmem:s7+$0x90];
	_ =	sdelay $0x3  }
0xc8: {  	[tilespmem:v54+s21+$0x0] =	vst.idx.msk $0xffff, v34  }
0xc9: {  	[tilespmem:v55+s21+$0x0] =	vst.idx.msk $0xffff, v36  }
0xca: {  	v56 =	vadd.s32 v26, v33;
	v34 =	vld [tilespmem:s7+$0xA0]  }
0xcb: {  	v57 =	vadd.s32 v27, v33;
	v36 =	vld [tilespmem:s7+$0xB0];
	_ =	sdelay $0x3  }
0xcc: {  	[tilespmem:v56+s21+$0x0] =	vst.idx.msk $0xffff, v34  }
0xcd: {  	[tilespmem:v57+s21+$0x0] =	vst.idx.msk $0xffff, v36  }
0xce: {  	v58 =	vadd.s32 v28, v33;
	v34 =	vld [tilespmem:s7+$0xC0]  }
0xcf: {  	v59 =	vadd.s32 v30, v33;
	v36 =	vld [tilespmem:s7+$0xD0];
	_ =	sdelay $0x3  }
0xd0: {  	[tilespmem:v58+s21+$0x0] =	vst.idx.msk $0xffff, v34  }
0xd1: {  	[tilespmem:v59+s21+$0x0] =	vst.idx.msk $0xffff, v36  }
0xd2: {  	v60 =	vadd.s32 v31, v33;
	v34 =	vld [tilespmem:s7+$0xE0]  }
0xd3: {  	v33 =	vadd.s32 v32, v33;
	v36 =	vld [tilespmem:s7+$0xF0];
	_ =	sdelay $0x3  }
0xd4: {  	[tilespmem:v60+s21+$0x0] =	vst.idx.msk $0xffff, v34  }
0xd5: {  	s9 =	simm.s32 $0xB110;
	[tilespmem:v33+s21+$0x0] =	vst.idx.msk $0xffff, v36  }
0xd6: {  	v39 =	vld [tilespmem:s9+$0xFFFFFFCD]  }
0xd7: {  	v38 =	vld [tilespmem:s9+$0x66]  }
0xd8: {  	v41 =	vld [tilespmem:s9+$0x33]  }
0xd9: {  	v40 =	vld [tilespmem:s9+$0xFFFFFF56]  }
0xda: {  	v42 =	vld [tilespmem:s9+$0x77]  }
0xdb: {  	v43 =	vld [tilespmem:s9+$0xFFFFFF9A]  }
0xdc: {  	v44 =	vld [tilespmem:s9+$0xEE]  }
0xdd: {  	v45 =	vld [tilespmem:s9+$0xFFFFFFDE]  }
0xde: {  	v46 =	vld [tilespmem:s9+$0xAA]  }
0xdf: {  	v34 =	vmov s0;
	v47 =	vld [tilespmem:s9+$0xFFFFFF67]  }
0xe0: {  	v48 =	vld [tilespmem:s9+$0xFFFFFFAB]  }
0xe1: {  	v49 =	vld [tilespmem:s9+$0xBB]  }
0xe2: {  	v33 =	vld [tilespmem:s9+$0xFFFFFFEF]  }
0xe3: {  	s20 =	simm.s32 $0x0;
	v50 =	vld [tilespmem:s9+$0xFF]  }
0xe4: {  	v37 =	vld.idx.msk [tilespmem:v34+s20+$0x0 ss:$0x1], $0xffff  }
0xe5: {  	v51 =	vld [tilespmem:s9+$0xDD]  }
0xe6: {  	v52 =	vld [tilespmem:s9+$0xFFFFFF89]  }
0xe7: {  	v53 =	vld [tilespmem:s9+$0x99]  }
0xe8: {  	v35 =	vmov s8;
	v54 =	vld [tilespmem:s9+$0xFFFFFF45]  }
0xe9: {  	v36 =	vmov s31;
	v61 =	vld [tilespmem:s9+$0xFFFFFF23];
	v56 =	vmul.f32 v37, v33;
	v50 =	vmul.f32 v37, v50  }
0xea: {  	v55 =	vld [tilespmem:s9+$0x55];
	v33 =	vmov s5;
	v48 =	vmul.f32 v37, v48;
	v49 =	vmul.f32 v37, v49  }
0xeb: {  	v57 =	vld [tilespmem:s9+$0xFFFFFFBC];
	v47 =	vmul.f32 v37, v47;
	v45 =	vadd.f32 v56, v45;
	v44 =	vadd.f32 v50, v44  }
0xec: {  	v58 =	vld [tilespmem:s9+$0xCC];
	v42 =	vmul.f32 v37, v42;
	v43 =	vadd.f32 v48, v43;
	v46 =	vadd.f32 v49, v46  }
0xed: {  	v62 =	vld [tilespmem:s9+$0xFFFFFF78];
	v40 =	vadd.f32 v47, v40;
	v45 =	vmul.f32 v45, v37;
	v44 =	vmul.f32 v44, v37  }
0xee: {  	v63 =	vld [tilespmem:s9+$0xFFFFFF12];
	v42 =	vadd.f32 v42, v38;
	v50 =	vmul.f32 v37, v61;
	v43 =	vmul.f32 v43, v37  }
0xef: {  	v47 =	vld [tilespmem:s9+$0x88];
	v46 =	vmul.f32 v46, v37;
	v39 =	vadd.f32 v45, v39;
	v44 =	vadd.f32 v44, v51  }
0xf0: {  	v38 =	vld.idx.msk [tilespmem:v36+s20+$0x0 ss:$0x1], $0xffff;
	v40 =	vmul.f32 v40, v37;
	v42 =	vmul.f32 v42, v37;
	v43 =	vadd.f32 v43, v52  }
0xf1: {  	v49 =	vld [tilespmem:s9+$0x22];
	v46 =	vadd.f32 v46, v53;
	v39 =	vmul.f32 v39, v37;
	v44 =	vmul.f32 v44, v37  }
0xf2: {  	v59 =	vadd.f32 v40, v54;
	v40 =	vld [tilespmem:s9+$0xFFFFFF34];
	v60 =	vadd.f32 v42, v55;
	v43 =	vmul.f32 v43, v37  }
0xf3: {  	v42 =	vld [tilespmem:s9+$0x44];
	v46 =	vmul.f32 v46, v37;
	v39 =	vadd.f32 v39, v57;
	v61 =	vadd.f32 v44, v58  }
0xf4: {  	v41 =	vmul.f32 v37, v41;
	v45 =	vadd.f32 v50, v63;
	v44 =	vld [tilespmem:s9+$0xFFFFFF01];
	v62 =	vadd.f32 v43, v62  }
0xf5: {  	v47 =	vadd.f32 v46, v47;
	v43 =	vld [tilespmem:s9+$0x11];
	v63 =	vmul.f32 v39, v38;
	v53 =	vmul.f32 v61, v38  }
0xf6: {  	v49 =	vadd.f32 v41, v49;
	v41 =	vld [tilespmem:s9+$0x0];
	v48 =	vmul.f32 v59, v37;
	v50 =	vmul.f32 v60, v37  }
0xf7: {  	s19 =	simm.s32 $0x40;
	s25 =	simm.s32 $0x0;
	v45 =	vmul.f32 v45, v37;
	v39 =	vld [tilespmem:s9+$0xFFFFFEF0];
	v46 =	vadd.f32 v63, v62;
	v47 =	vadd.f32 v53, v47  }
.LBB2_6:
0xf8: {  	v40 =	vadd.f32 v48, v40;
	v48 =	vmul.f32 v49, v37;
	v42 =	vadd.f32 v50, v42;
	v49 =	vld.idx.msk [tilespmem:v35+s20+$0x0 ss:$0x1], $0xffff;
	s25 =	sadd.s32 $0x1, s25;
	s9 =	sadd.s32 $0x220, s9;
	s7 =	sadd.s32 $0x200, s7  }
0xf9: {  	p0 =	sne.s32 s19, $0x1C0;
	s26 =	smov.u32 s19;
	s19 =	sadd.s32 $0x40, s19;
	v44 =	vadd.f32 v45, v44;
	v45 =	vmul.f32 v46, v38;
	v46 =	vmul.f32 v47, v38;
	v47 =	vld.idx.msk [tilespmem:v35+s20+$0x80 ss:$0x1], $0xffff  }
0xfa: {  	v43 =	vadd.f32 v48, v43  }
0xfb: {  	v44 =	vmul.f32 v44, v37;
	v40 =	vadd.f32 v45, v40;
	v42 =	vadd.f32 v46, v42  }
0xfc: {  	v37 =	vmul.f32 v43, v37  }
0xfd: {  	v39 =	vadd.f32 v44, v39;
	v40 =	vmul.f32 v40, v38;
	v38 =	vmul.f32 v42, v38  }
0xfe: {  	v37 =	vadd.f32 v37, v41  }
0xff: {  	v39 =	vadd.f32 v40, v39  }
0x100: {  	v37 =	vadd.f32 v38, v37  }
0x101: {  	v38 =	vsub.f32 v39, v49  }
0x102: {  	v39 =	vmov s25;
	v37 =	vsub.f32 v37, v47  }
0x103: {  	v39 =	vmul.u32 $0x220, v39;
	v38 =	vmul.f32 v38, v29  }
0x104: {  	v40 =	vmul.f32 v37, v29  }
0x105: {  	v37 =	vbroadcast v39, $0x0  }
0x106: {  	v38 =	vmul.f32 v38, v38;
	v39 =	vmul.f32 v40, v40  }
0x107: {  	v40 =	vadd.s32 v0, v37  }
0x108: {  	v41 =	vadd.s32 v1, v37;
	v38 =	vadd.f32 v39, v38;
	_ =	sdelay $0x1  }
0x109: {  	v38 =	vmul.f32 $-5.000000000e-01, v38;
	_ =	sdelay $0x1  }
0x10a: {  	v38 =	vmul.f32 $1.442695020e+00, v38;
	_ =	sdelay $0x1  }
0x10b: {  	v39 =	vadd.s32 v2, v37;
	(erf) = vpow2.f32 v38  }
0x10c: {  	v38 =	vadd.s32 v3, v37;
	_ =	sdelay $0x5  }
0x10d: {  	v42 =	vadd.s32 v4, v37  }
0x10e: {  	v43 =	vadd.s32 v5, v37  }
0x10f: {  	v44 =	vpop (erf)  }
0x110: {  	v44 =	vmul.f32 $5.305164720e+01, v44;
	_ =	sdelay $0x1  }
0x111: {  	[tilespmem:v33+s20+$0x0 ss:$0x1] =	vst.idx.msk $0xffff, v44  }
0x112: {  	v44 =	vld [tilespmem:s7+$0xFFFFFF00]  }
0x113: {  	v46 =	vadd.s32 v6, v37;
	v45 =	vld [tilespmem:s7+$0xFFFFFF10]  }
0x114: {  	v47 =	vadd.s32 v7, v37;
	_ =	sdelay $0x2  }
0x115: {  	[tilespmem:v40+s21+$0x0] =	vst.idx.msk $0xffff, v44  }
0x116: {  	[tilespmem:v41+s21+$0x0] =	vst.idx.msk $0xffff, v45  }
0x117: {  	v40 =	vld [tilespmem:s7+$0xFFFFFF20]  }
0x118: {  	v41 =	vld [tilespmem:s7+$0xFFFFFF30];
	_ =	sdelay $0x3  }
0x119: {  	[tilespmem:v39+s21+$0x0] =	vst.idx.msk $0xffff, v40  }
0x11a: {  	[tilespmem:v38+s21+$0x0] =	vst.idx.msk $0xffff, v41  }
0x11b: {  	v38 =	vld [tilespmem:s7+$0xFFFFFF40]  }
0x11c: {  	v39 =	vld [tilespmem:s7+$0xFFFFFF50];
	_ =	sdelay $0x3  }
0x11d: {  	[tilespmem:v42+s21+$0x0] =	vst.idx.msk $0xffff, v38  }
0x11e: {  	[tilespmem:v43+s21+$0x0] =	vst.idx.msk $0xffff, v39  }
0x11f: {  	v38 =	vld [tilespmem:s7+$0xFFFFFF60]  }
0x120: {  	v39 =	vld [tilespmem:s7+$0xFFFFFF70];
	_ =	sdelay $0x3  }
0x121: {  	[tilespmem:v46+s21+$0x0] =	vst.idx.msk $0xffff, v38  }
0x122: {  	[tilespmem:v47+s21+$0x0] =	vst.idx.msk $0xffff, v39  }
0x123: {  	v39 =	vadd.s32 v8, v37;
	v38 =	vld [tilespmem:s7+$0xFFFFFF80]  }
0x124: {  	v41 =	vadd.s32 v9, v37;
	v40 =	vld [tilespmem:s7+$0xFFFFFF90];
	_ =	sdelay $0x3  }
0x125: {  	[tilespmem:v39+s21+$0x0] =	vst.idx.msk $0xffff, v38  }
0x126: {  	[tilespmem:v41+s21+$0x0] =	vst.idx.msk $0xffff, v40  }
0x127: {  	v39 =	vadd.s32 v10, v37;
	v38 =	vld [tilespmem:s7+$0xFFFFFFA0]  }
0x128: {  	v41 =	vadd.s32 v11, v37;
	v40 =	vld [tilespmem:s7+$0xFFFFFFB0];
	_ =	sdelay $0x3  }
0x129: {  	[tilespmem:v39+s21+$0x0] =	vst.idx.msk $0xffff, v38  }
0x12a: {  	[tilespmem:v41+s21+$0x0] =	vst.idx.msk $0xffff, v40  }
0x12b: {  	v39 =	vadd.s32 v12, v37;
	v38 =	vld [tilespmem:s7+$0xFFFFFFC0]  }
0x12c: {  	v41 =	vadd.s32 v13, v37;
	v40 =	vld [tilespmem:s7+$0xFFFFFFD0];
	_ =	sdelay $0x3  }
0x12d: {  	[tilespmem:v39+s21+$0x0] =	vst.idx.msk $0xffff, v38  }
0x12e: {  	[tilespmem:v41+s21+$0x0] =	vst.idx.msk $0xffff, v40  }
0x12f: {  	v39 =	vadd.s32 v14, v37;
	v38 =	vld [tilespmem:s7+$0xFFFFFFE0]  }
0x130: {  	v41 =	vadd.s32 v15, v37;
	v40 =	vld [tilespmem:s7+$0xFFFFFFF0];
	_ =	sdelay $0x3  }
0x131: {  	[tilespmem:v39+s21+$0x0] =	vst.idx.msk $0xffff, v38  }
0x132: {  	[tilespmem:v41+s21+$0x0] =	vst.idx.msk $0xffff, v40  }
0x133: {  	v39 =	vadd.s32 v16, v37;
	v38 =	vld [tilespmem:s7+$0x0]  }
0x134: {  	v41 =	vadd.s32 v17, v37;
	v40 =	vld [tilespmem:s7+$0x10];
	_ =	sdelay $0x3  }
0x135: {  	[tilespmem:v39+s21+$0x0] =	vst.idx.msk $0xffff, v38  }
0x136: {  	[tilespmem:v41+s21+$0x0] =	vst.idx.msk $0xffff, v40  }
0x137: {  	v39 =	vadd.s32 v18, v37;
	v38 =	vld [tilespmem:s7+$0x20]  }
0x138: {  	v41 =	vadd.s32 v19, v37;
	v40 =	vld [tilespmem:s7+$0x30];
	_ =	sdelay $0x3  }
0x139: {  	[tilespmem:v39+s21+$0x0] =	vst.idx.msk $0xffff, v38  }
0x13a: {  	[tilespmem:v41+s21+$0x0] =	vst.idx.msk $0xffff, v40  }
0x13b: {  	v39 =	vadd.s32 v20, v37;
	v38 =	vld [tilespmem:s7+$0x40]  }
0x13c: {  	v41 =	vadd.s32 v21, v37;
	v40 =	vld [tilespmem:s7+$0x50];
	_ =	sdelay $0x3  }
0x13d: {  	[tilespmem:v39+s21+$0x0] =	vst.idx.msk $0xffff, v38  }
0x13e: {  	[tilespmem:v41+s21+$0x0] =	vst.idx.msk $0xffff, v40  }
0x13f: {  	v39 =	vadd.s32 v22, v37;
	v38 =	vld [tilespmem:s7+$0x60]  }
0x140: {  	v41 =	vadd.s32 v23, v37;
	v40 =	vld [tilespmem:s7+$0x70];
	_ =	sdelay $0x3  }
0x141: {  	[tilespmem:v39+s21+$0x0] =	vst.idx.msk $0xffff, v38  }
0x142: {  	[tilespmem:v41+s21+$0x0] =	vst.idx.msk $0xffff, v40  }
0x143: {  	v39 =	vadd.s32 v24, v37;
	v38 =	vld [tilespmem:s7+$0x80]  }
0x144: {  	v41 =	vadd.s32 v25, v37;
	v40 =	vld [tilespmem:s7+$0x90];
	_ =	sdelay $0x3  }
0x145: {  	[tilespmem:v39+s21+$0x0] =	vst.idx.msk $0xffff, v38  }
0x146: {  	[tilespmem:v41+s21+$0x0] =	vst.idx.msk $0xffff, v40  }
0x147: {  	v39 =	vadd.s32 v26, v37;
	v38 =	vld [tilespmem:s7+$0xA0]  }
0x148: {  	v41 =	vadd.s32 v27, v37;
	v40 =	vld [tilespmem:s7+$0xB0];
	_ =	sdelay $0x3  }
0x149: {  	[tilespmem:v39+s21+$0x0] =	vst.idx.msk $0xffff, v38  }
0x14a: {  	[tilespmem:v41+s21+$0x0] =	vst.idx.msk $0xffff, v40  }
0x14b: {  	v39 =	vadd.s32 v28, v37;
	v38 =	vld [tilespmem:s7+$0xC0]  }
0x14c: {  	v41 =	vadd.s32 v30, v37;
	v40 =	vld [tilespmem:s7+$0xD0];
	_ =	sdelay $0x3  }
0x14d: {  	[tilespmem:v39+s21+$0x0] =	vst.idx.msk $0xffff, v38  }
0x14e: {  	[tilespmem:v41+s21+$0x0] =	vst.idx.msk $0xffff, v40  }
0x14f: {  	v39 =	vadd.s32 v31, v37;
	v38 =	vld [tilespmem:s7+$0xE0]  }
0x150: {  	v37 =	vadd.s32 v32, v37;
	v40 =	vld [tilespmem:s7+$0xF0];
	_ =	sdelay $0x3  }
0x151: {  	[tilespmem:v39+s21+$0x0] =	vst.idx.msk $0xffff, v38  }
0x152: {  	[tilespmem:v37+s21+$0x0] =	vst.idx.msk $0xffff, v40  }
0x153: {  	v39 =	vld [tilespmem:s9+$0xFFFFFFCD]  }
0x154: {  	v38 =	vld [tilespmem:s9+$0x66]  }
0x155: {  	v41 =	vld [tilespmem:s9+$0x33]  }
0x156: {  	v40 =	vld [tilespmem:s9+$0xFFFFFF56]  }
0x157: {  	v42 =	vld [tilespmem:s9+$0x77]  }
0x158: {  	v43 =	vld [tilespmem:s9+$0xFFFFFF9A]  }
0x159: {  	v44 =	vld [tilespmem:s9+$0xEE]  }
0x15a: {  	v45 =	vld [tilespmem:s9+$0xFFFFFFDE]  }
0x15b: {  	v46 =	vld [tilespmem:s9+$0xAA]  }
0x15c: {  	v47 =	vld [tilespmem:s9+$0xFFFFFF67]  }
0x15d: {  	v48 =	vld [tilespmem:s9+$0xFFFFFFAB]  }
0x15e: {  	v49 =	vld [tilespmem:s9+$0xBB]  }
0x15f: {  	s20 =	sshra.s32 s26, $0x2;
	v50 =	vld [tilespmem:s9+$0xFFFFFFEF]  }
0x160: {  	v37 =	vld.idx.msk [tilespmem:v34+s20+$0x0 ss:$0x1], $0xffff  }
0x161: {  	v51 =	vld [tilespmem:s9+$0xFF]  }
0x162: {  	v52 =	vld [tilespmem:s9+$0xDD]  }
0x163: {  	v53 =	vld [tilespmem:s9+$0xFFFFFF89]  }
0x164: {  	v54 =	vld [tilespmem:s9+$0x99]  }
0x165: {  	v55 =	vld [tilespmem:s9+$0xFFFFFF45]  }
0x166: {  	v50 =	vmul.f32 v37, v50;
	v56 =	vld [tilespmem:s9+$0x55];
	v51 =	vmul.f32 v37, v51  }
0x167: {  	v48 =	vmul.f32 v37, v48;
	v49 =	vmul.f32 v37, v49;
	v57 =	vld [tilespmem:s9+$0xFFFFFFBC]  }
0x168: {  	v47 =	vmul.f32 v37, v47;
	v45 =	vadd.f32 v50, v45;
	v58 =	vld [tilespmem:s9+$0xCC];
	v44 =	vadd.f32 v51, v44  }
0x169: {  	v42 =	vmul.f32 v37, v42;
	v43 =	vadd.f32 v48, v43;
	v46 =	vadd.f32 v49, v46;
	v50 =	vld [tilespmem:s9+$0xFFFFFF23]  }
0x16a: {  	v40 =	vadd.f32 v47, v40;
	v45 =	vmul.f32 v45, v37;
	v48 =	vld [tilespmem:s9+$0xFFFFFF78];
	v44 =	vmul.f32 v44, v37  }
0x16b: {  	v42 =	vadd.f32 v42, v38;
	v43 =	vmul.f32 v43, v37;
	v46 =	vmul.f32 v46, v37;
	v47 =	vld [tilespmem:s9+$0x88]  }
0x16c: {  	v40 =	vmul.f32 v40, v37;
	v39 =	vadd.f32 v45, v39;
	v38 =	vld.idx.msk [tilespmem:v36+s20+$0x0 ss:$0x1], $0xffff;
	v44 =	vadd.f32 v44, v52  }
0x16d: {  	v42 =	vmul.f32 v42, v37;
	v43 =	vadd.f32 v43, v53;
	v46 =	vadd.f32 v46, v54;
	v45 =	vld [tilespmem:s9+$0xFFFFFF12]  }
0x16e: {  	v51 =	vadd.f32 v40, v55;
	v39 =	vmul.f32 v39, v37;
	v49 =	vld [tilespmem:s9+$0x22];
	v44 =	vmul.f32 v44, v37  }
0x16f: {  	v52 =	vadd.f32 v42, v56;
	v43 =	vmul.f32 v43, v37;
	v46 =	vmul.f32 v46, v37;
	v40 =	vld [tilespmem:s9+$0xFFFFFF34]  }
.Ltmp5:
0x170: {  	v50 =	vmul.f32 v37, v50;
	v39 =	vadd.f32 v39, v57;
	v42 =	vld [tilespmem:s9+$0x44];
	v53 =	vadd.f32 v44, v58;
	(pc) =	sbr.rel @p0 .LBB2_6-.Ltmp5, $4  }
0x171: {  	v41 =	vmul.f32 v37, v41;
	v54 =	vadd.f32 v43, v48;
	v47 =	vadd.f32 v46, v47;
	v44 =	vld [tilespmem:s9+$0xFFFFFF01]  }
0x172: {  	v46 =	vmul.f32 v39, v38;
	v43 =	vld [tilespmem:s9+$0x11];
	v45 =	vadd.f32 v50, v45;
	v53 =	vmul.f32 v53, v38  }
0x173: {  	v48 =	vmul.f32 v51, v37;
	v50 =	vmul.f32 v52, v37;
	v39 =	vld [tilespmem:s9+$0xFFFFFEF0];
	v49 =	vadd.f32 v41, v49  }
0x174: {  	v46 =	vadd.f32 v46, v54;
	v41 =	vld [tilespmem:s9+$0x0];
	v45 =	vmul.f32 v45, v37;
	v47 =	vadd.f32 v53, v47  }
0x175: {  	v34 =	vadd.f32 v48, v40;
	v36 =	vmul.f32 v49, v37  }
0x176: {  	v60 =	vadd.f32 v50, v42;
	v61 =	vadd.f32 v45, v44  }
0x177: {  	v62 =	vmul.f32 v46, v38;
	v63 =	vmul.f32 v47, v38;
	v36 =	vadd.f32 v36, v43  }
0x178: {  	v42 =	vmul.f32 v61, v37  }
0x179: {  	v46 =	vld.idx.msk [tilespmem:v35+s20+$0x0 ss:$0x1], $0xffff;
	v34 =	vadd.f32 v62, v34;
	v40 =	vadd.f32 v63, v60;
	v36 =	vmul.f32 v36, v37  }
0x17a: {  	v47 =	vld.idx.msk [tilespmem:v35+s20+$0x80 ss:$0x1], $0xffff;
	v48 =	vadd.f32 v42, v39  }
0x17b: {  	v34 =	vmul.f32 v34, v38;
	v49 =	vmul.f32 v40, v38;
	v36 =	vadd.f32 v36, v41;
	_ =	sdelay $0x1  }
0x17c: {  	v34 =	vadd.f32 v34, v48;
	v36 =	vadd.f32 v49, v36;
	_ =	sdelay $0x1  }
0x17d: {  	v34 =	vsub.f32 v34, v46;
	v35 =	vsub.f32 v36, v47;
	_ =	sdelay $0x1  }
0x17e: {  	v34 =	vmul.f32 v34, v29;
	v35 =	vmul.f32 v35, v29;
	_ =	sdelay $0x1  }
0x17f: {  	v34 =	vmul.f32 v34, v34;
	v35 =	vmul.f32 v35, v35;
	_ =	sdelay $0x1  }
0x180: {  	v34 =	vadd.f32 v35, v34;
	_ =	sdelay $0x1  }
0x181: {  	v34 =	vmul.f32 $-5.000000000e-01, v34;
	_ =	sdelay $0x1  }
0x182: {  	v34 =	vmul.f32 $1.442695020e+00, v34;
	_ =	sdelay $0x1  }
0x183: {  	(erf) = vpow2.f32 v34;
	_ =	sdelay $0x8  }
0x184: {  	v34 =	vpop (erf)  }
0x185: {  	s25 =	sshll.u32 s18, $0xB;
	p0 =	seq.s32 s18, $0x7;
	v34 =	vmul.f32 $5.305164720e+01, v34  }
0x186: {  	s29 =	simm.s32 $0x0;
	s22 =	simm.s32 $0x2;
	s7 =	sshrl.u32 @!p0 s25, $0x2  }
0x187: {  	s19 =	simm.s32 @!p0 $0x80;
	v50 =	vmov s29;
	s9 =	sadd.s32 @!p0 $0x6200, s7;
	[tilespmem:v33+s20+$0x0 ss:$0x1] =	vst.idx.msk $0xffff, v34;
	s20 =	simm.s32 @!p0 $0x7000  }
0x188: {  	v33 =	vmul.u32 $0x220, v50;
	[tilespmem:s20], [sflag:$0x1] =	stream.indirect.gather @!p0 [hbm4b:s6+s19], $0x20, s9, s19, $0xb8;
	[tilespmem:$0xD100] =	vst v63  }
0x189: {  	_ =	swait.ge [sflag:s22], $0x1000  }
0x18a: {  	v33 =	vbroadcast v33, $0x0;
	[sflag:s22] =	ssyncset.done $0x0  }
0x18b: {  	s26 =	simm.s32 $0x8100;
	[sflag:s22] =	ssyncadd.s32 $0xFFFFF000  }
0x18c: {  	v51 =	vadd.s32 v0, v33;
	v52 =	vld [tilespmem:s26+$0xFFFFFF00]  }
0x18d: {  	v53 =	vadd.s32 v1, v33;
	v54 =	vld [tilespmem:s26+$0xFFFFFF10];
	_ =	sdelay $0x3  }
0x18e: {  	[tilespmem:v51+s21+$0x0] =	vst.idx.msk $0xffff, v52  }
0x18f: {  	[tilespmem:v53+s21+$0x0] =	vst.idx.msk $0xffff, v54  }
0x190: {  	v55 =	vadd.s32 v2, v33;
	v35 =	vld [tilespmem:s26+$0xFFFFFF20]  }
0x191: {  	v56 =	vadd.s32 v3, v33;
	v37 =	vld [tilespmem:s26+$0xFFFFFF30];
	_ =	sdelay $0x3  }
0x192: {  	[tilespmem:v55+s21+$0x0] =	vst.idx.msk $0xffff, v35  }
0x193: {  	[tilespmem:v56+s21+$0x0] =	vst.idx.msk $0xffff, v37  }
0x194: {  	v57 =	vadd.s32 v4, v33;
	v35 =	vld [tilespmem:s26+$0xFFFFFF40]  }
0x195: {  	v58 =	vadd.s32 v5, v33;
	v37 =	vld [tilespmem:s26+$0xFFFFFF50];
	_ =	sdelay $0x3  }
0x196: {  	[tilespmem:v57+s21+$0x0] =	vst.idx.msk $0xffff, v35  }
0x197: {  	[tilespmem:v58+s21+$0x0] =	vst.idx.msk $0xffff, v37  }
0x198: {  	v59 =	vadd.s32 v6, v33;
	v35 =	vld [tilespmem:s26+$0xFFFFFF60]  }
0x199: {  	v60 =	vadd.s32 v7, v33;
	v37 =	vld [tilespmem:s26+$0xFFFFFF70];
	_ =	sdelay $0x3  }
0x19a: {  	[tilespmem:v59+s21+$0x0] =	vst.idx.msk $0xffff, v35  }
0x19b: {  	[tilespmem:v60+s21+$0x0] =	vst.idx.msk $0xffff, v37  }
0x19c: {  	v61 =	vadd.s32 v8, v33;
	v34 =	vld [tilespmem:s26+$0xFFFFFF80]  }
0x19d: {  	v62 =	vadd.s32 v9, v33;
	v36 =	vld [tilespmem:s26+$0xFFFFFF90];
	_ =	sdelay $0x3  }
0x19e: {  	[tilespmem:v61+s21+$0x0] =	vst.idx.msk $0xffff, v34  }
0x19f: {  	[tilespmem:v62+s21+$0x0] =	vst.idx.msk $0xffff, v36  }
0x1a0: {  	v63 =	vadd.s32 v10, v33;
	v34 =	vld [tilespmem:s26+$0xFFFFFFA0]  }
0x1a1: {  	v40 =	vadd.s32 v11, v33;
	v36 =	vld [tilespmem:s26+$0xFFFFFFB0];
	_ =	sdelay $0x3  }
0x1a2: {  	[tilespmem:v63+s21+$0x0] =	vst.idx.msk $0xffff, v34  }
0x1a3: {  	[tilespmem:v40+s21+$0x0] =	vst.idx.msk $0xffff, v36  }
0x1a4: {  	v41 =	vadd.s32 v12, v33;
	v34 =	vld [tilespmem:s26+$0xFFFFFFC0]  }
0x1a5: {  	v42 =	vadd.s32 v13, v33;
	v36 =	vld [tilespmem:s26+$0xFFFFFFD0];
	_ =	sdelay $0x3  }
0x1a6: {  	[tilespmem:v41+s21+$0x0] =	vst.idx.msk $0xffff, v34  }
0x1a7: {  	[tilespmem:v42+s21+$0x0] =	vst.idx.msk $0xffff, v36  }
0x1a8: {  	v43 =	vadd.s32 v14, v33;
	v34 =	vld [tilespmem:s26+$0xFFFFFFE0]  }
0x1a9: {  	v44 =	vadd.s32 v15, v33;
	v36 =	vld [tilespmem:s26+$0xFFFFFFF0];
	_ =	sdelay $0x3  }
0x1aa: {  	[tilespmem:v43+s21+$0x0] =	vst.idx.msk $0xffff, v34  }
0x1ab: {  	[tilespmem:v44+s21+$0x0] =	vst.idx.msk $0xffff, v36  }
0x1ac: {  	v45 =	vadd.s32 v16, v33;
	v34 =	vld [tilespmem:s26+$0x0]  }
0x1ad: {  	v46 =	vadd.s32 v17, v33;
	v36 =	vld [tilespmem:s26+$0x10];
	_ =	sdelay $0x3  }
0x1ae: {  	[tilespmem:v45+s21+$0x0] =	vst.idx.msk $0xffff, v34  }
0x1af: {  	[tilespmem:v46+s21+$0x0] =	vst.idx.msk $0xffff, v36  }
0x1b0: {  	v47 =	vadd.s32 v18, v33;
	v34 =	vld [tilespmem:s26+$0x20]  }
0x1b1: {  	v48 =	vadd.s32 v19, v33;
	v36 =	vld [tilespmem:s26+$0x30];
	_ =	sdelay $0x3  }
0x1b2: {  	[tilespmem:v47+s21+$0x0] =	vst.idx.msk $0xffff, v34  }
0x1b3: {  	[tilespmem:v48+s21+$0x0] =	vst.idx.msk $0xffff, v36  }
0x1b4: {  	v49 =	vadd.s32 v20, v33;
	v34 =	vld [tilespmem:s26+$0x40]  }
0x1b5: {  	v50 =	vadd.s32 v21, v33;
	v36 =	vld [tilespmem:s26+$0x50];
	_ =	sdelay $0x3  }
0x1b6: {  	[tilespmem:v49+s21+$0x0] =	vst.idx.msk $0xffff, v34  }
0x1b7: {  	[tilespmem:v50+s21+$0x0] =	vst.idx.msk $0xffff, v36  }
0x1b8: {  	v51 =	vadd.s32 v22, v33;
	v34 =	vld [tilespmem:s26+$0x60]  }
0x1b9: {  	v52 =	vadd.s32 v23, v33;
	v36 =	vld [tilespmem:s26+$0x70];
	_ =	sdelay $0x3  }
0x1ba: {  	[tilespmem:v51+s21+$0x0] =	vst.idx.msk $0xffff, v34  }
0x1bb: {  	[tilespmem:v52+s21+$0x0] =	vst.idx.msk $0xffff, v36  }
0x1bc: {  	v53 =	vadd.s32 v24, v33;
	v34 =	vld [tilespmem:s26+$0x80]  }
0x1bd: {  	v54 =	vadd.s32 v25, v33;
	v36 =	vld [tilespmem:s26+$0x90];
	_ =	sdelay $0x3  }
0x1be: {  	[tilespmem:v53+s21+$0x0] =	vst.idx.msk $0xffff, v34  }
0x1bf: {  	[tilespmem:v54+s21+$0x0] =	vst.idx.msk $0xffff, v36  }
0x1c0: {  	v55 =	vadd.s32 v26, v33;
	v34 =	vld [tilespmem:s26+$0xA0]  }
0x1c1: {  	v56 =	vadd.s32 v27, v33;
	v36 =	vld [tilespmem:s26+$0xB0];
	_ =	sdelay $0x3  }
0x1c2: {  	[tilespmem:v55+s21+$0x0] =	vst.idx.msk $0xffff, v34  }
0x1c3: {  	[tilespmem:v56+s21+$0x0] =	vst.idx.msk $0xffff, v36  }
0x1c4: {  	v57 =	vadd.s32 v28, v33;
	v34 =	vld [tilespmem:s26+$0xC0]  }
0x1c5: {  	v58 =	vadd.s32 v30, v33;
	v36 =	vld [tilespmem:s26+$0xD0];
	_ =	sdelay $0x3  }
0x1c6: {  	[tilespmem:v57+s21+$0x0] =	vst.idx.msk $0xffff, v34  }
0x1c7: {  	[tilespmem:v58+s21+$0x0] =	vst.idx.msk $0xffff, v36  }
0x1c8: {  	v59 =	vadd.s32 v31, v33;
	v34 =	vld [tilespmem:s26+$0xE0]  }
0x1c9: {  	v33 =	vadd.s32 v32, v33;
	v36 =	vld [tilespmem:s26+$0xF0];
	_ =	sdelay $0x3  }
0x1ca: {  	[tilespmem:v59+s21+$0x0] =	vst.idx.msk $0xffff, v34  }
0x1cb: {  	s9 =	simm.s32 $0xB110;
	[tilespmem:v33+s21+$0x0] =	vst.idx.msk $0xffff, v36  }
0x1cc: {  	v35 =	vld [tilespmem:s9+$0xCC]  }
0x1cd: {  	v38 =	vld [tilespmem:s9+$0x66]  }
0x1ce: {  	v39 =	vld [tilespmem:s9+$0xFFFFFF56]  }
0x1cf: {  	v40 =	vld [tilespmem:s9+$0xFFFFFF9A]  }
0x1d0: {  	v41 =	vld [tilespmem:s9+$0x77]  }
0x1d1: {  	v42 =	vld [tilespmem:s9+$0x33]  }
0x1d2: {  	v60 =	vld [tilespmem:s9+$0xFFFFFFDE]  }
0x1d3: {  	v44 =	vld [tilespmem:s9+$0xEE]  }
0x1d4: {  	v61 =	vld [tilespmem:s9+$0xAA]  }
0x1d5: {  	v33 =	vmov s2;
	v62 =	vld [tilespmem:s9+$0xFFFFFF67]  }
0x1d6: {  	v63 =	vld [tilespmem:s9+$0xFFFFFFAB]  }
0x1d7: {  	v57 =	vld [tilespmem:s9+$0xBB]  }
0x1d8: {  	v58 =	vld [tilespmem:s9+$0xFFFFFFEF]  }
0x1d9: {  	s20 =	simm.s32 $0x0;
	v59 =	vld [tilespmem:s9+$0xFF]  }
0x1da: {  	v37 =	vld.idx.msk [tilespmem:v33+s20+$0x0 ss:$0x1], $0xffff  }
0x1db: {  	v51 =	vld [tilespmem:s9+$0x55]  }
0x1dc: {  	v52 =	vld [tilespmem:s9+$0xFFFFFFCD]  }
0x1dd: {  	v34 =	vmov s1;
	v53 =	vld [tilespmem:s9+$0xFFFFFF89]  }
0x1de: {  	v54 =	vld [tilespmem:s9+$0x99]  }
0x1df: {  	v55 =	vld [tilespmem:s9+$0xFFFFFF45];
	v49 =	vmul.f32 v37, v58  }
0x1e0: {  	v56 =	vld [tilespmem:s9+$0xFFFFFF12];
	v50 =	vmul.f32 v37, v59  }
0x1e1: {  	v47 =	vmul.f32 v37, v63;
	v48 =	vmul.f32 v37, v57;
	v43 =	vadd.f32 v49, v60;
	v60 =	vld [tilespmem:s9+$0xDD]  }
0x1e2: {  	v36 =	vld.idx.msk [tilespmem:v34+s20+$0x0 ss:$0x1], $0xffff;
	v46 =	vmul.f32 v37, v62;
	v41 =	vmul.f32 v37, v41;
	v44 =	vadd.f32 v50, v44  }
0x1e3: {  	v62 =	vld [tilespmem:s9+$0xFFFFFFBC];
	v42 =	vmul.f32 v37, v42;
	v40 =	vadd.f32 v47, v40;
	v43 =	vmul.f32 v43, v37  }
0x1e4: {  	v45 =	vadd.f32 v48, v61;
	v61 =	vld [tilespmem:s9+$0xFFFFFF23];
	v39 =	vadd.f32 v46, v39;
	v44 =	vmul.f32 v44, v37  }
0x1e5: {  	v57 =	vld [tilespmem:s9+$0xFFFFFF78];
	v38 =	vadd.f32 v41, v38;
	v40 =	vmul.f32 v40, v37;
	v43 =	vadd.f32 v43, v52  }
0x1e6: {  	v58 =	vld [tilespmem:s9+$0x22];
	v63 =	vmul.f32 v45, v37;
	v39 =	vmul.f32 v39, v37;
	v44 =	vadd.f32 v44, v60  }
0x1e7: {  	v59 =	vld [tilespmem:s9+$0x88];
	v38 =	vmul.f32 v38, v37;
	v40 =	vadd.f32 v40, v53;
	v43 =	vmul.f32 v43, v37  }
0x1e8: {  	v39 =	vadd.f32 v39, v55;
	v41 =	vadd.f32 v63, v54;
	v53 =	vld [tilespmem:s9+$0x44];
	v44 =	vmul.f32 v44, v37  }
0x1e9: {  	v47 =	vmul.f32 v37, v61;
	v60 =	vld [tilespmem:s9+$0xFFFFFF01];
	v40 =	vmul.f32 v40, v37;
	v43 =	vadd.f32 v43, v62  }
0x1ea: {  	v61 =	vadd.f32 v38, v51;
	v51 =	vld [tilespmem:s9+$0xFFFFFF34];
	v62 =	vmul.f32 v41, v37;
	v35 =	vadd.f32 v44, v35  }
0x1eb: {  	v55 =	vld [tilespmem:s9+$0x11];
	v63 =	vadd.f32 v47, v56;
	v40 =	vadd.f32 v40, v57;
	v43 =	vmul.f32 v43, v36  }
0x1ec: {  	s30 =	sand.u32 $0x1D00, s11;
	v57 =	vadd.f32 v42, v58;
	v58 =	vadd.f32 v62, v59;
	v35 =	vmul.f32 v35, v36  }
0x1ed: {  	s19 =	sshll.u32 s30, $0x2;
	v54 =	vmul.f32 v39, v37;
	v56 =	vmul.f32 v63, v37;
	v40 =	vadd.f32 v43, v40  }
0x1ee: {  	s19 =	sadd.s32 $0x0, s19;
	v38 =	vld [tilespmem:s9+$0xFFFFFEF0];
	v59 =	vmul.f32 v61, v37;
	v61 =	vmul.f32 v57, v37;
	v62 =	vadd.f32 v35, v58  }
0x1ef: {  	s19 =	sshra.s32 s19, $0x2;
	v39 =	vld [tilespmem:s9+$0x0];
	v44 =	vadd.f32 v54, v51;
	v60 =	vadd.f32 v56, v60;
	v63 =	vmul.f32 v40, v36  }
0x1f0: {  	v41 =	vld [tilespmem:s19+$0x2080];
	v43 =	vadd.f32 v59, v53;
	v45 =	vadd.f32 v61, v55;
	v46 =	vmul.f32 v62, v36  }
0x1f1: {  	s28 =	simm.s32 $0x40;
	s26 =	smov.u32 s11;
	v35 =	vmov s3;
	v42 =	vmul.f32 v60, v37;
	v40 =	vld [tilespmem:s19+$0x2000];
	s19 =	simm.s32 $0x8300;
	v44 =	vadd.f32 v63, v44  }
.LBB2_8:
0x1f2: {  	v37 =	vmul.f32 v45, v37;
	v43 =	vadd.f32 v46, v43;
	s29 =	sadd.s32 $0x1, s29;
	s26 =	sadd.s32 $0x20, s26;
	s9 =	sadd.s32 $0x220, s9  }
0x1f3: {  	p1 =	sne.s32 s28, $0x1C0;
	v38 =	vadd.f32 v42, v38;
	s30 =	smov.u32 s28;
	s28 =	sadd.s32 $0x40, s28;
	v42 =	vmul.f32 v44, v36  }
0x1f4: {  	v37 =	vadd.f32 v37, v39;
	v36 =	vmul.f32 v43, v36  }
0x1f5: {  	v38 =	vadd.f32 v42, v38  }
0x1f6: {  	v36 =	vadd.f32 v36, v37  }
0x1f7: {  	v37 =	vsub.f32 v38, v40  }
0x1f8: {  	v36 =	vsub.f32 v36, v41  }
0x1f9: {  	v37 =	vmul.f32 v37, v29  }
0x1fa: {  	v36 =	vmul.f32 v36, v29;
	_ =	sdelay $0x1  }
0x1fb: {  	v38 =	vmov s29;
	v37 =	vmul.f32 v37, v37;
	v36 =	vmul.f32 v36, v36  }
0x1fc: {  	v38 =	vmul.u32 $0x220, v38  }
0x1fd: {  	v37 =	vadd.f32 v36, v37  }
0x1fe: {  	v36 =	vbroadcast v38, $0x0  }
0x1ff: {  	v37 =	vmul.f32 $-5.000000000e-01, v37  }
0x200: {  	v38 =	vadd.s32 v0, v36  }
0x201: {  	v39 =	vadd.s32 v1, v36;
	v37 =	vmul.f32 $1.442695020e+00, v37;
	_ =	sdelay $0x1  }
0x202: {  	(erf) = vpow2.f32 v37;
	_ =	sdelay $0x3  }
0x203: {  	v37 =	vadd.s32 v2, v36  }
0x204: {  	v40 =	vadd.s32 v3, v36;
	_ =	sdelay $0x3  }
0x205: {  	v41 =	vpop (erf)  }
0x206: {  	v41 =	vmul.f32 $5.305164720e+01, v41  }
0x207: {  	v42 =	vadd.s32 v4, v36  }
0x208: {  	v43 =	vadd.s32 v5, v36;
	[tilespmem:v35+s20+$0x0 ss:$0x1] =	vst.idx.msk $0xffff, v41  }
0x209: {  	v41 =	vld [tilespmem:s19+$0xFFFFFF00]  }
0x20a: {  	v44 =	vld [tilespmem:s19+$0xFFFFFF10];
	_ =	sdelay $0x3  }
0x20b: {  	[tilespmem:v38+s21+$0x0] =	vst.idx.msk $0xffff, v41;
	v38 =	vadd.s32 v6, v36  }
0x20c: {  	[tilespmem:v39+s21+$0x0] =	vst.idx.msk $0xffff, v44;
	v39 =	vadd.s32 v7, v36  }
0x20d: {  	v41 =	vld [tilespmem:s19+$0xFFFFFF20]  }
0x20e: {  	v44 =	vld [tilespmem:s19+$0xFFFFFF30];
	_ =	sdelay $0x3  }
0x20f: {  	[tilespmem:v37+s21+$0x0] =	vst.idx.msk $0xffff, v41  }
0x210: {  	[tilespmem:v40+s21+$0x0] =	vst.idx.msk $0xffff, v44  }
0x211: {  	v37 =	vld [tilespmem:s19+$0xFFFFFF40]  }
0x212: {  	v40 =	vld [tilespmem:s19+$0xFFFFFF50];
	_ =	sdelay $0x3  }
0x213: {  	[tilespmem:v42+s21+$0x0] =	vst.idx.msk $0xffff, v37  }
0x214: {  	[tilespmem:v43+s21+$0x0] =	vst.idx.msk $0xffff, v40  }
0x215: {  	v37 =	vld [tilespmem:s19+$0xFFFFFF60]  }
0x216: {  	v40 =	vld [tilespmem:s19+$0xFFFFFF70];
	_ =	sdelay $0x3  }
0x217: {  	[tilespmem:v38+s21+$0x0] =	vst.idx.msk $0xffff, v37  }
0x218: {  	[tilespmem:v39+s21+$0x0] =	vst.idx.msk $0xffff, v40  }
0x219: {  	v38 =	vadd.s32 v8, v36;
	v37 =	vld [tilespmem:s19+$0xFFFFFF80]  }
0x21a: {  	v40 =	vadd.s32 v9, v36;
	v39 =	vld [tilespmem:s19+$0xFFFFFF90];
	_ =	sdelay $0x3  }
0x21b: {  	[tilespmem:v38+s21+$0x0] =	vst.idx.msk $0xffff, v37  }
0x21c: {  	[tilespmem:v40+s21+$0x0] =	vst.idx.msk $0xffff, v39  }
0x21d: {  	v38 =	vadd.s32 v10, v36;
	v37 =	vld [tilespmem:s19+$0xFFFFFFA0]  }
0x21e: {  	v40 =	vadd.s32 v11, v36;
	v39 =	vld [tilespmem:s19+$0xFFFFFFB0];
	_ =	sdelay $0x3  }
0x21f: {  	[tilespmem:v38+s21+$0x0] =	vst.idx.msk $0xffff, v37  }
0x220: {  	[tilespmem:v40+s21+$0x0] =	vst.idx.msk $0xffff, v39  }
0x221: {  	v38 =	vadd.s32 v12, v36;
	v37 =	vld [tilespmem:s19+$0xFFFFFFC0]  }
0x222: {  	v40 =	vadd.s32 v13, v36;
	v39 =	vld [tilespmem:s19+$0xFFFFFFD0];
	_ =	sdelay $0x3  }
0x223: {  	[tilespmem:v38+s21+$0x0] =	vst.idx.msk $0xffff, v37  }
0x224: {  	[tilespmem:v40+s21+$0x0] =	vst.idx.msk $0xffff, v39  }
0x225: {  	v38 =	vadd.s32 v14, v36;
	v37 =	vld [tilespmem:s19+$0xFFFFFFE0]  }
0x226: {  	v40 =	vadd.s32 v15, v36;
	v39 =	vld [tilespmem:s19+$0xFFFFFFF0];
	_ =	sdelay $0x3  }
0x227: {  	[tilespmem:v38+s21+$0x0] =	vst.idx.msk $0xffff, v37  }
0x228: {  	[tilespmem:v40+s21+$0x0] =	vst.idx.msk $0xffff, v39  }
0x229: {  	v38 =	vadd.s32 v16, v36;
	v37 =	vld [tilespmem:s19+$0x0]  }
0x22a: {  	v40 =	vadd.s32 v17, v36;
	v39 =	vld [tilespmem:s19+$0x10];
	_ =	sdelay $0x3  }
0x22b: {  	[tilespmem:v38+s21+$0x0] =	vst.idx.msk $0xffff, v37  }
0x22c: {  	[tilespmem:v40+s21+$0x0] =	vst.idx.msk $0xffff, v39  }
0x22d: {  	v38 =	vadd.s32 v18, v36;
	v37 =	vld [tilespmem:s19+$0x20]  }
0x22e: {  	v40 =	vadd.s32 v19, v36;
	v39 =	vld [tilespmem:s19+$0x30];
	_ =	sdelay $0x3  }
0x22f: {  	[tilespmem:v38+s21+$0x0] =	vst.idx.msk $0xffff, v37  }
0x230: {  	[tilespmem:v40+s21+$0x0] =	vst.idx.msk $0xffff, v39  }
0x231: {  	v38 =	vadd.s32 v20, v36;
	v37 =	vld [tilespmem:s19+$0x40]  }
0x232: {  	v40 =	vadd.s32 v21, v36;
	v39 =	vld [tilespmem:s19+$0x50];
	_ =	sdelay $0x3  }
0x233: {  	[tilespmem:v38+s21+$0x0] =	vst.idx.msk $0xffff, v37  }
0x234: {  	[tilespmem:v40+s21+$0x0] =	vst.idx.msk $0xffff, v39  }
0x235: {  	v38 =	vadd.s32 v22, v36;
	v37 =	vld [tilespmem:s19+$0x60]  }
0x236: {  	v40 =	vadd.s32 v23, v36;
	v39 =	vld [tilespmem:s19+$0x70];
	_ =	sdelay $0x3  }
0x237: {  	[tilespmem:v38+s21+$0x0] =	vst.idx.msk $0xffff, v37  }
0x238: {  	[tilespmem:v40+s21+$0x0] =	vst.idx.msk $0xffff, v39  }
0x239: {  	v38 =	vadd.s32 v24, v36;
	v37 =	vld [tilespmem:s19+$0x80]  }
0x23a: {  	v40 =	vadd.s32 v25, v36;
	v39 =	vld [tilespmem:s19+$0x90];
	_ =	sdelay $0x3  }
0x23b: {  	[tilespmem:v38+s21+$0x0] =	vst.idx.msk $0xffff, v37  }
0x23c: {  	[tilespmem:v40+s21+$0x0] =	vst.idx.msk $0xffff, v39  }
0x23d: {  	v38 =	vadd.s32 v26, v36;
	v37 =	vld [tilespmem:s19+$0xA0]  }
0x23e: {  	v40 =	vadd.s32 v27, v36;
	v39 =	vld [tilespmem:s19+$0xB0];
	_ =	sdelay $0x3  }
0x23f: {  	[tilespmem:v38+s21+$0x0] =	vst.idx.msk $0xffff, v37  }
0x240: {  	[tilespmem:v40+s21+$0x0] =	vst.idx.msk $0xffff, v39  }
0x241: {  	v38 =	vadd.s32 v28, v36;
	v37 =	vld [tilespmem:s19+$0xC0]  }
0x242: {  	v40 =	vadd.s32 v30, v36;
	v39 =	vld [tilespmem:s19+$0xD0];
	_ =	sdelay $0x3  }
0x243: {  	[tilespmem:v38+s21+$0x0] =	vst.idx.msk $0xffff, v37  }
0x244: {  	[tilespmem:v40+s21+$0x0] =	vst.idx.msk $0xffff, v39  }
0x245: {  	v38 =	vadd.s32 v31, v36;
	v37 =	vld [tilespmem:s19+$0xE0]  }
0x246: {  	v36 =	vadd.s32 v32, v36;
	v39 =	vld [tilespmem:s19+$0xF0];
	_ =	sdelay $0x3  }
0x247: {  	[tilespmem:v38+s21+$0x0] =	vst.idx.msk $0xffff, v37  }
0x248: {  	[tilespmem:v36+s21+$0x0] =	vst.idx.msk $0xffff, v39  }
0x249: {  	v38 =	vld [tilespmem:s9+$0xCC]  }
0x24a: {  	v39 =	vld [tilespmem:s9+$0x66]  }
0x24b: {  	v40 =	vld [tilespmem:s9+$0xFFFFFF56]  }
0x24c: {  	v41 =	vld [tilespmem:s9+$0xFFFFFF9A]  }
0x24d: {  	v42 =	vld [tilespmem:s9+$0x77]  }
0x24e: {  	v43 =	vld [tilespmem:s9+$0x33]  }
0x24f: {  	v44 =	vld [tilespmem:s9+$0xFFFFFFDE]  }
0x250: {  	v45 =	vld [tilespmem:s9+$0xEE]  }
0x251: {  	v46 =	vld [tilespmem:s9+$0xAA]  }
0x252: {  	v47 =	vld [tilespmem:s9+$0xFFFFFF67]  }
0x253: {  	v48 =	vld [tilespmem:s9+$0xFFFFFFAB]  }
0x254: {  	v49 =	vld [tilespmem:s9+$0xBB]  }
0x255: {  	s20 =	sshra.s32 s30, $0x2;
	v50 =	vld [tilespmem:s9+$0xFFFFFFEF]  }
0x256: {  	v37 =	vld.idx.msk [tilespmem:v33+s20+$0x0 ss:$0x1], $0xffff  }
0x257: {  	v51 =	vld [tilespmem:s9+$0xFF]  }
0x258: {  	v36 =	vld.idx.msk [tilespmem:v34+s20+$0x0 ss:$0x1], $0xffff  }
0x259: {  	v52 =	vld [tilespmem:s9+$0x55]  }
0x25a: {  	v53 =	vld [tilespmem:s9+$0xFFFFFFCD]  }
0x25b: {  	v54 =	vld [tilespmem:s9+$0xFFFFFF89]  }
0x25c: {  	v50 =	vmul.f32 v37, v50;
	v55 =	vld [tilespmem:s9+$0x99];
	v51 =	vmul.f32 v37, v51  }
0x25d: {  	v48 =	vmul.f32 v37, v48;
	v49 =	vmul.f32 v37, v49;
	v56 =	vld [tilespmem:s9+$0xFFFFFF45]  }
0x25e: {  	v47 =	vmul.f32 v37, v47;
	v44 =	vadd.f32 v50, v44;
	v57 =	vld [tilespmem:s9+$0xDD];
	v45 =	vadd.f32 v51, v45  }
0x25f: {  	v42 =	vmul.f32 v37, v42;
	v41 =	vadd.f32 v48, v41;
	v46 =	vadd.f32 v49, v46;
	v50 =	vld [tilespmem:s9+$0xFFFFFFBC]  }
0x260: {  	v40 =	vadd.f32 v47, v40;
	v44 =	vmul.f32 v44, v37;
	v48 =	vld [tilespmem:s9+$0xFFFFFF23];
	v45 =	vmul.f32 v45, v37  }
0x261: {  	v39 =	vadd.f32 v42, v39;
	v41 =	vmul.f32 v41, v37;
	v42 =	vmul.f32 v46, v37;
	v47 =	vld [tilespmem:s9+$0x88]  }
0x262: {  	v43 =	vmul.f32 v37, v43;
	v40 =	vmul.f32 v40, v37;
	v44 =	vadd.f32 v44, v53;
	v46 =	vld [tilespmem:s9+$0xFFFFFF12]  }
0x263: {  	v39 =	vmul.f32 v39, v37;
	v41 =	vadd.f32 v41, v54;
	v49 =	vld [tilespmem:s9+$0xFFFFFF78];
	v45 =	vadd.f32 v45, v57  }
0x264: {  	v42 =	vadd.f32 v42, v55;
	v40 =	vadd.f32 v40, v56;
	v44 =	vmul.f32 v44, v37;
	v51 =	vld [tilespmem:s9+$0x22]  }
0x265: {  	v52 =	vadd.f32 v39, v52;
	v53 =	vld [tilespmem:s9+$0xFFFFFF01];
	v48 =	vmul.f32 v37, v48;
	v39 =	vmul.f32 v45, v37  }
0x266: {  	v41 =	vmul.f32 v41, v37;
	v42 =	vmul.f32 v42, v37;
	v44 =	vadd.f32 v44, v50;
	v45 =	vld [tilespmem:s9+$0xFFFFFF34]  }
0x267: {  	s22 =	sand.u32 $0x1D00, s26;
	v50 =	vld [tilespmem:s9+$0x44];
	v46 =	vadd.f32 v48, v46;
	v48 =	vmul.f32 v40, v37;
	v39 =	vadd.f32 v39, v38  }
0x268: {  	s22 =	sshll.u32 s22, $0x2;
	v42 =	vadd.f32 v42, v47;
	v54 =	vld [tilespmem:s9+$0x11];
	v40 =	vadd.f32 v41, v49;
	v41 =	vmul.f32 v44, v36  }
0x269: {  	s22 =	sadd.s32 s22, s30;
	v38 =	vld [tilespmem:s9+$0xFFFFFEF0];
	v44 =	vmul.f32 v46, v37;
	v43 =	vadd.f32 v43, v51;
	v46 =	vmul.f32 v39, v36  }
.Ltmp6:
0x26a: {  	s22 =	sshra.s32 s22, $0x2;
	v47 =	vmul.f32 v52, v37;
	v39 =	vld [tilespmem:s9+$0x0];
	v41 =	vadd.f32 v41, v40;
	(pc) =	sbr.rel @p1 .LBB2_8-.Ltmp6, $4  }
0x26b: {  	v44 =	vadd.f32 v44, v53;
	v49 =	vmul.f32 v43, v37;
	v46 =	vadd.f32 v46, v42;
	v40 =	vld [tilespmem:s22+$0x2000]  }
0x26c: {  	v48 =	vadd.f32 v48, v45;
	v51 =	vmul.f32 v41, v36;
	v43 =	vadd.f32 v47, v50;
	v41 =	vld [tilespmem:s22+$0x2080]  }
0x26d: {  	v42 =	vmul.f32 v44, v37;
	v45 =	vadd.f32 v49, v54;
	v46 =	vmul.f32 v46, v36  }
0x26e: {  	s19 =	sadd.s32 $0x200, s19;
	v44 =	vadd.f32 v51, v48  }
0x26f: {  	v33 =	vmul.f32 v45, v37;
	v34 =	vadd.f32 v46, v43  }
0x270: {  	v49 =	vadd.f32 v42, v38  }
0x271: {  	v50 =	vmul.f32 v44, v36;
	v33 =	vadd.f32 v33, v39;
	v34 =	vmul.f32 v34, v36;
	_ =	sdelay $0x1  }
0x272: {  	v51 =	vadd.f32 v50, v49;
	v33 =	vadd.f32 v34, v33;
	_ =	sdelay $0x1  }
0x273: {  	v52 =	vsub.f32 v51, v40;
	v33 =	vsub.f32 v33, v41;
	_ =	sdelay $0x1  }
0x274: {  	v34 =	vmul.f32 v52, v29;
	v33 =	vmul.f32 v33, v29;
	_ =	sdelay $0x1  }
0x275: {  	v34 =	vmul.f32 v34, v34;
	v33 =	vmul.f32 v33, v33;
	_ =	sdelay $0x1  }
0x276: {  	v33 =	vadd.f32 v33, v34;
	_ =	sdelay $0x1  }
0x277: {  	v33 =	vmul.f32 $-5.000000000e-01, v33;
	_ =	sdelay $0x1  }
0x278: {  	v33 =	vmul.f32 $1.442695020e+00, v33;
	_ =	sdelay $0x1  }
0x279: {  	(erf) = vpow2.f32 v33;
	_ =	sdelay $0x8  }
0x27a: {  	v33 =	vpop (erf)  }
0x27b: {  	v33 =	vmul.f32 $5.305164720e+01, v33  }
0x27c: {  	s29 =	simm.s32 $0x0  }
0x27d: {  	s9 =	sadd.s32 @!p0 $0x6280, s7;
	s19 =	simm.s32 @!p0 $0x80;
	v53 =	vmov s29;
	[tilespmem:v35+s20+$0x0 ss:$0x1] =	vst.idx.msk $0xffff, v33;
	s20 =	simm.s32 @!p0 $0x8000  }
0x27e: {  	v33 =	vmul.u32 $0x220, v53;
	[tilespmem:s20], [sflag:$0x2] =	stream.indirect.gather @!p0 [hbm4b:s6+s19], $0x20, s9, s19, $0xb8;
	[tilespmem:$0xD100] =	vst v63  }
0x27f: {  	_ =	swait.ge [sflag:s23], $0x1000  }
0x280: {  	v33 =	vbroadcast v33, $0x0;
	[sflag:s23] =	ssyncset.done $0x0  }
0x281: {  	s26 =	simm.s32 $0x9100;
	[sflag:s23] =	ssyncadd.s32 $0xFFFFF000  }
0x282: {  	v54 =	vadd.s32 v0, v33;
	v55 =	vld [tilespmem:s26+$0xFFFFFF00]  }
0x283: {  	v56 =	vadd.s32 v1, v33;
	v57 =	vld [tilespmem:s26+$0xFFFFFF10];
	_ =	sdelay $0x3  }
0x284: {  	[tilespmem:v54+s21+$0x0] =	vst.idx.msk $0xffff, v55  }
0x285: {  	[tilespmem:v56+s21+$0x0] =	vst.idx.msk $0xffff, v57  }
0x286: {  	v58 =	vadd.s32 v2, v33;
	v35 =	vld [tilespmem:s26+$0xFFFFFF20]  }
0x287: {  	v59 =	vadd.s32 v3, v33;
	v37 =	vld [tilespmem:s26+$0xFFFFFF30];
	_ =	sdelay $0x3  }
0x288: {  	[tilespmem:v58+s21+$0x0] =	vst.idx.msk $0xffff, v35  }
0x289: {  	[tilespmem:v59+s21+$0x0] =	vst.idx.msk $0xffff, v37  }
0x28a: {  	v60 =	vadd.s32 v4, v33;
	v35 =	vld [tilespmem:s26+$0xFFFFFF40]  }
0x28b: {  	v61 =	vadd.s32 v5, v33;
	v37 =	vld [tilespmem:s26+$0xFFFFFF50];
	_ =	sdelay $0x3  }
0x28c: {  	[tilespmem:v60+s21+$0x0] =	vst.idx.msk $0xffff, v35  }
0x28d: {  	[tilespmem:v61+s21+$0x0] =	vst.idx.msk $0xffff, v37  }
0x28e: {  	v62 =	vadd.s32 v6, v33;
	v35 =	vld [tilespmem:s26+$0xFFFFFF60]  }
0x28f: {  	v63 =	vadd.s32 v7, v33;
	v37 =	vld [tilespmem:s26+$0xFFFFFF70];
	_ =	sdelay $0x3  }
0x290: {  	[tilespmem:v62+s21+$0x0] =	vst.idx.msk $0xffff, v35  }
0x291: {  	[tilespmem:v63+s21+$0x0] =	vst.idx.msk $0xffff, v37  }
0x292: {  	v40 =	vadd.s32 v8, v33;
	v34 =	vld [tilespmem:s26+$0xFFFFFF80]  }
0x293: {  	v41 =	vadd.s32 v9, v33;
	v36 =	vld [tilespmem:s26+$0xFFFFFF90];
	_ =	sdelay $0x3  }
0x294: {  	[tilespmem:v40+s21+$0x0] =	vst.idx.msk $0xffff, v34  }
0x295: {  	[tilespmem:v41+s21+$0x0] =	vst.idx.msk $0xffff, v36  }
0x296: {  	v42 =	vadd.s32 v10, v33;
	v34 =	vld [tilespmem:s26+$0xFFFFFFA0]  }
0x297: {  	v43 =	vadd.s32 v11, v33;
	v36 =	vld [tilespmem:s26+$0xFFFFFFB0];
	_ =	sdelay $0x3  }
0x298: {  	[tilespmem:v42+s21+$0x0] =	vst.idx.msk $0xffff, v34  }
0x299: {  	[tilespmem:v43+s21+$0x0] =	vst.idx.msk $0xffff, v36  }
0x29a: {  	v44 =	vadd.s32 v12, v33;
	v34 =	vld [tilespmem:s26+$0xFFFFFFC0]  }
0x29b: {  	v45 =	vadd.s32 v13, v33;
	v36 =	vld [tilespmem:s26+$0xFFFFFFD0];
	_ =	sdelay $0x3  }
0x29c: {  	[tilespmem:v44+s21+$0x0] =	vst.idx.msk $0xffff, v34  }
0x29d: {  	[tilespmem:v45+s21+$0x0] =	vst.idx.msk $0xffff, v36  }
0x29e: {  	v46 =	vadd.s32 v14, v33;
	v34 =	vld [tilespmem:s26+$0xFFFFFFE0]  }
0x29f: {  	v47 =	vadd.s32 v15, v33;
	v36 =	vld [tilespmem:s26+$0xFFFFFFF0];
	_ =	sdelay $0x3  }
0x2a0: {  	[tilespmem:v46+s21+$0x0] =	vst.idx.msk $0xffff, v34  }
0x2a1: {  	[tilespmem:v47+s21+$0x0] =	vst.idx.msk $0xffff, v36  }
0x2a2: {  	v48 =	vadd.s32 v16, v33;
	v34 =	vld [tilespmem:s26+$0x0]  }
0x2a3: {  	v49 =	vadd.s32 v17, v33;
	v36 =	vld [tilespmem:s26+$0x10];
	_ =	sdelay $0x3  }
0x2a4: {  	[tilespmem:v48+s21+$0x0] =	vst.idx.msk $0xffff, v34  }
0x2a5: {  	[tilespmem:v49+s21+$0x0] =	vst.idx.msk $0xffff, v36  }
0x2a6: {  	v50 =	vadd.s32 v18, v33;
	v34 =	vld [tilespmem:s26+$0x20]  }
0x2a7: {  	v51 =	vadd.s32 v19, v33;
	v36 =	vld [tilespmem:s26+$0x30];
	_ =	sdelay $0x3  }
0x2a8: {  	[tilespmem:v50+s21+$0x0] =	vst.idx.msk $0xffff, v34  }
0x2a9: {  	[tilespmem:v51+s21+$0x0] =	vst.idx.msk $0xffff, v36  }
0x2aa: {  	v52 =	vadd.s32 v20, v33;
	v34 =	vld [tilespmem:s26+$0x40]  }
0x2ab: {  	v53 =	vadd.s32 v21, v33;
	v36 =	vld [tilespmem:s26+$0x50];
	_ =	sdelay $0x3  }
0x2ac: {  	[tilespmem:v52+s21+$0x0] =	vst.idx.msk $0xffff, v34  }
0x2ad: {  	[tilespmem:v53+s21+$0x0] =	vst.idx.msk $0xffff, v36  }
0x2ae: {  	v54 =	vadd.s32 v22, v33;
	v34 =	vld [tilespmem:s26+$0x60]  }
0x2af: {  	v55 =	vadd.s32 v23, v33;
	v36 =	vld [tilespmem:s26+$0x70];
	_ =	sdelay $0x3  }
0x2b0: {  	[tilespmem:v54+s21+$0x0] =	vst.idx.msk $0xffff, v34  }
0x2b1: {  	[tilespmem:v55+s21+$0x0] =	vst.idx.msk $0xffff, v36  }
0x2b2: {  	v56 =	vadd.s32 v24, v33;
	v34 =	vld [tilespmem:s26+$0x80]  }
0x2b3: {  	v57 =	vadd.s32 v25, v33;
	v36 =	vld [tilespmem:s26+$0x90];
	_ =	sdelay $0x3  }
0x2b4: {  	[tilespmem:v56+s21+$0x0] =	vst.idx.msk $0xffff, v34  }
0x2b5: {  	[tilespmem:v57+s21+$0x0] =	vst.idx.msk $0xffff, v36  }
0x2b6: {  	v58 =	vadd.s32 v26, v33;
	v34 =	vld [tilespmem:s26+$0xA0]  }
0x2b7: {  	v59 =	vadd.s32 v27, v33;
	v36 =	vld [tilespmem:s26+$0xB0];
	_ =	sdelay $0x3  }
0x2b8: {  	[tilespmem:v58+s21+$0x0] =	vst.idx.msk $0xffff, v34  }
0x2b9: {  	[tilespmem:v59+s21+$0x0] =	vst.idx.msk $0xffff, v36  }
0x2ba: {  	v60 =	vadd.s32 v28, v33;
	v34 =	vld [tilespmem:s26+$0xC0]  }
0x2bb: {  	v61 =	vadd.s32 v30, v33;
	v36 =	vld [tilespmem:s26+$0xD0];
	_ =	sdelay $0x3  }
0x2bc: {  	[tilespmem:v60+s21+$0x0] =	vst.idx.msk $0xffff, v34  }
0x2bd: {  	[tilespmem:v61+s21+$0x0] =	vst.idx.msk $0xffff, v36  }
0x2be: {  	v62 =	vadd.s32 v31, v33;
	v34 =	vld [tilespmem:s26+$0xE0]  }
0x2bf: {  	v33 =	vadd.s32 v32, v33;
	v36 =	vld [tilespmem:s26+$0xF0];
	_ =	sdelay $0x3  }
0x2c0: {  	[tilespmem:v62+s21+$0x0] =	vst.idx.msk $0xffff, v34  }
0x2c1: {  	s9 =	simm.s32 $0xB110;
	[tilespmem:v33+s21+$0x0] =	vst.idx.msk $0xffff, v36  }
0x2c2: {  	v35 =	vld [tilespmem:s9+$0x66]  }
0x2c3: {  	v36 =	vld [tilespmem:s9+$0xFFFFFF89]  }
0x2c4: {  	v37 =	vld [tilespmem:s9+$0xFFFFFF56]  }
0x2c5: {  	v38 =	vld [tilespmem:s9+$0x33]  }
0x2c6: {  	v39 =	vld [tilespmem:s9+$0xFFFFFF9A]  }
0x2c7: {  	v40 =	vld [tilespmem:s9+$0x77]  }
0x2c8: {  	v41 =	vld [tilespmem:s9+$0xFFFFFFDE]  }
0x2c9: {  	v42 =	vld [tilespmem:s9+$0xEE]  }
0x2ca: {  	v63 =	vld [tilespmem:s9+$0xAA]  }
0x2cb: {  	v33 =	vmov s12;
	v60 =	vld [tilespmem:s9+$0xFFFFFF67]  }
0x2cc: {  	v61 =	vld [tilespmem:s9+$0xFFFFFFAB]  }
0x2cd: {  	v62 =	vld [tilespmem:s9+$0xBB]  }
0x2ce: {  	v47 =	vld [tilespmem:s9+$0xFFFFFFEF]  }
0x2cf: {  	s20 =	simm.s32 $0x0;
	v49 =	vld [tilespmem:s9+$0xFF]  }
0x2d0: {  	v48 =	vld.idx.msk [tilespmem:v33+s20+$0x0 ss:$0x1], $0xffff  }
0x2d1: {  	v51 =	vld [tilespmem:s9+$0xFFFFFF78]  }
0x2d2: {  	v52 =	vld [tilespmem:s9+$0xFFFFFFCD]  }
0x2d3: {  	v53 =	vld [tilespmem:s9+$0x99]  }
0x2d4: {  	v54 =	vld [tilespmem:s9+$0x55]  }
0x2d5: {  	v55 =	vld [tilespmem:s9+$0xFFFFFF45];
	v47 =	vmul.f32 v48, v47  }
0x2d6: {  	v34 =	vmov s10;
	v49 =	vmul.f32 v48, v49;
	v45 =	vmul.f32 v48, v61;
	v61 =	vld [tilespmem:s9+$0x22]  }
0x2d7: {  	v56 =	vld [tilespmem:s9+$0xDD];
	v46 =	vmul.f32 v48, v62;
	v44 =	vmul.f32 v48, v60;
	v41 =	vadd.f32 v47, v41  }
0x2d8: {  	v57 =	vld [tilespmem:s9+$0xCC];
	v40 =	vmul.f32 v48, v40;
	v42 =	vadd.f32 v49, v42;
	v39 =	vadd.f32 v45, v39  }
0x2d9: {  	v59 =	vld [tilespmem:s9+$0x88];
	v38 =	vmul.f32 v48, v38;
	v43 =	vadd.f32 v46, v63;
	v37 =	vadd.f32 v44, v37  }
0x2da: {  	v63 =	vld [tilespmem:s9+$0xFFFFFF23];
	v35 =	vadd.f32 v40, v35;
	v41 =	vmul.f32 v41, v48;
	v42 =	vmul.f32 v42, v48  }
0x2db: {  	v47 =	vld [tilespmem:s9+$0xFFFFFFBC];
	v39 =	vmul.f32 v39, v48;
	v37 =	vmul.f32 v37, v48;
	v38 =	vadd.f32 v38, v61  }
0x2dc: {  	v60 =	vld [tilespmem:s9+$0xFFFFFF12];
	v58 =	vmul.f32 v43, v48;
	v41 =	vadd.f32 v41, v52;
	v42 =	vadd.f32 v42, v56  }
0x2dd: {  	v50 =	vld.idx.msk [tilespmem:v34+s20+$0x0 ss:$0x1], $0xffff;
	v35 =	vmul.f32 v35, v48;
	v36 =	vadd.f32 v39, v36;
	v37 =	vadd.f32 v37, v55  }
0x2de: {  	v40 =	vadd.f32 v58, v53;
	v53 =	vld [tilespmem:s9+$0x11];
	v41 =	vmul.f32 v41, v48;
	v42 =	vmul.f32 v42, v48  }
0x2df: {  	v62 =	vld [tilespmem:s9+$0xFFFFFF01];
	v35 =	vadd.f32 v35, v54;
	v45 =	vmul.f32 v48, v63;
	v36 =	vmul.f32 v36, v48  }
0x2e0: {  	v54 =	vld [tilespmem:s9+$0x44];
	v40 =	vmul.f32 v40, v48;
	v41 =	vadd.f32 v41, v47;
	v42 =	vadd.f32 v42, v57  }
0x2e1: {  	v63 =	vld [tilespmem:s9+$0xFFFFFF34];
	v38 =	vmul.f32 v38, v48;
	v45 =	vadd.f32 v45, v60;
	v36 =	vadd.f32 v36, v51  }
0x2e2: {  	v55 =	vadd.f32 v40, v59;
	v41 =	vmul.f32 v41, v50;
	v56 =	vmul.f32 v42, v50  }
0x2e3: {  	v35 =	vmul.f32 v35, v48;
	v57 =	vmul.f32 v45, v48;
	v38 =	vadd.f32 v38, v53  }
0x2e4: {  	v58 =	vld [tilespmem:s9+$0xFFFFFEF0];
	v37 =	vmul.f32 v37, v48;
	v36 =	vadd.f32 v41, v36;
	v39 =	vadd.f32 v56, v55  }
0x2e5: {  	v59 =	vld [tilespmem:s9+$0x0];
	v35 =	vadd.f32 v35, v54;
	v42 =	vadd.f32 v57, v62  }
0x2e6: {  	s30 =	sand.u32 $0x3FFFFE00, s4;
	v37 =	vadd.f32 v37, v63;
	v36 =	vmul.f32 v36, v50;
	v39 =	vmul.f32 v39, v50  }
0x2e7: {  	s19 =	sadd.s32 $0x0, s30;
	v42 =	vmul.f32 v42, v48  }
0x2e8: {  	v60 =	vld [tilespmem:s19+$0x2000];
	v61 =	vmul.f32 v38, v48;
	v36 =	vadd.f32 v36, v37;
	v35 =	vadd.f32 v39, v35  }
0x2e9: {  	v62 =	vld [tilespmem:s19+$0x2080];
	v63 =	vadd.f32 v42, v58  }
0x2ea: {  	v37 =	vadd.f32 v61, v59;
	v36 =	vmul.f32 v36, v50;
	v35 =	vmul.f32 v35, v50;
	_ =	sdelay $0x1  }
0x2eb: {  	v36 =	vadd.f32 v36, v63;
	v37 =	vadd.f32 v35, v37;
	_ =	sdelay $0x1  }
0x2ec: {  	s28 =	simm.s32 $0x40;
	s26 =	smov.u32 s4;
	s19 =	simm.s32 $0x9300;
	v35 =	vmov s13;
	v36 =	vsub.f32 v36, v60;
	v37 =	vsub.f32 v37, v62  }
.LBB2_10:
0x2ed: {  	s29 =	sadd.s32 $0x1, s29;
	s26 =	sadd.s32 $0x20, s26;
	s9 =	sadd.s32 $0x220, s9  }
0x2ee: {  	p1 =	sne.s32 s28, $0x1C0;
	v36 =	vmul.f32 v36, v29;
	s30 =	smov.u32 s28;
	s28 =	sadd.s32 $0x40, s28;
	v37 =	vmul.f32 v37, v29  }
0x2ef: {  	_ = 	snop  }
0x2f0: {  	v36 =	vmul.f32 v36, v36;
	v37 =	vmul.f32 v37, v37;
	_ =	sdelay $0x1  }
0x2f1: {  	v36 =	vadd.f32 v37, v36;
	_ =	sdelay $0x1  }
0x2f2: {  	v36 =	vmul.f32 $-5.000000000e-01, v36;
	_ =	sdelay $0x1  }
0x2f3: {  	v36 =	vmul.f32 $1.442695020e+00, v36  }
0x2f4: {  	v37 =	vmov s29  }
0x2f5: {  	v37 =	vmul.u32 $0x220, v37;
	(erf) = vpow2.f32 v36;
	_ =	sdelay $0x1  }
0x2f6: {  	v36 =	vbroadcast v37, $0x0;
	_ =	sdelay $0x1  }
0x2f7: {  	v37 =	vadd.s32 v0, v36  }
0x2f8: {  	v38 =	vadd.s32 v1, v36;
	_ =	sdelay $0x3  }
0x2f9: {  	v39 =	vpop (erf)  }
0x2fa: {  	v39 =	vmul.f32 $5.305164720e+01, v39  }
0x2fb: {  	v40 =	vadd.s32 v2, v36  }
0x2fc: {  	v41 =	vadd.s32 v3, v36;
	[tilespmem:v35+s20+$0x0 ss:$0x1] =	vst.idx.msk $0xffff, v39  }
0x2fd: {  	v39 =	vld [tilespmem:s19+$0xFFFFFF00]  }
0x2fe: {  	v42 =	vld [tilespmem:s19+$0xFFFFFF10];
	_ =	sdelay $0x3  }
0x2ff: {  	[tilespmem:v37+s21+$0x0] =	vst.idx.msk $0xffff, v39;
	v37 =	vadd.s32 v4, v36  }
0x300: {  	[tilespmem:v38+s21+$0x0] =	vst.idx.msk $0xffff, v42;
	v38 =	vadd.s32 v5, v36  }
0x301: {  	v39 =	vld [tilespmem:s19+$0xFFFFFF20]  }
0x302: {  	v42 =	vld [tilespmem:s19+$0xFFFFFF30];
	_ =	sdelay $0x3  }
0x303: {  	[tilespmem:v40+s21+$0x0] =	vst.idx.msk $0xffff, v39;
	v39 =	vadd.s32 v6, v36  }
0x304: {  	v40 =	vadd.s32 v7, v36;
	[tilespmem:v41+s21+$0x0] =	vst.idx.msk $0xffff, v42  }
0x305: {  	v41 =	vld [tilespmem:s19+$0xFFFFFF40]  }
0x306: {  	v42 =	vld [tilespmem:s19+$0xFFFFFF50];
	_ =	sdelay $0x3  }
0x307: {  	[tilespmem:v37+s21+$0x0] =	vst.idx.msk $0xffff, v41  }
0x308: {  	[tilespmem:v38+s21+$0x0] =	vst.idx.msk $0xffff, v42  }
0x309: {  	v37 =	vld [tilespmem:s19+$0xFFFFFF60]  }
0x30a: {  	v38 =	vld [tilespmem:s19+$0xFFFFFF70];
	_ =	sdelay $0x3  }
0x30b: {  	[tilespmem:v39+s21+$0x0] =	vst.idx.msk $0xffff, v37  }
0x30c: {  	[tilespmem:v40+s21+$0x0] =	vst.idx.msk $0xffff, v38  }
0x30d: {  	v38 =	vadd.s32 v8, v36;
	v37 =	vld [tilespmem:s19+$0xFFFFFF80]  }
0x30e: {  	v40 =	vadd.s32 v9, v36;
	v39 =	vld [tilespmem:s19+$0xFFFFFF90];
	_ =	sdelay $0x3  }
0x30f: {  	[tilespmem:v38+s21+$0x0] =	vst.idx.msk $0xffff, v37  }
0x310: {  	[tilespmem:v40+s21+$0x0] =	vst.idx.msk $0xffff, v39  }
0x311: {  	v38 =	vadd.s32 v10, v36;
	v37 =	vld [tilespmem:s19+$0xFFFFFFA0]  }
0x312: {  	v40 =	vadd.s32 v11, v36;
	v39 =	vld [tilespmem:s19+$0xFFFFFFB0];
	_ =	sdelay $0x3  }
0x313: {  	[tilespmem:v38+s21+$0x0] =	vst.idx.msk $0xffff, v37  }
0x314: {  	[tilespmem:v40+s21+$0x0] =	vst.idx.msk $0xffff, v39  }
0x315: {  	v38 =	vadd.s32 v12, v36;
	v37 =	vld [tilespmem:s19+$0xFFFFFFC0]  }
0x316: {  	v40 =	vadd.s32 v13, v36;
	v39 =	vld [tilespmem:s19+$0xFFFFFFD0];
	_ =	sdelay $0x3  }
0x317: {  	[tilespmem:v38+s21+$0x0] =	vst.idx.msk $0xffff, v37  }
0x318: {  	[tilespmem:v40+s21+$0x0] =	vst.idx.msk $0xffff, v39  }
0x319: {  	v38 =	vadd.s32 v14, v36;
	v37 =	vld [tilespmem:s19+$0xFFFFFFE0]  }
0x31a: {  	v40 =	vadd.s32 v15, v36;
	v39 =	vld [tilespmem:s19+$0xFFFFFFF0];
	_ =	sdelay $0x3  }
0x31b: {  	[tilespmem:v38+s21+$0x0] =	vst.idx.msk $0xffff, v37  }
0x31c: {  	[tilespmem:v40+s21+$0x0] =	vst.idx.msk $0xffff, v39  }
0x31d: {  	v38 =	vadd.s32 v16, v36;
	v37 =	vld [tilespmem:s19+$0x0]  }
0x31e: {  	v40 =	vadd.s32 v17, v36;
	v39 =	vld [tilespmem:s19+$0x10];
	_ =	sdelay $0x3  }
0x31f: {  	[tilespmem:v38+s21+$0x0] =	vst.idx.msk $0xffff, v37  }
0x320: {  	[tilespmem:v40+s21+$0x0] =	vst.idx.msk $0xffff, v39  }
0x321: {  	v38 =	vadd.s32 v18, v36;
	v37 =	vld [tilespmem:s19+$0x20]  }
0x322: {  	v40 =	vadd.s32 v19, v36;
	v39 =	vld [tilespmem:s19+$0x30];
	_ =	sdelay $0x3  }
0x323: {  	[tilespmem:v38+s21+$0x0] =	vst.idx.msk $0xffff, v37  }
0x324: {  	[tilespmem:v40+s21+$0x0] =	vst.idx.msk $0xffff, v39  }
0x325: {  	v38 =	vadd.s32 v20, v36;
	v37 =	vld [tilespmem:s19+$0x40]  }
0x326: {  	v40 =	vadd.s32 v21, v36;
	v39 =	vld [tilespmem:s19+$0x50];
	_ =	sdelay $0x3  }
0x327: {  	[tilespmem:v38+s21+$0x0] =	vst.idx.msk $0xffff, v37  }
0x328: {  	[tilespmem:v40+s21+$0x0] =	vst.idx.msk $0xffff, v39  }
0x329: {  	v38 =	vadd.s32 v22, v36;
	v37 =	vld [tilespmem:s19+$0x60]  }
0x32a: {  	v40 =	vadd.s32 v23, v36;
	v39 =	vld [tilespmem:s19+$0x70];
	_ =	sdelay $0x3  }
0x32b: {  	[tilespmem:v38+s21+$0x0] =	vst.idx.msk $0xffff, v37  }
0x32c: {  	[tilespmem:v40+s21+$0x0] =	vst.idx.msk $0xffff, v39  }
0x32d: {  	v38 =	vadd.s32 v24, v36;
	v37 =	vld [tilespmem:s19+$0x80]  }
0x32e: {  	v40 =	vadd.s32 v25, v36;
	v39 =	vld [tilespmem:s19+$0x90];
	_ =	sdelay $0x3  }
0x32f: {  	[tilespmem:v38+s21+$0x0] =	vst.idx.msk $0xffff, v37  }
0x330: {  	[tilespmem:v40+s21+$0x0] =	vst.idx.msk $0xffff, v39  }
0x331: {  	v38 =	vadd.s32 v26, v36;
	v37 =	vld [tilespmem:s19+$0xA0]  }
0x332: {  	v40 =	vadd.s32 v27, v36;
	v39 =	vld [tilespmem:s19+$0xB0];
	_ =	sdelay $0x3  }
0x333: {  	[tilespmem:v38+s21+$0x0] =	vst.idx.msk $0xffff, v37  }
0x334: {  	[tilespmem:v40+s21+$0x0] =	vst.idx.msk $0xffff, v39  }
0x335: {  	v38 =	vadd.s32 v28, v36;
	v37 =	vld [tilespmem:s19+$0xC0]  }
0x336: {  	v40 =	vadd.s32 v30, v36;
	v39 =	vld [tilespmem:s19+$0xD0];
	_ =	sdelay $0x3  }
0x337: {  	[tilespmem:v38+s21+$0x0] =	vst.idx.msk $0xffff, v37  }
0x338: {  	[tilespmem:v40+s21+$0x0] =	vst.idx.msk $0xffff, v39  }
0x339: {  	v38 =	vadd.s32 v31, v36;
	v37 =	vld [tilespmem:s19+$0xE0]  }
0x33a: {  	v36 =	vadd.s32 v32, v36;
	v39 =	vld [tilespmem:s19+$0xF0];
	_ =	sdelay $0x3  }
0x33b: {  	[tilespmem:v38+s21+$0x0] =	vst.idx.msk $0xffff, v37  }
0x33c: {  	[tilespmem:v36+s21+$0x0] =	vst.idx.msk $0xffff, v39  }
0x33d: {  	v36 =	vld [tilespmem:s9+$0x66]  }
0x33e: {  	v37 =	vld [tilespmem:s9+$0xFFFFFF89]  }
0x33f: {  	v38 =	vld [tilespmem:s9+$0xFFFFFF56]  }
0x340: {  	v39 =	vld [tilespmem:s9+$0x33]  }
0x341: {  	v40 =	vld [tilespmem:s9+$0xFFFFFF9A]  }
0x342: {  	v41 =	vld [tilespmem:s9+$0x77]  }
0x343: {  	v42 =	vld [tilespmem:s9+$0xFFFFFFDE]  }
0x344: {  	v43 =	vld [tilespmem:s9+$0xEE]  }
0x345: {  	v44 =	vld [tilespmem:s9+$0xAA]  }
0x346: {  	v45 =	vld [tilespmem:s9+$0xFFFFFF67]  }
0x347: {  	v46 =	vld [tilespmem:s9+$0xFFFFFFAB]  }
0x348: {  	v47 =	vld [tilespmem:s9+$0xBB]  }
0x349: {  	s20 =	sshra.s32 s30, $0x2;
	v48 =	vld [tilespmem:s9+$0xFFFFFFEF]  }
0x34a: {  	v49 =	vld.idx.msk [tilespmem:v33+s20+$0x0 ss:$0x1], $0xffff  }
0x34b: {  	v50 =	vld [tilespmem:s9+$0xFF]  }
0x34c: {  	v51 =	vld.idx.msk [tilespmem:v34+s20+$0x0 ss:$0x1], $0xffff  }
0x34d: {  	v52 =	vld [tilespmem:s9+$0xFFFFFF78]  }
0x34e: {  	v53 =	vld [tilespmem:s9+$0xFFFFFFCD]  }
0x34f: {  	v54 =	vld [tilespmem:s9+$0x99]  }
0x350: {  	v48 =	vmul.f32 v49, v48;
	v55 =	vld [tilespmem:s9+$0x55];
	v50 =	vmul.f32 v49, v50  }
0x351: {  	v46 =	vmul.f32 v49, v46;
	v47 =	vmul.f32 v49, v47;
	v56 =	vld [tilespmem:s9+$0xFFFFFF45]  }
0x352: {  	v45 =	vmul.f32 v49, v45;
	v42 =	vadd.f32 v48, v42;
	v57 =	vld [tilespmem:s9+$0xDD];
	v43 =	vadd.f32 v50, v43  }
0x353: {  	v41 =	vmul.f32 v49, v41;
	v40 =	vadd.f32 v46, v40;
	v44 =	vadd.f32 v47, v44;
	v48 =	vld [tilespmem:s9+$0xFFFFFFBC]  }
0x354: {  	v38 =	vadd.f32 v45, v38;
	v42 =	vmul.f32 v42, v49;
	v46 =	vld [tilespmem:s9+$0xFFFFFF23];
	v43 =	vmul.f32 v43, v49  }
0x355: {  	v36 =	vadd.f32 v41, v36;
	v40 =	vmul.f32 v40, v49;
	v41 =	vmul.f32 v44, v49;
	v45 =	vld [tilespmem:s9+$0xCC]  }
0x356: {  	v39 =	vmul.f32 v49, v39;
	v38 =	vmul.f32 v38, v49;
	v42 =	vadd.f32 v42, v53;
	v44 =	vld [tilespmem:s9+$0x88]  }
0x357: {  	v36 =	vmul.f32 v36, v49;
	v37 =	vadd.f32 v40, v37;
	v47 =	vld [tilespmem:s9+$0xFFFFFF12];
	v40 =	vadd.f32 v43, v57  }
0x358: {  	v41 =	vadd.f32 v41, v54;
	v38 =	vadd.f32 v38, v56;
	v42 =	vmul.f32 v42, v49;
	v43 =	vld [tilespmem:s9+$0x22]  }
0x359: {  	v36 =	vadd.f32 v36, v55;
	v50 =	vld [tilespmem:s9+$0xFFFFFF01];
	v46 =	vmul.f32 v49, v46;
	v40 =	vmul.f32 v40, v49  }
0x35a: {  	v37 =	vmul.f32 v37, v49;
	v41 =	vmul.f32 v41, v49;
	v42 =	vadd.f32 v42, v48;
	v53 =	vld [tilespmem:s9+$0xFFFFFF34]  }
0x35b: {  	v36 =	vmul.f32 v36, v49;
	v38 =	vmul.f32 v38, v49;
	v48 =	vld [tilespmem:s9+$0x11];
	v40 =	vadd.f32 v40, v45  }
0x35c: {  	v37 =	vadd.f32 v37, v52;
	v42 =	vmul.f32 v42, v51;
	v45 =	vld [tilespmem:s9+$0x44];
	v46 =	vadd.f32 v46, v47  }
0x35d: {  	s22 =	sand.u32 $0x3FFFFE00, s26;
	v41 =	vadd.f32 v41, v44;
	v47 =	vld [tilespmem:s9+$0xFFFFFEF0];
	v39 =	vadd.f32 v39, v43;
	v40 =	vmul.f32 v40, v51  }
0x35e: {  	s22 =	sadd.s32 s20, s22;
	v37 =	vadd.f32 v42, v37;
	v43 =	vld [tilespmem:s9+$0x0];
	v44 =	vmul.f32 v46, v49  }
0x35f: {  	v39 =	vmul.f32 v39, v49;
	v40 =	vadd.f32 v40, v41;
	v41 =	vld [tilespmem:s22+$0x2000]  }
0x360: {  	v38 =	vadd.f32 v38, v53;
	v37 =	vmul.f32 v37, v51;
	v42 =	vadd.f32 v44, v50;
	v44 =	vld [tilespmem:s22+$0x2080]  }
0x361: {  	v39 =	vadd.f32 v39, v48;
	v36 =	vadd.f32 v36, v45;
	v40 =	vmul.f32 v40, v51  }
0x362: {  	v37 =	vadd.f32 v37, v38;
	v42 =	vmul.f32 v42, v49  }
0x363: {  	v38 =	vmul.f32 v39, v49;
	v36 =	vadd.f32 v40, v36  }
0x364: {  	v37 =	vmul.f32 v37, v51;
	v39 =	vadd.f32 v42, v47  }
.Ltmp7:
0x365: {  	v38 =	vadd.f32 v38, v43;
	v36 =	vmul.f32 v36, v51;
	(pc) =	sbr.rel @p1 .LBB2_10-.Ltmp7, $4  }
0x366: {  	v37 =	vadd.f32 v37, v39  }
0x367: {  	v38 =	vadd.f32 v36, v38  }
0x368: {  	v36 =	vsub.f32 v37, v41  }
0x369: {  	s19 =	sadd.s32 $0x200, s19;
	v37 =	vsub.f32 v38, v44  }
0x36a: {  	_ = 	snop  }
0x36b: {  	v33 =	vmul.f32 v36, v29;
	v34 =	vmul.f32 v37, v29;
	_ =	sdelay $0x1  }
0x36c: {  	v33 =	vmul.f32 v33, v33;
	v34 =	vmul.f32 v34, v34;
	_ =	sdelay $0x1  }
0x36d: {  	v33 =	vadd.f32 v34, v33;
	_ =	sdelay $0x1  }
0x36e: {  	v33 =	vmul.f32 $-5.000000000e-01, v33;
	_ =	sdelay $0x1  }
0x36f: {  	v33 =	vmul.f32 $1.442695020e+00, v33;
	_ =	sdelay $0x1  }
0x370: {  	(erf) = vpow2.f32 v33;
	_ =	sdelay $0x8  }
0x371: {  	v33 =	vpop (erf)  }
0x372: {  	v33 =	vmul.f32 $5.305164720e+01, v33  }
0x373: {  	s29 =	simm.s32 $0x0  }
0x374: {  	s7 =	sadd.s32 @!p0 $0x6300, s7;
	s9 =	simm.s32 @!p0 $0x80;
	s19 =	simm.s32 @!p0 $0x9000;
	v53 =	vmov s29;
	[tilespmem:v35+s20+$0x0 ss:$0x1] =	vst.idx.msk $0xffff, v33  }
0x375: {  	v33 =	vmul.u32 $0x220, v53;
	[tilespmem:s19], [sflag:$0x3] =	stream.indirect.gather @!p0 [hbm4b:s6+s9], $0x20, s7, s9, $0xb8;
	[tilespmem:$0xD100] =	vst v63  }
0x376: {  	_ =	swait.ge [sflag:s24], $0x1000  }
0x377: {  	v33 =	vbroadcast v33, $0x0;
	[sflag:s24] =	ssyncset.done $0x0  }
0x378: {  	s28 =	simm.s32 $0xA100;
	[sflag:s24] =	ssyncadd.s32 $0xFFFFF000  }
0x379: {  	v54 =	vadd.s32 v0, v33;
	v55 =	vld [tilespmem:s28+$0xFFFFFF00]  }
0x37a: {  	v56 =	vadd.s32 v1, v33;
	v57 =	vld [tilespmem:s28+$0xFFFFFF10];
	_ =	sdelay $0x3  }
0x37b: {  	[tilespmem:v54+s21+$0x0] =	vst.idx.msk $0xffff, v55  }
0x37c: {  	[tilespmem:v56+s21+$0x0] =	vst.idx.msk $0xffff, v57  }
0x37d: {  	v58 =	vadd.s32 v2, v33;
	v35 =	vld [tilespmem:s28+$0xFFFFFF20]  }
0x37e: {  	v59 =	vadd.s32 v3, v33;
	v37 =	vld [tilespmem:s28+$0xFFFFFF30];
	_ =	sdelay $0x3  }
0x37f: {  	[tilespmem:v58+s21+$0x0] =	vst.idx.msk $0xffff, v35  }
0x380: {  	[tilespmem:v59+s21+$0x0] =	vst.idx.msk $0xffff, v37  }
0x381: {  	v60 =	vadd.s32 v4, v33;
	v35 =	vld [tilespmem:s28+$0xFFFFFF40]  }
0x382: {  	v61 =	vadd.s32 v5, v33;
	v37 =	vld [tilespmem:s28+$0xFFFFFF50];
	_ =	sdelay $0x3  }
0x383: {  	[tilespmem:v60+s21+$0x0] =	vst.idx.msk $0xffff, v35  }
0x384: {  	[tilespmem:v61+s21+$0x0] =	vst.idx.msk $0xffff, v37  }
0x385: {  	v62 =	vadd.s32 v6, v33;
	v35 =	vld [tilespmem:s28+$0xFFFFFF60]  }
0x386: {  	v63 =	vadd.s32 v7, v33;
	v37 =	vld [tilespmem:s28+$0xFFFFFF70];
	_ =	sdelay $0x3  }
0x387: {  	[tilespmem:v62+s21+$0x0] =	vst.idx.msk $0xffff, v35  }
0x388: {  	[tilespmem:v63+s21+$0x0] =	vst.idx.msk $0xffff, v37  }
0x389: {  	v40 =	vadd.s32 v8, v33;
	v34 =	vld [tilespmem:s28+$0xFFFFFF80]  }
0x38a: {  	v41 =	vadd.s32 v9, v33;
	v36 =	vld [tilespmem:s28+$0xFFFFFF90];
	_ =	sdelay $0x3  }
0x38b: {  	[tilespmem:v40+s21+$0x0] =	vst.idx.msk $0xffff, v34  }
0x38c: {  	[tilespmem:v41+s21+$0x0] =	vst.idx.msk $0xffff, v36  }
0x38d: {  	v42 =	vadd.s32 v10, v33;
	v34 =	vld [tilespmem:s28+$0xFFFFFFA0]  }
0x38e: {  	v43 =	vadd.s32 v11, v33;
	v36 =	vld [tilespmem:s28+$0xFFFFFFB0];
	_ =	sdelay $0x3  }
0x38f: {  	[tilespmem:v42+s21+$0x0] =	vst.idx.msk $0xffff, v34  }
0x390: {  	[tilespmem:v43+s21+$0x0] =	vst.idx.msk $0xffff, v36  }
0x391: {  	v44 =	vadd.s32 v12, v33;
	v34 =	vld [tilespmem:s28+$0xFFFFFFC0]  }
0x392: {  	v45 =	vadd.s32 v13, v33;
	v36 =	vld [tilespmem:s28+$0xFFFFFFD0];
	_ =	sdelay $0x3  }
0x393: {  	[tilespmem:v44+s21+$0x0] =	vst.idx.msk $0xffff, v34  }
0x394: {  	[tilespmem:v45+s21+$0x0] =	vst.idx.msk $0xffff, v36  }
0x395: {  	v46 =	vadd.s32 v14, v33;
	v34 =	vld [tilespmem:s28+$0xFFFFFFE0]  }
0x396: {  	v47 =	vadd.s32 v15, v33;
	v36 =	vld [tilespmem:s28+$0xFFFFFFF0];
	_ =	sdelay $0x3  }
0x397: {  	[tilespmem:v46+s21+$0x0] =	vst.idx.msk $0xffff, v34  }
0x398: {  	[tilespmem:v47+s21+$0x0] =	vst.idx.msk $0xffff, v36  }
0x399: {  	v48 =	vadd.s32 v16, v33;
	v34 =	vld [tilespmem:s28+$0x0]  }
0x39a: {  	v49 =	vadd.s32 v17, v33;
	v36 =	vld [tilespmem:s28+$0x10];
	_ =	sdelay $0x3  }
0x39b: {  	[tilespmem:v48+s21+$0x0] =	vst.idx.msk $0xffff, v34  }
0x39c: {  	[tilespmem:v49+s21+$0x0] =	vst.idx.msk $0xffff, v36  }
0x39d: {  	v50 =	vadd.s32 v18, v33;
	v34 =	vld [tilespmem:s28+$0x20]  }
0x39e: {  	v51 =	vadd.s32 v19, v33;
	v36 =	vld [tilespmem:s28+$0x30];
	_ =	sdelay $0x3  }
0x39f: {  	[tilespmem:v50+s21+$0x0] =	vst.idx.msk $0xffff, v34  }
0x3a0: {  	[tilespmem:v51+s21+$0x0] =	vst.idx.msk $0xffff, v36  }
0x3a1: {  	v52 =	vadd.s32 v20, v33;
	v34 =	vld [tilespmem:s28+$0x40]  }
0x3a2: {  	v53 =	vadd.s32 v21, v33;
	v36 =	vld [tilespmem:s28+$0x50];
	_ =	sdelay $0x3  }
0x3a3: {  	[tilespmem:v52+s21+$0x0] =	vst.idx.msk $0xffff, v34  }
0x3a4: {  	[tilespmem:v53+s21+$0x0] =	vst.idx.msk $0xffff, v36  }
0x3a5: {  	v54 =	vadd.s32 v22, v33;
	v34 =	vld [tilespmem:s28+$0x60]  }
0x3a6: {  	v55 =	vadd.s32 v23, v33;
	v36 =	vld [tilespmem:s28+$0x70];
	_ =	sdelay $0x3  }
0x3a7: {  	[tilespmem:v54+s21+$0x0] =	vst.idx.msk $0xffff, v34  }
0x3a8: {  	[tilespmem:v55+s21+$0x0] =	vst.idx.msk $0xffff, v36  }
0x3a9: {  	v56 =	vadd.s32 v24, v33;
	v34 =	vld [tilespmem:s28+$0x80]  }
0x3aa: {  	v57 =	vadd.s32 v25, v33;
	v36 =	vld [tilespmem:s28+$0x90];
	_ =	sdelay $0x3  }
0x3ab: {  	[tilespmem:v56+s21+$0x0] =	vst.idx.msk $0xffff, v34  }
0x3ac: {  	[tilespmem:v57+s21+$0x0] =	vst.idx.msk $0xffff, v36  }
0x3ad: {  	v58 =	vadd.s32 v26, v33;
	v34 =	vld [tilespmem:s28+$0xA0]  }
0x3ae: {  	v59 =	vadd.s32 v27, v33;
	v36 =	vld [tilespmem:s28+$0xB0];
	_ =	sdelay $0x3  }
0x3af: {  	[tilespmem:v58+s21+$0x0] =	vst.idx.msk $0xffff, v34  }
0x3b0: {  	[tilespmem:v59+s21+$0x0] =	vst.idx.msk $0xffff, v36  }
0x3b1: {  	v60 =	vadd.s32 v28, v33;
	v34 =	vld [tilespmem:s28+$0xC0]  }
0x3b2: {  	v61 =	vadd.s32 v30, v33;
	v36 =	vld [tilespmem:s28+$0xD0];
	_ =	sdelay $0x3  }
0x3b3: {  	[tilespmem:v60+s21+$0x0] =	vst.idx.msk $0xffff, v34  }
0x3b4: {  	[tilespmem:v61+s21+$0x0] =	vst.idx.msk $0xffff, v36  }
0x3b5: {  	v62 =	vadd.s32 v31, v33;
	v34 =	vld [tilespmem:s28+$0xE0]  }
0x3b6: {  	v33 =	vadd.s32 v32, v33;
	v36 =	vld [tilespmem:s28+$0xF0];
	_ =	sdelay $0x3  }
0x3b7: {  	[tilespmem:v62+s21+$0x0] =	vst.idx.msk $0xffff, v34  }
0x3b8: {  	s7 =	simm.s32 $0xB110;
	[tilespmem:v33+s21+$0x0] =	vst.idx.msk $0xffff, v36  }
0x3b9: {  	v35 =	vld [tilespmem:s7+$0x66]  }
0x3ba: {  	v36 =	vld [tilespmem:s7+$0xFFFFFF89]  }
0x3bb: {  	v37 =	vld [tilespmem:s7+$0xFFFFFF56]  }
0x3bc: {  	v38 =	vld [tilespmem:s7+$0x33]  }
0x3bd: {  	v39 =	vld [tilespmem:s7+$0xFFFFFF9A]  }
0x3be: {  	v40 =	vld [tilespmem:s7+$0x77]  }
0x3bf: {  	v41 =	vld [tilespmem:s7+$0xFFFFFFDE]  }
0x3c0: {  	v42 =	vld [tilespmem:s7+$0xEE]  }
0x3c1: {  	v43 =	vld [tilespmem:s7+$0xAA]  }
0x3c2: {  	v33 =	vmov s16;
	v44 =	vld [tilespmem:s7+$0xFFFFFF67]  }
0x3c3: {  	v45 =	vld [tilespmem:s7+$0xFFFFFFAB]  }
0x3c4: {  	v46 =	vld [tilespmem:s7+$0xBB]  }
0x3c5: {  	v47 =	vld [tilespmem:s7+$0xFFFFFFEF]  }
0x3c6: {  	s20 =	simm.s32 $0x0;
	v49 =	vld [tilespmem:s7+$0xFF]  }
0x3c7: {  	v48 =	vld.idx.msk [tilespmem:v33+s20+$0x0 ss:$0x1], $0xffff  }
0x3c8: {  	v51 =	vld [tilespmem:s7+$0xFFFFFF78]  }
0x3c9: {  	v52 =	vld [tilespmem:s7+$0xFFFFFFCD]  }
0x3ca: {  	v53 =	vld [tilespmem:s7+$0x99]  }
0x3cb: {  	v54 =	vld [tilespmem:s7+$0x55]  }
0x3cc: {  	v63 =	vld [tilespmem:s7+$0xFFFFFF23];
	v47 =	vmul.f32 v48, v47  }
0x3cd: {  	v34 =	vmov s15;
	v61 =	vld [tilespmem:s7+$0x22];
	v49 =	vmul.f32 v48, v49;
	v45 =	vmul.f32 v48, v45  }
0x3ce: {  	v56 =	vld [tilespmem:s7+$0xDD];
	v46 =	vmul.f32 v48, v46;
	v44 =	vmul.f32 v48, v44;
	v41 =	vadd.f32 v47, v41  }
0x3cf: {  	v55 =	vld [tilespmem:s7+$0xFFFFFF45];
	v40 =	vmul.f32 v48, v40;
	v42 =	vadd.f32 v49, v42;
	v39 =	vadd.f32 v45, v39  }
0x3d0: {  	v57 =	vld [tilespmem:s7+$0xCC];
	v38 =	vmul.f32 v48, v38;
	v43 =	vadd.f32 v46, v43;
	v37 =	vadd.f32 v44, v37  }
0x3d1: {  	v60 =	vld [tilespmem:s7+$0xFFFFFF12];
	v35 =	vadd.f32 v40, v35;
	v41 =	vmul.f32 v41, v48;
	v42 =	vmul.f32 v42, v48  }
0x3d2: {  	v47 =	vld [tilespmem:s7+$0xFFFFFFBC];
	v45 =	vmul.f32 v48, v63;
	v38 =	vadd.f32 v38, v61;
	v39 =	vmul.f32 v39, v48  }
0x3d3: {  	v59 =	vld [tilespmem:s7+$0x88];
	v58 =	vmul.f32 v43, v48;
	v41 =	vadd.f32 v41, v52;
	v42 =	vadd.f32 v42, v56  }
0x3d4: {  	v50 =	vld.idx.msk [tilespmem:v34+s20+$0x0 ss:$0x1], $0xffff;
	v37 =	vmul.f32 v37, v48;
	v35 =	vmul.f32 v35, v48;
	v36 =	vadd.f32 v39, v36  }
0x3d5: {  	v63 =	vld [tilespmem:s7+$0xFFFFFF34];
	v40 =	vadd.f32 v58, v53;
	v41 =	vmul.f32 v41, v48;
	v42 =	vmul.f32 v42, v48  }
0x3d6: {  	v62 =	vld [tilespmem:s7+$0xFFFFFF01];
	v45 =	vadd.f32 v45, v60;
	v37 =	vadd.f32 v37, v55;
	v36 =	vmul.f32 v36, v48  }
0x3d7: {  	v53 =	vld [tilespmem:s7+$0x11];
	v40 =	vmul.f32 v40, v48;
	v41 =	vadd.f32 v41, v47;
	v42 =	vadd.f32 v42, v57  }
0x3d8: {  	v35 =	vadd.f32 v35, v54;
	v54 =	vld [tilespmem:s7+$0x44];
	v37 =	vmul.f32 v37, v48;
	v36 =	vadd.f32 v36, v51  }
0x3d9: {  	v55 =	vadd.f32 v40, v59;
	v41 =	vmul.f32 v41, v50;
	v56 =	vmul.f32 v42, v50  }
0x3da: {  	v38 =	vmul.f32 v38, v48;
	v57 =	vmul.f32 v45, v48;
	v37 =	vadd.f32 v37, v63  }
0x3db: {  	v58 =	vld [tilespmem:s7+$0xFFFFFEF0];
	v35 =	vmul.f32 v35, v48;
	v36 =	vadd.f32 v41, v36;
	v39 =	vadd.f32 v56, v55  }
0x3dc: {  	v59 =	vld [tilespmem:s7+$0x0];
	v38 =	vadd.f32 v38, v53;
	v42 =	vadd.f32 v57, v62  }
0x3dd: {  	s30 =	sand.u32 $0x3FFFFF00, s14;
	v35 =	vadd.f32 v35, v54;
	v36 =	vmul.f32 v36, v50;
	v39 =	vmul.f32 v39, v50  }
0x3de: {  	s9 =	sadd.s32 $0x0, s30;
	v42 =	vmul.f32 v42, v48  }
0x3df: {  	v60 =	vld [tilespmem:s9+$0x2000];
	v61 =	vmul.f32 v38, v48;
	v36 =	vadd.f32 v36, v37;
	v35 =	vadd.f32 v39, v35  }
0x3e0: {  	v62 =	vld [tilespmem:s9+$0x2080];
	v63 =	vadd.f32 v42, v58  }
0x3e1: {  	v37 =	vadd.f32 v61, v59;
	v36 =	vmul.f32 v36, v50;
	v35 =	vmul.f32 v35, v50;
	_ =	sdelay $0x1  }
0x3e2: {  	v36 =	vadd.f32 v36, v63;
	v37 =	vadd.f32 v35, v37;
	_ =	sdelay $0x1  }
0x3e3: {  	s26 =	smov.u32 s14;
	s19 =	simm.s32 $0xA300;
	s9 =	simm.s32 $0x40;
	v35 =	vmov s17;
	v36 =	vsub.f32 v36, v60;
	v37 =	vsub.f32 v37, v62  }
.LBB2_12:
0x3e4: {  	s29 =	sadd.s32 $0x1, s29;
	s26 =	sadd.s32 $0x20, s26;
	s7 =	sadd.s32 $0x220, s7  }
0x3e5: {  	p1 =	sne.s32 s9, $0x1C0;
	v36 =	vmul.f32 v36, v29;
	s28 =	smov.u32 s9;
	s9 =	sadd.s32 $0x40, s9;
	v37 =	vmul.f32 v37, v29  }
0x3e6: {  	_ = 	snop  }
0x3e7: {  	v36 =	vmul.f32 v36, v36;
	v37 =	vmul.f32 v37, v37;
	_ =	sdelay $0x1  }
0x3e8: {  	v36 =	vadd.f32 v37, v36;
	_ =	sdelay $0x1  }
0x3e9: {  	v36 =	vmul.f32 $-5.000000000e-01, v36;
	_ =	sdelay $0x1  }
0x3ea: {  	v36 =	vmul.f32 $1.442695020e+00, v36  }
0x3eb: {  	v37 =	vmov s29  }
0x3ec: {  	v37 =	vmul.u32 $0x220, v37;
	(erf) = vpow2.f32 v36;
	_ =	sdelay $0x1  }
0x3ed: {  	v36 =	vbroadcast v37, $0x0;
	_ =	sdelay $0x1  }
0x3ee: {  	v37 =	vadd.s32 v0, v36  }
0x3ef: {  	v38 =	vadd.s32 v1, v36;
	_ =	sdelay $0x3  }
0x3f0: {  	v39 =	vpop (erf)  }
0x3f1: {  	v39 =	vmul.f32 $5.305164720e+01, v39  }
0x3f2: {  	v40 =	vadd.s32 v2, v36  }
0x3f3: {  	v41 =	vadd.s32 v3, v36;
	[tilespmem:v35+s20+$0x0 ss:$0x1] =	vst.idx.msk $0xffff, v39  }
0x3f4: {  	v39 =	vld [tilespmem:s19+$0xFFFFFF00]  }
0x3f5: {  	v42 =	vld [tilespmem:s19+$0xFFFFFF10];
	_ =	sdelay $0x3  }
0x3f6: {  	[tilespmem:v37+s21+$0x0] =	vst.idx.msk $0xffff, v39;
	v37 =	vadd.s32 v4, v36  }
0x3f7: {  	[tilespmem:v38+s21+$0x0] =	vst.idx.msk $0xffff, v42;
	v38 =	vadd.s32 v5, v36  }
0x3f8: {  	v39 =	vld [tilespmem:s19+$0xFFFFFF20]  }
0x3f9: {  	v42 =	vld [tilespmem:s19+$0xFFFFFF30];
	_ =	sdelay $0x3  }
0x3fa: {  	[tilespmem:v40+s21+$0x0] =	vst.idx.msk $0xffff, v39;
	v39 =	vadd.s32 v6, v36  }
0x3fb: {  	v40 =	vadd.s32 v7, v36;
	[tilespmem:v41+s21+$0x0] =	vst.idx.msk $0xffff, v42  }
0x3fc: {  	v41 =	vld [tilespmem:s19+$0xFFFFFF40]  }
0x3fd: {  	v42 =	vld [tilespmem:s19+$0xFFFFFF50];
	_ =	sdelay $0x3  }
0x3fe: {  	[tilespmem:v37+s21+$0x0] =	vst.idx.msk $0xffff, v41  }
0x3ff: {  	[tilespmem:v38+s21+$0x0] =	vst.idx.msk $0xffff, v42  }
0x400: {  	v37 =	vld [tilespmem:s19+$0xFFFFFF60]  }
0x401: {  	v38 =	vld [tilespmem:s19+$0xFFFFFF70];
	_ =	sdelay $0x3  }
0x402: {  	[tilespmem:v39+s21+$0x0] =	vst.idx.msk $0xffff, v37  }
0x403: {  	[tilespmem:v40+s21+$0x0] =	vst.idx.msk $0xffff, v38  }
0x404: {  	v38 =	vadd.s32 v8, v36;
	v37 =	vld [tilespmem:s19+$0xFFFFFF80]  }
0x405: {  	v40 =	vadd.s32 v9, v36;
	v39 =	vld [tilespmem:s19+$0xFFFFFF90];
	_ =	sdelay $0x3  }
0x406: {  	[tilespmem:v38+s21+$0x0] =	vst.idx.msk $0xffff, v37  }
0x407: {  	[tilespmem:v40+s21+$0x0] =	vst.idx.msk $0xffff, v39  }
0x408: {  	v38 =	vadd.s32 v10, v36;
	v37 =	vld [tilespmem:s19+$0xFFFFFFA0]  }
0x409: {  	v40 =	vadd.s32 v11, v36;
	v39 =	vld [tilespmem:s19+$0xFFFFFFB0];
	_ =	sdelay $0x3  }
0x40a: {  	[tilespmem:v38+s21+$0x0] =	vst.idx.msk $0xffff, v37  }
0x40b: {  	[tilespmem:v40+s21+$0x0] =	vst.idx.msk $0xffff, v39  }
0x40c: {  	v38 =	vadd.s32 v12, v36;
	v37 =	vld [tilespmem:s19+$0xFFFFFFC0]  }
0x40d: {  	v40 =	vadd.s32 v13, v36;
	v39 =	vld [tilespmem:s19+$0xFFFFFFD0];
	_ =	sdelay $0x3  }
0x40e: {  	[tilespmem:v38+s21+$0x0] =	vst.idx.msk $0xffff, v37  }
0x40f: {  	[tilespmem:v40+s21+$0x0] =	vst.idx.msk $0xffff, v39  }
0x410: {  	v38 =	vadd.s32 v14, v36;
	v37 =	vld [tilespmem:s19+$0xFFFFFFE0]  }
0x411: {  	v40 =	vadd.s32 v15, v36;
	v39 =	vld [tilespmem:s19+$0xFFFFFFF0];
	_ =	sdelay $0x3  }
0x412: {  	[tilespmem:v38+s21+$0x0] =	vst.idx.msk $0xffff, v37  }
0x413: {  	[tilespmem:v40+s21+$0x0] =	vst.idx.msk $0xffff, v39  }
0x414: {  	v38 =	vadd.s32 v16, v36;
	v37 =	vld [tilespmem:s19+$0x0]  }
0x415: {  	v40 =	vadd.s32 v17, v36;
	v39 =	vld [tilespmem:s19+$0x10];
	_ =	sdelay $0x3  }
0x416: {  	[tilespmem:v38+s21+$0x0] =	vst.idx.msk $0xffff, v37  }
0x417: {  	[tilespmem:v40+s21+$0x0] =	vst.idx.msk $0xffff, v39  }
0x418: {  	v38 =	vadd.s32 v18, v36;
	v37 =	vld [tilespmem:s19+$0x20]  }
0x419: {  	v40 =	vadd.s32 v19, v36;
	v39 =	vld [tilespmem:s19+$0x30];
	_ =	sdelay $0x3  }
0x41a: {  	[tilespmem:v38+s21+$0x0] =	vst.idx.msk $0xffff, v37  }
0x41b: {  	[tilespmem:v40+s21+$0x0] =	vst.idx.msk $0xffff, v39  }
0x41c: {  	v38 =	vadd.s32 v20, v36;
	v37 =	vld [tilespmem:s19+$0x40]  }
0x41d: {  	v40 =	vadd.s32 v21, v36;
	v39 =	vld [tilespmem:s19+$0x50];
	_ =	sdelay $0x3  }
0x41e: {  	[tilespmem:v38+s21+$0x0] =	vst.idx.msk $0xffff, v37  }
0x41f: {  	[tilespmem:v40+s21+$0x0] =	vst.idx.msk $0xffff, v39  }
0x420: {  	v38 =	vadd.s32 v22, v36;
	v37 =	vld [tilespmem:s19+$0x60]  }
0x421: {  	v40 =	vadd.s32 v23, v36;
	v39 =	vld [tilespmem:s19+$0x70];
	_ =	sdelay $0x3  }
0x422: {  	[tilespmem:v38+s21+$0x0] =	vst.idx.msk $0xffff, v37  }
0x423: {  	[tilespmem:v40+s21+$0x0] =	vst.idx.msk $0xffff, v39  }
0x424: {  	v38 =	vadd.s32 v24, v36;
	v37 =	vld [tilespmem:s19+$0x80]  }
0x425: {  	v40 =	vadd.s32 v25, v36;
	v39 =	vld [tilespmem:s19+$0x90];
	_ =	sdelay $0x3  }
0x426: {  	[tilespmem:v38+s21+$0x0] =	vst.idx.msk $0xffff, v37  }
0x427: {  	[tilespmem:v40+s21+$0x0] =	vst.idx.msk $0xffff, v39  }
0x428: {  	v38 =	vadd.s32 v26, v36;
	v37 =	vld [tilespmem:s19+$0xA0]  }
0x429: {  	v40 =	vadd.s32 v27, v36;
	v39 =	vld [tilespmem:s19+$0xB0];
	_ =	sdelay $0x3  }
0x42a: {  	[tilespmem:v38+s21+$0x0] =	vst.idx.msk $0xffff, v37  }
0x42b: {  	[tilespmem:v40+s21+$0x0] =	vst.idx.msk $0xffff, v39  }
0x42c: {  	v38 =	vadd.s32 v28, v36;
	v37 =	vld [tilespmem:s19+$0xC0]  }
0x42d: {  	v40 =	vadd.s32 v30, v36;
	v39 =	vld [tilespmem:s19+$0xD0];
	_ =	sdelay $0x3  }
0x42e: {  	[tilespmem:v38+s21+$0x0] =	vst.idx.msk $0xffff, v37  }
0x42f: {  	[tilespmem:v40+s21+$0x0] =	vst.idx.msk $0xffff, v39  }
0x430: {  	v38 =	vadd.s32 v31, v36;
	v37 =	vld [tilespmem:s19+$0xE0]  }
0x431: {  	v36 =	vadd.s32 v32, v36;
	v39 =	vld [tilespmem:s19+$0xF0];
	_ =	sdelay $0x3  }
0x432: {  	[tilespmem:v38+s21+$0x0] =	vst.idx.msk $0xffff, v37  }
0x433: {  	[tilespmem:v36+s21+$0x0] =	vst.idx.msk $0xffff, v39  }
0x434: {  	v36 =	vld [tilespmem:s7+$0x66]  }
0x435: {  	v37 =	vld [tilespmem:s7+$0xFFFFFF89]  }
0x436: {  	v38 =	vld [tilespmem:s7+$0xFFFFFF56]  }
0x437: {  	v39 =	vld [tilespmem:s7+$0x33]  }
0x438: {  	v40 =	vld [tilespmem:s7+$0xFFFFFF9A]  }
0x439: {  	v41 =	vld [tilespmem:s7+$0x77]  }
0x43a: {  	v42 =	vld [tilespmem:s7+$0xFFFFFFDE]  }
0x43b: {  	v43 =	vld [tilespmem:s7+$0xEE]  }
0x43c: {  	v44 =	vld [tilespmem:s7+$0xAA]  }
0x43d: {  	v45 =	vld [tilespmem:s7+$0xFFFFFF67]  }
0x43e: {  	v46 =	vld [tilespmem:s7+$0xFFFFFFAB]  }
0x43f: {  	v47 =	vld [tilespmem:s7+$0xBB]  }
0x440: {  	s20 =	sshra.s32 s28, $0x2;
	v48 =	vld [tilespmem:s7+$0xFFFFFFEF]  }
0x441: {  	v49 =	vld.idx.msk [tilespmem:v33+s20+$0x0 ss:$0x1], $0xffff  }
0x442: {  	v50 =	vld [tilespmem:s7+$0xFF]  }
0x443: {  	v51 =	vld.idx.msk [tilespmem:v34+s20+$0x0 ss:$0x1], $0xffff  }
0x444: {  	v52 =	vld [tilespmem:s7+$0xFFFFFF78]  }
0x445: {  	v53 =	vld [tilespmem:s7+$0xFFFFFFCD]  }
0x446: {  	v54 =	vld [tilespmem:s7+$0x99]  }
0x447: {  	v48 =	vmul.f32 v49, v48;
	v55 =	vld [tilespmem:s7+$0x55];
	v50 =	vmul.f32 v49, v50  }
0x448: {  	v46 =	vmul.f32 v49, v46;
	v47 =	vmul.f32 v49, v47;
	v56 =	vld [tilespmem:s7+$0xFFFFFF45]  }
0x449: {  	v45 =	vmul.f32 v49, v45;
	v42 =	vadd.f32 v48, v42;
	v57 =	vld [tilespmem:s7+$0xDD];
	v43 =	vadd.f32 v50, v43  }
0x44a: {  	v41 =	vmul.f32 v49, v41;
	v40 =	vadd.f32 v46, v40;
	v44 =	vadd.f32 v47, v44;
	v48 =	vld [tilespmem:s7+$0xFFFFFFBC]  }
0x44b: {  	v38 =	vadd.f32 v45, v38;
	v42 =	vmul.f32 v42, v49;
	v46 =	vld [tilespmem:s7+$0xFFFFFF23];
	v43 =	vmul.f32 v43, v49  }
0x44c: {  	v36 =	vadd.f32 v41, v36;
	v40 =	vmul.f32 v40, v49;
	v41 =	vmul.f32 v44, v49;
	v45 =	vld [tilespmem:s7+$0xCC]  }
0x44d: {  	v39 =	vmul.f32 v49, v39;
	v38 =	vmul.f32 v38, v49;
	v42 =	vadd.f32 v42, v53;
	v44 =	vld [tilespmem:s7+$0x88]  }
0x44e: {  	v36 =	vmul.f32 v36, v49;
	v37 =	vadd.f32 v40, v37;
	v47 =	vld [tilespmem:s7+$0xFFFFFF12];
	v40 =	vadd.f32 v43, v57  }
0x44f: {  	v41 =	vadd.f32 v41, v54;
	v38 =	vadd.f32 v38, v56;
	v42 =	vmul.f32 v42, v49;
	v43 =	vld [tilespmem:s7+$0x22]  }
0x450: {  	v36 =	vadd.f32 v36, v55;
	v50 =	vld [tilespmem:s7+$0xFFFFFF01];
	v46 =	vmul.f32 v49, v46;
	v40 =	vmul.f32 v40, v49  }
0x451: {  	v37 =	vmul.f32 v37, v49;
	v41 =	vmul.f32 v41, v49;
	v42 =	vadd.f32 v42, v48;
	v53 =	vld [tilespmem:s7+$0xFFFFFF34]  }
0x452: {  	v36 =	vmul.f32 v36, v49;
	v38 =	vmul.f32 v38, v49;
	v48 =	vld [tilespmem:s7+$0x11];
	v40 =	vadd.f32 v40, v45  }
0x453: {  	v37 =	vadd.f32 v37, v52;
	v42 =	vmul.f32 v42, v51;
	v45 =	vld [tilespmem:s7+$0x44];
	v46 =	vadd.f32 v46, v47  }
0x454: {  	s22 =	sand.u32 $0x3FFFFF00, s26;
	v41 =	vadd.f32 v41, v44;
	v47 =	vld [tilespmem:s7+$0xFFFFFEF0];
	v39 =	vadd.f32 v39, v43;
	v40 =	vmul.f32 v40, v51  }
0x455: {  	s22 =	sadd.s32 s20, s22;
	v37 =	vadd.f32 v42, v37;
	v43 =	vld [tilespmem:s7+$0x0];
	v44 =	vmul.f32 v46, v49  }
0x456: {  	v39 =	vmul.f32 v39, v49;
	v40 =	vadd.f32 v40, v41;
	v41 =	vld [tilespmem:s22+$0x2000]  }
0x457: {  	v38 =	vadd.f32 v38, v53;
	v37 =	vmul.f32 v37, v51;
	v42 =	vadd.f32 v44, v50;
	v44 =	vld [tilespmem:s22+$0x2080]  }
0x458: {  	v39 =	vadd.f32 v39, v48;
	v36 =	vadd.f32 v36, v45;
	v40 =	vmul.f32 v40, v51  }
0x459: {  	v37 =	vadd.f32 v37, v38;
	v42 =	vmul.f32 v42, v49  }
0x45a: {  	v38 =	vmul.f32 v39, v49;
	v36 =	vadd.f32 v40, v36  }
0x45b: {  	v37 =	vmul.f32 v37, v51;
	v39 =	vadd.f32 v42, v47  }
.Ltmp8:
0x45c: {  	v38 =	vadd.f32 v38, v43;
	v36 =	vmul.f32 v36, v51;
	(pc) =	sbr.rel @p1 .LBB2_12-.Ltmp8, $4  }
0x45d: {  	v37 =	vadd.f32 v37, v39  }
0x45e: {  	v38 =	vadd.f32 v36, v38  }
0x45f: {  	v36 =	vsub.f32 v37, v41  }
0x460: {  	s19 =	sadd.s32 $0x200, s19;
	v37 =	vsub.f32 v38, v44  }
0x461: {  	_ = 	snop  }
0x462: {  	v33 =	vmul.f32 v36, v29;
	v34 =	vmul.f32 v37, v29;
	_ =	sdelay $0x1  }
0x463: {  	v33 =	vmul.f32 v33, v33;
	v34 =	vmul.f32 v34, v34;
	_ =	sdelay $0x1  }
0x464: {  	v33 =	vadd.f32 v34, v33;
	_ =	sdelay $0x1  }
0x465: {  	v33 =	vmul.f32 $-5.000000000e-01, v33;
	_ =	sdelay $0x1  }
0x466: {  	v33 =	vmul.f32 $1.442695020e+00, v33;
	_ =	sdelay $0x1  }
0x467: {  	(erf) = vpow2.f32 v33;
	_ =	sdelay $0x7  }
.Ltmp9:
0x468: {  	_ = 	snop;
	(pc) =	sbr.rel @p0 .LBB2_15-.Ltmp9, $3  }
0x469: {  	v33 =	vpop (erf)  }
0x46a: {  	v33 =	vmul.f32 $5.305164720e+01, v33;
	_ =	sdelay $0x1  }
0x46b: {  	[tilespmem:v35+s20+$0x0 ss:$0x1] =	vst.idx.msk $0xffff, v33  }
0x46c: {  	s7 =	sshrl.u32 s25, $0x2  }
0x46d: {  	s9 =	simm.s32 $0x80;
	s19 =	simm.s32 $0xA000;
	s18 =	sadd.s32 $0x1, s18  }
0x46e: {  	s31 =	sadd.s32 $0x200, s31;
	s0 =	sadd.s32 $0x200, s0;
	s5 =	sadd.s32 $0x200, s5  }
0x46f: {  	s8 =	sadd.s32 $0x400, s8;
	s11 =	sadd.s32 $0x400, s11;
	s1 =	sadd.s32 $0x200, s1  }
.Ltmp10:
0x470: {  	s2 =	sadd.s32 $0x200, s2;
	s3 =	sadd.s32 $0x200, s3;
	(pc) =	sbr.rel .LBB2_5-.Ltmp10, $4  }
0x471: {  	s4 =	sadd.s32 $0x400, s4;
	s10 =	sadd.s32 $0x200, s10;
	s12 =	sadd.s32 $0x200, s12  }
0x472: {  	s13 =	sadd.s32 $0x200, s13;
	s14 =	sadd.s32 $0x400, s14;
	s15 =	sadd.s32 $0x200, s15  }
0x473: {  	s16 =	sadd.s32 $0x200, s16;
	s17 =	sadd.s32 $0x200, s17;
	s7 =	sadd.s32 $0x6380, s7  }
0x474: {  	[tilespmem:s19], [sflag:$0x4] =	stream.indirect.gather [hbm4b:s6+s9], $0x20, s7, s9, $0xb8;
	[tilespmem:$0xD100] =	vst v63  }
.LBB2_17:
0x475: {  	_ =	sfence.sel $0x180000  }
0x476: {  	[bflag:$0x0] =	sbarrier.arrive $0xFFFF  }
0x477: {  	_ =	strace $0x9000004A  }
0x478: {  	s0 =	stileid.u32;
	[bflag:$0x2] =	sbarrier.arrive $0xFFFF  }
0x479: {  	p0 =	sne.s32 s0, $0x0;
	s0 =	rddreg [dreg:$0x4]  }
0x47a: {  	s0 =	sadd.s32 @!p0 $0x100000, s0  }
0x47b: {  	[sflag:s0] =	ssyncadd.tile.s32 @!p0 $0x1;
	_ =	shalt  }
.Lfunc_end2:
_tile_overlayer_lowered:
.L_overlay_start_2:
0x47c: {  	(tag) =	ssettag $0x2  }
0x47d: {  	s0 =	rddreg [dreg:$0x0];
	s2 =	stileid.u32  }
0x47e: {  	s1 =	rddreg [dreg:$0x1];
	p0 =	sne.s32 s2, $0x0  }
0x47f: {  	s3 =	rddreg [dreg:$0x2];
	[bflag:$0x3] =	sbarrier.arrive $0xFFFF;
	s2 =	simm.s32 @!p0 $0x1C05  }
0x480: {  	[timem:s3], [sflag:s2] =	dma.local @!p0 [hbm:s0], s1  }
0x481: {  	s0 =	simm.s32 @!p0 $0x5  }
0x482: {  	_ =	swait.ge @!p0 [sflag:s0], s1  }
0x483: {  	s1 =	ssub.s32 @!p0 $0x0, s1;
	[sflag:s0] =	ssyncset.done @!p0 $0x0  }
0x484: {  	[sflag:s0] =	ssyncadd.s32 @!p0 s1  }
0x485: {  	[bflag:$0x3] =	sbarrier.arrive $0xFFFF  }
0x486: {  	_ =	shalt  }

</sc_bundles>
